<compile_context>
chip_gen: v7x
topology: tpu7x:2x2x1
jax: 0.10.2.dev20260603
libtpu: 0.0.44.dev20260713+nightly
codegen_flags: <defaults>
</compile_context>

<pallas_src>
import functools

import jax
import jax.numpy as jnp
from jax import lax
from jax.experimental import pallas as pl
from jax.experimental.pallas import tpu as pltpu
from jax.experimental.pallas import tpu_sc as plsc

NC = 2
NS = 16
LB = 128


def _sc_mesh():
    return plsc.VectorSubcoreMesh(core_axis_name="c", subcore_axis_name="s")


def _make_agg(n, d, nblk_pad, with_gather):
    nw = NC * NS
    bpw = nblk_pad // nw
    grp = 16
    n_pad = ((n + LB - 1) // LB) * LB
    rps = n_pad // NS

    hb = LB // 2

    scratch = [
        pltpu.VMEM((2 * grp, hb), jnp.int32),
        pltpu.VMEM((grp, LB), jnp.int32),
        pltpu.VMEM((LB, d), jnp.float32),
        pltpu.VMEM((LB, d), jnp.float32),
        pltpu.VMEM_SHARED((n_pad, d), jnp.float32),
        pltpu.SemaphoreType.DMA,
        pltpu.SemaphoreType.DMA,
        pltpu.SemaphoreType.DMA,
        pltpu.SemaphoreType.DMA,
    ]

    @functools.partial(
        pl.kernel, mesh=_sc_mesh(),
        out_type=jax.ShapeDtypeStruct((NC, n_pad, d), jnp.float32),
        scratch_types=scratch)
    def agg(x_hbm, src_hbm, dst_hbm, zrow_hbm, out_hbm,
            src_v, dst_v, rows_v, rows2_v, acc_sh,
            sem, sem2, sem3, sem4):
        cid = lax.axis_index("c")
        sid = lax.axis_index("s")
        wid = sid * NC + cid
        base_r = sid * rps

        pltpu.sync_copy(zrow_hbm, acc_sh.at[pl.ds(base_r, rps)])
        if not with_gather:
            pltpu.sync_copy(x_hbm, rows_v)
        plsc.subcore_barrier()

        bufs = ((rows_v, sem, sem2), (rows2_v, sem3, sem4))

        def post(j):
            buf, s0, s1 = bufs[j % 2]
            p0 = pltpu.async_copy(x_hbm.at[src_v.at[2 * j]],
                                  buf.at[pl.ds(0, hb)], s0)
            p1 = pltpu.async_copy(x_hbm.at[src_v.at[2 * j + 1]],
                                  buf.at[pl.ds(hb, hb)], s1)
            return (p0, p1)

        def group(kk, carry):
            pltpu.sync_copy(
                src_hbm.at[pl.ds(2 * (wid * bpw + kk * grp), 2 * grp)],
                src_v)
            pltpu.sync_copy(dst_hbm.at[pl.ds(wid * bpw + kk * grp, grp)],
                            dst_v)
            if with_gather:
                pend = [None] * grp
                for j in range(min(2, grp)):
                    pend[j] = post(j)
                for j in range(grp):
                    pend[j][0].wait()
                    pend[j][1].wait()
                    pltpu.sync_copy(bufs[j % 2][0],
                                    acc_sh.at[dst_v.at[j]], add=True)
                    if j + 2 < grp:
                        pend[j + 2] = post(j + 2)
            else:
                def step(j, c):
                    pltpu.sync_copy(rows_v, acc_sh.at[dst_v.at[j]], add=True)
                    return c

                lax.fori_loop(0, grp, step, 0)
            return carry

        lax.fori_loop(0, bpw // grp, group, 0)
        plsc.subcore_barrier()

        pltpu.sync_copy(acc_sh.at[pl.ds(base_r, rps)],
                        out_hbm.at[cid, pl.ds(base_r, rps)])

    return agg


def _dense_body(relu, p_ref, dp_ref, x_ref, wl_ref, wr_ref, b_ref, o_ref):
    s = p_ref[0] + p_ref[1]
    deg = dp_ref[0, :, 0:1] + dp_ref[1, :, 0:1]
    rdeg = 1.0 / jnp.maximum(deg, 1.0)
    acc = jnp.dot(s * rdeg, wl_ref[...], preferred_element_type=jnp.float32)
    acc = acc + jnp.dot(x_ref[...], wr_ref[...],
                        preferred_element_type=jnp.float32)
    acc = acc + b_ref[...]
    o_ref[...] = jnp.maximum(acc, 0.0) if relu else acc


def _make_dense(n, n_pad, d, relu, blk=1000):
    return pl.pallas_call(
        functools.partial(_dense_body, relu),
        grid=(n // blk,),
        in_specs=[
            pl.BlockSpec((NC, blk, d), lambda i: (0, i, 0)),
            pl.BlockSpec((NC, blk, d), lambda i: (0, i, 0)),
            pl.BlockSpec((blk, d), lambda i: (i, 0)),
            pl.BlockSpec((d, d), lambda i: (0, 0)),
            pl.BlockSpec((d, d), lambda i: (0, 0)),
            pl.BlockSpec((1, d), lambda i: (0, 0)),
        ],
        out_specs=pl.BlockSpec((blk, d), lambda i: (i, 0)),
        out_shape=jax.ShapeDtypeStruct((n, d), jnp.float32),
    )


def kernel(x, edge_index, W1_l, b1, W1_r, W2_l, b2, W2_r):
    n, d = x.shape
    e = edge_index.shape[1]
    nw = NC * NS
    n_pad = ((n + LB - 1) // LB) * LB
    nblk_pad = ((e + nw * 16 * LB - 1) // (nw * 16 * LB)) * nw * 16
    e_pad = nblk_pad * LB
    assert n % 8 == 0 and n % 1000 == 0

    pad = e_pad - e
    src = jnp.concatenate(
        [edge_index[0],
         jnp.zeros((pad,), jnp.int32)]).reshape(2 * nblk_pad, LB // 2)
    dst = jnp.concatenate(
        [edge_index[1], jnp.full((pad,), n, jnp.int32)]).reshape(nblk_pad, LB)
    ones_rows = jnp.ones((LB, d), jnp.float32)
    zrow = jnp.zeros((n_pad // NS, d), jnp.float32)

    agg = _make_agg(n, d, nblk_pad, with_gather=True)
    deg_agg = _make_agg(n, d, nblk_pad, with_gather=False)
    dense1 = _make_dense(n, n_pad, d, relu=True)
    dense2 = _make_dense(n, n_pad, d, relu=False)

    degp = deg_agg(ones_rows, src, dst, zrow)
    s1 = agg(x, src, dst, zrow)
    h = dense1(s1, degp, x, W1_l.T, W1_r.T, b1.reshape(1, d))
    s2 = agg(h, src, dst, zrow)
    out = dense2(s2, degp, h, W2_l.T, W2_r.T, b2.reshape(1, d))
    return out

# --- scband reference (transcript-rebuilt; emitter-appended) ---
"""Pipeline reference for scband-graph-sage-34196529610766 (READ-ONLY COPY).

The authoritative reference and input builder live on the scoring server;
editing this copy changes nothing except your own understanding.
"""

import jax, jax.numpy as jnp
import numpy as np

N = 10000
E = 320000
D_IN = 128
D_HID = 128
D_OUT = 128


def setup_inputs(seed: int = 0) -> dict:
    key = jax.random.key(seed)
    ks = jax.random.split(key, 9)
    x = jax.random.normal(ks[0], (N, D_IN), dtype=jnp.float32)
    edge_index = jax.random.randint(ks[1], (2, E), 0, N, dtype=jnp.int32)
    s1 = 1.0 / np.sqrt(D_IN)
    s2 = 1.0 / np.sqrt(D_HID)
    W1_l = jax.random.uniform(ks[2], (D_HID, D_IN), jnp.float32, -s1, s1)
    b1 = jax.random.uniform(ks[3], (D_HID,), jnp.float32, -s1, s1)
    W1_r = jax.random.uniform(ks[4], (D_HID, D_IN), jnp.float32, -s1, s1)
    W2_l = jax.random.uniform(ks[5], (D_OUT, D_HID), jnp.float32, -s2, s2)
    b2 = jax.random.uniform(ks[6], (D_OUT,), jnp.float32, -s2, s2)
    W2_r = jax.random.uniform(ks[7], (D_OUT, D_HID), jnp.float32, -s2, s2)
    return {"x": x, "edge_index": edge_index, "W1_l": W1_l, "b1": b1, "W1_r": W1_r, "W2_l": W2_l, "b2": b2, "W2_r": W2_r}


def _sage_conv(x, src, dst, W_l, b, W_r):
    # PyG SAGEConv(aggr='mean'): out = lin_l(mean_j x_j) + lin_r(x_i)
    msg = jnp.take(x, src, axis=0)
    summed = jax.ops.segment_sum(msg, dst, num_segments=N)
    deg = jax.ops.segment_sum(jnp.ones((src.shape[0],), x.dtype), dst, num_segments=N)
    mean = summed / jnp.clip(deg, 1.0)[:, None]
    return mean @ W_l.T + b + x @ W_r.T


def reference(x, edge_index, W1_l, b1, W1_r, W2_l, b2, W2_r):
    src = edge_index[0]
    dst = edge_index[1]
    h = _sage_conv(x, src, dst, W1_l, b1, W1_r)
    h = jax.nn.relu(h)
    # dropout: eval mode (training=False) -> identity
    out = _sage_conv(h, src, dst, W2_l, b2, W2_r)
    return out

if __name__ == "__main__":
    import jax
    _d = setup_inputs()
    print(jax.jit(kernel)(*tuple(_d.values())))

</pallas_src>

<mosaic_0001>
#map = affine_map<(d0, d1) -> (0, 0)>
#map1 = affine_map<(d0, d1) -> (0, 0, 0)>
module attributes {stable_mosaic.version = 14 : i64} {
  func.func @agg(%arg0: i32, %arg1: i32, %arg2: memref<10000x128xf32, #tpu.memory_space<hbm>>, %arg3: memref<5120x64xi32, #tpu.memory_space<hbm>>, %arg4: memref<2560x128xi32, #tpu.memory_space<hbm>>, %arg5: memref<632x128xf32, #tpu.memory_space<hbm>>, %arg6: memref<2x10112x128xf32, #tpu.memory_space<hbm>>, %arg7: memref<32x64xi32, #tpu.memory_space<vmem>>, %arg8: memref<16x128xi32, #tpu.memory_space<vmem>>, %arg9: memref<128x128xf32, #tpu.memory_space<vmem>>, %arg10: memref<128x128xf32, #tpu.memory_space<vmem>>, %arg11: memref<10112x128xf32, #tpu.memory_space<vmem_shared>>, %arg12: memref<!tpu.dma_semaphore, #tpu.memory_space<semaphore_mem>>, %arg13: memref<!tpu.dma_semaphore, #tpu.memory_space<semaphore_mem>>, %arg14: memref<!tpu.dma_semaphore, #tpu.memory_space<semaphore_mem>>, %arg15: memref<!tpu.dma_semaphore, #tpu.memory_space<semaphore_mem>>) attributes {dimension_semantics = [#tpu.dimension_semantics<core_parallel>, #tpu.dimension_semantics<subcore_parallel>], iteration_bounds = array<i64: 2, 16>, scalar_prefetch = 0 : i64, scratch_operands = 9 : i64, tpu.core_type = #tpu.core_type<sc_vector_subcore>, window_params = [{transform_indices = #map}, {transform_indices = #map}, {transform_indices = #map}, {transform_indices = #map}, {transform_indices = #map1}]} {
    %mul3A = arith.constant 2 : i32
    %mul3A_0 = arith.muli %arg1, %mul3A : i32
    %add3A = arith.addi %mul3A_0, %arg0 : i32
    %mul3A_1 = arith.constant 632 : i32
    %mul3A_2 = arith.muli %arg1, %mul3A_1 : i32
    "tpu.region"() ({
      %run_scoped3A = tpu.sem_alloc : memref<!tpu.dma_semaphore, #tpu.memory_space<semaphore_mem>>
      %dma_start3A = arith.constant 0 : i32
      %dma_start3A_9 = tpu.memref_slice %arg11[%mul3A_2, %dma_start3A] : memref<10112x128xf32, #tpu.memory_space<vmem_shared>> -> memref<632x128xf32, #tpu.memory_space<vmem_shared>>
      tpu.enqueue_dma source(%arg5 : memref<632x128xf32, #tpu.memory_space<hbm>>) target(%dma_start3A_9 : memref<632x128xf32, #tpu.memory_space<vmem_shared>>) target_semaphore(%run_scoped3A : memref<!tpu.dma_semaphore, #tpu.memory_space<semaphore_mem>>)
      %dma_wait3A = arith.constant 0 : i32
      %dma_wait3A_10 = tpu.memref_slice %arg11[%mul3A_2, %dma_wait3A] : memref<10112x128xf32, #tpu.memory_space<vmem_shared>> -> memref<632x128xf32, #tpu.memory_space<vmem_shared>>
      tpu.wait_dma2 semaphore(%run_scoped3A : memref<!tpu.dma_semaphore, #tpu.memory_space<semaphore_mem>>) src(%arg5 : memref<632x128xf32, #tpu.memory_space<hbm>>) dst(%dma_wait3A_10 : memref<632x128xf32, #tpu.memory_space<vmem_shared>>)
      tpu.yield
    }) : () -> ()
    %barrier3A = arith.constant 0 : index
    tpu.barrier barrier_id(%barrier3A)
    %scan3A = arith.constant 0 : i32
    %scan3A_3 = arith.constant 0 : i32
    %scan3A_4 = arith.constant 5 : i32
    %scan3A_5 = arith.addi %scan3A_3, %scan3A_4 : i32
    %scan3A_6 = arith.constant 1 : i32
    scf.for %scan3A_9 = %scan3A_3 to %scan3A_5 step %scan3A_6  : i32 {
      %mul3A_10 = arith.constant 80 : i32
      %mul3A_11 = arith.muli %add3A, %mul3A_10 : i32
      %mul3A_12 = arith.constant 16 : i32
      %mul3A_13 = arith.muli %scan3A_9, %mul3A_12 : i32
      %add3A_14 = arith.addi %mul3A_11, %mul3A_13 : i32
      %mul3A_15 = arith.constant 2 : i32
      %mul3A_16 = arith.muli %mul3A_15, %add3A_14 : i32
      "tpu.region"() ({
        %run_scoped3A_675 = tpu.sem_alloc : memref<!tpu.dma_semaphore, #tpu.memory_space<semaphore_mem>>
        %dma_start3A_676 = arith.constant 0 : i32
        %dma_start3A_677 = tpu.memref_slice %arg3[%mul3A_16, %dma_start3A_676] : memref<5120x64xi32, #tpu.memory_space<hbm>> -> memref<32x64xi32, #tpu.memory_space<hbm>>
        %dma_start3A_678 = arith.constant 0 : i32
        %dma_start3A_679 = tpu.memref_slice %arg3[%mul3A_16, %dma_start3A_678] : memref<5120x64xi32, #tpu.memory_space<hbm>> -> memref<32x64xi32, #tpu.memory_space<hbm>>
        tpu.enqueue_dma source(%dma_start3A_679 : memref<32x64xi32, #tpu.memory_space<hbm>>) target(%arg7 : memref<32x64xi32, #tpu.memory_space<vmem>>) target_semaphore(%run_scoped3A_675 : memref<!tpu.dma_semaphore, #tpu.memory_space<semaphore_mem>>)
        %dma_wait3A_680 = arith.constant 0 : i32
        %dma_wait3A_681 = tpu.memref_slice %arg3[%mul3A_16, %dma_wait3A_680] : memref<5120x64xi32, #tpu.memory_space<hbm>> -> memref<32x64xi32, #tpu.memory_space<hbm>>
        %dma_wait3A_682 = arith.constant 0 : i32
        %dma_wait3A_683 = tpu.memref_slice %arg3[%mul3A_16, %dma_wait3A_682] : memref<5120x64xi32, #tpu.memory_space<hbm>> -> memref<32x64xi32, #tpu.memory_space<hbm>>
        tpu.wait_dma2 semaphore(%run_scoped3A_675 : memref<!tpu.dma_semaphore, #tpu.memory_space<semaphore_mem>>) src(%dma_wait3A_683 : memref<32x64xi32, #tpu.memory_space<hbm>>) dst(%arg7 : memref<32x64xi32, #tpu.memory_space<vmem>>)
        tpu.yield
      }) : () -> ()
      %mul3A_17 = arith.constant 80 : i32
      %mul3A_18 = arith.muli %add3A, %mul3A_17 : i32
      %mul3A_19 = arith.constant 16 : i32
      %mul3A_20 = arith.muli %scan3A_9, %mul3A_19 : i32
      %add3A_21 = arith.addi %mul3A_18, %mul3A_20 : i32
      "tpu.region"() ({
        %run_scoped3A_675 = tpu.sem_alloc : memref<!tpu.dma_semaphore, #tpu.memory_space<semaphore_mem>>
        %dma_start3A_676 = arith.constant 0 : i32
        %dma_start3A_677 = tpu.memref_slice %arg4[%add3A_21, %dma_start3A_676] : memref<2560x128xi32, #tpu.memory_space<hbm>> -> memref<16x128xi32, #tpu.memory_space<hbm>>
        %dma_start3A_678 = arith.constant 0 : i32
        %dma_start3A_679 = tpu.memref_slice %arg4[%add3A_21, %dma_start3A_678] : memref<2560x128xi32, #tpu.memory_space<hbm>> -> memref<16x128xi32, #tpu.memory_space<hbm>>
        tpu.enqueue_dma source(%dma_start3A_679 : memref<16x128xi32, #tpu.memory_space<hbm>>) target(%arg8 : memref<16x128xi32, #tpu.memory_space<vmem>>) target_semaphore(%run_scoped3A_675 : memref<!tpu.dma_semaphore, #tpu.memory_space<semaphore_mem>>)
        %dma_wait3A_680 = arith.constant 0 : i32
        %dma_wait3A_681 = tpu.memref_slice %arg4[%add3A_21, %dma_wait3A_680] : memref<2560x128xi32, #tpu.memory_space<hbm>> -> memref<16x128xi32, #tpu.memory_space<hbm>>
        %dma_wait3A_682 = arith.constant 0 : i32
        %dma_wait3A_683 = tpu.memref_slice %arg4[%add3A_21, %dma_wait3A_682] : memref<2560x128xi32, #tpu.memory_space<hbm>> -> memref<16x128xi32, #tpu.memory_space<hbm>>
        tpu.wait_dma2 semaphore(%run_scoped3A_675 : memref<!tpu.dma_semaphore, #tpu.memory_space<semaphore_mem>>) src(%dma_wait3A_683 : memref<16x128xi32, #tpu.memory_space<hbm>>) dst(%arg8 : memref<16x128xi32, #tpu.memory_space<vmem>>)
        tpu.yield
      }) : () -> ()
      %dma_start3A = arith.constant 0 : i32
      %dma_start3A_22 = arith.constant 0 : i32
      %dma_start3A_23 = arith.constant 0 : i32
      %dma_start3A_24 = tpu.memref_slice %arg9[%dma_start3A_22, %dma_start3A_23] : memref<128x128xf32, #tpu.memory_space<vmem>> -> memref<64x128xf32, #tpu.memory_space<vmem>>
      %dma_start3A_25 = arith.constant 0 : i32
      %dma_start3A_26 = tpu.memref_slice %arg7[%dma_start3A, %dma_start3A_25] : memref<32x64xi32, #tpu.memory_space<vmem>> -> memref<1x64xi32, #tpu.memory_space<vmem>>
      %dma_start3A_27 = tpu.memref_squeeze %dma_start3A_26 : memref<1x64xi32, #tpu.memory_space<vmem>> -> memref<64xi32, #tpu.memory_space<vmem>>
      %dma_start3A_28 = arith.constant 0 : i32
      %dma_start3A_29 = arith.constant 0 : i32
      %dma_start3A_30 = tpu.memref_slice %arg2[%dma_start3A_28, %dma_start3A_29] : memref<10000x128xf32, #tpu.memory_space<hbm>> -> memref<10000x128xf32, #tpu.memory_space<hbm>>
      tpu.enqueue_indirect_dma source(%dma_start3A_30 : memref<10000x128xf32, #tpu.memory_space<hbm>>) target(%dma_start3A_24 : memref<64x128xf32, #tpu.memory_space<vmem>>) offsets(%dma_start3A_27 : memref<64xi32, #tpu.memory_space<vmem>>) semaphore(%arg12 : memref<!tpu.dma_semaphore, #tpu.memory_space<semaphore_mem>>)
      %dma_start3A_31 = arith.constant 1 : i32
      %dma_start3A_32 = arith.constant 64 : i32
      %dma_start3A_33 = arith.constant 0 : i32
      %dma_start3A_34 = tpu.memref_slice %arg9[%dma_start3A_32, %dma_start3A_33] : memref<128x128xf32, #tpu.memory_space<vmem>> -> memref<64x128xf32, #tpu.memory_space<vmem>>
      %dma_start3A_35 = arith.constant 0 : i32
      %dma_start3A_36 = tpu.memref_slice %arg7[%dma_start3A_31, %dma_start3A_35] : memref<32x64xi32, #tpu.memory_space<vmem>> -> memref<1x64xi32, #tpu.memory_space<vmem>>
      %dma_start3A_37 = tpu.memref_squeeze %dma_start3A_36 : memref<1x64xi32, #tpu.memory_space<vmem>> -> memref<64xi32, #tpu.memory_space<vmem>>
      %dma_start3A_38 = arith.constant 0 : i32
      %dma_start3A_39 = arith.constant 0 : i32
      %dma_start3A_40 = tpu.memref_slice %arg2[%dma_start3A_38, %dma_start3A_39] : memref<10000x128xf32, #tpu.memory_space<hbm>> -> memref<10000x128xf32, #tpu.memory_space<hbm>>
      tpu.enqueue_indirect_dma source(%dma_start3A_40 : memref<10000x128xf32, #tpu.memory_space<hbm>>) target(%dma_start3A_34 : memref<64x128xf32, #tpu.memory_space<vmem>>) offsets(%dma_start3A_37 : memref<64xi32, #tpu.memory_space<vmem>>) semaphore(%arg13 : memref<!tpu.dma_semaphore, #tpu.memory_space<semaphore_mem>>)
      %dma_start3A_41 = arith.constant 2 : i32
      %dma_start3A_42 = arith.constant 0 : i32
      %dma_start3A_43 = arith.constant 0 : i32
      %dma_start3A_44 = tpu.memref_slice %arg10[%dma_start3A_42, %dma_start3A_43] : memref<128x128xf32, #tpu.memory_space<vmem>> -> memref<64x128xf32, #tpu.memory_space<vmem>>
      %dma_start3A_45 = arith.constant 0 : i32
      %dma_start3A_46 = tpu.memref_slice %arg7[%dma_start3A_41, %dma_start3A_45] : memref<32x64xi32, #tpu.memory_space<vmem>> -> memref<1x64xi32, #tpu.memory_space<vmem>>
      %dma_start3A_47 = tpu.memref_squeeze %dma_start3A_46 : memref<1x64xi32, #tpu.memory_space<vmem>> -> memref<64xi32, #tpu.memory_space<vmem>>
      %dma_start3A_48 = arith.constant 0 : i32
      %dma_start3A_49 = arith.constant 0 : i32
      %dma_start3A_50 = tpu.memref_slice %arg2[%dma_start3A_48, %dma_start3A_49] : memref<10000x128xf32, #tpu.memory_space<hbm>> -> memref<10000x128xf32, #tpu.memory_space<hbm>>
      tpu.enqueue_indirect_dma source(%dma_start3A_50 : memref<10000x128xf32, #tpu.memory_space<hbm>>) target(%dma_start3A_44 : memref<64x128xf32, #tpu.memory_space<vmem>>) offsets(%dma_start3A_47 : memref<64xi32, #tpu.memory_space<vmem>>) semaphore(%arg14 : memref<!tpu.dma_semaphore, #tpu.memory_space<semaphore_mem>>)
      %dma_start3A_51 = arith.constant 3 : i32
      %dma_start3A_52 = arith.constant 64 : i32
      %dma_start3A_53 = arith.constant 0 : i32
      %dma_start3A_54 = tpu.memref_slice %arg10[%dma_start3A_52, %dma_start3A_53] : memref<128x128xf32, #tpu.memory_space<vmem>> -> memref<64x128xf32, #tpu.memory_space<vmem>>
      %dma_start3A_55 = arith.constant 0 : i32
      %dma_start3A_56 = tpu.memref_slice %arg7[%dma_start3A_51, %dma_start3A_55] : memref<32x64xi32, #tpu.memory_space<vmem>> -> memref<1x64xi32, #tpu.memory_space<vmem>>
      %dma_start3A_57 = tpu.memref_squeeze %dma_start3A_56 : memref<1x64xi32, #tpu.memory_space<vmem>> -> memref<64xi32, #tpu.memory_space<vmem>>
      %dma_start3A_58 = arith.constant 0 : i32
      %dma_start3A_59 = arith.constant 0 : i32
      %dma_start3A_60 = tpu.memref_slice %arg2[%dma_start3A_58, %dma_start3A_59] : memref<10000x128xf32, #tpu.memory_space<hbm>> -> memref<10000x128xf32, #tpu.memory_space<hbm>>
      tpu.enqueue_indirect_dma source(%dma_start3A_60 : memref<10000x128xf32, #tpu.memory_space<hbm>>) target(%dma_start3A_54 : memref<64x128xf32, #tpu.memory_space<vmem>>) offsets(%dma_start3A_57 : memref<64xi32, #tpu.memory_space<vmem>>) semaphore(%arg15 : memref<!tpu.dma_semaphore, #tpu.memory_space<semaphore_mem>>)
      %dma_wait3A = arith.constant 0 : i32
      %dma_wait3A_61 = arith.constant 0 : i32
      %dma_wait3A_62 = arith.constant 0 : i32
      %dma_wait3A_63 = tpu.memref_slice %arg9[%dma_wait3A_61, %dma_wait3A_62] : memref<128x128xf32, #tpu.memory_space<vmem>> -> memref<64x128xf32, #tpu.memory_space<vmem>>
      %dma_wait3A_64 = arith.constant 0 : i32
      %dma_wait3A_65 = tpu.memref_slice %arg7[%dma_wait3A, %dma_wait3A_64] : memref<32x64xi32, #tpu.memory_space<vmem>> -> memref<1x64xi32, #tpu.memory_space<vmem>>
      %dma_wait3A_66 = tpu.memref_squeeze %dma_wait3A_65 : memref<1x64xi32, #tpu.memory_space<vmem>> -> memref<64xi32, #tpu.memory_space<vmem>>
      %dma_wait3A_67 = arith.constant 0 : i32
      %dma_wait3A_68 = arith.constant 0 : i32
      %dma_wait3A_69 = tpu.memref_slice %arg2[%dma_wait3A_67, %dma_wait3A_68] : memref<10000x128xf32, #tpu.memory_space<hbm>> -> memref<10000x128xf32, #tpu.memory_space<hbm>>
      tpu.wait_indirect_dma semaphore(%arg12 : memref<!tpu.dma_semaphore, #tpu.memory_space<semaphore_mem>>) src(%dma_wait3A_69 : memref<10000x128xf32, #tpu.memory_space<hbm>>) dst(%dma_wait3A_63 : memref<64x128xf32, #tpu.memory_space<vmem>>)
      %dma_wait3A_70 = arith.constant 1 : i32
      %dma_wait3A_71 = arith.constant 64 : i32
      %dma_wait3A_72 = arith.constant 0 : i32
      %dma_wait3A_73 = tpu.memref_slice %arg9[%dma_wait3A_71, %dma_wait3A_72] : memref<128x128xf32, #tpu.memory_space<vmem>> -> memref<64x128xf32, #tpu.memory_space<vmem>>
      %dma_wait3A_74 = arith.constant 0 : i32
      %dma_wait3A_75 = tpu.memref_slice %arg7[%dma_wait3A_70, %dma_wait3A_74] : memref<32x64xi32, #tpu.memory_space<vmem>> -> memref<1x64xi32, #tpu.memory_space<vmem>>
      %dma_wait3A_76 = tpu.memref_squeeze %dma_wait3A_75 : memref<1x64xi32, #tpu.memory_space<vmem>> -> memref<64xi32, #tpu.memory_space<vmem>>
      %dma_wait3A_77 = arith.constant 0 : i32
      %dma_wait3A_78 = arith.constant 0 : i32
      %dma_wait3A_79 = tpu.memref_slice %arg2[%dma_wait3A_77, %dma_wait3A_78] : memref<10000x128xf32, #tpu.memory_space<hbm>> -> memref<10000x128xf32, #tpu.memory_space<hbm>>
      tpu.wait_indirect_dma semaphore(%arg13 : memref<!tpu.dma_semaphore, #tpu.memory_space<semaphore_mem>>) src(%dma_wait3A_79 : memref<10000x128xf32, #tpu.memory_space<hbm>>) dst(%dma_wait3A_73 : memref<64x128xf32, #tpu.memory_space<vmem>>)
      %run_scoped3A = arith.constant 0 : i32
      "tpu.region"() ({
        %run_scoped3A_675 = tpu.sem_alloc : memref<!tpu.dma_semaphore, #tpu.memory_space<semaphore_mem>>
        %dma_start3A_676 = arith.constant 0 : i32
        %dma_start3A_677 = tpu.memref_slice %arg8[%run_scoped3A, %dma_start3A_676] : memref<16x128xi32, #tpu.memory_space<vmem>> -> memref<1x128xi32, #tpu.memory_space<vmem>>
        %dma_start3A_678 = tpu.memref_squeeze %dma_start3A_677 : memref<1x128xi32, #tpu.memory_space<vmem>> -> memref<128xi32, #tpu.memory_space<vmem>>
        %dma_start3A_679 = arith.constant 0 : i32
        %dma_start3A_680 = arith.constant 0 : i32
        %dma_start3A_681 = tpu.memref_slice %arg11[%dma_start3A_679, %dma_start3A_680] : memref<10112x128xf32, #tpu.memory_space<vmem_shared>> -> memref<10112x128xf32, #tpu.memory_space<vmem_shared>>
        tpu.enqueue_indirect_dma source(%arg9 : memref<128x128xf32, #tpu.memory_space<vmem>>) target(%dma_start3A_681 : memref<10112x128xf32, #tpu.memory_space<vmem_shared>>) offsets(%dma_start3A_678 : memref<128xi32, #tpu.memory_space<vmem>>) semaphore(%run_scoped3A_675 : memref<!tpu.dma_semaphore, #tpu.memory_space<semaphore_mem>>) {add = true}
        %dma_wait3A_682 = arith.constant 0 : i32
        %dma_wait3A_683 = tpu.memref_slice %arg8[%run_scoped3A, %dma_wait3A_682] : memref<16x128xi32, #tpu.memory_space<vmem>> -> memref<1x128xi32, #tpu.memory_space<vmem>>
        %dma_wait3A_684 = tpu.memref_squeeze %dma_wait3A_683 : memref<1x128xi32, #tpu.memory_space<vmem>> -> memref<128xi32, #tpu.memory_space<vmem>>
        %dma_wait3A_685 = arith.constant 0 : i32
        %dma_wait3A_686 = arith.constant 0 : i32
        %dma_wait3A_687 = tpu.memref_slice %arg11[%dma_wait3A_685, %dma_wait3A_686] : memref<10112x128xf32, #tpu.memory_space<vmem_shared>> -> memref<10112x128xf32, #tpu.memory_space<vmem_shared>>
        tpu.wait_indirect_dma semaphore(%run_scoped3A_675 : memref<!tpu.dma_semaphore, #tpu.memory_space<semaphore_mem>>) src(%arg9 : memref<128x128xf32, #tpu.memory_space<vmem>>) dst(%dma_wait3A_687 : memref<10112x128xf32, #tpu.memory_space<vmem_shared>>)
        tpu.yield
      }) : () -> ()
      %dma_start3A_80 = arith.constant 4 : i32
      %dma_start3A_81 = arith.constant 0 : i32
      %dma_start3A_82 = arith.constant 0 : i32
      %dma_start3A_83 = tpu.memref_slice %arg9[%dma_start3A_81, %dma_start3A_82] : memref<128x128xf32, #tpu.memory_space<vmem>> -> memref<64x128xf32, #tpu.memory_space<vmem>>
      %dma_start3A_84 = arith.constant 0 : i32
      %dma_start3A_85 = tpu.memref_slice %arg7[%dma_start3A_80, %dma_start3A_84] : memref<32x64xi32, #tpu.memory_space<vmem>> -> memref<1x64xi32, #tpu.memory_space<vmem>>
      %dma_start3A_86 = tpu.memref_squeeze %dma_start3A_85 : memref<1x64xi32, #tpu.memory_space<vmem>> -> memref<64xi32, #tpu.memory_space<vmem>>
      %dma_start3A_87 = arith.constant 0 : i32
      %dma_start3A_88 = arith.constant 0 : i32
      %dma_start3A_89 = tpu.memref_slice %arg2[%dma_start3A_87, %dma_start3A_88] : memref<10000x128xf32, #tpu.memory_space<hbm>> -> memref<10000x128xf32, #tpu.memory_space<hbm>>
      tpu.enqueue_indirect_dma source(%dma_start3A_89 : memref<10000x128xf32, #tpu.memory_space<hbm>>) target(%dma_start3A_83 : memref<64x128xf32, #tpu.memory_space<vmem>>) offsets(%dma_start3A_86 : memref<64xi32, #tpu.memory_space<vmem>>) semaphore(%arg12 : memref<!tpu.dma_semaphore, #tpu.memory_space<semaphore_mem>>)
      %dma_start3A_90 = arith.constant 5 : i32
      %dma_start3A_91 = arith.constant 64 : i32
      %dma_start3A_92 = arith.constant 0 : i32
      %dma_start3A_93 = tpu.memref_slice %arg9[%dma_start3A_91, %dma_start3A_92] : memref<128x128xf32, #tpu.memory_space<vmem>> -> memref<64x128xf32, #tpu.memory_space<vmem>>
      %dma_start3A_94 = arith.constant 0 : i32
      %dma_start3A_95 = tpu.memref_slice %arg7[%dma_start3A_90, %dma_start3A_94] : memref<32x64xi32, #tpu.memory_space<vmem>> -> memref<1x64xi32, #tpu.memory_space<vmem>>
      %dma_start3A_96 = tpu.memref_squeeze %dma_start3A_95 : memref<1x64xi32, #tpu.memory_space<vmem>> -> memref<64xi32, #tpu.memory_space<vmem>>
      %dma_start3A_97 = arith.constant 0 : i32
      %dma_start3A_98 = arith.constant 0 : i32
      %dma_start3A_99 = tpu.memref_slice %arg2[%dma_start3A_97, %dma_start3A_98] : memref<10000x128xf32, #tpu.memory_space<hbm>> -> memref<10000x128xf32, #tpu.memory_space<hbm>>
      tpu.enqueue_indirect_dma source(%dma_start3A_99 : memref<10000x128xf32, #tpu.memory_space<hbm>>) target(%dma_start3A_93 : memref<64x128xf32, #tpu.memory_space<vmem>>) offsets(%dma_start3A_96 : memref<64xi32, #tpu.memory_space<vmem>>) semaphore(%arg13 : memref<!tpu.dma_semaphore, #tpu.memory_space<semaphore_mem>>)
      %dma_wait3A_100 = arith.constant 2 : i32
      %dma_wait3A_101 = arith.constant 0 : i32
      %dma_wait3A_102 = arith.constant 0 : i32
      %dma_wait3A_103 = tpu.memref_slice %arg10[%dma_wait3A_101, %dma_wait3A_102] : memref<128x128xf32, #tpu.memory_space<vmem>> -> memref<64x128xf32, #tpu.memory_space<vmem>>
      %dma_wait3A_104 = arith.constant 0 : i32
      %dma_wait3A_105 = tpu.memref_slice %arg7[%dma_wait3A_100, %dma_wait3A_104] : memref<32x64xi32, #tpu.memory_space<vmem>> -> memref<1x64xi32, #tpu.memory_space<vmem>>
      %dma_wait3A_106 = tpu.memref_squeeze %dma_wait3A_105 : memref<1x64xi32, #tpu.memory_space<vmem>> -> memref<64xi32, #tpu.memory_space<vmem>>
      %dma_wait3A_107 = arith.constant 0 : i32
      %dma_wait3A_108 = arith.constant 0 : i32
      %dma_wait3A_109 = tpu.memref_slice %arg2[%dma_wait3A_107, %dma_wait3A_108] : memref<10000x128xf32, #tpu.memory_space<hbm>> -> memref<10000x128xf32, #tpu.memory_space<hbm>>
      tpu.wait_indirect_dma semaphore(%arg14 : memref<!tpu.dma_semaphore, #tpu.memory_space<semaphore_mem>>) src(%dma_wait3A_109 : memref<10000x128xf32, #tpu.memory_space<hbm>>) dst(%dma_wait3A_103 : memref<64x128xf32, #tpu.memory_space<vmem>>)
      %dma_wait3A_110 = arith.constant 3 : i32
      %dma_wait3A_111 = arith.constant 64 : i32
      %dma_wait3A_112 = arith.constant 0 : i32
      %dma_wait3A_113 = tpu.memref_slice %arg10[%dma_wait3A_111, %dma_wait3A_112] : memref<128x128xf32, #tpu.memory_space<vmem>> -> memref<64x128xf32, #tpu.memory_space<vmem>>
      %dma_wait3A_114 = arith.constant 0 : i32
      %dma_wait3A_115 = tpu.memref_slice %arg7[%dma_wait3A_110, %dma_wait3A_114] : memref<32x64xi32, #tpu.memory_space<vmem>> -> memref<1x64xi32, #tpu.memory_space<vmem>>
      %dma_wait3A_116 = tpu.memref_squeeze %dma_wait3A_115 : memref<1x64xi32, #tpu.memory_space<vmem>> -> memref<64xi32, #tpu.memory_space<vmem>>
      %dma_wait3A_117 = arith.constant 0 : i32
      %dma_wait3A_118 = arith.constant 0 : i32
      %dma_wait3A_119 = tpu.memref_slice %arg2[%dma_wait3A_117, %dma_wait3A_118] : memref<10000x128xf32, #tpu.memory_space<hbm>> -> memref<10000x128xf32, #tpu.memory_space<hbm>>
      tpu.wait_indirect_dma semaphore(%arg15 : memref<!tpu.dma_semaphore, #tpu.memory_space<semaphore_mem>>) src(%dma_wait3A_119 : memref<10000x128xf32, #tpu.memory_space<hbm>>) dst(%dma_wait3A_113 : memref<64x128xf32, #tpu.memory_space<vmem>>)
      %run_scoped3A_120 = arith.constant 1 : i32
      "tpu.region"() ({
        %run_scoped3A_675 = tpu.sem_alloc : memref<!tpu.dma_semaphore, #tpu.memory_space<semaphore_mem>>
        %dma_start3A_676 = arith.constant 0 : i32
        %dma_start3A_677 = tpu.memref_slice %arg8[%run_scoped3A_120, %dma_start3A_676] : memref<16x128xi32, #tpu.memory_space<vmem>> -> memref<1x128xi32, #tpu.memory_space<vmem>>
        %dma_start3A_678 = tpu.memref_squeeze %dma_start3A_677 : memref<1x128xi32, #tpu.memory_space<vmem>> -> memref<128xi32, #tpu.memory_space<vmem>>
        %dma_start3A_679 = arith.constant 0 : i32
        %dma_start3A_680 = arith.constant 0 : i32
        %dma_start3A_681 = tpu.memref_slice %arg11[%dma_start3A_679, %dma_start3A_680] : memref<10112x128xf32, #tpu.memory_space<vmem_shared>> -> memref<10112x128xf32, #tpu.memory_space<vmem_shared>>
        tpu.enqueue_indirect_dma source(%arg10 : memref<128x128xf32, #tpu.memory_space<vmem>>) target(%dma_start3A_681 : memref<10112x128xf32, #tpu.memory_space<vmem_shared>>) offsets(%dma_start3A_678 : memref<128xi32, #tpu.memory_space<vmem>>) semaphore(%run_scoped3A_675 : memref<!tpu.dma_semaphore, #tpu.memory_space<semaphore_mem>>) {add = true}
        %dma_wait3A_682 = arith.constant 0 : i32
        %dma_wait3A_683 = tpu.memref_slice %arg8[%run_scoped3A_120, %dma_wait3A_682] : memref<16x128xi32, #tpu.memory_space<vmem>> -> memref<1x128xi32, #tpu.memory_space<vmem>>
        %dma_wait3A_684 = tpu.memref_squeeze %dma_wait3A_683 : memref<1x128xi32, #tpu.memory_space<vmem>> -> memref<128xi32, #tpu.memory_space<vmem>>
        %dma_wait3A_685 = arith.constant 0 : i32
        %dma_wait3A_686 = arith.constant 0 : i32
        %dma_wait3A_687 = tpu.memref_slice %arg11[%dma_wait3A_685, %dma_wait3A_686] : memref<10112x128xf32, #tpu.memory_space<vmem_shared>> -> memref<10112x128xf32, #tpu.memory_space<vmem_shared>>
        tpu.wait_indirect_dma semaphore(%run_scoped3A_675 : memref<!tpu.dma_semaphore, #tpu.memory_space<semaphore_mem>>) src(%arg10 : memref<128x128xf32, #tpu.memory_space<vmem>>) dst(%dma_wait3A_687 : memref<10112x128xf32, #tpu.memory_space<vmem_shared>>)
        tpu.yield
      }) : () -> ()
      %dma_start3A_121 = arith.constant 6 : i32
      %dma_start3A_122 = arith.constant 0 : i32
      %dma_start3A_123 = arith.constant 0 : i32
      %dma_start3A_124 = tpu.memref_slice %arg10[%dma_start3A_122, %dma_start3A_123] : memref<128x128xf32, #tpu.memory_space<vmem>> -> memref<64x128xf32, #tpu.memory_space<vmem>>
      %dma_start3A_125 = arith.constant 0 : i32
      %dma_start3A_126 = tpu.memref_slice %arg7[%dma_start3A_121, %dma_start3A_125] : memref<32x64xi32, #tpu.memory_space<vmem>> -> memref<1x64xi32, #tpu.memory_space<vmem>>
      %dma_start3A_127 = tpu.memref_squeeze %dma_start3A_126 : memref<1x64xi32, #tpu.memory_space<vmem>> -> memref<64xi32, #tpu.memory_space<vmem>>
      %dma_start3A_128 = arith.constant 0 : i32
      %dma_start3A_129 = arith.constant 0 : i32
      %dma_start3A_130 = tpu.memref_slice %arg2[%dma_start3A_128, %dma_start3A_129] : memref<10000x128xf32, #tpu.memory_space<hbm>> -> memref<10000x128xf32, #tpu.memory_space<hbm>>
      tpu.enqueue_indirect_dma source(%dma_start3A_130 : memref<10000x128xf32, #tpu.memory_space<hbm>>) target(%dma_start3A_124 : memref<64x128xf32, #tpu.memory_space<vmem>>) offsets(%dma_start3A_127 : memref<64xi32, #tpu.memory_space<vmem>>) semaphore(%arg14 : memref<!tpu.dma_semaphore, #tpu.memory_space<semaphore_mem>>)
      %dma_start3A_131 = arith.constant 7 : i32
      %dma_start3A_132 = arith.constant 64 : i32
      %dma_start3A_133 = arith.constant 0 : i32
      %dma_start3A_134 = tpu.memref_slice %arg10[%dma_start3A_132, %dma_start3A_133] : memref<128x128xf32, #tpu.memory_space<vmem>> -> memref<64x128xf32, #tpu.memory_space<vmem>>
      %dma_start3A_135 = arith.constant 0 : i32
      %dma_start3A_136 = tpu.memref_slice %arg7[%dma_start3A_131, %dma_start3A_135] : memref<32x64xi32, #tpu.memory_space<vmem>> -> memref<1x64xi32, #tpu.memory_space<vmem>>
      %dma_start3A_137 = tpu.memref_squeeze %dma_start3A_136 : memref<1x64xi32, #tpu.memory_space<vmem>> -> memref<64xi32, #tpu.memory_space<vmem>>
      %dma_start3A_138 = arith.constant 0 : i32
      %dma_start3A_139 = arith.constant 0 : i32
      %dma_start3A_140 = tpu.memref_slice %arg2[%dma_start3A_138, %dma_start3A_139] : memref<10000x128xf32, #tpu.memory_space<hbm>> -> memref<10000x128xf32, #tpu.memory_space<hbm>>
      tpu.enqueue_indirect_dma source(%dma_start3A_140 : memref<10000x128xf32, #tpu.memory_space<hbm>>) target(%dma_start3A_134 : memref<64x128xf32, #tpu.memory_space<vmem>>) offsets(%dma_start3A_137 : memref<64xi32, #tpu.memory_space<vmem>>) semaphore(%arg15 : memref<!tpu.dma_semaphore, #tpu.memory_space<semaphore_mem>>)
      %dma_wait3A_141 = arith.constant 4 : i32
      %dma_wait3A_142 = arith.constant 0 : i32
      %dma_wait3A_143 = arith.constant 0 : i32
      %dma_wait3A_144 = tpu.memref_slice %arg9[%dma_wait3A_142, %dma_wait3A_143] : memref<128x128xf32, #tpu.memory_space<vmem>> -> memref<64x128xf32, #tpu.memory_space<vmem>>
      %dma_wait3A_145 = arith.constant 0 : i32
      %dma_wait3A_146 = tpu.memref_slice %arg7[%dma_wait3A_141, %dma_wait3A_145] : memref<32x64xi32, #tpu.memory_space<vmem>> -> memref<1x64xi32, #tpu.memory_space<vmem>>
      %dma_wait3A_147 = tpu.memref_squeeze %dma_wait3A_146 : memref<1x64xi32, #tpu.memory_space<vmem>> -> memref<64xi32, #tpu.memory_space<vmem>>
      %dma_wait3A_148 = arith.constant 0 : i32
      %dma_wait3A_149 = arith.constant 0 : i32
      %dma_wait3A_150 = tpu.memref_slice %arg2[%dma_wait3A_148, %dma_wait3A_149] : memref<10000x128xf32, #tpu.memory_space<hbm>> -> memref<10000x128xf32, #tpu.memory_space<hbm>>
      tpu.wait_indirect_dma semaphore(%arg12 : memref<!tpu.dma_semaphore, #tpu.memory_space<semaphore_mem>>) src(%dma_wait3A_150 : memref<10000x128xf32, #tpu.memory_space<hbm>>) dst(%dma_wait3A_144 : memref<64x128xf32, #tpu.memory_space<vmem>>)
      %dma_wait3A_151 = arith.constant 5 : i32
      %dma_wait3A_152 = arith.constant 64 : i32
      %dma_wait3A_153 = arith.constant 0 : i32
      %dma_wait3A_154 = tpu.memref_slice %arg9[%dma_wait3A_152, %dma_wait3A_153] : memref<128x128xf32, #tpu.memory_space<vmem>> -> memref<64x128xf32, #tpu.memory_space<vmem>>
      %dma_wait3A_155 = arith.constant 0 : i32
      %dma_wait3A_156 = tpu.memref_slice %arg7[%dma_wait3A_151, %dma_wait3A_155] : memref<32x64xi32, #tpu.memory_space<vmem>> -> memref<1x64xi32, #tpu.memory_space<vmem>>
      %dma_wait3A_157 = tpu.memref_squeeze %dma_wait3A_156 : memref<1x64xi32, #tpu.memory_space<vmem>> -> memref<64xi32, #tpu.memory_space<vmem>>
      %dma_wait3A_158 = arith.constant 0 : i32
      %dma_wait3A_159 = arith.constant 0 : i32
      %dma_wait3A_160 = tpu.memref_slice %arg2[%dma_wait3A_158, %dma_wait3A_159] : memref<10000x128xf32, #tpu.memory_space<hbm>> -> memref<10000x128xf32, #tpu.memory_space<hbm>>
      tpu.wait_indirect_dma semaphore(%arg13 : memref<!tpu.dma_semaphore, #tpu.memory_space<semaphore_mem>>) src(%dma_wait3A_160 : memref<10000x128xf32, #tpu.memory_space<hbm>>) dst(%dma_wait3A_154 : memref<64x128xf32, #tpu.memory_space<vmem>>)
      %run_scoped3A_161 = arith.constant 2 : i32
      "tpu.region"() ({
        %run_scoped3A_675 = tpu.sem_alloc : memref<!tpu.dma_semaphore, #tpu.memory_space<semaphore_mem>>
        %dma_start3A_676 = arith.constant 0 : i32
        %dma_start3A_677 = tpu.memref_slice %arg8[%run_scoped3A_161, %dma_start3A_676] : memref<16x128xi32, #tpu.memory_space<vmem>> -> memref<1x128xi32, #tpu.memory_space<vmem>>
        %dma_start3A_678 = tpu.memref_squeeze %dma_start3A_677 : memref<1x128xi32, #tpu.memory_space<vmem>> -> memref<128xi32, #tpu.memory_space<vmem>>
        %dma_start3A_679 = arith.constant 0 : i32
        %dma_start3A_680 = arith.constant 0 : i32
        %dma_start3A_681 = tpu.memref_slice %arg11[%dma_start3A_679, %dma_start3A_680] : memref<10112x128xf32, #tpu.memory_space<vmem_shared>> -> memref<10112x128xf32, #tpu.memory_space<vmem_shared>>
        tpu.enqueue_indirect_dma source(%arg9 : memref<128x128xf32, #tpu.memory_space<vmem>>) target(%dma_start3A_681 : memref<10112x128xf32, #tpu.memory_space<vmem_shared>>) offsets(%dma_start3A_678 : memref<128xi32, #tpu.memory_space<vmem>>) semaphore(%run_scoped3A_675 : memref<!tpu.dma_semaphore, #tpu.memory_space<semaphore_mem>>) {add = true}
        %dma_wait3A_682 = arith.constant 0 : i32
        %dma_wait3A_683 = tpu.memref_slice %arg8[%run_scoped3A_161, %dma_wait3A_682] : memref<16x128xi32, #tpu.memory_space<vmem>> -> memref<1x128xi32, #tpu.memory_space<vmem>>
        %dma_wait3A_684 = tpu.memref_squeeze %dma_wait3A_683 : memref<1x128xi32, #tpu.memory_space<vmem>> -> memref<128xi32, #tpu.memory_space<vmem>>
        %dma_wait3A_685 = arith.constant 0 : i32
        %dma_wait3A_686 = arith.constant 0 : i32
        %dma_wait3A_687 = tpu.memref_slice %arg11[%dma_wait3A_685, %dma_wait3A_686] : memref<10112x128xf32, #tpu.memory_space<vmem_shared>> -> memref<10112x128xf32, #tpu.memory_space<vmem_shared>>
        tpu.wait_indirect_dma semaphore(%run_scoped3A_675 : memref<!tpu.dma_semaphore, #tpu.memory_space<semaphore_mem>>) src(%arg9 : memref<128x128xf32, #tpu.memory_space<vmem>>) dst(%dma_wait3A_687 : memref<10112x128xf32, #tpu.memory_space<vmem_shared>>)
        tpu.yield
      }) : () -> ()
      %dma_start3A_162 = arith.constant 8 : i32
      %dma_start3A_163 = arith.constant 0 : i32
      %dma_start3A_164 = arith.constant 0 : i32
      %dma_start3A_165 = tpu.memref_slice %arg9[%dma_start3A_163, %dma_start3A_164] : memref<128x128xf32, #tpu.memory_space<vmem>> -> memref<64x128xf32, #tpu.memory_space<vmem>>
      %dma_start3A_166 = arith.constant 0 : i32
      %dma_start3A_167 = tpu.memref_slice %arg7[%dma_start3A_162, %dma_start3A_166] : memref<32x64xi32, #tpu.memory_space<vmem>> -> memref<1x64xi32, #tpu.memory_space<vmem>>
      %dma_start3A_168 = tpu.memref_squeeze %dma_start3A_167 : memref<1x64xi32, #tpu.memory_space<vmem>> -> memref<64xi32, #tpu.memory_space<vmem>>
      %dma_start3A_169 = arith.constant 0 : i32
      %dma_start3A_170 = arith.constant 0 : i32
      %dma_start3A_171 = tpu.memref_slice %arg2[%dma_start3A_169, %dma_start3A_170] : memref<10000x128xf32, #tpu.memory_space<hbm>> -> memref<10000x128xf32, #tpu.memory_space<hbm>>
      tpu.enqueue_indirect_dma source(%dma_start3A_171 : memref<10000x128xf32, #tpu.memory_space<hbm>>) target(%dma_start3A_165 : memref<64x128xf32, #tpu.memory_space<vmem>>) offsets(%dma_start3A_168 : memref<64xi32, #tpu.memory_space<vmem>>) semaphore(%arg12 : memref<!tpu.dma_semaphore, #tpu.memory_space<semaphore_mem>>)
      %dma_start3A_172 = arith.constant 9 : i32
      %dma_start3A_173 = arith.constant 64 : i32
      %dma_start3A_174 = arith.constant 0 : i32
      %dma_start3A_175 = tpu.memref_slice %arg9[%dma_start3A_173, %dma_start3A_174] : memref<128x128xf32, #tpu.memory_space<vmem>> -> memref<64x128xf32, #tpu.memory_space<vmem>>
      %dma_start3A_176 = arith.constant 0 : i32
      %dma_start3A_177 = tpu.memref_slice %arg7[%dma_start3A_172, %dma_start3A_176] : memref<32x64xi32, #tpu.memory_space<vmem>> -> memref<1x64xi32, #tpu.memory_space<vmem>>
      %dma_start3A_178 = tpu.memref_squeeze %dma_start3A_177 : memref<1x64xi32, #tpu.memory_space<vmem>> -> memref<64xi32, #tpu.memory_space<vmem>>
      %dma_start3A_179 = arith.constant 0 : i32
      %dma_start3A_180 = arith.constant 0 : i32
      %dma_start3A_181 = tpu.memref_slice %arg2[%dma_start3A_179, %dma_start3A_180] : memref<10000x128xf32, #tpu.memory_space<hbm>> -> memref<10000x128xf32, #tpu.memory_space<hbm>>
      tpu.enqueue_indirect_dma source(%dma_start3A_181 : memref<10000x128xf32, #tpu.memory_space<hbm>>) target(%dma_start3A_175 : memref<64x128xf32, #tpu.memory_space<vmem>>) offsets(%dma_start3A_178 : memref<64xi32, #tpu.memory_space<vmem>>) semaphore(%arg13 : memref<!tpu.dma_semaphore, #tpu.memory_space<semaphore_mem>>)
      %dma_wait3A_182 = arith.constant 6 : i32
      %dma_wait3A_183 = arith.constant 0 : i32
      %dma_wait3A_184 = arith.constant 0 : i32
      %dma_wait3A_185 = tpu.memref_slice %arg10[%dma_wait3A_183, %dma_wait3A_184] : memref<128x128xf32, #tpu.memory_space<vmem>> -> memref<64x128xf32, #tpu.memory_space<vmem>>
      %dma_wait3A_186 = arith.constant 0 : i32
      %dma_wait3A_187 = tpu.memref_slice %arg7[%dma_wait3A_182, %dma_wait3A_186] : memref<32x64xi32, #tpu.memory_space<vmem>> -> memref<1x64xi32, #tpu.memory_space<vmem>>
      %dma_wait3A_188 = tpu.memref_squeeze %dma_wait3A_187 : memref<1x64xi32, #tpu.memory_space<vmem>> -> memref<64xi32, #tpu.memory_space<vmem>>
      %dma_wait3A_189 = arith.constant 0 : i32
      %dma_wait3A_190 = arith.constant 0 : i32
      %dma_wait3A_191 = tpu.memref_slice %arg2[%dma_wait3A_189, %dma_wait3A_190] : memref<10000x128xf32, #tpu.memory_space<hbm>> -> memref<10000x128xf32, #tpu.memory_space<hbm>>
      tpu.wait_indirect_dma semaphore(%arg14 : memref<!tpu.dma_semaphore, #tpu.memory_space<semaphore_mem>>) src(%dma_wait3A_191 : memref<10000x128xf32, #tpu.memory_space<hbm>>) dst(%dma_wait3A_185 : memref<64x128xf32, #tpu.memory_space<vmem>>)
      %dma_wait3A_192 = arith.constant 7 : i32
      %dma_wait3A_193 = arith.constant 64 : i32
      %dma_wait3A_194 = arith.constant 0 : i32
      %dma_wait3A_195 = tpu.memref_slice %arg10[%dma_wait3A_193, %dma_wait3A_194] : memref<128x128xf32, #tpu.memory_space<vmem>> -> memref<64x128xf32, #tpu.memory_space<vmem>>
      %dma_wait3A_196 = arith.constant 0 : i32
      %dma_wait3A_197 = tpu.memref_slice %arg7[%dma_wait3A_192, %dma_wait3A_196] : memref<32x64xi32, #tpu.memory_space<vmem>> -> memref<1x64xi32, #tpu.memory_space<vmem>>
      %dma_wait3A_198 = tpu.memref_squeeze %dma_wait3A_197 : memref<1x64xi32, #tpu.memory_space<vmem>> -> memref<64xi32, #tpu.memory_space<vmem>>
      %dma_wait3A_199 = arith.constant 0 : i32
      %dma_wait3A_200 = arith.constant 0 : i32
      %dma_wait3A_201 = tpu.memref_slice %arg2[%dma_wait3A_199, %dma_wait3A_200] : memref<10000x128xf32, #tpu.memory_space<hbm>> -> memref<10000x128xf32, #tpu.memory_space<hbm>>
      tpu.wait_indirect_dma semaphore(%arg15 : memref<!tpu.dma_semaphore, #tpu.memory_space<semaphore_mem>>) src(%dma_wait3A_201 : memref<10000x128xf32, #tpu.memory_space<hbm>>) dst(%dma_wait3A_195 : memref<64x128xf32, #tpu.memory_space<vmem>>)
      %run_scoped3A_202 = arith.constant 3 : i32
      "tpu.region"() ({
        %run_scoped3A_675 = tpu.sem_alloc : memref<!tpu.dma_semaphore, #tpu.memory_space<semaphore_mem>>
        %dma_start3A_676 = arith.constant 0 : i32
        %dma_start3A_677 = tpu.memref_slice %arg8[%run_scoped3A_202, %dma_start3A_676] : memref<16x128xi32, #tpu.memory_space<vmem>> -> memref<1x128xi32, #tpu.memory_space<vmem>>
        %dma_start3A_678 = tpu.memref_squeeze %dma_start3A_677 : memref<1x128xi32, #tpu.memory_space<vmem>> -> memref<128xi32, #tpu.memory_space<vmem>>
        %dma_start3A_679 = arith.constant 0 : i32
        %dma_start3A_680 = arith.constant 0 : i32
        %dma_start3A_681 = tpu.memref_slice %arg11[%dma_start3A_679, %dma_start3A_680] : memref<10112x128xf32, #tpu.memory_space<vmem_shared>> -> memref<10112x128xf32, #tpu.memory_space<vmem_shared>>
        tpu.enqueue_indirect_dma source(%arg10 : memref<128x128xf32, #tpu.memory_space<vmem>>) target(%dma_start3A_681 : memref<10112x128xf32, #tpu.memory_space<vmem_shared>>) offsets(%dma_start3A_678 : memref<128xi32, #tpu.memory_space<vmem>>) semaphore(%run_scoped3A_675 : memref<!tpu.dma_semaphore, #tpu.memory_space<semaphore_mem>>) {add = true}
        %dma_wait3A_682 = arith.constant 0 : i32
        %dma_wait3A_683 = tpu.memref_slice %arg8[%run_scoped3A_202, %dma_wait3A_682] : memref<16x128xi32, #tpu.memory_space<vmem>> -> memref<1x128xi32, #tpu.memory_space<vmem>>
        %dma_wait3A_684 = tpu.memref_squeeze %dma_wait3A_683 : memref<1x128xi32, #tpu.memory_space<vmem>> -> memref<128xi32, #tpu.memory_space<vmem>>
        %dma_wait3A_685 = arith.constant 0 : i32
        %dma_wait3A_686 = arith.constant 0 : i32
        %dma_wait3A_687 = tpu.memref_slice %arg11[%dma_wait3A_685, %dma_wait3A_686] : memref<10112x128xf32, #tpu.memory_space<vmem_shared>> -> memref<10112x128xf32, #tpu.memory_space<vmem_shared>>
        tpu.wait_indirect_dma semaphore(%run_scoped3A_675 : memref<!tpu.dma_semaphore, #tpu.memory_space<semaphore_mem>>) src(%arg10 : memref<128x128xf32, #tpu.memory_space<vmem>>) dst(%dma_wait3A_687 : memref<10112x128xf32, #tpu.memory_space<vmem_shared>>)
        tpu.yield
      }) : () -> ()
      %dma_start3A_203 = arith.constant 10 : i32
      %dma_start3A_204 = arith.constant 0 : i32
      %dma_start3A_205 = arith.constant 0 : i32
      %dma_start3A_206 = tpu.memref_slice %arg10[%dma_start3A_204, %dma_start3A_205] : memref<128x128xf32, #tpu.memory_space<vmem>> -> memref<64x128xf32, #tpu.memory_space<vmem>>
      %dma_start3A_207 = arith.constant 0 : i32
      %dma_start3A_208 = tpu.memref_slice %arg7[%dma_start3A_203, %dma_start3A_207] : memref<32x64xi32, #tpu.memory_space<vmem>> -> memref<1x64xi32, #tpu.memory_space<vmem>>
      %dma_start3A_209 = tpu.memref_squeeze %dma_start3A_208 : memref<1x64xi32, #tpu.memory_space<vmem>> -> memref<64xi32, #tpu.memory_space<vmem>>
      %dma_start3A_210 = arith.constant 0 : i32
      %dma_start3A_211 = arith.constant 0 : i32
      %dma_start3A_212 = tpu.memref_slice %arg2[%dma_start3A_210, %dma_start3A_211] : memref<10000x128xf32, #tpu.memory_space<hbm>> -> memref<10000x128xf32, #tpu.memory_space<hbm>>
      tpu.enqueue_indirect_dma source(%dma_start3A_212 : memref<10000x128xf32, #tpu.memory_space<hbm>>) target(%dma_start3A_206 : memref<64x128xf32, #tpu.memory_space<vmem>>) offsets(%dma_start3A_209 : memref<64xi32, #tpu.memory_space<vmem>>) semaphore(%arg14 : memref<!tpu.dma_semaphore, #tpu.memory_space<semaphore_mem>>)
      %dma_start3A_213 = arith.constant 11 : i32
      %dma_start3A_214 = arith.constant 64 : i32
      %dma_start3A_215 = arith.constant 0 : i32
      %dma_start3A_216 = tpu.memref_slice %arg10[%dma_start3A_214, %dma_start3A_215] : memref<128x128xf32, #tpu.memory_space<vmem>> -> memref<64x128xf32, #tpu.memory_space<vmem>>
      %dma_start3A_217 = arith.constant 0 : i32
      %dma_start3A_218 = tpu.memref_slice %arg7[%dma_start3A_213, %dma_start3A_217] : memref<32x64xi32, #tpu.memory_space<vmem>> -> memref<1x64xi32, #tpu.memory_space<vmem>>
      %dma_start3A_219 = tpu.memref_squeeze %dma_start3A_218 : memref<1x64xi32, #tpu.memory_space<vmem>> -> memref<64xi32, #tpu.memory_space<vmem>>
      %dma_start3A_220 = arith.constant 0 : i32
      %dma_start3A_221 = arith.constant 0 : i32
      %dma_start3A_222 = tpu.memref_slice %arg2[%dma_start3A_220, %dma_start3A_221] : memref<10000x128xf32, #tpu.memory_space<hbm>> -> memref<10000x128xf32, #tpu.memory_space<hbm>>
      tpu.enqueue_indirect_dma source(%dma_start3A_222 : memref<10000x128xf32, #tpu.memory_space<hbm>>) target(%dma_start3A_216 : memref<64x128xf32, #tpu.memory_space<vmem>>) offsets(%dma_start3A_219 : memref<64xi32, #tpu.memory_space<vmem>>) semaphore(%arg15 : memref<!tpu.dma_semaphore, #tpu.memory_space<semaphore_mem>>)
      %dma_wait3A_223 = arith.constant 8 : i32
      %dma_wait3A_224 = arith.constant 0 : i32
      %dma_wait3A_225 = arith.constant 0 : i32
      %dma_wait3A_226 = tpu.memref_slice %arg9[%dma_wait3A_224, %dma_wait3A_225] : memref<128x128xf32, #tpu.memory_space<vmem>> -> memref<64x128xf32, #tpu.memory_space<vmem>>
      %dma_wait3A_227 = arith.constant 0 : i32
      %dma_wait3A_228 = tpu.memref_slice %arg7[%dma_wait3A_223, %dma_wait3A_227] : memref<32x64xi32, #tpu.memory_space<vmem>> -> memref<1x64xi32, #tpu.memory_space<vmem>>
      %dma_wait3A_229 = tpu.memref_squeeze %dma_wait3A_228 : memref<1x64xi32, #tpu.memory_space<vmem>> -> memref<64xi32, #tpu.memory_space<vmem>>
      %dma_wait3A_230 = arith.constant 0 : i32
      %dma_wait3A_231 = arith.constant 0 : i32
      %dma_wait3A_232 = tpu.memref_slice %arg2[%dma_wait3A_230, %dma_wait3A_231] : memref<10000x128xf32, #tpu.memory_space<hbm>> -> memref<10000x128xf32, #tpu.memory_space<hbm>>
      tpu.wait_indirect_dma semaphore(%arg12 : memref<!tpu.dma_semaphore, #tpu.memory_space<semaphore_mem>>) src(%dma_wait3A_232 : memref<10000x128xf32, #tpu.memory_space<hbm>>) dst(%dma_wait3A_226 : memref<64x128xf32, #tpu.memory_space<vmem>>)
      %dma_wait3A_233 = arith.constant 9 : i32
      %dma_wait3A_234 = arith.constant 64 : i32
      %dma_wait3A_235 = arith.constant 0 : i32
      %dma_wait3A_236 = tpu.memref_slice %arg9[%dma_wait3A_234, %dma_wait3A_235] : memref<128x128xf32, #tpu.memory_space<vmem>> -> memref<64x128xf32, #tpu.memory_space<vmem>>
      %dma_wait3A_237 = arith.constant 0 : i32
      %dma_wait3A_238 = tpu.memref_slice %arg7[%dma_wait3A_233, %dma_wait3A_237] : memref<32x64xi32, #tpu.memory_space<vmem>> -> memref<1x64xi32, #tpu.memory_space<vmem>>
      %dma_wait3A_239 = tpu.memref_squeeze %dma_wait3A_238 : memref<1x64xi32, #tpu.memory_space<vmem>> -> memref<64xi32, #tpu.memory_space<vmem>>
      %dma_wait3A_240 = arith.constant 0 : i32
      %dma_wait3A_241 = arith.constant 0 : i32
      %dma_wait3A_242 = tpu.memref_slice %arg2[%dma_wait3A_240, %dma_wait3A_241] : memref<10000x128xf32, #tpu.memory_space<hbm>> -> memref<10000x128xf32, #tpu.memory_space<hbm>>
      tpu.wait_indirect_dma semaphore(%arg13 : memref<!tpu.dma_semaphore, #tpu.memory_space<semaphore_mem>>) src(%dma_wait3A_242 : memref<10000x128xf32, #tpu.memory_space<hbm>>) dst(%dma_wait3A_236 : memref<64x128xf32, #tpu.memory_space<vmem>>)
      %run_scoped3A_243 = arith.constant 4 : i32
      "tpu.region"() ({
        %run_scoped3A_675 = tpu.sem_alloc : memref<!tpu.dma_semaphore, #tpu.memory_space<semaphore_mem>>
        %dma_start3A_676 = arith.constant 0 : i32
        %dma_start3A_677 = tpu.memref_slice %arg8[%run_scoped3A_243, %dma_start3A_676] : memref<16x128xi32, #tpu.memory_space<vmem>> -> memref<1x128xi32, #tpu.memory_space<vmem>>
        %dma_start3A_678 = tpu.memref_squeeze %dma_start3A_677 : memref<1x128xi32, #tpu.memory_space<vmem>> -> memref<128xi32, #tpu.memory_space<vmem>>
        %dma_start3A_679 = arith.constant 0 : i32
        %dma_start3A_680 = arith.constant 0 : i32
        %dma_start3A_681 = tpu.memref_slice %arg11[%dma_start3A_679, %dma_start3A_680] : memref<10112x128xf32, #tpu.memory_space<vmem_shared>> -> memref<10112x128xf32, #tpu.memory_space<vmem_shared>>
        tpu.enqueue_indirect_dma source(%arg9 : memref<128x128xf32, #tpu.memory_space<vmem>>) target(%dma_start3A_681 : memref<10112x128xf32, #tpu.memory_space<vmem_shared>>) offsets(%dma_start3A_678 : memref<128xi32, #tpu.memory_space<vmem>>) semaphore(%run_scoped3A_675 : memref<!tpu.dma_semaphore, #tpu.memory_space<semaphore_mem>>) {add = true}
        %dma_wait3A_682 = arith.constant 0 : i32
        %dma_wait3A_683 = tpu.memref_slice %arg8[%run_scoped3A_243, %dma_wait3A_682] : memref<16x128xi32, #tpu.memory_space<vmem>> -> memref<1x128xi32, #tpu.memory_space<vmem>>
        %dma_wait3A_684 = tpu.memref_squeeze %dma_wait3A_683 : memref<1x128xi32, #tpu.memory_space<vmem>> -> memref<128xi32, #tpu.memory_space<vmem>>
        %dma_wait3A_685 = arith.constant 0 : i32
        %dma_wait3A_686 = arith.constant 0 : i32
        %dma_wait3A_687 = tpu.memref_slice %arg11[%dma_wait3A_685, %dma_wait3A_686] : memref<10112x128xf32, #tpu.memory_space<vmem_shared>> -> memref<10112x128xf32, #tpu.memory_space<vmem_shared>>
        tpu.wait_indirect_dma semaphore(%run_scoped3A_675 : memref<!tpu.dma_semaphore, #tpu.memory_space<semaphore_mem>>) src(%arg9 : memref<128x128xf32, #tpu.memory_space<vmem>>) dst(%dma_wait3A_687 : memref<10112x128xf32, #tpu.memory_space<vmem_shared>>)
        tpu.yield
      }) : () -> ()
      %dma_start3A_244 = arith.constant 12 : i32
      %dma_start3A_245 = arith.constant 0 : i32
      %dma_start3A_246 = arith.constant 0 : i32
      %dma_start3A_247 = tpu.memref_slice %arg9[%dma_start3A_245, %dma_start3A_246] : memref<128x128xf32, #tpu.memory_space<vmem>> -> memref<64x128xf32, #tpu.memory_space<vmem>>
      %dma_start3A_248 = arith.constant 0 : i32
      %dma_start3A_249 = tpu.memref_slice %arg7[%dma_start3A_244, %dma_start3A_248] : memref<32x64xi32, #tpu.memory_space<vmem>> -> memref<1x64xi32, #tpu.memory_space<vmem>>
      %dma_start3A_250 = tpu.memref_squeeze %dma_start3A_249 : memref<1x64xi32, #tpu.memory_space<vmem>> -> memref<64xi32, #tpu.memory_space<vmem>>
      %dma_start3A_251 = arith.constant 0 : i32
      %dma_start3A_252 = arith.constant 0 : i32
      %dma_start3A_253 = tpu.memref_slice %arg2[%dma_start3A_251, %dma_start3A_252] : memref<10000x128xf32, #tpu.memory_space<hbm>> -> memref<10000x128xf32, #tpu.memory_space<hbm>>
      tpu.enqueue_indirect_dma source(%dma_start3A_253 : memref<10000x128xf32, #tpu.memory_space<hbm>>) target(%dma_start3A_247 : memref<64x128xf32, #tpu.memory_space<vmem>>) offsets(%dma_start3A_250 : memref<64xi32, #tpu.memory_space<vmem>>) semaphore(%arg12 : memref<!tpu.dma_semaphore, #tpu.memory_space<semaphore_mem>>)
      %dma_start3A_254 = arith.constant 13 : i32
      %dma_start3A_255 = arith.constant 64 : i32
      %dma_start3A_256 = arith.constant 0 : i32
      %dma_start3A_257 = tpu.memref_slice %arg9[%dma_start3A_255, %dma_start3A_256] : memref<128x128xf32, #tpu.memory_space<vmem>> -> memref<64x128xf32, #tpu.memory_space<vmem>>
      %dma_start3A_258 = arith.constant 0 : i32
      %dma_start3A_259 = tpu.memref_slice %arg7[%dma_start3A_254, %dma_start3A_258] : memref<32x64xi32, #tpu.memory_space<vmem>> -> memref<1x64xi32, #tpu.memory_space<vmem>>
      %dma_start3A_260 = tpu.memref_squeeze %dma_start3A_259 : memref<1x64xi32, #tpu.memory_space<vmem>> -> memref<64xi32, #tpu.memory_space<vmem>>
      %dma_start3A_261 = arith.constant 0 : i32
      %dma_start3A_262 = arith.constant 0 : i32
      %dma_start3A_263 = tpu.memref_slice %arg2[%dma_start3A_261, %dma_start3A_262] : memref<10000x128xf32, #tpu.memory_space<hbm>> -> memref<10000x128xf32, #tpu.memory_space<hbm>>
      tpu.enqueue_indirect_dma source(%dma_start3A_263 : memref<10000x128xf32, #tpu.memory_space<hbm>>) target(%dma_start3A_257 : memref<64x128xf32, #tpu.memory_space<vmem>>) offsets(%dma_start3A_260 : memref<64xi32, #tpu.memory_space<vmem>>) semaphore(%arg13 : memref<!tpu.dma_semaphore, #tpu.memory_space<semaphore_mem>>)
      %dma_wait3A_264 = arith.constant 10 : i32
      %dma_wait3A_265 = arith.constant 0 : i32
      %dma_wait3A_266 = arith.constant 0 : i32
      %dma_wait3A_267 = tpu.memref_slice %arg10[%dma_wait3A_265, %dma_wait3A_266] : memref<128x128xf32, #tpu.memory_space<vmem>> -> memref<64x128xf32, #tpu.memory_space<vmem>>
      %dma_wait3A_268 = arith.constant 0 : i32
      %dma_wait3A_269 = tpu.memref_slice %arg7[%dma_wait3A_264, %dma_wait3A_268] : memref<32x64xi32, #tpu.memory_space<vmem>> -> memref<1x64xi32, #tpu.memory_space<vmem>>
      %dma_wait3A_270 = tpu.memref_squeeze %dma_wait3A_269 : memref<1x64xi32, #tpu.memory_space<vmem>> -> memref<64xi32, #tpu.memory_space<vmem>>
      %dma_wait3A_271 = arith.constant 0 : i32
      %dma_wait3A_272 = arith.constant 0 : i32
      %dma_wait3A_273 = tpu.memref_slice %arg2[%dma_wait3A_271, %dma_wait3A_272] : memref<10000x128xf32, #tpu.memory_space<hbm>> -> memref<10000x128xf32, #tpu.memory_space<hbm>>
      tpu.wait_indirect_dma semaphore(%arg14 : memref<!tpu.dma_semaphore, #tpu.memory_space<semaphore_mem>>) src(%dma_wait3A_273 : memref<10000x128xf32, #tpu.memory_space<hbm>>) dst(%dma_wait3A_267 : memref<64x128xf32, #tpu.memory_space<vmem>>)
      %dma_wait3A_274 = arith.constant 11 : i32
      %dma_wait3A_275 = arith.constant 64 : i32
      %dma_wait3A_276 = arith.constant 0 : i32
      %dma_wait3A_277 = tpu.memref_slice %arg10[%dma_wait3A_275, %dma_wait3A_276] : memref<128x128xf32, #tpu.memory_space<vmem>> -> memref<64x128xf32, #tpu.memory_space<vmem>>
      %dma_wait3A_278 = arith.constant 0 : i32
      %dma_wait3A_279 = tpu.memref_slice %arg7[%dma_wait3A_274, %dma_wait3A_278] : memref<32x64xi32, #tpu.memory_space<vmem>> -> memref<1x64xi32, #tpu.memory_space<vmem>>
      %dma_wait3A_280 = tpu.memref_squeeze %dma_wait3A_279 : memref<1x64xi32, #tpu.memory_space<vmem>> -> memref<64xi32, #tpu.memory_space<vmem>>
      %dma_wait3A_281 = arith.constant 0 : i32
      %dma_wait3A_282 = arith.constant 0 : i32
      %dma_wait3A_283 = tpu.memref_slice %arg2[%dma_wait3A_281, %dma_wait3A_282] : memref<10000x128xf32, #tpu.memory_space<hbm>> -> memref<10000x128xf32, #tpu.memory_space<hbm>>
      tpu.wait_indirect_dma semaphore(%arg15 : memref<!tpu.dma_semaphore, #tpu.memory_space<semaphore_mem>>) src(%dma_wait3A_283 : memref<10000x128xf32, #tpu.memory_space<hbm>>) dst(%dma_wait3A_277 : memref<64x128xf32, #tpu.memory_space<vmem>>)
      %run_scoped3A_284 = arith.constant 5 : i32
      "tpu.region"() ({
        %run_scoped3A_675 = tpu.sem_alloc : memref<!tpu.dma_semaphore, #tpu.memory_space<semaphore_mem>>
        %dma_start3A_676 = arith.constant 0 : i32
        %dma_start3A_677 = tpu.memref_slice %arg8[%run_scoped3A_284, %dma_start3A_676] : memref<16x128xi32, #tpu.memory_space<vmem>> -> memref<1x128xi32, #tpu.memory_space<vmem>>
        %dma_start3A_678 = tpu.memref_squeeze %dma_start3A_677 : memref<1x128xi32, #tpu.memory_space<vmem>> -> memref<128xi32, #tpu.memory_space<vmem>>
        %dma_start3A_679 = arith.constant 0 : i32
        %dma_start3A_680 = arith.constant 0 : i32
        %dma_start3A_681 = tpu.memref_slice %arg11[%dma_start3A_679, %dma_start3A_680] : memref<10112x128xf32, #tpu.memory_space<vmem_shared>> -> memref<10112x128xf32, #tpu.memory_space<vmem_shared>>
        tpu.enqueue_indirect_dma source(%arg10 : memref<128x128xf32, #tpu.memory_space<vmem>>) target(%dma_start3A_681 : memref<10112x128xf32, #tpu.memory_space<vmem_shared>>) offsets(%dma_start3A_678 : memref<128xi32, #tpu.memory_space<vmem>>) semaphore(%run_scoped3A_675 : memref<!tpu.dma_semaphore, #tpu.memory_space<semaphore_mem>>) {add = true}
        %dma_wait3A_682 = arith.constant 0 : i32
        %dma_wait3A_683 = tpu.memref_slice %arg8[%run_scoped3A_284, %dma_wait3A_682] : memref<16x128xi32, #tpu.memory_space<vmem>> -> memref<1x128xi32, #tpu.memory_space<vmem>>
        %dma_wait3A_684 = tpu.memref_squeeze %dma_wait3A_683 : memref<1x128xi32, #tpu.memory_space<vmem>> -> memref<128xi32, #tpu.memory_space<vmem>>
        %dma_wait3A_685 = arith.constant 0 : i32
        %dma_wait3A_686 = arith.constant 0 : i32
        %dma_wait3A_687 = tpu.memref_slice %arg11[%dma_wait3A_685, %dma_wait3A_686] : memref<10112x128xf32, #tpu.memory_space<vmem_shared>> -> memref<10112x128xf32, #tpu.memory_space<vmem_shared>>
        tpu.wait_indirect_dma semaphore(%run_scoped3A_675 : memref<!tpu.dma_semaphore, #tpu.memory_space<semaphore_mem>>) src(%arg10 : memref<128x128xf32, #tpu.memory_space<vmem>>) dst(%dma_wait3A_687 : memref<10112x128xf32, #tpu.memory_space<vmem_shared>>)
        tpu.yield
      }) : () -> ()
      %dma_start3A_285 = arith.constant 14 : i32
      %dma_start3A_286 = arith.constant 0 : i32
      %dma_start3A_287 = arith.constant 0 : i32
      %dma_start3A_288 = tpu.memref_slice %arg10[%dma_start3A_286, %dma_start3A_287] : memref<128x128xf32, #tpu.memory_space<vmem>> -> memref<64x128xf32, #tpu.memory_space<vmem>>
      %dma_start3A_289 = arith.constant 0 : i32
      %dma_start3A_290 = tpu.memref_slice %arg7[%dma_start3A_285, %dma_start3A_289] : memref<32x64xi32, #tpu.memory_space<vmem>> -> memref<1x64xi32, #tpu.memory_space<vmem>>
      %dma_start3A_291 = tpu.memref_squeeze %dma_start3A_290 : memref<1x64xi32, #tpu.memory_space<vmem>> -> memref<64xi32, #tpu.memory_space<vmem>>
      %dma_start3A_292 = arith.constant 0 : i32
      %dma_start3A_293 = arith.constant 0 : i32
      %dma_start3A_294 = tpu.memref_slice %arg2[%dma_start3A_292, %dma_start3A_293] : memref<10000x128xf32, #tpu.memory_space<hbm>> -> memref<10000x128xf32, #tpu.memory_space<hbm>>
      tpu.enqueue_indirect_dma source(%dma_start3A_294 : memref<10000x128xf32, #tpu.memory_space<hbm>>) target(%dma_start3A_288 : memref<64x128xf32, #tpu.memory_space<vmem>>) offsets(%dma_start3A_291 : memref<64xi32, #tpu.memory_space<vmem>>) semaphore(%arg14 : memref<!tpu.dma_semaphore, #tpu.memory_space<semaphore_mem>>)
      %dma_start3A_295 = arith.constant 15 : i32
      %dma_start3A_296 = arith.constant 64 : i32
      %dma_start3A_297 = arith.constant 0 : i32
      %dma_start3A_298 = tpu.memref_slice %arg10[%dma_start3A_296, %dma_start3A_297] : memref<128x128xf32, #tpu.memory_space<vmem>> -> memref<64x128xf32, #tpu.memory_space<vmem>>
      %dma_start3A_299 = arith.constant 0 : i32
      %dma_start3A_300 = tpu.memref_slice %arg7[%dma_start3A_295, %dma_start3A_299] : memref<32x64xi32, #tpu.memory_space<vmem>> -> memref<1x64xi32, #tpu.memory_space<vmem>>
      %dma_start3A_301 = tpu.memref_squeeze %dma_start3A_300 : memref<1x64xi32, #tpu.memory_space<vmem>> -> memref<64xi32, #tpu.memory_space<vmem>>
      %dma_start3A_302 = arith.constant 0 : i32
      %dma_start3A_303 = arith.constant 0 : i32
      %dma_start3A_304 = tpu.memref_slice %arg2[%dma_start3A_302, %dma_start3A_303] : memref<10000x128xf32, #tpu.memory_space<hbm>> -> memref<10000x128xf32, #tpu.memory_space<hbm>>
      tpu.enqueue_indirect_dma source(%dma_start3A_304 : memref<10000x128xf32, #tpu.memory_space<hbm>>) target(%dma_start3A_298 : memref<64x128xf32, #tpu.memory_space<vmem>>) offsets(%dma_start3A_301 : memref<64xi32, #tpu.memory_space<vmem>>) semaphore(%arg15 : memref<!tpu.dma_semaphore, #tpu.memory_space<semaphore_mem>>)
      %dma_wait3A_305 = arith.constant 12 : i32
      %dma_wait3A_306 = arith.constant 0 : i32
      %dma_wait3A_307 = arith.constant 0 : i32
      %dma_wait3A_308 = tpu.memref_slice %arg9[%dma_wait3A_306, %dma_wait3A_307] : memref<128x128xf32, #tpu.memory_space<vmem>> -> memref<64x128xf32, #tpu.memory_space<vmem>>
      %dma_wait3A_309 = arith.constant 0 : i32
      %dma_wait3A_310 = tpu.memref_slice %arg7[%dma_wait3A_305, %dma_wait3A_309] : memref<32x64xi32, #tpu.memory_space<vmem>> -> memref<1x64xi32, #tpu.memory_space<vmem>>
      %dma_wait3A_311 = tpu.memref_squeeze %dma_wait3A_310 : memref<1x64xi32, #tpu.memory_space<vmem>> -> memref<64xi32, #tpu.memory_space<vmem>>
      %dma_wait3A_312 = arith.constant 0 : i32
      %dma_wait3A_313 = arith.constant 0 : i32
      %dma_wait3A_314 = tpu.memref_slice %arg2[%dma_wait3A_312, %dma_wait3A_313] : memref<10000x128xf32, #tpu.memory_space<hbm>> -> memref<10000x128xf32, #tpu.memory_space<hbm>>
      tpu.wait_indirect_dma semaphore(%arg12 : memref<!tpu.dma_semaphore, #tpu.memory_space<semaphore_mem>>) src(%dma_wait3A_314 : memref<10000x128xf32, #tpu.memory_space<hbm>>) dst(%dma_wait3A_308 : memref<64x128xf32, #tpu.memory_space<vmem>>)
      %dma_wait3A_315 = arith.constant 13 : i32
      %dma_wait3A_316 = arith.constant 64 : i32
      %dma_wait3A_317 = arith.constant 0 : i32
      %dma_wait3A_318 = tpu.memref_slice %arg9[%dma_wait3A_316, %dma_wait3A_317] : memref<128x128xf32, #tpu.memory_space<vmem>> -> memref<64x128xf32, #tpu.memory_space<vmem>>
      %dma_wait3A_319 = arith.constant 0 : i32
      %dma_wait3A_320 = tpu.memref_slice %arg7[%dma_wait3A_315, %dma_wait3A_319] : memref<32x64xi32, #tpu.memory_space<vmem>> -> memref<1x64xi32, #tpu.memory_space<vmem>>
      %dma_wait3A_321 = tpu.memref_squeeze %dma_wait3A_320 : memref<1x64xi32, #tpu.memory_space<vmem>> -> memref<64xi32, #tpu.memory_space<vmem>>
      %dma_wait3A_322 = arith.constant 0 : i32
      %dma_wait3A_323 = arith.constant 0 : i32
      %dma_wait3A_324 = tpu.memref_slice %arg2[%dma_wait3A_322, %dma_wait3A_323] : memref<10000x128xf32, #tpu.memory_space<hbm>> -> memref<10000x128xf32, #tpu.memory_space<hbm>>
      tpu.wait_indirect_dma semaphore(%arg13 : memref<!tpu.dma_semaphore, #tpu.memory_space<semaphore_mem>>) src(%dma_wait3A_324 : memref<10000x128xf32, #tpu.memory_space<hbm>>) dst(%dma_wait3A_318 : memref<64x128xf32, #tpu.memory_space<vmem>>)
      %run_scoped3A_325 = arith.constant 6 : i32
      "tpu.region"() ({
        %run_scoped3A_675 = tpu.sem_alloc : memref<!tpu.dma_semaphore, #tpu.memory_space<semaphore_mem>>
        %dma_start3A_676 = arith.constant 0 : i32
        %dma_start3A_677 = tpu.memref_slice %arg8[%run_scoped3A_325, %dma_start3A_676] : memref<16x128xi32, #tpu.memory_space<vmem>> -> memref<1x128xi32, #tpu.memory_space<vmem>>
        %dma_start3A_678 = tpu.memref_squeeze %dma_start3A_677 : memref<1x128xi32, #tpu.memory_space<vmem>> -> memref<128xi32, #tpu.memory_space<vmem>>
        %dma_start3A_679 = arith.constant 0 : i32
        %dma_start3A_680 = arith.constant 0 : i32
        %dma_start3A_681 = tpu.memref_slice %arg11[%dma_start3A_679, %dma_start3A_680] : memref<10112x128xf32, #tpu.memory_space<vmem_shared>> -> memref<10112x128xf32, #tpu.memory_space<vmem_shared>>
        tpu.enqueue_indirect_dma source(%arg9 : memref<128x128xf32, #tpu.memory_space<vmem>>) target(%dma_start3A_681 : memref<10112x128xf32, #tpu.memory_space<vmem_shared>>) offsets(%dma_start3A_678 : memref<128xi32, #tpu.memory_space<vmem>>) semaphore(%run_scoped3A_675 : memref<!tpu.dma_semaphore, #tpu.memory_space<semaphore_mem>>) {add = true}
        %dma_wait3A_682 = arith.constant 0 : i32
        %dma_wait3A_683 = tpu.memref_slice %arg8[%run_scoped3A_325, %dma_wait3A_682] : memref<16x128xi32, #tpu.memory_space<vmem>> -> memref<1x128xi32, #tpu.memory_space<vmem>>
        %dma_wait3A_684 = tpu.memref_squeeze %dma_wait3A_683 : memref<1x128xi32, #tpu.memory_space<vmem>> -> memref<128xi32, #tpu.memory_space<vmem>>
        %dma_wait3A_685 = arith.constant 0 : i32
        %dma_wait3A_686 = arith.constant 0 : i32
        %dma_wait3A_687 = tpu.memref_slice %arg11[%dma_wait3A_685, %dma_wait3A_686] : memref<10112x128xf32, #tpu.memory_space<vmem_shared>> -> memref<10112x128xf32, #tpu.memory_space<vmem_shared>>
        tpu.wait_indirect_dma semaphore(%run_scoped3A_675 : memref<!tpu.dma_semaphore, #tpu.memory_space<semaphore_mem>>) src(%arg9 : memref<128x128xf32, #tpu.memory_space<vmem>>) dst(%dma_wait3A_687 : memref<10112x128xf32, #tpu.memory_space<vmem_shared>>)
        tpu.yield
      }) : () -> ()
      %dma_start3A_326 = arith.constant 16 : i32
      %dma_start3A_327 = arith.constant 0 : i32
      %dma_start3A_328 = arith.constant 0 : i32
      %dma_start3A_329 = tpu.memref_slice %arg9[%dma_start3A_327, %dma_start3A_328] : memref<128x128xf32, #tpu.memory_space<vmem>> -> memref<64x128xf32, #tpu.memory_space<vmem>>
      %dma_start3A_330 = arith.constant 0 : i32
      %dma_start3A_331 = tpu.memref_slice %arg7[%dma_start3A_326, %dma_start3A_330] : memref<32x64xi32, #tpu.memory_space<vmem>> -> memref<1x64xi32, #tpu.memory_space<vmem>>
      %dma_start3A_332 = tpu.memref_squeeze %dma_start3A_331 : memref<1x64xi32, #tpu.memory_space<vmem>> -> memref<64xi32, #tpu.memory_space<vmem>>
      %dma_start3A_333 = arith.constant 0 : i32
      %dma_start3A_334 = arith.constant 0 : i32
      %dma_start3A_335 = tpu.memref_slice %arg2[%dma_start3A_333, %dma_start3A_334] : memref<10000x128xf32, #tpu.memory_space<hbm>> -> memref<10000x128xf32, #tpu.memory_space<hbm>>
      tpu.enqueue_indirect_dma source(%dma_start3A_335 : memref<10000x128xf32, #tpu.memory_space<hbm>>) target(%dma_start3A_329 : memref<64x128xf32, #tpu.memory_space<vmem>>) offsets(%dma_start3A_332 : memref<64xi32, #tpu.memory_space<vmem>>) semaphore(%arg12 : memref<!tpu.dma_semaphore, #tpu.memory_space<semaphore_mem>>)
      %dma_start3A_336 = arith.constant 17 : i32
      %dma_start3A_337 = arith.constant 64 : i32
      %dma_start3A_338 = arith.constant 0 : i32
      %dma_start3A_339 = tpu.memref_slice %arg9[%dma_start3A_337, %dma_start3A_338] : memref<128x128xf32, #tpu.memory_space<vmem>> -> memref<64x128xf32, #tpu.memory_space<vmem>>
      %dma_start3A_340 = arith.constant 0 : i32
      %dma_start3A_341 = tpu.memref_slice %arg7[%dma_start3A_336, %dma_start3A_340] : memref<32x64xi32, #tpu.memory_space<vmem>> -> memref<1x64xi32, #tpu.memory_space<vmem>>
      %dma_start3A_342 = tpu.memref_squeeze %dma_start3A_341 : memref<1x64xi32, #tpu.memory_space<vmem>> -> memref<64xi32, #tpu.memory_space<vmem>>
      %dma_start3A_343 = arith.constant 0 : i32
      %dma_start3A_344 = arith.constant 0 : i32
      %dma_start3A_345 = tpu.memref_slice %arg2[%dma_start3A_343, %dma_start3A_344] : memref<10000x128xf32, #tpu.memory_space<hbm>> -> memref<10000x128xf32, #tpu.memory_space<hbm>>
      tpu.enqueue_indirect_dma source(%dma_start3A_345 : memref<10000x128xf32, #tpu.memory_space<hbm>>) target(%dma_start3A_339 : memref<64x128xf32, #tpu.memory_space<vmem>>) offsets(%dma_start3A_342 : memref<64xi32, #tpu.memory_space<vmem>>) semaphore(%arg13 : memref<!tpu.dma_semaphore, #tpu.memory_space<semaphore_mem>>)
      %dma_wait3A_346 = arith.constant 14 : i32
      %dma_wait3A_347 = arith.constant 0 : i32
      %dma_wait3A_348 = arith.constant 0 : i32
      %dma_wait3A_349 = tpu.memref_slice %arg10[%dma_wait3A_347, %dma_wait3A_348] : memref<128x128xf32, #tpu.memory_space<vmem>> -> memref<64x128xf32, #tpu.memory_space<vmem>>
      %dma_wait3A_350 = arith.constant 0 : i32
      %dma_wait3A_351 = tpu.memref_slice %arg7[%dma_wait3A_346, %dma_wait3A_350] : memref<32x64xi32, #tpu.memory_space<vmem>> -> memref<1x64xi32, #tpu.memory_space<vmem>>
      %dma_wait3A_352 = tpu.memref_squeeze %dma_wait3A_351 : memref<1x64xi32, #tpu.memory_space<vmem>> -> memref<64xi32, #tpu.memory_space<vmem>>
      %dma_wait3A_353 = arith.constant 0 : i32
      %dma_wait3A_354 = arith.constant 0 : i32
      %dma_wait3A_355 = tpu.memref_slice %arg2[%dma_wait3A_353, %dma_wait3A_354] : memref<10000x128xf32, #tpu.memory_space<hbm>> -> memref<10000x128xf32, #tpu.memory_space<hbm>>
      tpu.wait_indirect_dma semaphore(%arg14 : memref<!tpu.dma_semaphore, #tpu.memory_space<semaphore_mem>>) src(%dma_wait3A_355 : memref<10000x128xf32, #tpu.memory_space<hbm>>) dst(%dma_wait3A_349 : memref<64x128xf32, #tpu.memory_space<vmem>>)
      %dma_wait3A_356 = arith.constant 15 : i32
      %dma_wait3A_357 = arith.constant 64 : i32
      %dma_wait3A_358 = arith.constant 0 : i32
      %dma_wait3A_359 = tpu.memref_slice %arg10[%dma_wait3A_357, %dma_wait3A_358] : memref<128x128xf32, #tpu.memory_space<vmem>> -> memref<64x128xf32, #tpu.memory_space<vmem>>
      %dma_wait3A_360 = arith.constant 0 : i32
      %dma_wait3A_361 = tpu.memref_slice %arg7[%dma_wait3A_356, %dma_wait3A_360] : memref<32x64xi32, #tpu.memory_space<vmem>> -> memref<1x64xi32, #tpu.memory_space<vmem>>
      %dma_wait3A_362 = tpu.memref_squeeze %dma_wait3A_361 : memref<1x64xi32, #tpu.memory_space<vmem>> -> memref<64xi32, #tpu.memory_space<vmem>>
      %dma_wait3A_363 = arith.constant 0 : i32
      %dma_wait3A_364 = arith.constant 0 : i32
      %dma_wait3A_365 = tpu.memref_slice %arg2[%dma_wait3A_363, %dma_wait3A_364] : memref<10000x128xf32, #tpu.memory_space<hbm>> -> memref<10000x128xf32, #tpu.memory_space<hbm>>
      tpu.wait_indirect_dma semaphore(%arg15 : memref<!tpu.dma_semaphore, #tpu.memory_space<semaphore_mem>>) src(%dma_wait3A_365 : memref<10000x128xf32, #tpu.memory_space<hbm>>) dst(%dma_wait3A_359 : memref<64x128xf32, #tpu.memory_space<vmem>>)
      %run_scoped3A_366 = arith.constant 7 : i32
      "tpu.region"() ({
        %run_scoped3A_675 = tpu.sem_alloc : memref<!tpu.dma_semaphore, #tpu.memory_space<semaphore_mem>>
        %dma_start3A_676 = arith.constant 0 : i32
        %dma_start3A_677 = tpu.memref_slice %arg8[%run_scoped3A_366, %dma_start3A_676] : memref<16x128xi32, #tpu.memory_space<vmem>> -> memref<1x128xi32, #tpu.memory_space<vmem>>
        %dma_start3A_678 = tpu.memref_squeeze %dma_start3A_677 : memref<1x128xi32, #tpu.memory_space<vmem>> -> memref<128xi32, #tpu.memory_space<vmem>>
        %dma_start3A_679 = arith.constant 0 : i32
        %dma_start3A_680 = arith.constant 0 : i32
        %dma_start3A_681 = tpu.memref_slice %arg11[%dma_start3A_679, %dma_start3A_680] : memref<10112x128xf32, #tpu.memory_space<vmem_shared>> -> memref<10112x128xf32, #tpu.memory_space<vmem_shared>>
        tpu.enqueue_indirect_dma source(%arg10 : memref<128x128xf32, #tpu.memory_space<vmem>>) target(%dma_start3A_681 : memref<10112x128xf32, #tpu.memory_space<vmem_shared>>) offsets(%dma_start3A_678 : memref<128xi32, #tpu.memory_space<vmem>>) semaphore(%run_scoped3A_675 : memref<!tpu.dma_semaphore, #tpu.memory_space<semaphore_mem>>) {add = true}
        %dma_wait3A_682 = arith.constant 0 : i32
        %dma_wait3A_683 = tpu.memref_slice %arg8[%run_scoped3A_366, %dma_wait3A_682] : memref<16x128xi32, #tpu.memory_space<vmem>> -> memref<1x128xi32, #tpu.memory_space<vmem>>
        %dma_wait3A_684 = tpu.memref_squeeze %dma_wait3A_683 : memref<1x128xi32, #tpu.memory_space<vmem>> -> memref<128xi32, #tpu.memory_space<vmem>>
        %dma_wait3A_685 = arith.constant 0 : i32
        %dma_wait3A_686 = arith.constant 0 : i32
        %dma_wait3A_687 = tpu.memref_slice %arg11[%dma_wait3A_685, %dma_wait3A_686] : memref<10112x128xf32, #tpu.memory_space<vmem_shared>> -> memref<10112x128xf32, #tpu.memory_space<vmem_shared>>
        tpu.wait_indirect_dma semaphore(%run_scoped3A_675 : memref<!tpu.dma_semaphore, #tpu.memory_space<semaphore_mem>>) src(%arg10 : memref<128x128xf32, #tpu.memory_space<vmem>>) dst(%dma_wait3A_687 : memref<10112x128xf32, #tpu.memory_space<vmem_shared>>)
        tpu.yield
      }) : () -> ()
      %dma_start3A_367 = arith.constant 18 : i32
      %dma_start3A_368 = arith.constant 0 : i32
      %dma_start3A_369 = arith.constant 0 : i32
      %dma_start3A_370 = tpu.memref_slice %arg10[%dma_start3A_368, %dma_start3A_369] : memref<128x128xf32, #tpu.memory_space<vmem>> -> memref<64x128xf32, #tpu.memory_space<vmem>>
      %dma_start3A_371 = arith.constant 0 : i32
      %dma_start3A_372 = tpu.memref_slice %arg7[%dma_start3A_367, %dma_start3A_371] : memref<32x64xi32, #tpu.memory_space<vmem>> -> memref<1x64xi32, #tpu.memory_space<vmem>>
      %dma_start3A_373 = tpu.memref_squeeze %dma_start3A_372 : memref<1x64xi32, #tpu.memory_space<vmem>> -> memref<64xi32, #tpu.memory_space<vmem>>
      %dma_start3A_374 = arith.constant 0 : i32
      %dma_start3A_375 = arith.constant 0 : i32
      %dma_start3A_376 = tpu.memref_slice %arg2[%dma_start3A_374, %dma_start3A_375] : memref<10000x128xf32, #tpu.memory_space<hbm>> -> memref<10000x128xf32, #tpu.memory_space<hbm>>
      tpu.enqueue_indirect_dma source(%dma_start3A_376 : memref<10000x128xf32, #tpu.memory_space<hbm>>) target(%dma_start3A_370 : memref<64x128xf32, #tpu.memory_space<vmem>>) offsets(%dma_start3A_373 : memref<64xi32, #tpu.memory_space<vmem>>) semaphore(%arg14 : memref<!tpu.dma_semaphore, #tpu.memory_space<semaphore_mem>>)
      %dma_start3A_377 = arith.constant 19 : i32
      %dma_start3A_378 = arith.constant 64 : i32
      %dma_start3A_379 = arith.constant 0 : i32
      %dma_start3A_380 = tpu.memref_slice %arg10[%dma_start3A_378, %dma_start3A_379] : memref<128x128xf32, #tpu.memory_space<vmem>> -> memref<64x128xf32, #tpu.memory_space<vmem>>
      %dma_start3A_381 = arith.constant 0 : i32
      %dma_start3A_382 = tpu.memref_slice %arg7[%dma_start3A_377, %dma_start3A_381] : memref<32x64xi32, #tpu.memory_space<vmem>> -> memref<1x64xi32, #tpu.memory_space<vmem>>
      %dma_start3A_383 = tpu.memref_squeeze %dma_start3A_382 : memref<1x64xi32, #tpu.memory_space<vmem>> -> memref<64xi32, #tpu.memory_space<vmem>>
      %dma_start3A_384 = arith.constant 0 : i32
      %dma_start3A_385 = arith.constant 0 : i32
      %dma_start3A_386 = tpu.memref_slice %arg2[%dma_start3A_384, %dma_start3A_385] : memref<10000x128xf32, #tpu.memory_space<hbm>> -> memref<10000x128xf32, #tpu.memory_space<hbm>>
      tpu.enqueue_indirect_dma source(%dma_start3A_386 : memref<10000x128xf32, #tpu.memory_space<hbm>>) target(%dma_start3A_380 : memref<64x128xf32, #tpu.memory_space<vmem>>) offsets(%dma_start3A_383 : memref<64xi32, #tpu.memory_space<vmem>>) semaphore(%arg15 : memref<!tpu.dma_semaphore, #tpu.memory_space<semaphore_mem>>)
      %dma_wait3A_387 = arith.constant 16 : i32
      %dma_wait3A_388 = arith.constant 0 : i32
      %dma_wait3A_389 = arith.constant 0 : i32
      %dma_wait3A_390 = tpu.memref_slice %arg9[%dma_wait3A_388, %dma_wait3A_389] : memref<128x128xf32, #tpu.memory_space<vmem>> -> memref<64x128xf32, #tpu.memory_space<vmem>>
      %dma_wait3A_391 = arith.constant 0 : i32
      %dma_wait3A_392 = tpu.memref_slice %arg7[%dma_wait3A_387, %dma_wait3A_391] : memref<32x64xi32, #tpu.memory_space<vmem>> -> memref<1x64xi32, #tpu.memory_space<vmem>>
      %dma_wait3A_393 = tpu.memref_squeeze %dma_wait3A_392 : memref<1x64xi32, #tpu.memory_space<vmem>> -> memref<64xi32, #tpu.memory_space<vmem>>
      %dma_wait3A_394 = arith.constant 0 : i32
      %dma_wait3A_395 = arith.constant 0 : i32
      %dma_wait3A_396 = tpu.memref_slice %arg2[%dma_wait3A_394, %dma_wait3A_395] : memref<10000x128xf32, #tpu.memory_space<hbm>> -> memref<10000x128xf32, #tpu.memory_space<hbm>>
      tpu.wait_indirect_dma semaphore(%arg12 : memref<!tpu.dma_semaphore, #tpu.memory_space<semaphore_mem>>) src(%dma_wait3A_396 : memref<10000x128xf32, #tpu.memory_space<hbm>>) dst(%dma_wait3A_390 : memref<64x128xf32, #tpu.memory_space<vmem>>)
      %dma_wait3A_397 = arith.constant 17 : i32
      %dma_wait3A_398 = arith.constant 64 : i32
      %dma_wait3A_399 = arith.constant 0 : i32
      %dma_wait3A_400 = tpu.memref_slice %arg9[%dma_wait3A_398, %dma_wait3A_399] : memref<128x128xf32, #tpu.memory_space<vmem>> -> memref<64x128xf32, #tpu.memory_space<vmem>>
      %dma_wait3A_401 = arith.constant 0 : i32
      %dma_wait3A_402 = tpu.memref_slice %arg7[%dma_wait3A_397, %dma_wait3A_401] : memref<32x64xi32, #tpu.memory_space<vmem>> -> memref<1x64xi32, #tpu.memory_space<vmem>>
      %dma_wait3A_403 = tpu.memref_squeeze %dma_wait3A_402 : memref<1x64xi32, #tpu.memory_space<vmem>> -> memref<64xi32, #tpu.memory_space<vmem>>
      %dma_wait3A_404 = arith.constant 0 : i32
      %dma_wait3A_405 = arith.constant 0 : i32
      %dma_wait3A_406 = tpu.memref_slice %arg2[%dma_wait3A_404, %dma_wait3A_405] : memref<10000x128xf32, #tpu.memory_space<hbm>> -> memref<10000x128xf32, #tpu.memory_space<hbm>>
      tpu.wait_indirect_dma semaphore(%arg13 : memref<!tpu.dma_semaphore, #tpu.memory_space<semaphore_mem>>) src(%dma_wait3A_406 : memref<10000x128xf32, #tpu.memory_space<hbm>>) dst(%dma_wait3A_400 : memref<64x128xf32, #tpu.memory_space<vmem>>)
      %run_scoped3A_407 = arith.constant 8 : i32
      "tpu.region"() ({
        %run_scoped3A_675 = tpu.sem_alloc : memref<!tpu.dma_semaphore, #tpu.memory_space<semaphore_mem>>
        %dma_start3A_676 = arith.constant 0 : i32
        %dma_start3A_677 = tpu.memref_slice %arg8[%run_scoped3A_407, %dma_start3A_676] : memref<16x128xi32, #tpu.memory_space<vmem>> -> memref<1x128xi32, #tpu.memory_space<vmem>>
        %dma_start3A_678 = tpu.memref_squeeze %dma_start3A_677 : memref<1x128xi32, #tpu.memory_space<vmem>> -> memref<128xi32, #tpu.memory_space<vmem>>
        %dma_start3A_679 = arith.constant 0 : i32
        %dma_start3A_680 = arith.constant 0 : i32
        %dma_start3A_681 = tpu.memref_slice %arg11[%dma_start3A_679, %dma_start3A_680] : memref<10112x128xf32, #tpu.memory_space<vmem_shared>> -> memref<10112x128xf32, #tpu.memory_space<vmem_shared>>
        tpu.enqueue_indirect_dma source(%arg9 : memref<128x128xf32, #tpu.memory_space<vmem>>) target(%dma_start3A_681 : memref<10112x128xf32, #tpu.memory_space<vmem_shared>>) offsets(%dma_start3A_678 : memref<128xi32, #tpu.memory_space<vmem>>) semaphore(%run_scoped3A_675 : memref<!tpu.dma_semaphore, #tpu.memory_space<semaphore_mem>>) {add = true}
        %dma_wait3A_682 = arith.constant 0 : i32
        %dma_wait3A_683 = tpu.memref_slice %arg8[%run_scoped3A_407, %dma_wait3A_682] : memref<16x128xi32, #tpu.memory_space<vmem>> -> memref<1x128xi32, #tpu.memory_space<vmem>>
        %dma_wait3A_684 = tpu.memref_squeeze %dma_wait3A_683 : memref<1x128xi32, #tpu.memory_space<vmem>> -> memref<128xi32, #tpu.memory_space<vmem>>
        %dma_wait3A_685 = arith.constant 0 : i32
        %dma_wait3A_686 = arith.constant 0 : i32
        %dma_wait3A_687 = tpu.memref_slice %arg11[%dma_wait3A_685, %dma_wait3A_686] : memref<10112x128xf32, #tpu.memory_space<vmem_shared>> -> memref<10112x128xf32, #tpu.memory_space<vmem_shared>>
        tpu.wait_indirect_dma semaphore(%run_scoped3A_675 : memref<!tpu.dma_semaphore, #tpu.memory_space<semaphore_mem>>) src(%arg9 : memref<128x128xf32, #tpu.memory_space<vmem>>) dst(%dma_wait3A_687 : memref<10112x128xf32, #tpu.memory_space<vmem_shared>>)
        tpu.yield
      }) : () -> ()
      %dma_start3A_408 = arith.constant 20 : i32
      %dma_start3A_409 = arith.constant 0 : i32
      %dma_start3A_410 = arith.constant 0 : i32
      %dma_start3A_411 = tpu.memref_slice %arg9[%dma_start3A_409, %dma_start3A_410] : memref<128x128xf32, #tpu.memory_space<vmem>> -> memref<64x128xf32, #tpu.memory_space<vmem>>
      %dma_start3A_412 = arith.constant 0 : i32
      %dma_start3A_413 = tpu.memref_slice %arg7[%dma_start3A_408, %dma_start3A_412] : memref<32x64xi32, #tpu.memory_space<vmem>> -> memref<1x64xi32, #tpu.memory_space<vmem>>
      %dma_start3A_414 = tpu.memref_squeeze %dma_start3A_413 : memref<1x64xi32, #tpu.memory_space<vmem>> -> memref<64xi32, #tpu.memory_space<vmem>>
      %dma_start3A_415 = arith.constant 0 : i32
      %dma_start3A_416 = arith.constant 0 : i32
      %dma_start3A_417 = tpu.memref_slice %arg2[%dma_start3A_415, %dma_start3A_416] : memref<10000x128xf32, #tpu.memory_space<hbm>> -> memref<10000x128xf32, #tpu.memory_space<hbm>>
      tpu.enqueue_indirect_dma source(%dma_start3A_417 : memref<10000x128xf32, #tpu.memory_space<hbm>>) target(%dma_start3A_411 : memref<64x128xf32, #tpu.memory_space<vmem>>) offsets(%dma_start3A_414 : memref<64xi32, #tpu.memory_space<vmem>>) semaphore(%arg12 : memref<!tpu.dma_semaphore, #tpu.memory_space<semaphore_mem>>)
      %dma_start3A_418 = arith.constant 21 : i32
      %dma_start3A_419 = arith.constant 64 : i32
      %dma_start3A_420 = arith.constant 0 : i32
      %dma_start3A_421 = tpu.memref_slice %arg9[%dma_start3A_419, %dma_start3A_420] : memref<128x128xf32, #tpu.memory_space<vmem>> -> memref<64x128xf32, #tpu.memory_space<vmem>>
      %dma_start3A_422 = arith.constant 0 : i32
      %dma_start3A_423 = tpu.memref_slice %arg7[%dma_start3A_418, %dma_start3A_422] : memref<32x64xi32, #tpu.memory_space<vmem>> -> memref<1x64xi32, #tpu.memory_space<vmem>>
      %dma_start3A_424 = tpu.memref_squeeze %dma_start3A_423 : memref<1x64xi32, #tpu.memory_space<vmem>> -> memref<64xi32, #tpu.memory_space<vmem>>
      %dma_start3A_425 = arith.constant 0 : i32
      %dma_start3A_426 = arith.constant 0 : i32
      %dma_start3A_427 = tpu.memref_slice %arg2[%dma_start3A_425, %dma_start3A_426] : memref<10000x128xf32, #tpu.memory_space<hbm>> -> memref<10000x128xf32, #tpu.memory_space<hbm>>
      tpu.enqueue_indirect_dma source(%dma_start3A_427 : memref<10000x128xf32, #tpu.memory_space<hbm>>) target(%dma_start3A_421 : memref<64x128xf32, #tpu.memory_space<vmem>>) offsets(%dma_start3A_424 : memref<64xi32, #tpu.memory_space<vmem>>) semaphore(%arg13 : memref<!tpu.dma_semaphore, #tpu.memory_space<semaphore_mem>>)
      %dma_wait3A_428 = arith.constant 18 : i32
      %dma_wait3A_429 = arith.constant 0 : i32
      %dma_wait3A_430 = arith.constant 0 : i32
      %dma_wait3A_431 = tpu.memref_slice %arg10[%dma_wait3A_429, %dma_wait3A_430] : memref<128x128xf32, #tpu.memory_space<vmem>> -> memref<64x128xf32, #tpu.memory_space<vmem>>
      %dma_wait3A_432 = arith.constant 0 : i32
      %dma_wait3A_433 = tpu.memref_slice %arg7[%dma_wait3A_428, %dma_wait3A_432] : memref<32x64xi32, #tpu.memory_space<vmem>> -> memref<1x64xi32, #tpu.memory_space<vmem>>
      %dma_wait3A_434 = tpu.memref_squeeze %dma_wait3A_433 : memref<1x64xi32, #tpu.memory_space<vmem>> -> memref<64xi32, #tpu.memory_space<vmem>>
      %dma_wait3A_435 = arith.constant 0 : i32
      %dma_wait3A_436 = arith.constant 0 : i32
      %dma_wait3A_437 = tpu.memref_slice %arg2[%dma_wait3A_435, %dma_wait3A_436] : memref<10000x128xf32, #tpu.memory_space<hbm>> -> memref<10000x128xf32, #tpu.memory_space<hbm>>
      tpu.wait_indirect_dma semaphore(%arg14 : memref<!tpu.dma_semaphore, #tpu.memory_space<semaphore_mem>>) src(%dma_wait3A_437 : memref<10000x128xf32, #tpu.memory_space<hbm>>) dst(%dma_wait3A_431 : memref<64x128xf32, #tpu.memory_space<vmem>>)
      %dma_wait3A_438 = arith.constant 19 : i32
      %dma_wait3A_439 = arith.constant 64 : i32
      %dma_wait3A_440 = arith.constant 0 : i32
      %dma_wait3A_441 = tpu.memref_slice %arg10[%dma_wait3A_439, %dma_wait3A_440] : memref<128x128xf32, #tpu.memory_space<vmem>> -> memref<64x128xf32, #tpu.memory_space<vmem>>
      %dma_wait3A_442 = arith.constant 0 : i32
      %dma_wait3A_443 = tpu.memref_slice %arg7[%dma_wait3A_438, %dma_wait3A_442] : memref<32x64xi32, #tpu.memory_space<vmem>> -> memref<1x64xi32, #tpu.memory_space<vmem>>
      %dma_wait3A_444 = tpu.memref_squeeze %dma_wait3A_443 : memref<1x64xi32, #tpu.memory_space<vmem>> -> memref<64xi32, #tpu.memory_space<vmem>>
      %dma_wait3A_445 = arith.constant 0 : i32
      %dma_wait3A_446 = arith.constant 0 : i32
      %dma_wait3A_447 = tpu.memref_slice %arg2[%dma_wait3A_445, %dma_wait3A_446] : memref<10000x128xf32, #tpu.memory_space<hbm>> -> memref<10000x128xf32, #tpu.memory_space<hbm>>
      tpu.wait_indirect_dma semaphore(%arg15 : memref<!tpu.dma_semaphore, #tpu.memory_space<semaphore_mem>>) src(%dma_wait3A_447 : memref<10000x128xf32, #tpu.memory_space<hbm>>) dst(%dma_wait3A_441 : memref<64x128xf32, #tpu.memory_space<vmem>>)
      %run_scoped3A_448 = arith.constant 9 : i32
      "tpu.region"() ({
        %run_scoped3A_675 = tpu.sem_alloc : memref<!tpu.dma_semaphore, #tpu.memory_space<semaphore_mem>>
        %dma_start3A_676 = arith.constant 0 : i32
        %dma_start3A_677 = tpu.memref_slice %arg8[%run_scoped3A_448, %dma_start3A_676] : memref<16x128xi32, #tpu.memory_space<vmem>> -> memref<1x128xi32, #tpu.memory_space<vmem>>
        %dma_start3A_678 = tpu.memref_squeeze %dma_start3A_677 : memref<1x128xi32, #tpu.memory_space<vmem>> -> memref<128xi32, #tpu.memory_space<vmem>>
        %dma_start3A_679 = arith.constant 0 : i32
        %dma_start3A_680 = arith.constant 0 : i32
        %dma_start3A_681 = tpu.memref_slice %arg11[%dma_start3A_679, %dma_start3A_680] : memref<10112x128xf32, #tpu.memory_space<vmem_shared>> -> memref<10112x128xf32, #tpu.memory_space<vmem_shared>>
        tpu.enqueue_indirect_dma source(%arg10 : memref<128x128xf32, #tpu.memory_space<vmem>>) target(%dma_start3A_681 : memref<10112x128xf32, #tpu.memory_space<vmem_shared>>) offsets(%dma_start3A_678 : memref<128xi32, #tpu.memory_space<vmem>>) semaphore(%run_scoped3A_675 : memref<!tpu.dma_semaphore, #tpu.memory_space<semaphore_mem>>) {add = true}
        %dma_wait3A_682 = arith.constant 0 : i32
        %dma_wait3A_683 = tpu.memref_slice %arg8[%run_scoped3A_448, %dma_wait3A_682] : memref<16x128xi32, #tpu.memory_space<vmem>> -> memref<1x128xi32, #tpu.memory_space<vmem>>
        %dma_wait3A_684 = tpu.memref_squeeze %dma_wait3A_683 : memref<1x128xi32, #tpu.memory_space<vmem>> -> memref<128xi32, #tpu.memory_space<vmem>>
        %dma_wait3A_685 = arith.constant 0 : i32
        %dma_wait3A_686 = arith.constant 0 : i32
        %dma_wait3A_687 = tpu.memref_slice %arg11[%dma_wait3A_685, %dma_wait3A_686] : memref<10112x128xf32, #tpu.memory_space<vmem_shared>> -> memref<10112x128xf32, #tpu.memory_space<vmem_shared>>
        tpu.wait_indirect_dma semaphore(%run_scoped3A_675 : memref<!tpu.dma_semaphore, #tpu.memory_space<semaphore_mem>>) src(%arg10 : memref<128x128xf32, #tpu.memory_space<vmem>>) dst(%dma_wait3A_687 : memref<10112x128xf32, #tpu.memory_space<vmem_shared>>)
        tpu.yield
      }) : () -> ()
      %dma_start3A_449 = arith.constant 22 : i32
      %dma_start3A_450 = arith.constant 0 : i32
      %dma_start3A_451 = arith.constant 0 : i32
      %dma_start3A_452 = tpu.memref_slice %arg10[%dma_start3A_450, %dma_start3A_451] : memref<128x128xf32, #tpu.memory_space<vmem>> -> memref<64x128xf32, #tpu.memory_space<vmem>>
      %dma_start3A_453 = arith.constant 0 : i32
      %dma_start3A_454 = tpu.memref_slice %arg7[%dma_start3A_449, %dma_start3A_453] : memref<32x64xi32, #tpu.memory_space<vmem>> -> memref<1x64xi32, #tpu.memory_space<vmem>>
      %dma_start3A_455 = tpu.memref_squeeze %dma_start3A_454 : memref<1x64xi32, #tpu.memory_space<vmem>> -> memref<64xi32, #tpu.memory_space<vmem>>
      %dma_start3A_456 = arith.constant 0 : i32
      %dma_start3A_457 = arith.constant 0 : i32
      %dma_start3A_458 = tpu.memref_slice %arg2[%dma_start3A_456, %dma_start3A_457] : memref<10000x128xf32, #tpu.memory_space<hbm>> -> memref<10000x128xf32, #tpu.memory_space<hbm>>
      tpu.enqueue_indirect_dma source(%dma_start3A_458 : memref<10000x128xf32, #tpu.memory_space<hbm>>) target(%dma_start3A_452 : memref<64x128xf32, #tpu.memory_space<vmem>>) offsets(%dma_start3A_455 : memref<64xi32, #tpu.memory_space<vmem>>) semaphore(%arg14 : memref<!tpu.dma_semaphore, #tpu.memory_space<semaphore_mem>>)
      %dma_start3A_459 = arith.constant 23 : i32
      %dma_start3A_460 = arith.constant 64 : i32
      %dma_start3A_461 = arith.constant 0 : i32
      %dma_start3A_462 = tpu.memref_slice %arg10[%dma_start3A_460, %dma_start3A_461] : memref<128x128xf32, #tpu.memory_space<vmem>> -> memref<64x128xf32, #tpu.memory_space<vmem>>
      %dma_start3A_463 = arith.constant 0 : i32
      %dma_start3A_464 = tpu.memref_slice %arg7[%dma_start3A_459, %dma_start3A_463] : memref<32x64xi32, #tpu.memory_space<vmem>> -> memref<1x64xi32, #tpu.memory_space<vmem>>
      %dma_start3A_465 = tpu.memref_squeeze %dma_start3A_464 : memref<1x64xi32, #tpu.memory_space<vmem>> -> memref<64xi32, #tpu.memory_space<vmem>>
      %dma_start3A_466 = arith.constant 0 : i32
      %dma_start3A_467 = arith.constant 0 : i32
      %dma_start3A_468 = tpu.memref_slice %arg2[%dma_start3A_466, %dma_start3A_467] : memref<10000x128xf32, #tpu.memory_space<hbm>> -> memref<10000x128xf32, #tpu.memory_space<hbm>>
      tpu.enqueue_indirect_dma source(%dma_start3A_468 : memref<10000x128xf32, #tpu.memory_space<hbm>>) target(%dma_start3A_462 : memref<64x128xf32, #tpu.memory_space<vmem>>) offsets(%dma_start3A_465 : memref<64xi32, #tpu.memory_space<vmem>>) semaphore(%arg15 : memref<!tpu.dma_semaphore, #tpu.memory_space<semaphore_mem>>)
      %dma_wait3A_469 = arith.constant 20 : i32
      %dma_wait3A_470 = arith.constant 0 : i32
      %dma_wait3A_471 = arith.constant 0 : i32
      %dma_wait3A_472 = tpu.memref_slice %arg9[%dma_wait3A_470, %dma_wait3A_471] : memref<128x128xf32, #tpu.memory_space<vmem>> -> memref<64x128xf32, #tpu.memory_space<vmem>>
      %dma_wait3A_473 = arith.constant 0 : i32
      %dma_wait3A_474 = tpu.memref_slice %arg7[%dma_wait3A_469, %dma_wait3A_473] : memref<32x64xi32, #tpu.memory_space<vmem>> -> memref<1x64xi32, #tpu.memory_space<vmem>>
      %dma_wait3A_475 = tpu.memref_squeeze %dma_wait3A_474 : memref<1x64xi32, #tpu.memory_space<vmem>> -> memref<64xi32, #tpu.memory_space<vmem>>
      %dma_wait3A_476 = arith.constant 0 : i32
      %dma_wait3A_477 = arith.constant 0 : i32
      %dma_wait3A_478 = tpu.memref_slice %arg2[%dma_wait3A_476, %dma_wait3A_477] : memref<10000x128xf32, #tpu.memory_space<hbm>> -> memref<10000x128xf32, #tpu.memory_space<hbm>>
      tpu.wait_indirect_dma semaphore(%arg12 : memref<!tpu.dma_semaphore, #tpu.memory_space<semaphore_mem>>) src(%dma_wait3A_478 : memref<10000x128xf32, #tpu.memory_space<hbm>>) dst(%dma_wait3A_472 : memref<64x128xf32, #tpu.memory_space<vmem>>)
      %dma_wait3A_479 = arith.constant 21 : i32
      %dma_wait3A_480 = arith.constant 64 : i32
      %dma_wait3A_481 = arith.constant 0 : i32
      %dma_wait3A_482 = tpu.memref_slice %arg9[%dma_wait3A_480, %dma_wait3A_481] : memref<128x128xf32, #tpu.memory_space<vmem>> -> memref<64x128xf32, #tpu.memory_space<vmem>>
      %dma_wait3A_483 = arith.constant 0 : i32
      %dma_wait3A_484 = tpu.memref_slice %arg7[%dma_wait3A_479, %dma_wait3A_483] : memref<32x64xi32, #tpu.memory_space<vmem>> -> memref<1x64xi32, #tpu.memory_space<vmem>>
      %dma_wait3A_485 = tpu.memref_squeeze %dma_wait3A_484 : memref<1x64xi32, #tpu.memory_space<vmem>> -> memref<64xi32, #tpu.memory_space<vmem>>
      %dma_wait3A_486 = arith.constant 0 : i32
      %dma_wait3A_487 = arith.constant 0 : i32
      %dma_wait3A_488 = tpu.memref_slice %arg2[%dma_wait3A_486, %dma_wait3A_487] : memref<10000x128xf32, #tpu.memory_space<hbm>> -> memref<10000x128xf32, #tpu.memory_space<hbm>>
      tpu.wait_indirect_dma semaphore(%arg13 : memref<!tpu.dma_semaphore, #tpu.memory_space<semaphore_mem>>) src(%dma_wait3A_488 : memref<10000x128xf32, #tpu.memory_space<hbm>>) dst(%dma_wait3A_482 : memref<64x128xf32, #tpu.memory_space<vmem>>)
      %run_scoped3A_489 = arith.constant 10 : i32
      "tpu.region"() ({
        %run_scoped3A_675 = tpu.sem_alloc : memref<!tpu.dma_semaphore, #tpu.memory_space<semaphore_mem>>
        %dma_start3A_676 = arith.constant 0 : i32
        %dma_start3A_677 = tpu.memref_slice %arg8[%run_scoped3A_489, %dma_start3A_676] : memref<16x128xi32, #tpu.memory_space<vmem>> -> memref<1x128xi32, #tpu.memory_space<vmem>>
        %dma_start3A_678 = tpu.memref_squeeze %dma_start3A_677 : memref<1x128xi32, #tpu.memory_space<vmem>> -> memref<128xi32, #tpu.memory_space<vmem>>
        %dma_start3A_679 = arith.constant 0 : i32
        %dma_start3A_680 = arith.constant 0 : i32
        %dma_start3A_681 = tpu.memref_slice %arg11[%dma_start3A_679, %dma_start3A_680] : memref<10112x128xf32, #tpu.memory_space<vmem_shared>> -> memref<10112x128xf32, #tpu.memory_space<vmem_shared>>
        tpu.enqueue_indirect_dma source(%arg9 : memref<128x128xf32, #tpu.memory_space<vmem>>) target(%dma_start3A_681 : memref<10112x128xf32, #tpu.memory_space<vmem_shared>>) offsets(%dma_start3A_678 : memref<128xi32, #tpu.memory_space<vmem>>) semaphore(%run_scoped3A_675 : memref<!tpu.dma_semaphore, #tpu.memory_space<semaphore_mem>>) {add = true}
        %dma_wait3A_682 = arith.constant 0 : i32
        %dma_wait3A_683 = tpu.memref_slice %arg8[%run_scoped3A_489, %dma_wait3A_682] : memref<16x128xi32, #tpu.memory_space<vmem>> -> memref<1x128xi32, #tpu.memory_space<vmem>>
        %dma_wait3A_684 = tpu.memref_squeeze %dma_wait3A_683 : memref<1x128xi32, #tpu.memory_space<vmem>> -> memref<128xi32, #tpu.memory_space<vmem>>
        %dma_wait3A_685 = arith.constant 0 : i32
        %dma_wait3A_686 = arith.constant 0 : i32
        %dma_wait3A_687 = tpu.memref_slice %arg11[%dma_wait3A_685, %dma_wait3A_686] : memref<10112x128xf32, #tpu.memory_space<vmem_shared>> -> memref<10112x128xf32, #tpu.memory_space<vmem_shared>>
        tpu.wait_indirect_dma semaphore(%run_scoped3A_675 : memref<!tpu.dma_semaphore, #tpu.memory_space<semaphore_mem>>) src(%arg9 : memref<128x128xf32, #tpu.memory_space<vmem>>) dst(%dma_wait3A_687 : memref<10112x128xf32, #tpu.memory_space<vmem_shared>>)
        tpu.yield
      }) : () -> ()
      %dma_start3A_490 = arith.constant 24 : i32
      %dma_start3A_491 = arith.constant 0 : i32
      %dma_start3A_492 = arith.constant 0 : i32
      %dma_start3A_493 = tpu.memref_slice %arg9[%dma_start3A_491, %dma_start3A_492] : memref<128x128xf32, #tpu.memory_space<vmem>> -> memref<64x128xf32, #tpu.memory_space<vmem>>
      %dma_start3A_494 = arith.constant 0 : i32
      %dma_start3A_495 = tpu.memref_slice %arg7[%dma_start3A_490, %dma_start3A_494] : memref<32x64xi32, #tpu.memory_space<vmem>> -> memref<1x64xi32, #tpu.memory_space<vmem>>
      %dma_start3A_496 = tpu.memref_squeeze %dma_start3A_495 : memref<1x64xi32, #tpu.memory_space<vmem>> -> memref<64xi32, #tpu.memory_space<vmem>>
      %dma_start3A_497 = arith.constant 0 : i32
      %dma_start3A_498 = arith.constant 0 : i32
      %dma_start3A_499 = tpu.memref_slice %arg2[%dma_start3A_497, %dma_start3A_498] : memref<10000x128xf32, #tpu.memory_space<hbm>> -> memref<10000x128xf32, #tpu.memory_space<hbm>>
      tpu.enqueue_indirect_dma source(%dma_start3A_499 : memref<10000x128xf32, #tpu.memory_space<hbm>>) target(%dma_start3A_493 : memref<64x128xf32, #tpu.memory_space<vmem>>) offsets(%dma_start3A_496 : memref<64xi32, #tpu.memory_space<vmem>>) semaphore(%arg12 : memref<!tpu.dma_semaphore, #tpu.memory_space<semaphore_mem>>)
      %dma_start3A_500 = arith.constant 25 : i32
      %dma_start3A_501 = arith.constant 64 : i32
      %dma_start3A_502 = arith.constant 0 : i32
      %dma_start3A_503 = tpu.memref_slice %arg9[%dma_start3A_501, %dma_start3A_502] : memref<128x128xf32, #tpu.memory_space<vmem>> -> memref<64x128xf32, #tpu.memory_space<vmem>>
      %dma_start3A_504 = arith.constant 0 : i32
      %dma_start3A_505 = tpu.memref_slice %arg7[%dma_start3A_500, %dma_start3A_504] : memref<32x64xi32, #tpu.memory_space<vmem>> -> memref<1x64xi32, #tpu.memory_space<vmem>>
      %dma_start3A_506 = tpu.memref_squeeze %dma_start3A_505 : memref<1x64xi32, #tpu.memory_space<vmem>> -> memref<64xi32, #tpu.memory_space<vmem>>
      %dma_start3A_507 = arith.constant 0 : i32
      %dma_start3A_508 = arith.constant 0 : i32
      %dma_start3A_509 = tpu.memref_slice %arg2[%dma_start3A_507, %dma_start3A_508] : memref<10000x128xf32, #tpu.memory_space<hbm>> -> memref<10000x128xf32, #tpu.memory_space<hbm>>
      tpu.enqueue_indirect_dma source(%dma_start3A_509 : memref<10000x128xf32, #tpu.memory_space<hbm>>) target(%dma_start3A_503 : memref<64x128xf32, #tpu.memory_space<vmem>>) offsets(%dma_start3A_506 : memref<64xi32, #tpu.memory_space<vmem>>) semaphore(%arg13 : memref<!tpu.dma_semaphore, #tpu.memory_space<semaphore_mem>>)
      %dma_wait3A_510 = arith.constant 22 : i32
      %dma_wait3A_511 = arith.constant 0 : i32
      %dma_wait3A_512 = arith.constant 0 : i32
      %dma_wait3A_513 = tpu.memref_slice %arg10[%dma_wait3A_511, %dma_wait3A_512] : memref<128x128xf32, #tpu.memory_space<vmem>> -> memref<64x128xf32, #tpu.memory_space<vmem>>
      %dma_wait3A_514 = arith.constant 0 : i32
      %dma_wait3A_515 = tpu.memref_slice %arg7[%dma_wait3A_510, %dma_wait3A_514] : memref<32x64xi32, #tpu.memory_space<vmem>> -> memref<1x64xi32, #tpu.memory_space<vmem>>
      %dma_wait3A_516 = tpu.memref_squeeze %dma_wait3A_515 : memref<1x64xi32, #tpu.memory_space<vmem>> -> memref<64xi32, #tpu.memory_space<vmem>>
      %dma_wait3A_517 = arith.constant 0 : i32
      %dma_wait3A_518 = arith.constant 0 : i32
      %dma_wait3A_519 = tpu.memref_slice %arg2[%dma_wait3A_517, %dma_wait3A_518] : memref<10000x128xf32, #tpu.memory_space<hbm>> -> memref<10000x128xf32, #tpu.memory_space<hbm>>
      tpu.wait_indirect_dma semaphore(%arg14 : memref<!tpu.dma_semaphore, #tpu.memory_space<semaphore_mem>>) src(%dma_wait3A_519 : memref<10000x128xf32, #tpu.memory_space<hbm>>) dst(%dma_wait3A_513 : memref<64x128xf32, #tpu.memory_space<vmem>>)
      %dma_wait3A_520 = arith.constant 23 : i32
      %dma_wait3A_521 = arith.constant 64 : i32
      %dma_wait3A_522 = arith.constant 0 : i32
      %dma_wait3A_523 = tpu.memref_slice %arg10[%dma_wait3A_521, %dma_wait3A_522] : memref<128x128xf32, #tpu.memory_space<vmem>> -> memref<64x128xf32, #tpu.memory_space<vmem>>
      %dma_wait3A_524 = arith.constant 0 : i32
      %dma_wait3A_525 = tpu.memref_slice %arg7[%dma_wait3A_520, %dma_wait3A_524] : memref<32x64xi32, #tpu.memory_space<vmem>> -> memref<1x64xi32, #tpu.memory_space<vmem>>
      %dma_wait3A_526 = tpu.memref_squeeze %dma_wait3A_525 : memref<1x64xi32, #tpu.memory_space<vmem>> -> memref<64xi32, #tpu.memory_space<vmem>>
      %dma_wait3A_527 = arith.constant 0 : i32
      %dma_wait3A_528 = arith.constant 0 : i32
      %dma_wait3A_529 = tpu.memref_slice %arg2[%dma_wait3A_527, %dma_wait3A_528] : memref<10000x128xf32, #tpu.memory_space<hbm>> -> memref<10000x128xf32, #tpu.memory_space<hbm>>
      tpu.wait_indirect_dma semaphore(%arg15 : memref<!tpu.dma_semaphore, #tpu.memory_space<semaphore_mem>>) src(%dma_wait3A_529 : memref<10000x128xf32, #tpu.memory_space<hbm>>) dst(%dma_wait3A_523 : memref<64x128xf32, #tpu.memory_space<vmem>>)
      %run_scoped3A_530 = arith.constant 11 : i32
      "tpu.region"() ({
        %run_scoped3A_675 = tpu.sem_alloc : memref<!tpu.dma_semaphore, #tpu.memory_space<semaphore_mem>>
        %dma_start3A_676 = arith.constant 0 : i32
        %dma_start3A_677 = tpu.memref_slice %arg8[%run_scoped3A_530, %dma_start3A_676] : memref<16x128xi32, #tpu.memory_space<vmem>> -> memref<1x128xi32, #tpu.memory_space<vmem>>
        %dma_start3A_678 = tpu.memref_squeeze %dma_start3A_677 : memref<1x128xi32, #tpu.memory_space<vmem>> -> memref<128xi32, #tpu.memory_space<vmem>>
        %dma_start3A_679 = arith.constant 0 : i32
        %dma_start3A_680 = arith.constant 0 : i32
        %dma_start3A_681 = tpu.memref_slice %arg11[%dma_start3A_679, %dma_start3A_680] : memref<10112x128xf32, #tpu.memory_space<vmem_shared>> -> memref<10112x128xf32, #tpu.memory_space<vmem_shared>>
        tpu.enqueue_indirect_dma source(%arg10 : memref<128x128xf32, #tpu.memory_space<vmem>>) target(%dma_start3A_681 : memref<10112x128xf32, #tpu.memory_space<vmem_shared>>) offsets(%dma_start3A_678 : memref<128xi32, #tpu.memory_space<vmem>>) semaphore(%run_scoped3A_675 : memref<!tpu.dma_semaphore, #tpu.memory_space<semaphore_mem>>) {add = true}
        %dma_wait3A_682 = arith.constant 0 : i32
        %dma_wait3A_683 = tpu.memref_slice %arg8[%run_scoped3A_530, %dma_wait3A_682] : memref<16x128xi32, #tpu.memory_space<vmem>> -> memref<1x128xi32, #tpu.memory_space<vmem>>
        %dma_wait3A_684 = tpu.memref_squeeze %dma_wait3A_683 : memref<1x128xi32, #tpu.memory_space<vmem>> -> memref<128xi32, #tpu.memory_space<vmem>>
        %dma_wait3A_685 = arith.constant 0 : i32
        %dma_wait3A_686 = arith.constant 0 : i32
        %dma_wait3A_687 = tpu.memref_slice %arg11[%dma_wait3A_685, %dma_wait3A_686] : memref<10112x128xf32, #tpu.memory_space<vmem_shared>> -> memref<10112x128xf32, #tpu.memory_space<vmem_shared>>
        tpu.wait_indirect_dma semaphore(%run_scoped3A_675 : memref<!tpu.dma_semaphore, #tpu.memory_space<semaphore_mem>>) src(%arg10 : memref<128x128xf32, #tpu.memory_space<vmem>>) dst(%dma_wait3A_687 : memref<10112x128xf32, #tpu.memory_space<vmem_shared>>)
        tpu.yield
      }) : () -> ()
      %dma_start3A_531 = arith.constant 26 : i32
      %dma_start3A_532 = arith.constant 0 : i32
      %dma_start3A_533 = arith.constant 0 : i32
      %dma_start3A_534 = tpu.memref_slice %arg10[%dma_start3A_532, %dma_start3A_533] : memref<128x128xf32, #tpu.memory_space<vmem>> -> memref<64x128xf32, #tpu.memory_space<vmem>>
      %dma_start3A_535 = arith.constant 0 : i32
      %dma_start3A_536 = tpu.memref_slice %arg7[%dma_start3A_531, %dma_start3A_535] : memref<32x64xi32, #tpu.memory_space<vmem>> -> memref<1x64xi32, #tpu.memory_space<vmem>>
      %dma_start3A_537 = tpu.memref_squeeze %dma_start3A_536 : memref<1x64xi32, #tpu.memory_space<vmem>> -> memref<64xi32, #tpu.memory_space<vmem>>
      %dma_start3A_538 = arith.constant 0 : i32
      %dma_start3A_539 = arith.constant 0 : i32
      %dma_start3A_540 = tpu.memref_slice %arg2[%dma_start3A_538, %dma_start3A_539] : memref<10000x128xf32, #tpu.memory_space<hbm>> -> memref<10000x128xf32, #tpu.memory_space<hbm>>
      tpu.enqueue_indirect_dma source(%dma_start3A_540 : memref<10000x128xf32, #tpu.memory_space<hbm>>) target(%dma_start3A_534 : memref<64x128xf32, #tpu.memory_space<vmem>>) offsets(%dma_start3A_537 : memref<64xi32, #tpu.memory_space<vmem>>) semaphore(%arg14 : memref<!tpu.dma_semaphore, #tpu.memory_space<semaphore_mem>>)
      %dma_start3A_541 = arith.constant 27 : i32
      %dma_start3A_542 = arith.constant 64 : i32
      %dma_start3A_543 = arith.constant 0 : i32
      %dma_start3A_544 = tpu.memref_slice %arg10[%dma_start3A_542, %dma_start3A_543] : memref<128x128xf32, #tpu.memory_space<vmem>> -> memref<64x128xf32, #tpu.memory_space<vmem>>
      %dma_start3A_545 = arith.constant 0 : i32
      %dma_start3A_546 = tpu.memref_slice %arg7[%dma_start3A_541, %dma_start3A_545] : memref<32x64xi32, #tpu.memory_space<vmem>> -> memref<1x64xi32, #tpu.memory_space<vmem>>
      %dma_start3A_547 = tpu.memref_squeeze %dma_start3A_546 : memref<1x64xi32, #tpu.memory_space<vmem>> -> memref<64xi32, #tpu.memory_space<vmem>>
      %dma_start3A_548 = arith.constant 0 : i32
      %dma_start3A_549 = arith.constant 0 : i32
      %dma_start3A_550 = tpu.memref_slice %arg2[%dma_start3A_548, %dma_start3A_549] : memref<10000x128xf32, #tpu.memory_space<hbm>> -> memref<10000x128xf32, #tpu.memory_space<hbm>>
      tpu.enqueue_indirect_dma source(%dma_start3A_550 : memref<10000x128xf32, #tpu.memory_space<hbm>>) target(%dma_start3A_544 : memref<64x128xf32, #tpu.memory_space<vmem>>) offsets(%dma_start3A_547 : memref<64xi32, #tpu.memory_space<vmem>>) semaphore(%arg15 : memref<!tpu.dma_semaphore, #tpu.memory_space<semaphore_mem>>)
      %dma_wait3A_551 = arith.constant 24 : i32
      %dma_wait3A_552 = arith.constant 0 : i32
      %dma_wait3A_553 = arith.constant 0 : i32
      %dma_wait3A_554 = tpu.memref_slice %arg9[%dma_wait3A_552, %dma_wait3A_553] : memref<128x128xf32, #tpu.memory_space<vmem>> -> memref<64x128xf32, #tpu.memory_space<vmem>>
      %dma_wait3A_555 = arith.constant 0 : i32
      %dma_wait3A_556 = tpu.memref_slice %arg7[%dma_wait3A_551, %dma_wait3A_555] : memref<32x64xi32, #tpu.memory_space<vmem>> -> memref<1x64xi32, #tpu.memory_space<vmem>>
      %dma_wait3A_557 = tpu.memref_squeeze %dma_wait3A_556 : memref<1x64xi32, #tpu.memory_space<vmem>> -> memref<64xi32, #tpu.memory_space<vmem>>
      %dma_wait3A_558 = arith.constant 0 : i32
      %dma_wait3A_559 = arith.constant 0 : i32
      %dma_wait3A_560 = tpu.memref_slice %arg2[%dma_wait3A_558, %dma_wait3A_559] : memref<10000x128xf32, #tpu.memory_space<hbm>> -> memref<10000x128xf32, #tpu.memory_space<hbm>>
      tpu.wait_indirect_dma semaphore(%arg12 : memref<!tpu.dma_semaphore, #tpu.memory_space<semaphore_mem>>) src(%dma_wait3A_560 : memref<10000x128xf32, #tpu.memory_space<hbm>>) dst(%dma_wait3A_554 : memref<64x128xf32, #tpu.memory_space<vmem>>)
      %dma_wait3A_561 = arith.constant 25 : i32
      %dma_wait3A_562 = arith.constant 64 : i32
      %dma_wait3A_563 = arith.constant 0 : i32
      %dma_wait3A_564 = tpu.memref_slice %arg9[%dma_wait3A_562, %dma_wait3A_563] : memref<128x128xf32, #tpu.memory_space<vmem>> -> memref<64x128xf32, #tpu.memory_space<vmem>>
      %dma_wait3A_565 = arith.constant 0 : i32
      %dma_wait3A_566 = tpu.memref_slice %arg7[%dma_wait3A_561, %dma_wait3A_565] : memref<32x64xi32, #tpu.memory_space<vmem>> -> memref<1x64xi32, #tpu.memory_space<vmem>>
      %dma_wait3A_567 = tpu.memref_squeeze %dma_wait3A_566 : memref<1x64xi32, #tpu.memory_space<vmem>> -> memref<64xi32, #tpu.memory_space<vmem>>
      %dma_wait3A_568 = arith.constant 0 : i32
      %dma_wait3A_569 = arith.constant 0 : i32
      %dma_wait3A_570 = tpu.memref_slice %arg2[%dma_wait3A_568, %dma_wait3A_569] : memref<10000x128xf32, #tpu.memory_space<hbm>> -> memref<10000x128xf32, #tpu.memory_space<hbm>>
      tpu.wait_indirect_dma semaphore(%arg13 : memref<!tpu.dma_semaphore, #tpu.memory_space<semaphore_mem>>) src(%dma_wait3A_570 : memref<10000x128xf32, #tpu.memory_space<hbm>>) dst(%dma_wait3A_564 : memref<64x128xf32, #tpu.memory_space<vmem>>)
      %run_scoped3A_571 = arith.constant 12 : i32
      "tpu.region"() ({
        %run_scoped3A_675 = tpu.sem_alloc : memref<!tpu.dma_semaphore, #tpu.memory_space<semaphore_mem>>
        %dma_start3A_676 = arith.constant 0 : i32
        %dma_start3A_677 = tpu.memref_slice %arg8[%run_scoped3A_571, %dma_start3A_676] : memref<16x128xi32, #tpu.memory_space<vmem>> -> memref<1x128xi32, #tpu.memory_space<vmem>>
        %dma_start3A_678 = tpu.memref_squeeze %dma_start3A_677 : memref<1x128xi32, #tpu.memory_space<vmem>> -> memref<128xi32, #tpu.memory_space<vmem>>
        %dma_start3A_679 = arith.constant 0 : i32
        %dma_start3A_680 = arith.constant 0 : i32
        %dma_start3A_681 = tpu.memref_slice %arg11[%dma_start3A_679, %dma_start3A_680] : memref<10112x128xf32, #tpu.memory_space<vmem_shared>> -> memref<10112x128xf32, #tpu.memory_space<vmem_shared>>
        tpu.enqueue_indirect_dma source(%arg9 : memref<128x128xf32, #tpu.memory_space<vmem>>) target(%dma_start3A_681 : memref<10112x128xf32, #tpu.memory_space<vmem_shared>>) offsets(%dma_start3A_678 : memref<128xi32, #tpu.memory_space<vmem>>) semaphore(%run_scoped3A_675 : memref<!tpu.dma_semaphore, #tpu.memory_space<semaphore_mem>>) {add = true}
        %dma_wait3A_682 = arith.constant 0 : i32
        %dma_wait3A_683 = tpu.memref_slice %arg8[%run_scoped3A_571, %dma_wait3A_682] : memref<16x128xi32, #tpu.memory_space<vmem>> -> memref<1x128xi32, #tpu.memory_space<vmem>>
        %dma_wait3A_684 = tpu.memref_squeeze %dma_wait3A_683 : memref<1x128xi32, #tpu.memory_space<vmem>> -> memref<128xi32, #tpu.memory_space<vmem>>
        %dma_wait3A_685 = arith.constant 0 : i32
        %dma_wait3A_686 = arith.constant 0 : i32
        %dma_wait3A_687 = tpu.memref_slice %arg11[%dma_wait3A_685, %dma_wait3A_686] : memref<10112x128xf32, #tpu.memory_space<vmem_shared>> -> memref<10112x128xf32, #tpu.memory_space<vmem_shared>>
        tpu.wait_indirect_dma semaphore(%run_scoped3A_675 : memref<!tpu.dma_semaphore, #tpu.memory_space<semaphore_mem>>) src(%arg9 : memref<128x128xf32, #tpu.memory_space<vmem>>) dst(%dma_wait3A_687 : memref<10112x128xf32, #tpu.memory_space<vmem_shared>>)
        tpu.yield
      }) : () -> ()
      %dma_start3A_572 = arith.constant 28 : i32
      %dma_start3A_573 = arith.constant 0 : i32
      %dma_start3A_574 = arith.constant 0 : i32
      %dma_start3A_575 = tpu.memref_slice %arg9[%dma_start3A_573, %dma_start3A_574] : memref<128x128xf32, #tpu.memory_space<vmem>> -> memref<64x128xf32, #tpu.memory_space<vmem>>
      %dma_start3A_576 = arith.constant 0 : i32
      %dma_start3A_577 = tpu.memref_slice %arg7[%dma_start3A_572, %dma_start3A_576] : memref<32x64xi32, #tpu.memory_space<vmem>> -> memref<1x64xi32, #tpu.memory_space<vmem>>
      %dma_start3A_578 = tpu.memref_squeeze %dma_start3A_577 : memref<1x64xi32, #tpu.memory_space<vmem>> -> memref<64xi32, #tpu.memory_space<vmem>>
      %dma_start3A_579 = arith.constant 0 : i32
      %dma_start3A_580 = arith.constant 0 : i32
      %dma_start3A_581 = tpu.memref_slice %arg2[%dma_start3A_579, %dma_start3A_580] : memref<10000x128xf32, #tpu.memory_space<hbm>> -> memref<10000x128xf32, #tpu.memory_space<hbm>>
      tpu.enqueue_indirect_dma source(%dma_start3A_581 : memref<10000x128xf32, #tpu.memory_space<hbm>>) target(%dma_start3A_575 : memref<64x128xf32, #tpu.memory_space<vmem>>) offsets(%dma_start3A_578 : memref<64xi32, #tpu.memory_space<vmem>>) semaphore(%arg12 : memref<!tpu.dma_semaphore, #tpu.memory_space<semaphore_mem>>)
      %dma_start3A_582 = arith.constant 29 : i32
      %dma_start3A_583 = arith.constant 64 : i32
      %dma_start3A_584 = arith.constant 0 : i32
      %dma_start3A_585 = tpu.memref_slice %arg9[%dma_start3A_583, %dma_start3A_584] : memref<128x128xf32, #tpu.memory_space<vmem>> -> memref<64x128xf32, #tpu.memory_space<vmem>>
      %dma_start3A_586 = arith.constant 0 : i32
      %dma_start3A_587 = tpu.memref_slice %arg7[%dma_start3A_582, %dma_start3A_586] : memref<32x64xi32, #tpu.memory_space<vmem>> -> memref<1x64xi32, #tpu.memory_space<vmem>>
      %dma_start3A_588 = tpu.memref_squeeze %dma_start3A_587 : memref<1x64xi32, #tpu.memory_space<vmem>> -> memref<64xi32, #tpu.memory_space<vmem>>
      %dma_start3A_589 = arith.constant 0 : i32
      %dma_start3A_590 = arith.constant 0 : i32
      %dma_start3A_591 = tpu.memref_slice %arg2[%dma_start3A_589, %dma_start3A_590] : memref<10000x128xf32, #tpu.memory_space<hbm>> -> memref<10000x128xf32, #tpu.memory_space<hbm>>
      tpu.enqueue_indirect_dma source(%dma_start3A_591 : memref<10000x128xf32, #tpu.memory_space<hbm>>) target(%dma_start3A_585 : memref<64x128xf32, #tpu.memory_space<vmem>>) offsets(%dma_start3A_588 : memref<64xi32, #tpu.memory_space<vmem>>) semaphore(%arg13 : memref<!tpu.dma_semaphore, #tpu.memory_space<semaphore_mem>>)
      %dma_wait3A_592 = arith.constant 26 : i32
      %dma_wait3A_593 = arith.constant 0 : i32
      %dma_wait3A_594 = arith.constant 0 : i32
      %dma_wait3A_595 = tpu.memref_slice %arg10[%dma_wait3A_593, %dma_wait3A_594] : memref<128x128xf32, #tpu.memory_space<vmem>> -> memref<64x128xf32, #tpu.memory_space<vmem>>
      %dma_wait3A_596 = arith.constant 0 : i32
      %dma_wait3A_597 = tpu.memref_slice %arg7[%dma_wait3A_592, %dma_wait3A_596] : memref<32x64xi32, #tpu.memory_space<vmem>> -> memref<1x64xi32, #tpu.memory_space<vmem>>
      %dma_wait3A_598 = tpu.memref_squeeze %dma_wait3A_597 : memref<1x64xi32, #tpu.memory_space<vmem>> -> memref<64xi32, #tpu.memory_space<vmem>>
      %dma_wait3A_599 = arith.constant 0 : i32
      %dma_wait3A_600 = arith.constant 0 : i32
      %dma_wait3A_601 = tpu.memref_slice %arg2[%dma_wait3A_599, %dma_wait3A_600] : memref<10000x128xf32, #tpu.memory_space<hbm>> -> memref<10000x128xf32, #tpu.memory_space<hbm>>
      tpu.wait_indirect_dma semaphore(%arg14 : memref<!tpu.dma_semaphore, #tpu.memory_space<semaphore_mem>>) src(%dma_wait3A_601 : memref<10000x128xf32, #tpu.memory_space<hbm>>) dst(%dma_wait3A_595 : memref<64x128xf32, #tpu.memory_space<vmem>>)
      %dma_wait3A_602 = arith.constant 27 : i32
      %dma_wait3A_603 = arith.constant 64 : i32
      %dma_wait3A_604 = arith.constant 0 : i32
      %dma_wait3A_605 = tpu.memref_slice %arg10[%dma_wait3A_603, %dma_wait3A_604] : memref<128x128xf32, #tpu.memory_space<vmem>> -> memref<64x128xf32, #tpu.memory_space<vmem>>
      %dma_wait3A_606 = arith.constant 0 : i32
      %dma_wait3A_607 = tpu.memref_slice %arg7[%dma_wait3A_602, %dma_wait3A_606] : memref<32x64xi32, #tpu.memory_space<vmem>> -> memref<1x64xi32, #tpu.memory_space<vmem>>
      %dma_wait3A_608 = tpu.memref_squeeze %dma_wait3A_607 : memref<1x64xi32, #tpu.memory_space<vmem>> -> memref<64xi32, #tpu.memory_space<vmem>>
      %dma_wait3A_609 = arith.constant 0 : i32
      %dma_wait3A_610 = arith.constant 0 : i32
      %dma_wait3A_611 = tpu.memref_slice %arg2[%dma_wait3A_609, %dma_wait3A_610] : memref<10000x128xf32, #tpu.memory_space<hbm>> -> memref<10000x128xf32, #tpu.memory_space<hbm>>
      tpu.wait_indirect_dma semaphore(%arg15 : memref<!tpu.dma_semaphore, #tpu.memory_space<semaphore_mem>>) src(%dma_wait3A_611 : memref<10000x128xf32, #tpu.memory_space<hbm>>) dst(%dma_wait3A_605 : memref<64x128xf32, #tpu.memory_space<vmem>>)
      %run_scoped3A_612 = arith.constant 13 : i32
      "tpu.region"() ({
        %run_scoped3A_675 = tpu.sem_alloc : memref<!tpu.dma_semaphore, #tpu.memory_space<semaphore_mem>>
        %dma_start3A_676 = arith.constant 0 : i32
        %dma_start3A_677 = tpu.memref_slice %arg8[%run_scoped3A_612, %dma_start3A_676] : memref<16x128xi32, #tpu.memory_space<vmem>> -> memref<1x128xi32, #tpu.memory_space<vmem>>
        %dma_start3A_678 = tpu.memref_squeeze %dma_start3A_677 : memref<1x128xi32, #tpu.memory_space<vmem>> -> memref<128xi32, #tpu.memory_space<vmem>>
        %dma_start3A_679 = arith.constant 0 : i32
        %dma_start3A_680 = arith.constant 0 : i32
        %dma_start3A_681 = tpu.memref_slice %arg11[%dma_start3A_679, %dma_start3A_680] : memref<10112x128xf32, #tpu.memory_space<vmem_shared>> -> memref<10112x128xf32, #tpu.memory_space<vmem_shared>>
        tpu.enqueue_indirect_dma source(%arg10 : memref<128x128xf32, #tpu.memory_space<vmem>>) target(%dma_start3A_681 : memref<10112x128xf32, #tpu.memory_space<vmem_shared>>) offsets(%dma_start3A_678 : memref<128xi32, #tpu.memory_space<vmem>>) semaphore(%run_scoped3A_675 : memref<!tpu.dma_semaphore, #tpu.memory_space<semaphore_mem>>) {add = true}
        %dma_wait3A_682 = arith.constant 0 : i32
        %dma_wait3A_683 = tpu.memref_slice %arg8[%run_scoped3A_612, %dma_wait3A_682] : memref<16x128xi32, #tpu.memory_space<vmem>> -> memref<1x128xi32, #tpu.memory_space<vmem>>
        %dma_wait3A_684 = tpu.memref_squeeze %dma_wait3A_683 : memref<1x128xi32, #tpu.memory_space<vmem>> -> memref<128xi32, #tpu.memory_space<vmem>>
        %dma_wait3A_685 = arith.constant 0 : i32
        %dma_wait3A_686 = arith.constant 0 : i32
        %dma_wait3A_687 = tpu.memref_slice %arg11[%dma_wait3A_685, %dma_wait3A_686] : memref<10112x128xf32, #tpu.memory_space<vmem_shared>> -> memref<10112x128xf32, #tpu.memory_space<vmem_shared>>
        tpu.wait_indirect_dma semaphore(%run_scoped3A_675 : memref<!tpu.dma_semaphore, #tpu.memory_space<semaphore_mem>>) src(%arg10 : memref<128x128xf32, #tpu.memory_space<vmem>>) dst(%dma_wait3A_687 : memref<10112x128xf32, #tpu.memory_space<vmem_shared>>)
        tpu.yield
      }) : () -> ()
      %dma_start3A_613 = arith.constant 30 : i32
      %dma_start3A_614 = arith.constant 0 : i32
      %dma_start3A_615 = arith.constant 0 : i32
      %dma_start3A_616 = tpu.memref_slice %arg10[%dma_start3A_614, %dma_start3A_615] : memref<128x128xf32, #tpu.memory_space<vmem>> -> memref<64x128xf32, #tpu.memory_space<vmem>>
      %dma_start3A_617 = arith.constant 0 : i32
      %dma_start3A_618 = tpu.memref_slice %arg7[%dma_start3A_613, %dma_start3A_617] : memref<32x64xi32, #tpu.memory_space<vmem>> -> memref<1x64xi32, #tpu.memory_space<vmem>>
      %dma_start3A_619 = tpu.memref_squeeze %dma_start3A_618 : memref<1x64xi32, #tpu.memory_space<vmem>> -> memref<64xi32, #tpu.memory_space<vmem>>
      %dma_start3A_620 = arith.constant 0 : i32
      %dma_start3A_621 = arith.constant 0 : i32
      %dma_start3A_622 = tpu.memref_slice %arg2[%dma_start3A_620, %dma_start3A_621] : memref<10000x128xf32, #tpu.memory_space<hbm>> -> memref<10000x128xf32, #tpu.memory_space<hbm>>
      tpu.enqueue_indirect_dma source(%dma_start3A_622 : memref<10000x128xf32, #tpu.memory_space<hbm>>) target(%dma_start3A_616 : memref<64x128xf32, #tpu.memory_space<vmem>>) offsets(%dma_start3A_619 : memref<64xi32, #tpu.memory_space<vmem>>) semaphore(%arg14 : memref<!tpu.dma_semaphore, #tpu.memory_space<semaphore_mem>>)
      %dma_start3A_623 = arith.constant 31 : i32
      %dma_start3A_624 = arith.constant 64 : i32
      %dma_start3A_625 = arith.constant 0 : i32
      %dma_start3A_626 = tpu.memref_slice %arg10[%dma_start3A_624, %dma_start3A_625] : memref<128x128xf32, #tpu.memory_space<vmem>> -> memref<64x128xf32, #tpu.memory_space<vmem>>
      %dma_start3A_627 = arith.constant 0 : i32
      %dma_start3A_628 = tpu.memref_slice %arg7[%dma_start3A_623, %dma_start3A_627] : memref<32x64xi32, #tpu.memory_space<vmem>> -> memref<1x64xi32, #tpu.memory_space<vmem>>
      %dma_start3A_629 = tpu.memref_squeeze %dma_start3A_628 : memref<1x64xi32, #tpu.memory_space<vmem>> -> memref<64xi32, #tpu.memory_space<vmem>>
      %dma_start3A_630 = arith.constant 0 : i32
      %dma_start3A_631 = arith.constant 0 : i32
      %dma_start3A_632 = tpu.memref_slice %arg2[%dma_start3A_630, %dma_start3A_631] : memref<10000x128xf32, #tpu.memory_space<hbm>> -> memref<10000x128xf32, #tpu.memory_space<hbm>>
      tpu.enqueue_indirect_dma source(%dma_start3A_632 : memref<10000x128xf32, #tpu.memory_space<hbm>>) target(%dma_start3A_626 : memref<64x128xf32, #tpu.memory_space<vmem>>) offsets(%dma_start3A_629 : memref<64xi32, #tpu.memory_space<vmem>>) semaphore(%arg15 : memref<!tpu.dma_semaphore, #tpu.memory_space<semaphore_mem>>)
      %dma_wait3A_633 = arith.constant 28 : i32
      %dma_wait3A_634 = arith.constant 0 : i32
      %dma_wait3A_635 = arith.constant 0 : i32
      %dma_wait3A_636 = tpu.memref_slice %arg9[%dma_wait3A_634, %dma_wait3A_635] : memref<128x128xf32, #tpu.memory_space<vmem>> -> memref<64x128xf32, #tpu.memory_space<vmem>>
      %dma_wait3A_637 = arith.constant 0 : i32
      %dma_wait3A_638 = tpu.memref_slice %arg7[%dma_wait3A_633, %dma_wait3A_637] : memref<32x64xi32, #tpu.memory_space<vmem>> -> memref<1x64xi32, #tpu.memory_space<vmem>>
      %dma_wait3A_639 = tpu.memref_squeeze %dma_wait3A_638 : memref<1x64xi32, #tpu.memory_space<vmem>> -> memref<64xi32, #tpu.memory_space<vmem>>
      %dma_wait3A_640 = arith.constant 0 : i32
      %dma_wait3A_641 = arith.constant 0 : i32
      %dma_wait3A_642 = tpu.memref_slice %arg2[%dma_wait3A_640, %dma_wait3A_641] : memref<10000x128xf32, #tpu.memory_space<hbm>> -> memref<10000x128xf32, #tpu.memory_space<hbm>>
      tpu.wait_indirect_dma semaphore(%arg12 : memref<!tpu.dma_semaphore, #tpu.memory_space<semaphore_mem>>) src(%dma_wait3A_642 : memref<10000x128xf32, #tpu.memory_space<hbm>>) dst(%dma_wait3A_636 : memref<64x128xf32, #tpu.memory_space<vmem>>)
      %dma_wait3A_643 = arith.constant 29 : i32
      %dma_wait3A_644 = arith.constant 64 : i32
      %dma_wait3A_645 = arith.constant 0 : i32
      %dma_wait3A_646 = tpu.memref_slice %arg9[%dma_wait3A_644, %dma_wait3A_645] : memref<128x128xf32, #tpu.memory_space<vmem>> -> memref<64x128xf32, #tpu.memory_space<vmem>>
      %dma_wait3A_647 = arith.constant 0 : i32
      %dma_wait3A_648 = tpu.memref_slice %arg7[%dma_wait3A_643, %dma_wait3A_647] : memref<32x64xi32, #tpu.memory_space<vmem>> -> memref<1x64xi32, #tpu.memory_space<vmem>>
      %dma_wait3A_649 = tpu.memref_squeeze %dma_wait3A_648 : memref<1x64xi32, #tpu.memory_space<vmem>> -> memref<64xi32, #tpu.memory_space<vmem>>
      %dma_wait3A_650 = arith.constant 0 : i32
      %dma_wait3A_651 = arith.constant 0 : i32
      %dma_wait3A_652 = tpu.memref_slice %arg2[%dma_wait3A_650, %dma_wait3A_651] : memref<10000x128xf32, #tpu.memory_space<hbm>> -> memref<10000x128xf32, #tpu.memory_space<hbm>>
      tpu.wait_indirect_dma semaphore(%arg13 : memref<!tpu.dma_semaphore, #tpu.memory_space<semaphore_mem>>) src(%dma_wait3A_652 : memref<10000x128xf32, #tpu.memory_space<hbm>>) dst(%dma_wait3A_646 : memref<64x128xf32, #tpu.memory_space<vmem>>)
      %run_scoped3A_653 = arith.constant 14 : i32
      "tpu.region"() ({
        %run_scoped3A_675 = tpu.sem_alloc : memref<!tpu.dma_semaphore, #tpu.memory_space<semaphore_mem>>
        %dma_start3A_676 = arith.constant 0 : i32
        %dma_start3A_677 = tpu.memref_slice %arg8[%run_scoped3A_653, %dma_start3A_676] : memref<16x128xi32, #tpu.memory_space<vmem>> -> memref<1x128xi32, #tpu.memory_space<vmem>>
        %dma_start3A_678 = tpu.memref_squeeze %dma_start3A_677 : memref<1x128xi32, #tpu.memory_space<vmem>> -> memref<128xi32, #tpu.memory_space<vmem>>
        %dma_start3A_679 = arith.constant 0 : i32
        %dma_start3A_680 = arith.constant 0 : i32
        %dma_start3A_681 = tpu.memref_slice %arg11[%dma_start3A_679, %dma_start3A_680] : memref<10112x128xf32, #tpu.memory_space<vmem_shared>> -> memref<10112x128xf32, #tpu.memory_space<vmem_shared>>
        tpu.enqueue_indirect_dma source(%arg9 : memref<128x128xf32, #tpu.memory_space<vmem>>) target(%dma_start3A_681 : memref<10112x128xf32, #tpu.memory_space<vmem_shared>>) offsets(%dma_start3A_678 : memref<128xi32, #tpu.memory_space<vmem>>) semaphore(%run_scoped3A_675 : memref<!tpu.dma_semaphore, #tpu.memory_space<semaphore_mem>>) {add = true}
        %dma_wait3A_682 = arith.constant 0 : i32
        %dma_wait3A_683 = tpu.memref_slice %arg8[%run_scoped3A_653, %dma_wait3A_682] : memref<16x128xi32, #tpu.memory_space<vmem>> -> memref<1x128xi32, #tpu.memory_space<vmem>>
        %dma_wait3A_684 = tpu.memref_squeeze %dma_wait3A_683 : memref<1x128xi32, #tpu.memory_space<vmem>> -> memref<128xi32, #tpu.memory_space<vmem>>
        %dma_wait3A_685 = arith.constant 0 : i32
        %dma_wait3A_686 = arith.constant 0 : i32
        %dma_wait3A_687 = tpu.memref_slice %arg11[%dma_wait3A_685, %dma_wait3A_686] : memref<10112x128xf32, #tpu.memory_space<vmem_shared>> -> memref<10112x128xf32, #tpu.memory_space<vmem_shared>>
        tpu.wait_indirect_dma semaphore(%run_scoped3A_675 : memref<!tpu.dma_semaphore, #tpu.memory_space<semaphore_mem>>) src(%arg9 : memref<128x128xf32, #tpu.memory_space<vmem>>) dst(%dma_wait3A_687 : memref<10112x128xf32, #tpu.memory_space<vmem_shared>>)
        tpu.yield
      }) : () -> ()
      %dma_wait3A_654 = arith.constant 30 : i32
      %dma_wait3A_655 = arith.constant 0 : i32
      %dma_wait3A_656 = arith.constant 0 : i32
      %dma_wait3A_657 = tpu.memref_slice %arg10[%dma_wait3A_655, %dma_wait3A_656] : memref<128x128xf32, #tpu.memory_space<vmem>> -> memref<64x128xf32, #tpu.memory_space<vmem>>
      %dma_wait3A_658 = arith.constant 0 : i32
      %dma_wait3A_659 = tpu.memref_slice %arg7[%dma_wait3A_654, %dma_wait3A_658] : memref<32x64xi32, #tpu.memory_space<vmem>> -> memref<1x64xi32, #tpu.memory_space<vmem>>
      %dma_wait3A_660 = tpu.memref_squeeze %dma_wait3A_659 : memref<1x64xi32, #tpu.memory_space<vmem>> -> memref<64xi32, #tpu.memory_space<vmem>>
      %dma_wait3A_661 = arith.constant 0 : i32
      %dma_wait3A_662 = arith.constant 0 : i32
      %dma_wait3A_663 = tpu.memref_slice %arg2[%dma_wait3A_661, %dma_wait3A_662] : memref<10000x128xf32, #tpu.memory_space<hbm>> -> memref<10000x128xf32, #tpu.memory_space<hbm>>
      tpu.wait_indirect_dma semaphore(%arg14 : memref<!tpu.dma_semaphore, #tpu.memory_space<semaphore_mem>>) src(%dma_wait3A_663 : memref<10000x128xf32, #tpu.memory_space<hbm>>) dst(%dma_wait3A_657 : memref<64x128xf32, #tpu.memory_space<vmem>>)
      %dma_wait3A_664 = arith.constant 31 : i32
      %dma_wait3A_665 = arith.constant 64 : i32
      %dma_wait3A_666 = arith.constant 0 : i32
      %dma_wait3A_667 = tpu.memref_slice %arg10[%dma_wait3A_665, %dma_wait3A_666] : memref<128x128xf32, #tpu.memory_space<vmem>> -> memref<64x128xf32, #tpu.memory_space<vmem>>
      %dma_wait3A_668 = arith.constant 0 : i32
      %dma_wait3A_669 = tpu.memref_slice %arg7[%dma_wait3A_664, %dma_wait3A_668] : memref<32x64xi32, #tpu.memory_space<vmem>> -> memref<1x64xi32, #tpu.memory_space<vmem>>
      %dma_wait3A_670 = tpu.memref_squeeze %dma_wait3A_669 : memref<1x64xi32, #tpu.memory_space<vmem>> -> memref<64xi32, #tpu.memory_space<vmem>>
      %dma_wait3A_671 = arith.constant 0 : i32
      %dma_wait3A_672 = arith.constant 0 : i32
      %dma_wait3A_673 = tpu.memref_slice %arg2[%dma_wait3A_671, %dma_wait3A_672] : memref<10000x128xf32, #tpu.memory_space<hbm>> -> memref<10000x128xf32, #tpu.memory_space<hbm>>
      tpu.wait_indirect_dma semaphore(%arg15 : memref<!tpu.dma_semaphore, #tpu.memory_space<semaphore_mem>>) src(%dma_wait3A_673 : memref<10000x128xf32, #tpu.memory_space<hbm>>) dst(%dma_wait3A_667 : memref<64x128xf32, #tpu.memory_space<vmem>>)
      %run_scoped3A_674 = arith.constant 15 : i32
      "tpu.region"() ({
        %run_scoped3A_675 = tpu.sem_alloc : memref<!tpu.dma_semaphore, #tpu.memory_space<semaphore_mem>>
        %dma_start3A_676 = arith.constant 0 : i32
        %dma_start3A_677 = tpu.memref_slice %arg8[%run_scoped3A_674, %dma_start3A_676] : memref<16x128xi32, #tpu.memory_space<vmem>> -> memref<1x128xi32, #tpu.memory_space<vmem>>
        %dma_start3A_678 = tpu.memref_squeeze %dma_start3A_677 : memref<1x128xi32, #tpu.memory_space<vmem>> -> memref<128xi32, #tpu.memory_space<vmem>>
        %dma_start3A_679 = arith.constant 0 : i32
        %dma_start3A_680 = arith.constant 0 : i32
        %dma_start3A_681 = tpu.memref_slice %arg11[%dma_start3A_679, %dma_start3A_680] : memref<10112x128xf32, #tpu.memory_space<vmem_shared>> -> memref<10112x128xf32, #tpu.memory_space<vmem_shared>>
        tpu.enqueue_indirect_dma source(%arg10 : memref<128x128xf32, #tpu.memory_space<vmem>>) target(%dma_start3A_681 : memref<10112x128xf32, #tpu.memory_space<vmem_shared>>) offsets(%dma_start3A_678 : memref<128xi32, #tpu.memory_space<vmem>>) semaphore(%run_scoped3A_675 : memref<!tpu.dma_semaphore, #tpu.memory_space<semaphore_mem>>) {add = true}
        %dma_wait3A_682 = arith.constant 0 : i32
        %dma_wait3A_683 = tpu.memref_slice %arg8[%run_scoped3A_674, %dma_wait3A_682] : memref<16x128xi32, #tpu.memory_space<vmem>> -> memref<1x128xi32, #tpu.memory_space<vmem>>
        %dma_wait3A_684 = tpu.memref_squeeze %dma_wait3A_683 : memref<1x128xi32, #tpu.memory_space<vmem>> -> memref<128xi32, #tpu.memory_space<vmem>>
        %dma_wait3A_685 = arith.constant 0 : i32
        %dma_wait3A_686 = arith.constant 0 : i32
        %dma_wait3A_687 = tpu.memref_slice %arg11[%dma_wait3A_685, %dma_wait3A_686] : memref<10112x128xf32, #tpu.memory_space<vmem_shared>> -> memref<10112x128xf32, #tpu.memory_space<vmem_shared>>
        tpu.wait_indirect_dma semaphore(%run_scoped3A_675 : memref<!tpu.dma_semaphore, #tpu.memory_space<semaphore_mem>>) src(%arg10 : memref<128x128xf32, #tpu.memory_space<vmem>>) dst(%dma_wait3A_687 : memref<10112x128xf32, #tpu.memory_space<vmem_shared>>)
        tpu.yield
      }) : () -> ()
    }
    %scan3A_7 = arith.constant 5 : i32
    %barrier3A_8 = arith.constant 0 : index
    tpu.barrier barrier_id(%barrier3A_8)
    "tpu.region"() ({
      %run_scoped3A = tpu.sem_alloc : memref<!tpu.dma_semaphore, #tpu.memory_space<semaphore_mem>>
      %dma_start3A = arith.constant 0 : i32
      %dma_start3A_9 = tpu.memref_slice %arg6[%arg0, %mul3A_2, %dma_start3A] : memref<2x10112x128xf32, #tpu.memory_space<hbm>> -> memref<1x632x128xf32, #tpu.memory_space<hbm>>
      %dma_start3A_10 = tpu.memref_squeeze %dma_start3A_9 : memref<1x632x128xf32, #tpu.memory_space<hbm>> -> memref<632x128xf32, #tpu.memory_space<hbm>>
      %dma_start3A_11 = arith.constant 0 : i32
      %dma_start3A_12 = tpu.memref_slice %arg11[%mul3A_2, %dma_start3A_11] : memref<10112x128xf32, #tpu.memory_space<vmem_shared>> -> memref<632x128xf32, #tpu.memory_space<vmem_shared>>
      tpu.enqueue_dma source(%dma_start3A_12 : memref<632x128xf32, #tpu.memory_space<vmem_shared>>) target(%dma_start3A_10 : memref<632x128xf32, #tpu.memory_space<hbm>>) target_semaphore(%run_scoped3A : memref<!tpu.dma_semaphore, #tpu.memory_space<semaphore_mem>>)
      %dma_wait3A = arith.constant 0 : i32
      %dma_wait3A_13 = tpu.memref_slice %arg6[%arg0, %mul3A_2, %dma_wait3A] : memref<2x10112x128xf32, #tpu.memory_space<hbm>> -> memref<1x632x128xf32, #tpu.memory_space<hbm>>
      %dma_wait3A_14 = tpu.memref_squeeze %dma_wait3A_13 : memref<1x632x128xf32, #tpu.memory_space<hbm>> -> memref<632x128xf32, #tpu.memory_space<hbm>>
      %dma_wait3A_15 = arith.constant 0 : i32
      %dma_wait3A_16 = tpu.memref_slice %arg11[%mul3A_2, %dma_wait3A_15] : memref<10112x128xf32, #tpu.memory_space<vmem_shared>> -> memref<632x128xf32, #tpu.memory_space<vmem_shared>>
      tpu.wait_dma2 semaphore(%run_scoped3A : memref<!tpu.dma_semaphore, #tpu.memory_space<semaphore_mem>>) src(%dma_wait3A_16 : memref<632x128xf32, #tpu.memory_space<vmem_shared>>) dst(%dma_wait3A_14 : memref<632x128xf32, #tpu.memory_space<hbm>>)
      tpu.yield
    }) : () -> ()
    return
  }
}

#map = affine_map<(d0, d1) -> (0, 0)>
#map1 = affine_map<(d0, d1) -> (0, 0, 0)>
module attributes {stable_mosaic.version = 14 : i64} {
  func.func @agg(%arg0: i32, %arg1: i32, %arg2: memref<10000x128xf32, #tpu.memory_space<hbm>>, %arg3: memref<5120x64xi32, #tpu.memory_space<hbm>>, %arg4: memref<2560x128xi32, #tpu.memory_space<hbm>>, %arg5: memref<632x128xf32, #tpu.memory_space<hbm>>, %arg6: memref<2x10112x128xf32, #tpu.memory_space<hbm>>, %arg7: memref<32x64xi32, #tpu.memory_space<vmem>>, %arg8: memref<16x128xi32, #tpu.memory_space<vmem>>, %arg9: memref<128x128xf32, #tpu.memory_space<vmem>>, %arg10: memref<128x128xf32, #tpu.memory_space<vmem>>, %arg11: memref<10112x128xf32, #tpu.memory_space<vmem_shared>>, %arg12: memref<!tpu.dma_semaphore, #tpu.memory_space<semaphore_mem>>, %arg13: memref<!tpu.dma_semaphore, #tpu.memory_space<semaphore_mem>>, %arg14: memref<!tpu.dma_semaphore, #tpu.memory_space<semaphore_mem>>, %arg15: memref<!tpu.dma_semaphore, #tpu.memory_space<semaphore_mem>>) attributes {dimension_semantics = [#tpu.dimension_semantics<core_parallel>, #tpu.dimension_semantics<subcore_parallel>], iteration_bounds = array<i64: 2, 16>, scalar_prefetch = 0 : i64, scratch_operands = 9 : i64, tpu.core_type = #tpu.core_type<sc_vector_subcore>, window_params = [{transform_indices = #map}, {transform_indices = #map}, {transform_indices = #map}, {transform_indices = #map}, {transform_indices = #map1}]} {
    %mul3A = arith.constant 2 : i32
    %mul3A_0 = arith.muli %arg1, %mul3A : i32
    %add3A = arith.addi %mul3A_0, %arg0 : i32
    %mul3A_1 = arith.constant 632 : i32
    %mul3A_2 = arith.muli %arg1, %mul3A_1 : i32
    "tpu.region"() ({
      %run_scoped3A = tpu.sem_alloc : memref<!tpu.dma_semaphore, #tpu.memory_space<semaphore_mem>>
      %dma_start3A = arith.constant 0 : i32
      %dma_start3A_9 = tpu.memref_slice %arg11[%mul3A_2, %dma_start3A] : memref<10112x128xf32, #tpu.memory_space<vmem_shared>> -> memref<632x128xf32, #tpu.memory_space<vmem_shared>>
      tpu.enqueue_dma source(%arg5 : memref<632x128xf32, #tpu.memory_space<hbm>>) target(%dma_start3A_9 : memref<632x128xf32, #tpu.memory_space<vmem_shared>>) target_semaphore(%run_scoped3A : memref<!tpu.dma_semaphore, #tpu.memory_space<semaphore_mem>>)
      %dma_wait3A = arith.constant 0 : i32
      %dma_wait3A_10 = tpu.memref_slice %arg11[%mul3A_2, %dma_wait3A] : memref<10112x128xf32, #tpu.memory_space<vmem_shared>> -> memref<632x128xf32, #tpu.memory_space<vmem_shared>>
      tpu.wait_dma2 semaphore(%run_scoped3A : memref<!tpu.dma_semaphore, #tpu.memory_space<semaphore_mem>>) src(%arg5 : memref<632x128xf32, #tpu.memory_space<hbm>>) dst(%dma_wait3A_10 : memref<632x128xf32, #tpu.memory_space<vmem_shared>>)
      tpu.yield
    }) : () -> ()
    %barrier3A = arith.constant 0 : index
    tpu.barrier barrier_id(%barrier3A)
    %scan3A = arith.constant 0 : i32
    %scan3A_3 = arith.constant 0 : i32
    %scan3A_4 = arith.constant 5 : i32
    %scan3A_5 = arith.addi %scan3A_3, %scan3A_4 : i32
    %scan3A_6 = arith.constant 1 : i32
    scf.for %scan3A_9 = %scan3A_3 to %scan3A_5 step %scan3A_6  : i32 {
      %mul3A_10 = arith.constant 80 : i32
      %mul3A_11 = arith.muli %add3A, %mul3A_10 : i32
      %mul3A_12 = arith.constant 16 : i32
      %mul3A_13 = arith.muli %scan3A_9, %mul3A_12 : i32
      %add3A_14 = arith.addi %mul3A_11, %mul3A_13 : i32
      %mul3A_15 = arith.constant 2 : i32
      %mul3A_16 = arith.muli %mul3A_15, %add3A_14 : i32
      "tpu.region"() ({
        %run_scoped3A_675 = tpu.sem_alloc : memref<!tpu.dma_semaphore, #tpu.memory_space<semaphore_mem>>
        %dma_start3A_676 = arith.constant 0 : i32
        %dma_start3A_677 = tpu.memref_slice %arg3[%mul3A_16, %dma_start3A_676] : memref<5120x64xi32, #tpu.memory_space<hbm>> -> memref<32x64xi32, #tpu.memory_space<hbm>>
        %dma_start3A_678 = arith.constant 0 : i32
        %dma_start3A_679 = tpu.memref_slice %arg3[%mul3A_16, %dma_start3A_678] : memref<5120x64xi32, #tpu.memory_space<hbm>> -> memref<32x64xi32, #tpu.memory_space<hbm>>
        tpu.enqueue_dma source(%dma_start3A_679 : memref<32x64xi32, #tpu.memory_space<hbm>>) target(%arg7 : memref<32x64xi32, #tpu.memory_space<vmem>>) target_semaphore(%run_scoped3A_675 : memref<!tpu.dma_semaphore, #tpu.memory_space<semaphore_mem>>)
        %dma_wait3A_680 = arith.constant 0 : i32
        %dma_wait3A_681 = tpu.memref_slice %arg3[%mul3A_16, %dma_wait3A_680] : memref<5120x64xi32, #tpu.memory_space<hbm>> -> memref<32x64xi32, #tpu.memory_space<hbm>>
        %dma_wait3A_682 = arith.constant 0 : i32
        %dma_wait3A_683 = tpu.memref_slice %arg3[%mul3A_16, %dma_wait3A_682] : memref<5120x64xi32, #tpu.memory_space<hbm>> -> memref<32x64xi32, #tpu.memory_space<hbm>>
        tpu.wait_dma2 semaphore(%run_scoped3A_675 : memref<!tpu.dma_semaphore, #tpu.memory_space<semaphore_mem>>) src(%dma_wait3A_683 : memref<32x64xi32, #tpu.memory_space<hbm>>) dst(%arg7 : memref<32x64xi32, #tpu.memory_space<vmem>>)
        tpu.yield
      }) : () -> ()
      %mul3A_17 = arith.constant 80 : i32
      %mul3A_18 = arith.muli %add3A, %mul3A_17 : i32
      %mul3A_19 = arith.constant 16 : i32
      %mul3A_20 = arith.muli %scan3A_9, %mul3A_19 : i32
      %add3A_21 = arith.addi %mul3A_18, %mul3A_20 : i32
      "tpu.region"() ({
        %run_scoped3A_675 = tpu.sem_alloc : memref<!tpu.dma_semaphore, #tpu.memory_space<semaphore_mem>>
        %dma_start3A_676 = arith.constant 0 : i32
        %dma_start3A_677 = tpu.memref_slice %arg4[%add3A_21, %dma_start3A_676] : memref<2560x128xi32, #tpu.memory_space<hbm>> -> memref<16x128xi32, #tpu.memory_space<hbm>>
        %dma_start3A_678 = arith.constant 0 : i32
        %dma_start3A_679 = tpu.memref_slice %arg4[%add3A_21, %dma_start3A_678] : memref<2560x128xi32, #tpu.memory_space<hbm>> -> memref<16x128xi32, #tpu.memory_space<hbm>>
        tpu.enqueue_dma source(%dma_start3A_679 : memref<16x128xi32, #tpu.memory_space<hbm>>) target(%arg8 : memref<16x128xi32, #tpu.memory_space<vmem>>) target_semaphore(%run_scoped3A_675 : memref<!tpu.dma_semaphore, #tpu.memory_space<semaphore_mem>>)
        %dma_wait3A_680 = arith.constant 0 : i32
        %dma_wait3A_681 = tpu.memref_slice %arg4[%add3A_21, %dma_wait3A_680] : memref<2560x128xi32, #tpu.memory_space<hbm>> -> memref<16x128xi32, #tpu.memory_space<hbm>>
        %dma_wait3A_682 = arith.constant 0 : i32
        %dma_wait3A_683 = tpu.memref_slice %arg4[%add3A_21, %dma_wait3A_682] : memref<2560x128xi32, #tpu.memory_space<hbm>> -> memref<16x128xi32, #tpu.memory_space<hbm>>
        tpu.wait_dma2 semaphore(%run_scoped3A_675 : memref<!tpu.dma_semaphore, #tpu.memory_space<semaphore_mem>>) src(%dma_wait3A_683 : memref<16x128xi32, #tpu.memory_space<hbm>>) dst(%arg8 : memref<16x128xi32, #tpu.memory_space<vmem>>)
        tpu.yield
      }) : () -> ()
      %dma_start3A = arith.constant 0 : i32
      %dma_start3A_22 = arith.constant 0 : i32
      %dma_start3A_23 = arith.constant 0 : i32
      %dma_start3A_24 = tpu.memref_slice %arg9[%dma_start3A_22, %dma_start3A_23] : memref<128x128xf32, #tpu.memory_space<vmem>> -> memref<64x128xf32, #tpu.memory_space<vmem>>
      %dma_start3A_25 = arith.constant 0 : i32
      %dma_start3A_26 = tpu.memref_slice %arg7[%dma_start3A, %dma_start3A_25] : memref<32x64xi32, #tpu.memory_space<vmem>> -> memref<1x64xi32, #tpu.memory_space<vmem>>
      %dma_start3A_27 = tpu.memref_squeeze %dma_start3A_26 : memref<1x64xi32, #tpu.memory_space<vmem>> -> memref<64xi32, #tpu.memory_space<vmem>>
      %dma_start3A_28 = arith.constant 0 : i32
      %dma_start3A_29 = arith.constant 0 : i32
      %dma_start3A_30 = tpu.memref_slice %arg2[%dma_start3A_28, %dma_start3A_29] : memref<10000x128xf32, #tpu.memory_space<hbm>> -> memref<10000x128xf32, #tpu.memory_space<hbm>>
      tpu.enqueue_indirect_dma source(%dma_start3A_30 : memref<10000x128xf32, #tpu.memory_space<hbm>>) target(%dma_start3A_24 : memref<64x128xf32, #tpu.memory_space<vmem>>) offsets(%dma_start3A_27 : memref<64xi32, #tpu.memory_space<vmem>>) semaphore(%arg12 : memref<!tpu.dma_semaphore, #tpu.memory_space<semaphore_mem>>)
      %dma_start3A_31 = arith.constant 1 : i32
      %dma_start3A_32 = arith.constant 64 : i32
      %dma_start3A_33 = arith.constant 0 : i32
      %dma_start3A_34 = tpu.memref_slice %arg9[%dma_start3A_32, %dma_start3A_33] : memref<128x128xf32, #tpu.memory_space<vmem>> -> memref<64x128xf32, #tpu.memory_space<vmem>>
      %dma_start3A_35 = arith.constant 0 : i32
      %dma_start3A_36 = tpu.memref_slice %arg7[%dma_start3A_31, %dma_start3A_35] : memref<32x64xi32, #tpu.memory_space<vmem>> -> memref<1x64xi32, #tpu.memory_space<vmem>>
      %dma_start3A_37 = tpu.memref_squeeze %dma_start3A_36 : memref<1x64xi32, #tpu.memory_space<vmem>> -> memref<64xi32, #tpu.memory_space<vmem>>
      %dma_start3A_38 = arith.constant 0 : i32
      %dma_start3A_39 = arith.constant 0 : i32
      %dma_start3A_40 = tpu.memref_slice %arg2[%dma_start3A_38, %dma_start3A_39] : memref<10000x128xf32, #tpu.memory_space<hbm>> -> memref<10000x128xf32, #tpu.memory_space<hbm>>
      tpu.enqueue_indirect_dma source(%dma_start3A_40 : memref<10000x128xf32, #tpu.memory_space<hbm>>) target(%dma_start3A_34 : memref<64x128xf32, #tpu.memory_space<vmem>>) offsets(%dma_start3A_37 : memref<64xi32, #tpu.memory_space<vmem>>) semaphore(%arg13 : memref<!tpu.dma_semaphore, #tpu.memory_space<semaphore_mem>>)
      %dma_start3A_41 = arith.constant 2 : i32
      %dma_start3A_42 = arith.constant 0 : i32
      %dma_start3A_43 = arith.constant 0 : i32
      %dma_start3A_44 = tpu.memref_slice %arg10[%dma_start3A_42, %dma_start3A_43] : memref<128x128xf32, #tpu.memory_space<vmem>> -> memref<64x128xf32, #tpu.memory_space<vmem>>
      %dma_start3A_45 = arith.constant 0 : i32
      %dma_start3A_46 = tpu.memref_slice %arg7[%dma_start3A_41, %dma_start3A_45] : memref<32x64xi32, #tpu.memory_space<vmem>> -> memref<1x64xi32, #tpu.memory_space<vmem>>
      %dma_start3A_47 = tpu.memref_squeeze %dma_start3A_46 : memref<1x64xi32, #tpu.memory_space<vmem>> -> memref<64xi32, #tpu.memory_space<vmem>>
      %dma_start3A_48 = arith.constant 0 : i32
      %dma_start3A_49 = arith.constant 0 : i32
      %dma_start3A_50 = tpu.memref_slice %arg2[%dma_start3A_48, %dma_start3A_49] : memref<10000x128xf32, #tpu.memory_space<hbm>> -> memref<10000x128xf32, #tpu.memory_space<hbm>>
      tpu.enqueue_indirect_dma source(%dma_start3A_50 : memref<10000x128xf32, #tpu.memory_space<hbm>>) target(%dma_start3A_44 : memref<64x128xf32, #tpu.memory_space<vmem>>) offsets(%dma_start3A_47 : memref<64xi32, #tpu.memory_space<vmem>>) semaphore(%arg14 : memref<!tpu.dma_semaphore, #tpu.memory_space<semaphore_mem>>)
      %dma_start3A_51 = arith.constant 3 : i32
      %dma_start3A_52 = arith.constant 64 : i32
      %dma_start3A_53 = arith.constant 0 : i32
      %dma_start3A_54 = tpu.memref_slice %arg10[%dma_start3A_52, %dma_start3A_53] : memref<128x128xf32, #tpu.memory_space<vmem>> -> memref<64x128xf32, #tpu.memory_space<vmem>>
      %dma_start3A_55 = arith.constant 0 : i32
      %dma_start3A_56 = tpu.memref_slice %arg7[%dma_start3A_51, %dma_start3A_55] : memref<32x64xi32, #tpu.memory_space<vmem>> -> memref<1x64xi32, #tpu.memory_space<vmem>>
      %dma_start3A_57 = tpu.memref_squeeze %dma_start3A_56 : memref<1x64xi32, #tpu.memory_space<vmem>> -> memref<64xi32, #tpu.memory_space<vmem>>
      %dma_start3A_58 = arith.constant 0 : i32
      %dma_start3A_59 = arith.constant 0 : i32
      %dma_start3A_60 = tpu.memref_slice %arg2[%dma_start3A_58, %dma_start3A_59] : memref<10000x128xf32, #tpu.memory_space<hbm>> -> memref<10000x128xf32, #tpu.memory_space<hbm>>
      tpu.enqueue_indirect_dma source(%dma_start3A_60 : memref<10000x128xf32, #tpu.memory_space<hbm>>) target(%dma_start3A_54 : memref<64x128xf32, #tpu.memory_space<vmem>>) offsets(%dma_start3A_57 : memref<64xi32, #tpu.memory_space<vmem>>) semaphore(%arg15 : memref<!tpu.dma_semaphore, #tpu.memory_space<semaphore_mem>>)
      %dma_wait3A = arith.constant 0 : i32
      %dma_wait3A_61 = arith.constant 0 : i32
      %dma_wait3A_62 = arith.constant 0 : i32
      %dma_wait3A_63 = tpu.memref_slice %arg9[%dma_wait3A_61, %dma_wait3A_62] : memref<128x128xf32, #tpu.memory_space<vmem>> -> memref<64x128xf32, #tpu.memory_space<vmem>>
      %dma_wait3A_64 = arith.constant 0 : i32
      %dma_wait3A_65 = tpu.memref_slice %arg7[%dma_wait3A, %dma_wait3A_64] : memref<32x64xi32, #tpu.memory_space<vmem>> -> memref<1x64xi32, #tpu.memory_space<vmem>>
      %dma_wait3A_66 = tpu.memref_squeeze %dma_wait3A_65 : memref<1x64xi32, #tpu.memory_space<vmem>> -> memref<64xi32, #tpu.memory_space<vmem>>
      %dma_wait3A_67 = arith.constant 0 : i32
      %dma_wait3A_68 = arith.constant 0 : i32
      %dma_wait3A_69 = tpu.memref_slice %arg2[%dma_wait3A_67, %dma_wait3A_68] : memref<10000x128xf32, #tpu.memory_space<hbm>> -> memref<10000x128xf32, #tpu.memory_space<hbm>>
      tpu.wait_indirect_dma semaphore(%arg12 : memref<!tpu.dma_semaphore, #tpu.memory_space<semaphore_mem>>) src(%dma_wait3A_69 : memref<10000x128xf32, #tpu.memory_space<hbm>>) dst(%dma_wait3A_63 : memref<64x128xf32, #tpu.memory_space<vmem>>)
      %dma_wait3A_70 = arith.constant 1 : i32
      %dma_wait3A_71 = arith.constant 64 : i32
      %dma_wait3A_72 = arith.constant 0 : i32
      %dma_wait3A_73 = tpu.memref_slice %arg9[%dma_wait3A_71, %dma_wait3A_72] : memref<128x128xf32, #tpu.memory_space<vmem>> -> memref<64x128xf32, #tpu.memory_space<vmem>>
      %dma_wait3A_74 = arith.constant 0 : i32
      %dma_wait3A_75 = tpu.memref_slice %arg7[%dma_wait3A_70, %dma_wait3A_74] : memref<32x64xi32, #tpu.memory_space<vmem>> -> memref<1x64xi32, #tpu.memory_space<vmem>>
      %dma_wait3A_76 = tpu.memref_squeeze %dma_wait3A_75 : memref<1x64xi32, #tpu.memory_space<vmem>> -> memref<64xi32, #tpu.memory_space<vmem>>
      %dma_wait3A_77 = arith.constant 0 : i32
      %dma_wait3A_78 = arith.constant 0 : i32
      %dma_wait3A_79 = tpu.memref_slice %arg2[%dma_wait3A_77, %dma_wait3A_78] : memref<10000x128xf32, #tpu.memory_space<hbm>> -> memref<10000x128xf32, #tpu.memory_space<hbm>>
      tpu.wait_indirect_dma semaphore(%arg13 : memref<!tpu.dma_semaphore, #tpu.memory_space<semaphore_mem>>) src(%dma_wait3A_79 : memref<10000x128xf32, #tpu.memory_space<hbm>>) dst(%dma_wait3A_73 : memref<64x128xf32, #tpu.memory_space<vmem>>)
      %run_scoped3A = arith.constant 0 : i32
      "tpu.region"() ({
        %run_scoped3A_675 = tpu.sem_alloc : memref<!tpu.dma_semaphore, #tpu.memory_space<semaphore_mem>>
        %dma_start3A_676 = arith.constant 0 : i32
        %dma_start3A_677 = tpu.memref_slice %arg8[%run_scoped3A, %dma_start3A_676] : memref<16x128xi32, #tpu.memory_space<vmem>> -> memref<1x128xi32, #tpu.memory_space<vmem>>
        %dma_start3A_678 = tpu.memref_squeeze %dma_start3A_677 : memref<1x128xi32, #tpu.memory_space<vmem>> -> memref<128xi32, #tpu.memory_space<vmem>>
        %dma_start3A_679 = arith.constant 0 : i32
        %dma_start3A_680 = arith.constant 0 : i32
        %dma_start3A_681 = tpu.memref_slice %arg11[%dma_start3A_679, %dma_start3A_680] : memref<10112x128xf32, #tpu.memory_space<vmem_shared>> -> memref<10112x128xf32, #tpu.memory_space<vmem_shared>>
        tpu.enqueue_indirect_dma source(%arg9 : memref<128x128xf32, #tpu.memory_space<vmem>>) target(%dma_start3A_681 : memref<10112x128xf32, #tpu.memory_space<vmem_shared>>) offsets(%dma_start3A_678 : memref<128xi32, #tpu.memory_space<vmem>>) semaphore(%run_scoped3A_675 : memref<!tpu.dma_semaphore, #tpu.memory_space<semaphore_mem>>) {add = true}
        %dma_wait3A_682 = arith.constant 0 : i32
        %dma_wait3A_683 = tpu.memref_slice %arg8[%run_scoped3A, %dma_wait3A_682] : memref<16x128xi32, #tpu.memory_space<vmem>> -> memref<1x128xi32, #tpu.memory_space<vmem>>
        %dma_wait3A_684 = tpu.memref_squeeze %dma_wait3A_683 : memref<1x128xi32, #tpu.memory_space<vmem>> -> memref<128xi32, #tpu.memory_space<vmem>>
        %dma_wait3A_685 = arith.constant 0 : i32
        %dma_wait3A_686 = arith.constant 0 : i32
        %dma_wait3A_687 = tpu.memref_slice %arg11[%dma_wait3A_685, %dma_wait3A_686] : memref<10112x128xf32, #tpu.memory_space<vmem_shared>> -> memref<10112x128xf32, #tpu.memory_space<vmem_shared>>
        tpu.wait_indirect_dma semaphore(%run_scoped3A_675 : memref<!tpu.dma_semaphore, #tpu.memory_space<semaphore_mem>>) src(%arg9 : memref<128x128xf32, #tpu.memory_space<vmem>>) dst(%dma_wait3A_687 : memref<10112x128xf32, #tpu.memory_space<vmem_shared>>)
        tpu.yield
      }) : () -> ()
      %dma_start3A_80 = arith.constant 4 : i32
      %dma_start3A_81 = arith.constant 0 : i32
      %dma_start3A_82 = arith.constant 0 : i32
      %dma_start3A_83 = tpu.memref_slice %arg9[%dma_start3A_81, %dma_start3A_82] : memref<128x128xf32, #tpu.memory_space<vmem>> -> memref<64x128xf32, #tpu.memory_space<vmem>>
      %dma_start3A_84 = arith.constant 0 : i32
      %dma_start3A_85 = tpu.memref_slice %arg7[%dma_start3A_80, %dma_start3A_84] : memref<32x64xi32, #tpu.memory_space<vmem>> -> memref<1x64xi32, #tpu.memory_space<vmem>>
      %dma_start3A_86 = tpu.memref_squeeze %dma_start3A_85 : memref<1x64xi32, #tpu.memory_space<vmem>> -> memref<64xi32, #tpu.memory_space<vmem>>
      %dma_start3A_87 = arith.constant 0 : i32
      %dma_start3A_88 = arith.constant 0 : i32
      %dma_start3A_89 = tpu.memref_slice %arg2[%dma_start3A_87, %dma_start3A_88] : memref<10000x128xf32, #tpu.memory_space<hbm>> -> memref<10000x128xf32, #tpu.memory_space<hbm>>
      tpu.enqueue_indirect_dma source(%dma_start3A_89 : memref<10000x128xf32, #tpu.memory_space<hbm>>) target(%dma_start3A_83 : memref<64x128xf32, #tpu.memory_space<vmem>>) offsets(%dma_start3A_86 : memref<64xi32, #tpu.memory_space<vmem>>) semaphore(%arg12 : memref<!tpu.dma_semaphore, #tpu.memory_space<semaphore_mem>>)
      %dma_start3A_90 = arith.constant 5 : i32
      %dma_start3A_91 = arith.constant 64 : i32
      %dma_start3A_92 = arith.constant 0 : i32
      %dma_start3A_93 = tpu.memref_slice %arg9[%dma_start3A_91, %dma_start3A_92] : memref<128x128xf32, #tpu.memory_space<vmem>> -> memref<64x128xf32, #tpu.memory_space<vmem>>
      %dma_start3A_94 = arith.constant 0 : i32
      %dma_start3A_95 = tpu.memref_slice %arg7[%dma_start3A_90, %dma_start3A_94] : memref<32x64xi32, #tpu.memory_space<vmem>> -> memref<1x64xi32, #tpu.memory_space<vmem>>
      %dma_start3A_96 = tpu.memref_squeeze %dma_start3A_95 : memref<1x64xi32, #tpu.memory_space<vmem>> -> memref<64xi32, #tpu.memory_space<vmem>>
      %dma_start3A_97 = arith.constant 0 : i32
      %dma_start3A_98 = arith.constant 0 : i32
      %dma_start3A_99 = tpu.memref_slice %arg2[%dma_start3A_97, %dma_start3A_98] : memref<10000x128xf32, #tpu.memory_space<hbm>> -> memref<10000x128xf32, #tpu.memory_space<hbm>>
      tpu.enqueue_indirect_dma source(%dma_start3A_99 : memref<10000x128xf32, #tpu.memory_space<hbm>>) target(%dma_start3A_93 : memref<64x128xf32, #tpu.memory_space<vmem>>) offsets(%dma_start3A_96 : memref<64xi32, #tpu.memory_space<vmem>>) semaphore(%arg13 : memref<!tpu.dma_semaphore, #tpu.memory_space<semaphore_mem>>)
      %dma_wait3A_100 = arith.constant 2 : i32
      %dma_wait3A_101 = arith.constant 0 : i32
      %dma_wait3A_102 = arith.constant 0 : i32
      %dma_wait3A_103 = tpu.memref_slice %arg10[%dma_wait3A_101, %dma_wait3A_102] : memref<128x128xf32, #tpu.memory_space<vmem>> -> memref<64x128xf32, #tpu.memory_space<vmem>>
      %dma_wait3A_104 = arith.constant 0 : i32
      %dma_wait3A_105 = tpu.memref_slice %arg7[%dma_wait3A_100, %dma_wait3A_104] : memref<32x64xi32, #tpu.memory_space<vmem>> -> memref<1x64xi32, #tpu.memory_space<vmem>>
      %dma_wait3A_106 = tpu.memref_squeeze %dma_wait3A_105 : memref<1x64xi32, #tpu.memory_space<vmem>> -> memref<64xi32, #tpu.memory_space<vmem>>
      %dma_wait3A_107 = arith.constant 0 : i32
      %dma_wait3A_108 = arith.constant 0 : i32
      %dma_wait3A_109 = tpu.memref_slice %arg2[%dma_wait3A_107, %dma_wait3A_108] : memref<10000x128xf32, #tpu.memory_space<hbm>> -> memref<10000x128xf32, #tpu.memory_space<hbm>>
      tpu.wait_indirect_dma semaphore(%arg14 : memref<!tpu.dma_semaphore, #tpu.memory_space<semaphore_mem>>) src(%dma_wait3A_109 : memref<10000x128xf32, #tpu.memory_space<hbm>>) dst(%dma_wait3A_103 : memref<64x128xf32, #tpu.memory_space<vmem>>)
      %dma_wait3A_110 = arith.constant 3 : i32
      %dma_wait3A_111 = arith.constant 64 : i32
      %dma_wait3A_112 = arith.constant 0 : i32
      %dma_wait3A_113 = tpu.memref_slice %arg10[%dma_wait3A_111, %dma_wait3A_112] : memref<128x128xf32, #tpu.memory_space<vmem>> -> memref<64x128xf32, #tpu.memory_space<vmem>>
      %dma_wait3A_114 = arith.constant 0 : i32
      %dma_wait3A_115 = tpu.memref_slice %arg7[%dma_wait3A_110, %dma_wait3A_114] : memref<32x64xi32, #tpu.memory_space<vmem>> -> memref<1x64xi32, #tpu.memory_space<vmem>>
      %dma_wait3A_116 = tpu.memref_squeeze %dma_wait3A_115 : memref<1x64xi32, #tpu.memory_space<vmem>> -> memref<64xi32, #tpu.memory_space<vmem>>
      %dma_wait3A_117 = arith.constant 0 : i32
      %dma_wait3A_118 = arith.constant 0 : i32
      %dma_wait3A_119 = tpu.memref_slice %arg2[%dma_wait3A_117, %dma_wait3A_118] : memref<10000x128xf32, #tpu.memory_space<hbm>> -> memref<10000x128xf32, #tpu.memory_space<hbm>>
      tpu.wait_indirect_dma semaphore(%arg15 : memref<!tpu.dma_semaphore, #tpu.memory_space<semaphore_mem>>) src(%dma_wait3A_119 : memref<10000x128xf32, #tpu.memory_space<hbm>>) dst(%dma_wait3A_113 : memref<64x128xf32, #tpu.memory_space<vmem>>)
      %run_scoped3A_120 = arith.constant 1 : i32
      "tpu.region"() ({
        %run_scoped3A_675 = tpu.sem_alloc : memref<!tpu.dma_semaphore, #tpu.memory_space<semaphore_mem>>
        %dma_start3A_676 = arith.constant 0 : i32
        %dma_start3A_677 = tpu.memref_slice %arg8[%run_scoped3A_120, %dma_start3A_676] : memref<16x128xi32, #tpu.memory_space<vmem>> -> memref<1x128xi32, #tpu.memory_space<vmem>>
        %dma_start3A_678 = tpu.memref_squeeze %dma_start3A_677 : memref<1x128xi32, #tpu.memory_space<vmem>> -> memref<128xi32, #tpu.memory_space<vmem>>
        %dma_start3A_679 = arith.constant 0 : i32
        %dma_start3A_680 = arith.constant 0 : i32
        %dma_start3A_681 = tpu.memref_slice %arg11[%dma_start3A_679, %dma_start3A_680] : memref<10112x128xf32, #tpu.memory_space<vmem_shared>> -> memref<10112x128xf32, #tpu.memory_space<vmem_shared>>
        tpu.enqueue_indirect_dma source(%arg10 : memref<128x128xf32, #tpu.memory_space<vmem>>) target(%dma_start3A_681 : memref<10112x128xf32, #tpu.memory_space<vmem_shared>>) offsets(%dma_start3A_678 : memref<128xi32, #tpu.memory_space<vmem>>) semaphore(%run_scoped3A_675 : memref<!tpu.dma_semaphore, #tpu.memory_space<semaphore_mem>>) {add = true}
        %dma_wait3A_682 = arith.constant 0 : i32
        %dma_wait3A_683 = tpu.memref_slice %arg8[%run_scoped3A_120, %dma_wait3A_682] : memref<16x128xi32, #tpu.memory_space<vmem>> -> memref<1x128xi32, #tpu.memory_space<vmem>>
        %dma_wait3A_684 = tpu.memref_squeeze %dma_wait3A_683 : memref<1x128xi32, #tpu.memory_space<vmem>> -> memref<128xi32, #tpu.memory_space<vmem>>
        %dma_wait3A_685 = arith.constant 0 : i32
        %dma_wait3A_686 = arith.constant 0 : i32
        %dma_wait3A_687 = tpu.memref_slice %arg11[%dma_wait3A_685, %dma_wait3A_686] : memref<10112x128xf32, #tpu.memory_space<vmem_shared>> -> memref<10112x128xf32, #tpu.memory_space<vmem_shared>>
        tpu.wait_indirect_dma semaphore(%run_scoped3A_675 : memref<!tpu.dma_semaphore, #tpu.memory_space<semaphore_mem>>) src(%arg10 : memref<128x128xf32, #tpu.memory_space<vmem>>) dst(%dma_wait3A_687 : memref<10112x128xf32, #tpu.memory_space<vmem_shared>>)
        tpu.yield
      }) : () -> ()
      %dma_start3A_121 = arith.constant 6 : i32
      %dma_start3A_122 = arith.constant 0 : i32
      %dma_start3A_123 = arith.constant 0 : i32
      %dma_start3A_124 = tpu.memref_slice %arg10[%dma_start3A_122, %dma_start3A_123] : memref<128x128xf32, #tpu.memory_space<vmem>> -> memref<64x128xf32, #tpu.memory_space<vmem>>
      %dma_start3A_125 = arith.constant 0 : i32
      %dma_start3A_126 = tpu.memref_slice %arg7[%dma_start3A_121, %dma_start3A_125] : memref<32x64xi32, #tpu.memory_space<vmem>> -> memref<1x64xi32, #tpu.memory_space<vmem>>
      %dma_start3A_127 = tpu.memref_squeeze %dma_start3A_126 : memref<1x64xi32, #tpu.memory_space<vmem>> -> memref<64xi32, #tpu.memory_space<vmem>>
      %dma_start3A_128 = arith.constant 0 : i32
      %dma_start3A_129 = arith.constant 0 : i32
      %dma_start3A_130 = tpu.memref_slice %arg2[%dma_start3A_128, %dma_start3A_129] : memref<10000x128xf32, #tpu.memory_space<hbm>> -> memref<10000x128xf32, #tpu.memory_space<hbm>>
      tpu.enqueue_indirect_dma source(%dma_start3A_130 : memref<10000x128xf32, #tpu.memory_space<hbm>>) target(%dma_start3A_124 : memref<64x128xf32, #tpu.memory_space<vmem>>) offsets(%dma_start3A_127 : memref<64xi32, #tpu.memory_space<vmem>>) semaphore(%arg14 : memref<!tpu.dma_semaphore, #tpu.memory_space<semaphore_mem>>)
      %dma_start3A_131 = arith.constant 7 : i32
      %dma_start3A_132 = arith.constant 64 : i32
      %dma_start3A_133 = arith.constant 0 : i32
      %dma_start3A_134 = tpu.memref_slice %arg10[%dma_start3A_132, %dma_start3A_133] : memref<128x128xf32, #tpu.memory_space<vmem>> -> memref<64x128xf32, #tpu.memory_space<vmem>>
      %dma_start3A_135 = arith.constant 0 : i32
      %dma_start3A_136 = tpu.memref_slice %arg7[%dma_start3A_131, %dma_start3A_135] : memref<32x64xi32, #tpu.memory_space<vmem>> -> memref<1x64xi32, #tpu.memory_space<vmem>>
      %dma_start3A_137 = tpu.memref_squeeze %dma_start3A_136 : memref<1x64xi32, #tpu.memory_space<vmem>> -> memref<64xi32, #tpu.memory_space<vmem>>
      %dma_start3A_138 = arith.constant 0 : i32
      %dma_start3A_139 = arith.constant 0 : i32
      %dma_start3A_140 = tpu.memref_slice %arg2[%dma_start3A_138, %dma_start3A_139] : memref<10000x128xf32, #tpu.memory_space<hbm>> -> memref<10000x128xf32, #tpu.memory_space<hbm>>
      tpu.enqueue_indirect_dma source(%dma_start3A_140 : memref<10000x128xf32, #tpu.memory_space<hbm>>) target(%dma_start3A_134 : memref<64x128xf32, #tpu.memory_space<vmem>>) offsets(%dma_start3A_137 : memref<64xi32, #tpu.memory_space<vmem>>) semaphore(%arg15 : memref<!tpu.dma_semaphore, #tpu.memory_space<semaphore_mem>>)
      %dma_wait3A_141 = arith.constant 4 : i32
      %dma_wait3A_142 = arith.constant 0 : i32
      %dma_wait3A_143 = arith.constant 0 : i32
      %dma_wait3A_144 = tpu.memref_slice %arg9[%dma_wait3A_142, %dma_wait3A_143] : memref<128x128xf32, #tpu.memory_space<vmem>> -> memref<64x128xf32, #tpu.memory_space<vmem>>
      %dma_wait3A_145 = arith.constant 0 : i32
      %dma_wait3A_146 = tpu.memref_slice %arg7[%dma_wait3A_141, %dma_wait3A_145] : memref<32x64xi32, #tpu.memory_space<vmem>> -> memref<1x64xi32, #tpu.memory_space<vmem>>
      %dma_wait3A_147 = tpu.memref_squeeze %dma_wait3A_146 : memref<1x64xi32, #tpu.memory_space<vmem>> -> memref<64xi32, #tpu.memory_space<vmem>>
      %dma_wait3A_148 = arith.constant 0 : i32
      %dma_wait3A_149 = arith.constant 0 : i32
      %dma_wait3A_150 = tpu.memref_slice %arg2[%dma_wait3A_148, %dma_wait3A_149] : memref<10000x128xf32, #tpu.memory_space<hbm>> -> memref<10000x128xf32, #tpu.memory_space<hbm>>
      tpu.wait_indirect_dma semaphore(%arg12 : memref<!tpu.dma_semaphore, #tpu.memory_space<semaphore_mem>>) src(%dma_wait3A_150 : memref<10000x128xf32, #tpu.memory_space<hbm>>) dst(%dma_wait3A_144 : memref<64x128xf32, #tpu.memory_space<vmem>>)
      %dma_wait3A_151 = arith.constant 5 : i32
      %dma_wait3A_152 = arith.constant 64 : i32
      %dma_wait3A_153 = arith.constant 0 : i32
      %dma_wait3A_154 = tpu.memref_slice %arg9[%dma_wait3A_152, %dma_wait3A_153] : memref<128x128xf32, #tpu.memory_space<vmem>> -> memref<64x128xf32, #tpu.memory_space<vmem>>
      %dma_wait3A_155 = arith.constant 0 : i32
      %dma_wait3A_156 = tpu.memref_slice %arg7[%dma_wait3A_151, %dma_wait3A_155] : memref<32x64xi32, #tpu.memory_space<vmem>> -> memref<1x64xi32, #tpu.memory_space<vmem>>
      %dma_wait3A_157 = tpu.memref_squeeze %dma_wait3A_156 : memref<1x64xi32, #tpu.memory_space<vmem>> -> memref<64xi32, #tpu.memory_space<vmem>>
      %dma_wait3A_158 = arith.constant 0 : i32
      %dma_wait3A_159 = arith.constant 0 : i32
      %dma_wait3A_160 = tpu.memref_slice %arg2[%dma_wait3A_158, %dma_wait3A_159] : memref<10000x128xf32, #tpu.memory_space<hbm>> -> memref<10000x128xf32, #tpu.memory_space<hbm>>
      tpu.wait_indirect_dma semaphore(%arg13 : memref<!tpu.dma_semaphore, #tpu.memory_space<semaphore_mem>>) src(%dma_wait3A_160 : memref<10000x128xf32, #tpu.memory_space<hbm>>) dst(%dma_wait3A_154 : memref<64x128xf32, #tpu.memory_space<vmem>>)
      %run_scoped3A_161 = arith.constant 2 : i32
      "tpu.region"() ({
        %run_scoped3A_675 = tpu.sem_alloc : memref<!tpu.dma_semaphore, #tpu.memory_space<semaphore_mem>>
        %dma_start3A_676 = arith.constant 0 : i32
        %dma_start3A_677 = tpu.memref_slice %arg8[%run_scoped3A_161, %dma_start3A_676] : memref<16x128xi32, #tpu.memory_space<vmem>> -> memref<1x128xi32, #tpu.memory_space<vmem>>
        %dma_start3A_678 = tpu.memref_squeeze %dma_start3A_677 : memref<1x128xi32, #tpu.memory_space<vmem>> -> memref<128xi32, #tpu.memory_space<vmem>>
        %dma_start3A_679 = arith.constant 0 : i32
        %dma_start3A_680 = arith.constant 0 : i32
        %dma_start3A_681 = tpu.memref_slice %arg11[%dma_start3A_679, %dma_start3A_680] : memref<10112x128xf32, #tpu.memory_space<vmem_shared>> -> memref<10112x128xf32, #tpu.memory_space<vmem_shared>>
        tpu.enqueue_indirect_dma source(%arg9 : memref<128x128xf32, #tpu.memory_space<vmem>>) target(%dma_start3A_681 : memref<10112x128xf32, #tpu.memory_space<vmem_shared>>) offsets(%dma_start3A_678 : memref<128xi32, #tpu.memory_space<vmem>>) semaphore(%run_scoped3A_675 : memref<!tpu.dma_semaphore, #tpu.memory_space<semaphore_mem>>) {add = true}
        %dma_wait3A_682 = arith.constant 0 : i32
        %dma_wait3A_683 = tpu.memref_slice %arg8[%run_scoped3A_161, %dma_wait3A_682] : memref<16x128xi32, #tpu.memory_space<vmem>> -> memref<1x128xi32, #tpu.memory_space<vmem>>
        %dma_wait3A_684 = tpu.memref_squeeze %dma_wait3A_683 : memref<1x128xi32, #tpu.memory_space<vmem>> -> memref<128xi32, #tpu.memory_space<vmem>>
        %dma_wait3A_685 = arith.constant 0 : i32
        %dma_wait3A_686 = arith.constant 0 : i32
        %dma_wait3A_687 = tpu.memref_slice %arg11[%dma_wait3A_685, %dma_wait3A_686] : memref<10112x128xf32, #tpu.memory_space<vmem_shared>> -> memref<10112x128xf32, #tpu.memory_space<vmem_shared>>
        tpu.wait_indirect_dma semaphore(%run_scoped3A_675 : memref<!tpu.dma_semaphore, #tpu.memory_space<semaphore_mem>>) src(%arg9 : memref<128x128xf32, #tpu.memory_space<vmem>>) dst(%dma_wait3A_687 : memref<10112x128xf32, #tpu.memory_space<vmem_shared>>)
        tpu.yield
      }) : () -> ()
      %dma_start3A_162 = arith.constant 8 : i32
      %dma_start3A_163 = arith.constant 0 : i32
      %dma_start3A_164 = arith.constant 0 : i32
      %dma_start3A_165 = tpu.memref_slice %arg9[%dma_start3A_163, %dma_start3A_164] : memref<128x128xf32, #tpu.memory_space<vmem>> -> memref<64x128xf32, #tpu.memory_space<vmem>>
      %dma_start3A_166 = arith.constant 0 : i32
      %dma_start3A_167 = tpu.memref_slice %arg7[%dma_start3A_162, %dma_start3A_166] : memref<32x64xi32, #tpu.memory_space<vmem>> -> memref<1x64xi32, #tpu.memory_space<vmem>>
      %dma_start3A_168 = tpu.memref_squeeze %dma_start3A_167 : memref<1x64xi32, #tpu.memory_space<vmem>> -> memref<64xi32, #tpu.memory_space<vmem>>
      %dma_start3A_169 = arith.constant 0 : i32
      %dma_start3A_170 = arith.constant 0 : i32
      %dma_start3A_171 = tpu.memref_slice %arg2[%dma_start3A_169, %dma_start3A_170] : memref<10000x128xf32, #tpu.memory_space<hbm>> -> memref<10000x128xf32, #tpu.memory_space<hbm>>
      tpu.enqueue_indirect_dma source(%dma_start3A_171 : memref<10000x128xf32, #tpu.memory_space<hbm>>) target(%dma_start3A_165 : memref<64x128xf32, #tpu.memory_space<vmem>>) offsets(%dma_start3A_168 : memref<64xi32, #tpu.memory_space<vmem>>) semaphore(%arg12 : memref<!tpu.dma_semaphore, #tpu.memory_space<semaphore_mem>>)
      %dma_start3A_172 = arith.constant 9 : i32
      %dma_start3A_173 = arith.constant 64 : i32
      %dma_start3A_174 = arith.constant 0 : i32
      %dma_start3A_175 = tpu.memref_slice %arg9[%dma_start3A_173, %dma_start3A_174] : memref<128x128xf32, #tpu.memory_space<vmem>> -> memref<64x128xf32, #tpu.memory_space<vmem>>
      %dma_start3A_176 = arith.constant 0 : i32
      %dma_start3A_177 = tpu.memref_slice %arg7[%dma_start3A_172, %dma_start3A_176] : memref<32x64xi32, #tpu.memory_space<vmem>> -> memref<1x64xi32, #tpu.memory_space<vmem>>
      %dma_start3A_178 = tpu.memref_squeeze %dma_start3A_177 : memref<1x64xi32, #tpu.memory_space<vmem>> -> memref<64xi32, #tpu.memory_space<vmem>>
      %dma_start3A_179 = arith.constant 0 : i32
      %dma_start3A_180 = arith.constant 0 : i32
      %dma_start3A_181 = tpu.memref_slice %arg2[%dma_start3A_179, %dma_start3A_180] : memref<10000x128xf32, #tpu.memory_space<hbm>> -> memref<10000x128xf32, #tpu.memory_space<hbm>>
      tpu.enqueue_indirect_dma source(%dma_start3A_181 : memref<10000x128xf32, #tpu.memory_space<hbm>>) target(%dma_start3A_175 : memref<64x128xf32, #tpu.memory_space<vmem>>) offsets(%dma_start3A_178 : memref<64xi32, #tpu.memory_space<vmem>>) semaphore(%arg13 : memref<!tpu.dma_semaphore, #tpu.memory_space<semaphore_mem>>)
      %dma_wait3A_182 = arith.constant 6 : i32
      %dma_wait3A_183 = arith.constant 0 : i32
      %dma_wait3A_184 = arith.constant 0 : i32
      %dma_wait3A_185 = tpu.memref_slice %arg10[%dma_wait3A_183, %dma_wait3A_184] : memref<128x128xf32, #tpu.memory_space<vmem>> -> memref<64x128xf32, #tpu.memory_space<vmem>>
      %dma_wait3A_186 = arith.constant 0 : i32
      %dma_wait3A_187 = tpu.memref_slice %arg7[%dma_wait3A_182, %dma_wait3A_186] : memref<32x64xi32, #tpu.memory_space<vmem>> -> memref<1x64xi32, #tpu.memory_space<vmem>>
      %dma_wait3A_188 = tpu.memref_squeeze %dma_wait3A_187 : memref<1x64xi32, #tpu.memory_space<vmem>> -> memref<64xi32, #tpu.memory_space<vmem>>
      %dma_wait3A_189 = arith.constant 0 : i32
      %dma_wait3A_190 = arith.constant 0 : i32
      %dma_wait3A_191 = tpu.memref_slice %arg2[%dma_wait3A_189, %dma_wait3A_190] : memref<10000x128xf32, #tpu.memory_space<hbm>> -> memref<10000x128xf32, #tpu.memory_space<hbm>>
      tpu.wait_indirect_dma semaphore(%arg14 : memref<!tpu.dma_semaphore, #tpu.memory_space<semaphore_mem>>) src(%dma_wait3A_191 : memref<10000x128xf32, #tpu.memory_space<hbm>>) dst(%dma_wait3A_185 : memref<64x128xf32, #tpu.memory_space<vmem>>)
      %dma_wait3A_192 = arith.constant 7 : i32
      %dma_wait3A_193 = arith.constant 64 : i32
      %dma_wait3A_194 = arith.constant 0 : i32
      %dma_wait3A_195 = tpu.memref_slice %arg10[%dma_wait3A_193, %dma_wait3A_194] : memref<128x128xf32, #tpu.memory_space<vmem>> -> memref<64x128xf32, #tpu.memory_space<vmem>>
      %dma_wait3A_196 = arith.constant 0 : i32
      %dma_wait3A_197 = tpu.memref_slice %arg7[%dma_wait3A_192, %dma_wait3A_196] : memref<32x64xi32, #tpu.memory_space<vmem>> -> memref<1x64xi32, #tpu.memory_space<vmem>>
      %dma_wait3A_198 = tpu.memref_squeeze %dma_wait3A_197 : memref<1x64xi32, #tpu.memory_space<vmem>> -> memref<64xi32, #tpu.memory_space<vmem>>
      %dma_wait3A_199 = arith.constant 0 : i32
      %dma_wait3A_200 = arith.constant 0 : i32
      %dma_wait3A_201 = tpu.memref_slice %arg2[%dma_wait3A_199, %dma_wait3A_200] : memref<10000x128xf32, #tpu.memory_space<hbm>> -> memref<10000x128xf32, #tpu.memory_space<hbm>>
      tpu.wait_indirect_dma semaphore(%arg15 : memref<!tpu.dma_semaphore, #tpu.memory_space<semaphore_mem>>) src(%dma_wait3A_201 : memref<10000x128xf32, #tpu.memory_space<hbm>>) dst(%dma_wait3A_195 : memref<64x128xf32, #tpu.memory_space<vmem>>)
      %run_scoped3A_202 = arith.constant 3 : i32
      "tpu.region"() ({
        %run_scoped3A_675 = tpu.sem_alloc : memref<!tpu.dma_semaphore, #tpu.memory_space<semaphore_mem>>
        %dma_start3A_676 = arith.constant 0 : i32
        %dma_start3A_677 = tpu.memref_slice %arg8[%run_scoped3A_202, %dma_start3A_676] : memref<16x128xi32, #tpu.memory_space<vmem>> -> memref<1x128xi32, #tpu.memory_space<vmem>>
        %dma_start3A_678 = tpu.memref_squeeze %dma_start3A_677 : memref<1x128xi32, #tpu.memory_space<vmem>> -> memref<128xi32, #tpu.memory_space<vmem>>
        %dma_start3A_679 = arith.constant 0 : i32
        %dma_start3A_680 = arith.constant 0 : i32
        %dma_start3A_681 = tpu.memref_slice %arg11[%dma_start3A_679, %dma_start3A_680] : memref<10112x128xf32, #tpu.memory_space<vmem_shared>> -> memref<10112x128xf32, #tpu.memory_space<vmem_shared>>
        tpu.enqueue_indirect_dma source(%arg10 : memref<128x128xf32, #tpu.memory_space<vmem>>) target(%dma_start3A_681 : memref<10112x128xf32, #tpu.memory_space<vmem_shared>>) offsets(%dma_start3A_678 : memref<128xi32, #tpu.memory_space<vmem>>) semaphore(%run_scoped3A_675 : memref<!tpu.dma_semaphore, #tpu.memory_space<semaphore_mem>>) {add = true}
        %dma_wait3A_682 = arith.constant 0 : i32
        %dma_wait3A_683 = tpu.memref_slice %arg8[%run_scoped3A_202, %dma_wait3A_682] : memref<16x128xi32, #tpu.memory_space<vmem>> -> memref<1x128xi32, #tpu.memory_space<vmem>>
        %dma_wait3A_684 = tpu.memref_squeeze %dma_wait3A_683 : memref<1x128xi32, #tpu.memory_space<vmem>> -> memref<128xi32, #tpu.memory_space<vmem>>
        %dma_wait3A_685 = arith.constant 0 : i32
        %dma_wait3A_686 = arith.constant 0 : i32
        %dma_wait3A_687 = tpu.memref_slice %arg11[%dma_wait3A_685, %dma_wait3A_686] : memref<10112x128xf32, #tpu.memory_space<vmem_shared>> -> memref<10112x128xf32, #tpu.memory_space<vmem_shared>>
        tpu.wait_indirect_dma semaphore(%run_scoped3A_675 : memref<!tpu.dma_semaphore, #tpu.memory_space<semaphore_mem>>) src(%arg10 : memref<128x128xf32, #tpu.memory_space<vmem>>) dst(%dma_wait3A_687 : memref<10112x128xf32, #tpu.memory_space<vmem_shared>>)
        tpu.yield
      }) : () -> ()
      %dma_start3A_203 = arith.constant 10 : i32
      %dma_start3A_204 = arith.constant 0 : i32
      %dma_start3A_205 = arith.constant 0 : i32
      %dma_start3A_206 = tpu.memref_slice %arg10[%dma_start3A_204, %dma_start3A_205] : memref<128x128xf32, #tpu.memory_space<vmem>> -> memref<64x128xf32, #tpu.memory_space<vmem>>
      %dma_start3A_207 = arith.constant 0 : i32
      %dma_start3A_208 = tpu.memref_slice %arg7[%dma_start3A_203, %dma_start3A_207] : memref<32x64xi32, #tpu.memory_space<vmem>> -> memref<1x64xi32, #tpu.memory_space<vmem>>
      %dma_start3A_209 = tpu.memref_squeeze %dma_start3A_208 : memref<1x64xi32, #tpu.memory_space<vmem>> -> memref<64xi32, #tpu.memory_space<vmem>>
      %dma_start3A_210 = arith.constant 0 : i32
      %dma_start3A_211 = arith.constant 0 : i32
      %dma_start3A_212 = tpu.memref_slice %arg2[%dma_start3A_210, %dma_start3A_211] : memref<10000x128xf32, #tpu.memory_space<hbm>> -> memref<10000x128xf32, #tpu.memory_space<hbm>>
      tpu.enqueue_indirect_dma source(%dma_start3A_212 : memref<10000x128xf32, #tpu.memory_space<hbm>>) target(%dma_start3A_206 : memref<64x128xf32, #tpu.memory_space<vmem>>) offsets(%dma_start3A_209 : memref<64xi32, #tpu.memory_space<vmem>>) semaphore(%arg14 : memref<!tpu.dma_semaphore, #tpu.memory_space<semaphore_mem>>)
      %dma_start3A_213 = arith.constant 11 : i32
      %dma_start3A_214 = arith.constant 64 : i32
      %dma_start3A_215 = arith.constant 0 : i32
      %dma_start3A_216 = tpu.memref_slice %arg10[%dma_start3A_214, %dma_start3A_215] : memref<128x128xf32, #tpu.memory_space<vmem>> -> memref<64x128xf32, #tpu.memory_space<vmem>>
      %dma_start3A_217 = arith.constant 0 : i32
      %dma_start3A_218 = tpu.memref_slice %arg7[%dma_start3A_213, %dma_start3A_217] : memref<32x64xi32, #tpu.memory_space<vmem>> -> memref<1x64xi32, #tpu.memory_space<vmem>>
      %dma_start3A_219 = tpu.memref_squeeze %dma_start3A_218 : memref<1x64xi32, #tpu.memory_space<vmem>> -> memref<64xi32, #tpu.memory_space<vmem>>
      %dma_start3A_220 = arith.constant 0 : i32
      %dma_start3A_221 = arith.constant 0 : i32
      %dma_start3A_222 = tpu.memref_slice %arg2[%dma_start3A_220, %dma_start3A_221] : memref<10000x128xf32, #tpu.memory_space<hbm>> -> memref<10000x128xf32, #tpu.memory_space<hbm>>
      tpu.enqueue_indirect_dma source(%dma_start3A_222 : memref<10000x128xf32, #tpu.memory_space<hbm>>) target(%dma_start3A_216 : memref<64x128xf32, #tpu.memory_space<vmem>>) offsets(%dma_start3A_219 : memref<64xi32, #tpu.memory_space<vmem>>) semaphore(%arg15 : memref<!tpu.dma_semaphore, #tpu.memory_space<semaphore_mem>>)
      %dma_wait3A_223 = arith.constant 8 : i32
      %dma_wait3A_224 = arith.constant 0 : i32
      %dma_wait3A_225 = arith.constant 0 : i32
      %dma_wait3A_226 = tpu.memref_slice %arg9[%dma_wait3A_224, %dma_wait3A_225] : memref<128x128xf32, #tpu.memory_space<vmem>> -> memref<64x128xf32, #tpu.memory_space<vmem>>
      %dma_wait3A_227 = arith.constant 0 : i32
      %dma_wait3A_228 = tpu.memref_slice %arg7[%dma_wait3A_223, %dma_wait3A_227] : memref<32x64xi32, #tpu.memory_space<vmem>> -> memref<1x64xi32, #tpu.memory_space<vmem>>
      %dma_wait3A_229 = tpu.memref_squeeze %dma_wait3A_228 : memref<1x64xi32, #tpu.memory_space<vmem>> -> memref<64xi32, #tpu.memory_space<vmem>>
      %dma_wait3A_230 = arith.constant 0 : i32
      %dma_wait3A_231 = arith.constant 0 : i32
      %dma_wait3A_232 = tpu.memref_slice %arg2[%dma_wait3A_230, %dma_wait3A_231] : memref<10000x128xf32, #tpu.memory_space<hbm>> -> memref<10000x128xf32, #tpu.memory_space<hbm>>
      tpu.wait_indirect_dma semaphore(%arg12 : memref<!tpu.dma_semaphore, #tpu.memory_space<semaphore_mem>>) src(%dma_wait3A_232 : memref<10000x128xf32, #tpu.memory_space<hbm>>) dst(%dma_wait3A_226 : memref<64x128xf32, #tpu.memory_space<vmem>>)
      %dma_wait3A_233 = arith.constant 9 : i32
      %dma_wait3A_234 = arith.constant 64 : i32
      %dma_wait3A_235 = arith.constant 0 : i32
      %dma_wait3A_236 = tpu.memref_slice %arg9[%dma_wait3A_234, %dma_wait3A_235] : memref<128x128xf32, #tpu.memory_space<vmem>> -> memref<64x128xf32, #tpu.memory_space<vmem>>
      %dma_wait3A_237 = arith.constant 0 : i32
      %dma_wait3A_238 = tpu.memref_slice %arg7[%dma_wait3A_233, %dma_wait3A_237] : memref<32x64xi32, #tpu.memory_space<vmem>> -> memref<1x64xi32, #tpu.memory_space<vmem>>
      %dma_wait3A_239 = tpu.memref_squeeze %dma_wait3A_238 : memref<1x64xi32, #tpu.memory_space<vmem>> -> memref<64xi32, #tpu.memory_space<vmem>>
      %dma_wait3A_240 = arith.constant 0 : i32
      %dma_wait3A_241 = arith.constant 0 : i32
      %dma_wait3A_242 = tpu.memref_slice %arg2[%dma_wait3A_240, %dma_wait3A_241] : memref<10000x128xf32, #tpu.memory_space<hbm>> -> memref<10000x128xf32, #tpu.memory_space<hbm>>
      tpu.wait_indirect_dma semaphore(%arg13 : memref<!tpu.dma_semaphore, #tpu.memory_space<semaphore_mem>>) src(%dma_wait3A_242 : memref<10000x128xf32, #tpu.memory_space<hbm>>) dst(%dma_wait3A_236 : memref<64x128xf32, #tpu.memory_space<vmem>>)
      %run_scoped3A_243 = arith.constant 4 : i32
      "tpu.region"() ({
        %run_scoped3A_675 = tpu.sem_alloc : memref<!tpu.dma_semaphore, #tpu.memory_space<semaphore_mem>>
        %dma_start3A_676 = arith.constant 0 : i32
        %dma_start3A_677 = tpu.memref_slice %arg8[%run_scoped3A_243, %dma_start3A_676] : memref<16x128xi32, #tpu.memory_space<vmem>> -> memref<1x128xi32, #tpu.memory_space<vmem>>
        %dma_start3A_678 = tpu.memref_squeeze %dma_start3A_677 : memref<1x128xi32, #tpu.memory_space<vmem>> -> memref<128xi32, #tpu.memory_space<vmem>>
        %dma_start3A_679 = arith.constant 0 : i32
        %dma_start3A_680 = arith.constant 0 : i32
        %dma_start3A_681 = tpu.memref_slice %arg11[%dma_start3A_679, %dma_start3A_680] : memref<10112x128xf32, #tpu.memory_space<vmem_shared>> -> memref<10112x128xf32, #tpu.memory_space<vmem_shared>>
        tpu.enqueue_indirect_dma source(%arg9 : memref<128x128xf32, #tpu.memory_space<vmem>>) target(%dma_start3A_681 : memref<10112x128xf32, #tpu.memory_space<vmem_shared>>) offsets(%dma_start3A_678 : memref<128xi32, #tpu.memory_space<vmem>>) semaphore(%run_scoped3A_675 : memref<!tpu.dma_semaphore, #tpu.memory_space<semaphore_mem>>) {add = true}
        %dma_wait3A_682 = arith.constant 0 : i32
        %dma_wait3A_683 = tpu.memref_slice %arg8[%run_scoped3A_243, %dma_wait3A_682] : memref<16x128xi32, #tpu.memory_space<vmem>> -> memref<1x128xi32, #tpu.memory_space<vmem>>
        %dma_wait3A_684 = tpu.memref_squeeze %dma_wait3A_683 : memref<1x128xi32, #tpu.memory_space<vmem>> -> memref<128xi32, #tpu.memory_space<vmem>>
        %dma_wait3A_685 = arith.constant 0 : i32
        %dma_wait3A_686 = arith.constant 0 : i32
        %dma_wait3A_687 = tpu.memref_slice %arg11[%dma_wait3A_685, %dma_wait3A_686] : memref<10112x128xf32, #tpu.memory_space<vmem_shared>> -> memref<10112x128xf32, #tpu.memory_space<vmem_shared>>
        tpu.wait_indirect_dma semaphore(%run_scoped3A_675 : memref<!tpu.dma_semaphore, #tpu.memory_space<semaphore_mem>>) src(%arg9 : memref<128x128xf32, #tpu.memory_space<vmem>>) dst(%dma_wait3A_687 : memref<10112x128xf32, #tpu.memory_space<vmem_shared>>)
        tpu.yield
      }) : () -> ()
      %dma_start3A_244 = arith.constant 12 : i32
      %dma_start3A_245 = arith.constant 0 : i32
      %dma_start3A_246 = arith.constant 0 : i32
      %dma_start3A_247 = tpu.memref_slice %arg9[%dma_start3A_245, %dma_start3A_246] : memref<128x128xf32, #tpu.memory_space<vmem>> -> memref<64x128xf32, #tpu.memory_space<vmem>>
      %dma_start3A_248 = arith.constant 0 : i32
      %dma_start3A_249 = tpu.memref_slice %arg7[%dma_start3A_244, %dma_start3A_248] : memref<32x64xi32, #tpu.memory_space<vmem>> -> memref<1x64xi32, #tpu.memory_space<vmem>>
      %dma_start3A_250 = tpu.memref_squeeze %dma_start3A_249 : memref<1x64xi32, #tpu.memory_space<vmem>> -> memref<64xi32, #tpu.memory_space<vmem>>
      %dma_start3A_251 = arith.constant 0 : i32
      %dma_start3A_252 = arith.constant 0 : i32
      %dma_start3A_253 = tpu.memref_slice %arg2[%dma_start3A_251, %dma_start3A_252] : memref<10000x128xf32, #tpu.memory_space<hbm>> -> memref<10000x128xf32, #tpu.memory_space<hbm>>
      tpu.enqueue_indirect_dma source(%dma_start3A_253 : memref<10000x128xf32, #tpu.memory_space<hbm>>) target(%dma_start3A_247 : memref<64x128xf32, #tpu.memory_space<vmem>>) offsets(%dma_start3A_250 : memref<64xi32, #tpu.memory_space<vmem>>) semaphore(%arg12 : memref<!tpu.dma_semaphore, #tpu.memory_space<semaphore_mem>>)
      %dma_start3A_254 = arith.constant 13 : i32
      %dma_start3A_255 = arith.constant 64 : i32
      %dma_start3A_256 = arith.constant 0 : i32
      %dma_start3A_257 = tpu.memref_slice %arg9[%dma_start3A_255, %dma_start3A_256] : memref<128x128xf32, #tpu.memory_space<vmem>> -> memref<64x128xf32, #tpu.memory_space<vmem>>
      %dma_start3A_258 = arith.constant 0 : i32
      %dma_start3A_259 = tpu.memref_slice %arg7[%dma_start3A_254, %dma_start3A_258] : memref<32x64xi32, #tpu.memory_space<vmem>> -> memref<1x64xi32, #tpu.memory_space<vmem>>
      %dma_start3A_260 = tpu.memref_squeeze %dma_start3A_259 : memref<1x64xi32, #tpu.memory_space<vmem>> -> memref<64xi32, #tpu.memory_space<vmem>>
      %dma_start3A_261 = arith.constant 0 : i32
      %dma_start3A_262 = arith.constant 0 : i32
      %dma_start3A_263 = tpu.memref_slice %arg2[%dma_start3A_261, %dma_start3A_262] : memref<10000x128xf32, #tpu.memory_space<hbm>> -> memref<10000x128xf32, #tpu.memory_space<hbm>>
      tpu.enqueue_indirect_dma source(%dma_start3A_263 : memref<10000x128xf32, #tpu.memory_space<hbm>>) target(%dma_start3A_257 : memref<64x128xf32, #tpu.memory_space<vmem>>) offsets(%dma_start3A_260 : memref<64xi32, #tpu.memory_space<vmem>>) semaphore(%arg13 : memref<!tpu.dma_semaphore, #tpu.memory_space<semaphore_mem>>)
      %dma_wait3A_264 = arith.constant 10 : i32
      %dma_wait3A_265 = arith.constant 0 : i32
      %dma_wait3A_266 = arith.constant 0 : i32
      %dma_wait3A_267 = tpu.memref_slice %arg10[%dma_wait3A_265, %dma_wait3A_266] : memref<128x128xf32, #tpu.memory_space<vmem>> -> memref<64x128xf32, #tpu.memory_space<vmem>>
      %dma_wait3A_268 = arith.constant 0 : i32
      %dma_wait3A_269 = tpu.memref_slice %arg7[%dma_wait3A_264, %dma_wait3A_268] : memref<32x64xi32, #tpu.memory_space<vmem>> -> memref<1x64xi32, #tpu.memory_space<vmem>>
      %dma_wait3A_270 = tpu.memref_squeeze %dma_wait3A_269 : memref<1x64xi32, #tpu.memory_space<vmem>> -> memref<64xi32, #tpu.memory_space<vmem>>
      %dma_wait3A_271 = arith.constant 0 : i32
      %dma_wait3A_272 = arith.constant 0 : i32
      %dma_wait3A_273 = tpu.memref_slice %arg2[%dma_wait3A_271, %dma_wait3A_272] : memref<10000x128xf32, #tpu.memory_space<hbm>> -> memref<10000x128xf32, #tpu.memory_space<hbm>>
      tpu.wait_indirect_dma semaphore(%arg14 : memref<!tpu.dma_semaphore, #tpu.memory_space<semaphore_mem>>) src(%dma_wait3A_273 : memref<10000x128xf32, #tpu.memory_space<hbm>>) dst(%dma_wait3A_267 : memref<64x128xf32, #tpu.memory_space<vmem>>)
      %dma_wait3A_274 = arith.constant 11 : i32
      %dma_wait3A_275 = arith.constant 64 : i32
      %dma_wait3A_276 = arith.constant 0 : i32
      %dma_wait3A_277 = tpu.memref_slice %arg10[%dma_wait3A_275, %dma_wait3A_276] : memref<128x128xf32, #tpu.memory_space<vmem>> -> memref<64x128xf32, #tpu.memory_space<vmem>>
      %dma_wait3A_278 = arith.constant 0 : i32
      %dma_wait3A_279 = tpu.memref_slice %arg7[%dma_wait3A_274, %dma_wait3A_278] : memref<32x64xi32, #tpu.memory_space<vmem>> -> memref<1x64xi32, #tpu.memory_space<vmem>>
      %dma_wait3A_280 = tpu.memref_squeeze %dma_wait3A_279 : memref<1x64xi32, #tpu.memory_space<vmem>> -> memref<64xi32, #tpu.memory_space<vmem>>
      %dma_wait3A_281 = arith.constant 0 : i32
      %dma_wait3A_282 = arith.constant 0 : i32
      %dma_wait3A_283 = tpu.memref_slice %arg2[%dma_wait3A_281, %dma_wait3A_282] : memref<10000x128xf32, #tpu.memory_space<hbm>> -> memref<10000x128xf32, #tpu.memory_space<hbm>>
      tpu.wait_indirect_dma semaphore(%arg15 : memref<!tpu.dma_semaphore, #tpu.memory_space<semaphore_mem>>) src(%dma_wait3A_283 : memref<10000x128xf32, #tpu.memory_space<hbm>>) dst(%dma_wait3A_277 : memref<64x128xf32, #tpu.memory_space<vmem>>)
      %run_scoped3A_284 = arith.constant 5 : i32
      "tpu.region"() ({
        %run_scoped3A_675 = tpu.sem_alloc : memref<!tpu.dma_semaphore, #tpu.memory_space<semaphore_mem>>
        %dma_start3A_676 = arith.constant 0 : i32
        %dma_start3A_677 = tpu.memref_slice %arg8[%run_scoped3A_284, %dma_start3A_676] : memref<16x128xi32, #tpu.memory_space<vmem>> -> memref<1x128xi32, #tpu.memory_space<vmem>>
        %dma_start3A_678 = tpu.memref_squeeze %dma_start3A_677 : memref<1x128xi32, #tpu.memory_space<vmem>> -> memref<128xi32, #tpu.memory_space<vmem>>
        %dma_start3A_679 = arith.constant 0 : i32
        %dma_start3A_680 = arith.constant 0 : i32
        %dma_start3A_681 = tpu.memref_slice %arg11[%dma_start3A_679, %dma_start3A_680] : memref<10112x128xf32, #tpu.memory_space<vmem_shared>> -> memref<10112x128xf32, #tpu.memory_space<vmem_shared>>
        tpu.enqueue_indirect_dma source(%arg10 : memref<128x128xf32, #tpu.memory_space<vmem>>) target(%dma_start3A_681 : memref<10112x128xf32, #tpu.memory_space<vmem_shared>>) offsets(%dma_start3A_678 : memref<128xi32, #tpu.memory_space<vmem>>) semaphore(%run_scoped3A_675 : memref<!tpu.dma_semaphore, #tpu.memory_space<semaphore_mem>>) {add = true}
        %dma_wait3A_682 = arith.constant 0 : i32
        %dma_wait3A_683 = tpu.memref_slice %arg8[%run_scoped3A_284, %dma_wait3A_682] : memref<16x128xi32, #tpu.memory_space<vmem>> -> memref<1x128xi32, #tpu.memory_space<vmem>>
        %dma_wait3A_684 = tpu.memref_squeeze %dma_wait3A_683 : memref<1x128xi32, #tpu.memory_space<vmem>> -> memref<128xi32, #tpu.memory_space<vmem>>
        %dma_wait3A_685 = arith.constant 0 : i32
        %dma_wait3A_686 = arith.constant 0 : i32
        %dma_wait3A_687 = tpu.memref_slice %arg11[%dma_wait3A_685, %dma_wait3A_686] : memref<10112x128xf32, #tpu.memory_space<vmem_shared>> -> memref<10112x128xf32, #tpu.memory_space<vmem_shared>>
        tpu.wait_indirect_dma semaphore(%run_scoped3A_675 : memref<!tpu.dma_semaphore, #tpu.memory_space<semaphore_mem>>) src(%arg10 : memref<128x128xf32, #tpu.memory_space<vmem>>) dst(%dma_wait3A_687 : memref<10112x128xf32, #tpu.memory_space<vmem_shared>>)
        tpu.yield
      }) : () -> ()
      %dma_start3A_285 = arith.constant 14 : i32
      %dma_start3A_286 = arith.constant 0 : i32
      %dma_start3A_287 = arith.constant 0 : i32
      %dma_start3A_288 = tpu.memref_slice %arg10[%dma_start3A_286, %dma_start3A_287] : memref<128x128xf32, #tpu.memory_space<vmem>> -> memref<64x128xf32, #tpu.memory_space<vmem>>
      %dma_start3A_289 = arith.constant 0 : i32
      %dma_start3A_290 = tpu.memref_slice %arg7[%dma_start3A_285, %dma_start3A_289] : memref<32x64xi32, #tpu.memory_space<vmem>> -> memref<1x64xi32, #tpu.memory_space<vmem>>
      %dma_start3A_291 = tpu.memref_squeeze %dma_start3A_290 : memref<1x64xi32, #tpu.memory_space<vmem>> -> memref<64xi32, #tpu.memory_space<vmem>>
      %dma_start3A_292 = arith.constant 0 : i32
      %dma_start3A_293 = arith.constant 0 : i32
      %dma_start3A_294 = tpu.memref_slice %arg2[%dma_start3A_292, %dma_start3A_293] : memref<10000x128xf32, #tpu.memory_space<hbm>> -> memref<10000x128xf32, #tpu.memory_space<hbm>>
      tpu.enqueue_indirect_dma source(%dma_start3A_294 : memref<10000x128xf32, #tpu.memory_space<hbm>>) target(%dma_start3A_288 : memref<64x128xf32, #tpu.memory_space<vmem>>) offsets(%dma_start3A_291 : memref<64xi32, #tpu.memory_space<vmem>>) semaphore(%arg14 : memref<!tpu.dma_semaphore, #tpu.memory_space<semaphore_mem>>)
      %dma_start3A_295 = arith.constant 15 : i32
      %dma_start3A_296 = arith.constant 64 : i32
      %dma_start3A_297 = arith.constant 0 : i32
      %dma_start3A_298 = tpu.memref_slice %arg10[%dma_start3A_296, %dma_start3A_297] : memref<128x128xf32, #tpu.memory_space<vmem>> -> memref<64x128xf32, #tpu.memory_space<vmem>>
      %dma_start3A_299 = arith.constant 0 : i32
      %dma_start3A_300 = tpu.memref_slice %arg7[%dma_start3A_295, %dma_start3A_299] : memref<32x64xi32, #tpu.memory_space<vmem>> -> memref<1x64xi32, #tpu.memory_space<vmem>>
      %dma_start3A_301 = tpu.memref_squeeze %dma_start3A_300 : memref<1x64xi32, #tpu.memory_space<vmem>> -> memref<64xi32, #tpu.memory_space<vmem>>
      %dma_start3A_302 = arith.constant 0 : i32
      %dma_start3A_303 = arith.constant 0 : i32
      %dma_start3A_304 = tpu.memref_slice %arg2[%dma_start3A_302, %dma_start3A_303] : memref<10000x128xf32, #tpu.memory_space<hbm>> -> memref<10000x128xf32, #tpu.memory_space<hbm>>
      tpu.enqueue_indirect_dma source(%dma_start3A_304 : memref<10000x128xf32, #tpu.memory_space<hbm>>) target(%dma_start3A_298 : memref<64x128xf32, #tpu.memory_space<vmem>>) offsets(%dma_start3A_301 : memref<64xi32, #tpu.memory_space<vmem>>) semaphore(%arg15 : memref<!tpu.dma_semaphore, #tpu.memory_space<semaphore_mem>>)
      %dma_wait3A_305 = arith.constant 12 : i32
      %dma_wait3A_306 = arith.constant 0 : i32
      %dma_wait3A_307 = arith.constant 0 : i32
      %dma_wait3A_308 = tpu.memref_slice %arg9[%dma_wait3A_306, %dma_wait3A_307] : memref<128x128xf32, #tpu.memory_space<vmem>> -> memref<64x128xf32, #tpu.memory_space<vmem>>
      %dma_wait3A_309 = arith.constant 0 : i32
      %dma_wait3A_310 = tpu.memref_slice %arg7[%dma_wait3A_305, %dma_wait3A_309] : memref<32x64xi32, #tpu.memory_space<vmem>> -> memref<1x64xi32, #tpu.memory_space<vmem>>
      %dma_wait3A_311 = tpu.memref_squeeze %dma_wait3A_310 : memref<1x64xi32, #tpu.memory_space<vmem>> -> memref<64xi32, #tpu.memory_space<vmem>>
      %dma_wait3A_312 = arith.constant 0 : i32
      %dma_wait3A_313 = arith.constant 0 : i32
      %dma_wait3A_314 = tpu.memref_slice %arg2[%dma_wait3A_312, %dma_wait3A_313] : memref<10000x128xf32, #tpu.memory_space<hbm>> -> memref<10000x128xf32, #tpu.memory_space<hbm>>
      tpu.wait_indirect_dma semaphore(%arg12 : memref<!tpu.dma_semaphore, #tpu.memory_space<semaphore_mem>>) src(%dma_wait3A_314 : memref<10000x128xf32, #tpu.memory_space<hbm>>) dst(%dma_wait3A_308 : memref<64x128xf32, #tpu.memory_space<vmem>>)
      %dma_wait3A_315 = arith.constant 13 : i32
      %dma_wait3A_316 = arith.constant 64 : i32
      %dma_wait3A_317 = arith.constant 0 : i32
      %dma_wait3A_318 = tpu.memref_slice %arg9[%dma_wait3A_316, %dma_wait3A_317] : memref<128x128xf32, #tpu.memory_space<vmem>> -> memref<64x128xf32, #tpu.memory_space<vmem>>
      %dma_wait3A_319 = arith.constant 0 : i32
      %dma_wait3A_320 = tpu.memref_slice %arg7[%dma_wait3A_315, %dma_wait3A_319] : memref<32x64xi32, #tpu.memory_space<vmem>> -> memref<1x64xi32, #tpu.memory_space<vmem>>
      %dma_wait3A_321 = tpu.memref_squeeze %dma_wait3A_320 : memref<1x64xi32, #tpu.memory_space<vmem>> -> memref<64xi32, #tpu.memory_space<vmem>>
      %dma_wait3A_322 = arith.constant 0 : i32
      %dma_wait3A_323 = arith.constant 0 : i32
      %dma_wait3A_324 = tpu.memref_slice %arg2[%dma_wait3A_322, %dma_wait3A_323] : memref<10000x128xf32, #tpu.memory_space<hbm>> -> memref<10000x128xf32, #tpu.memory_space<hbm>>
      tpu.wait_indirect_dma semaphore(%arg13 : memref<!tpu.dma_semaphore, #tpu.memory_space<semaphore_mem>>) src(%dma_wait3A_324 : memref<10000x128xf32, #tpu.memory_space<hbm>>) dst(%dma_wait3A_318 : memref<64x128xf32, #tpu.memory_space<vmem>>)
      %run_scoped3A_325 = arith.constant 6 : i32
      "tpu.region"() ({
        %run_scoped3A_675 = tpu.sem_alloc : memref<!tpu.dma_semaphore, #tpu.memory_space<semaphore_mem>>
        %dma_start3A_676 = arith.constant 0 : i32
        %dma_start3A_677 = tpu.memref_slice %arg8[%run_scoped3A_325, %dma_start3A_676] : memref<16x128xi32, #tpu.memory_space<vmem>> -> memref<1x128xi32, #tpu.memory_space<vmem>>
        %dma_start3A_678 = tpu.memref_squeeze %dma_start3A_677 : memref<1x128xi32, #tpu.memory_space<vmem>> -> memref<128xi32, #tpu.memory_space<vmem>>
        %dma_start3A_679 = arith.constant 0 : i32
        %dma_start3A_680 = arith.constant 0 : i32
        %dma_start3A_681 = tpu.memref_slice %arg11[%dma_start3A_679, %dma_start3A_680] : memref<10112x128xf32, #tpu.memory_space<vmem_shared>> -> memref<10112x128xf32, #tpu.memory_space<vmem_shared>>
        tpu.enqueue_indirect_dma source(%arg9 : memref<128x128xf32, #tpu.memory_space<vmem>>) target(%dma_start3A_681 : memref<10112x128xf32, #tpu.memory_space<vmem_shared>>) offsets(%dma_start3A_678 : memref<128xi32, #tpu.memory_space<vmem>>) semaphore(%run_scoped3A_675 : memref<!tpu.dma_semaphore, #tpu.memory_space<semaphore_mem>>) {add = true}
        %dma_wait3A_682 = arith.constant 0 : i32
        %dma_wait3A_683 = tpu.memref_slice %arg8[%run_scoped3A_325, %dma_wait3A_682] : memref<16x128xi32, #tpu.memory_space<vmem>> -> memref<1x128xi32, #tpu.memory_space<vmem>>
        %dma_wait3A_684 = tpu.memref_squeeze %dma_wait3A_683 : memref<1x128xi32, #tpu.memory_space<vmem>> -> memref<128xi32, #tpu.memory_space<vmem>>
        %dma_wait3A_685 = arith.constant 0 : i32
        %dma_wait3A_686 = arith.constant 0 : i32
        %dma_wait3A_687 = tpu.memref_slice %arg11[%dma_wait3A_685, %dma_wait3A_686] : memref<10112x128xf32, #tpu.memory_space<vmem_shared>> -> memref<10112x128xf32, #tpu.memory_space<vmem_shared>>
        tpu.wait_indirect_dma semaphore(%run_scoped3A_675 : memref<!tpu.dma_semaphore, #tpu.memory_space<semaphore_mem>>) src(%arg9 : memref<128x128xf32, #tpu.memory_space<vmem>>) dst(%dma_wait3A_687 : memref<10112x128xf32, #tpu.memory_space<vmem_shared>>)
        tpu.yield
      }) : () -> ()
      %dma_start3A_326 = arith.constant 16 : i32
      %dma_start3A_327 = arith.constant 0 : i32
      %dma_start3A_328 = arith.constant 0 : i32
      %dma_start3A_329 = tpu.memref_slice %arg9[%dma_start3A_327, %dma_start3A_328] : memref<128x128xf32, #tpu.memory_space<vmem>> -> memref<64x128xf32, #tpu.memory_space<vmem>>
      %dma_start3A_330 = arith.constant 0 : i32
      %dma_start3A_331 = tpu.memref_slice %arg7[%dma_start3A_326, %dma_start3A_330] : memref<32x64xi32, #tpu.memory_space<vmem>> -> memref<1x64xi32, #tpu.memory_space<vmem>>
      %dma_start3A_332 = tpu.memref_squeeze %dma_start3A_331 : memref<1x64xi32, #tpu.memory_space<vmem>> -> memref<64xi32, #tpu.memory_space<vmem>>
      %dma_start3A_333 = arith.constant 0 : i32
      %dma_start3A_334 = arith.constant 0 : i32
      %dma_start3A_335 = tpu.memref_slice %arg2[%dma_start3A_333, %dma_start3A_334] : memref<10000x128xf32, #tpu.memory_space<hbm>> -> memref<10000x128xf32, #tpu.memory_space<hbm>>
      tpu.enqueue_indirect_dma source(%dma_start3A_335 : memref<10000x128xf32, #tpu.memory_space<hbm>>) target(%dma_start3A_329 : memref<64x128xf32, #tpu.memory_space<vmem>>) offsets(%dma_start3A_332 : memref<64xi32, #tpu.memory_space<vmem>>) semaphore(%arg12 : memref<!tpu.dma_semaphore, #tpu.memory_space<semaphore_mem>>)
      %dma_start3A_336 = arith.constant 17 : i32
      %dma_start3A_337 = arith.constant 64 : i32
      %dma_start3A_338 = arith.constant 0 : i32
      %dma_start3A_339 = tpu.memref_slice %arg9[%dma_start3A_337, %dma_start3A_338] : memref<128x128xf32, #tpu.memory_space<vmem>> -> memref<64x128xf32, #tpu.memory_space<vmem>>
      %dma_start3A_340 = arith.constant 0 : i32
      %dma_start3A_341 = tpu.memref_slice %arg7[%dma_start3A_336, %dma_start3A_340] : memref<32x64xi32, #tpu.memory_space<vmem>> -> memref<1x64xi32, #tpu.memory_space<vmem>>
      %dma_start3A_342 = tpu.memref_squeeze %dma_start3A_341 : memref<1x64xi32, #tpu.memory_space<vmem>> -> memref<64xi32, #tpu.memory_space<vmem>>
      %dma_start3A_343 = arith.constant 0 : i32
      %dma_start3A_344 = arith.constant 0 : i32
      %dma_start3A_345 = tpu.memref_slice %arg2[%dma_start3A_343, %dma_start3A_344] : memref<10000x128xf32, #tpu.memory_space<hbm>> -> memref<10000x128xf32, #tpu.memory_space<hbm>>
      tpu.enqueue_indirect_dma source(%dma_start3A_345 : memref<10000x128xf32, #tpu.memory_space<hbm>>) target(%dma_start3A_339 : memref<64x128xf32, #tpu.memory_space<vmem>>) offsets(%dma_start3A_342 : memref<64xi32, #tpu.memory_space<vmem>>) semaphore(%arg13 : memref<!tpu.dma_semaphore, #tpu.memory_space<semaphore_mem>>)
      %dma_wait3A_346 = arith.constant 14 : i32
      %dma_wait3A_347 = arith.constant 0 : i32
      %dma_wait3A_348 = arith.constant 0 : i32
      %dma_wait3A_349 = tpu.memref_slice %arg10[%dma_wait3A_347, %dma_wait3A_348] : memref<128x128xf32, #tpu.memory_space<vmem>> -> memref<64x128xf32, #tpu.memory_space<vmem>>
      %dma_wait3A_350 = arith.constant 0 : i32
      %dma_wait3A_351 = tpu.memref_slice %arg7[%dma_wait3A_346, %dma_wait3A_350] : memref<32x64xi32, #tpu.memory_space<vmem>> -> memref<1x64xi32, #tpu.memory_space<vmem>>
      %dma_wait3A_352 = tpu.memref_squeeze %dma_wait3A_351 : memref<1x64xi32, #tpu.memory_space<vmem>> -> memref<64xi32, #tpu.memory_space<vmem>>
      %dma_wait3A_353 = arith.constant 0 : i32
      %dma_wait3A_354 = arith.constant 0 : i32
      %dma_wait3A_355 = tpu.memref_slice %arg2[%dma_wait3A_353, %dma_wait3A_354] : memref<10000x128xf32, #tpu.memory_space<hbm>> -> memref<10000x128xf32, #tpu.memory_space<hbm>>
      tpu.wait_indirect_dma semaphore(%arg14 : memref<!tpu.dma_semaphore, #tpu.memory_space<semaphore_mem>>) src(%dma_wait3A_355 : memref<10000x128xf32, #tpu.memory_space<hbm>>) dst(%dma_wait3A_349 : memref<64x128xf32, #tpu.memory_space<vmem>>)
      %dma_wait3A_356 = arith.constant 15 : i32
      %dma_wait3A_357 = arith.constant 64 : i32
      %dma_wait3A_358 = arith.constant 0 : i32
      %dma_wait3A_359 = tpu.memref_slice %arg10[%dma_wait3A_357, %dma_wait3A_358] : memref<128x128xf32, #tpu.memory_space<vmem>> -> memref<64x128xf32, #tpu.memory_space<vmem>>
      %dma_wait3A_360 = arith.constant 0 : i32
      %dma_wait3A_361 = tpu.memref_slice %arg7[%dma_wait3A_356, %dma_wait3A_360] : memref<32x64xi32, #tpu.memory_space<vmem>> -> memref<1x64xi32, #tpu.memory_space<vmem>>
      %dma_wait3A_362 = tpu.memref_squeeze %dma_wait3A_361 : memref<1x64xi32, #tpu.memory_space<vmem>> -> memref<64xi32, #tpu.memory_space<vmem>>
      %dma_wait3A_363 = arith.constant 0 : i32
      %dma_wait3A_364 = arith.constant 0 : i32
      %dma_wait3A_365 = tpu.memref_slice %arg2[%dma_wait3A_363, %dma_wait3A_364] : memref<10000x128xf32, #tpu.memory_space<hbm>> -> memref<10000x128xf32, #tpu.memory_space<hbm>>
      tpu.wait_indirect_dma semaphore(%arg15 : memref<!tpu.dma_semaphore, #tpu.memory_space<semaphore_mem>>) src(%dma_wait3A_365 : memref<10000x128xf32, #tpu.memory_space<hbm>>) dst(%dma_wait3A_359 : memref<64x128xf32, #tpu.memory_space<vmem>>)
      %run_scoped3A_366 = arith.constant 7 : i32
      "tpu.region"() ({
        %run_scoped3A_675 = tpu.sem_alloc : memref<!tpu.dma_semaphore, #tpu.memory_space<semaphore_mem>>
        %dma_start3A_676 = arith.constant 0 : i32
        %dma_start3A_677 = tpu.memref_slice %arg8[%run_scoped3A_366, %dma_start3A_676] : memref<16x128xi32, #tpu.memory_space<vmem>> -> memref<1x128xi32, #tpu.memory_space<vmem>>
        %dma_start3A_678 = tpu.memref_squeeze %dma_start3A_677 : memref<1x128xi32, #tpu.memory_space<vmem>> -> memref<128xi32, #tpu.memory_space<vmem>>
        %dma_start3A_679 = arith.constant 0 : i32
        %dma_start3A_680 = arith.constant 0 : i32
        %dma_start3A_681 = tpu.memref_slice %arg11[%dma_start3A_679, %dma_start3A_680] : memref<10112x128xf32, #tpu.memory_space<vmem_shared>> -> memref<10112x128xf32, #tpu.memory_space<vmem_shared>>
        tpu.enqueue_indirect_dma source(%arg10 : memref<128x128xf32, #tpu.memory_space<vmem>>) target(%dma_start3A_681 : memref<10112x128xf32, #tpu.memory_space<vmem_shared>>) offsets(%dma_start3A_678 : memref<128xi32, #tpu.memory_space<vmem>>) semaphore(%run_scoped3A_675 : memref<!tpu.dma_semaphore, #tpu.memory_space<semaphore_mem>>) {add = true}
        %dma_wait3A_682 = arith.constant 0 : i32
        %dma_wait3A_683 = tpu.memref_slice %arg8[%run_scoped3A_366, %dma_wait3A_682] : memref<16x128xi32, #tpu.memory_space<vmem>> -> memref<1x128xi32, #tpu.memory_space<vmem>>
        %dma_wait3A_684 = tpu.memref_squeeze %dma_wait3A_683 : memref<1x128xi32, #tpu.memory_space<vmem>> -> memref<128xi32, #tpu.memory_space<vmem>>
        %dma_wait3A_685 = arith.constant 0 : i32
        %dma_wait3A_686 = arith.constant 0 : i32
        %dma_wait3A_687 = tpu.memref_slice %arg11[%dma_wait3A_685, %dma_wait3A_686] : memref<10112x128xf32, #tpu.memory_space<vmem_shared>> -> memref<10112x128xf32, #tpu.memory_space<vmem_shared>>
        tpu.wait_indirect_dma semaphore(%run_scoped3A_675 : memref<!tpu.dma_semaphore, #tpu.memory_space<semaphore_mem>>) src(%arg10 : memref<128x128xf32, #tpu.memory_space<vmem>>) dst(%dma_wait3A_687 : memref<10112x128xf32, #tpu.memory_space<vmem_shared>>)
        tpu.yield
      }) : () -> ()
      %dma_start3A_367 = arith.constant 18 : i32
      %dma_start3A_368 = arith.constant 0 : i32
      %dma_start3A_369 = arith.constant 0 : i32
      %dma_start3A_370 = tpu.memref_slice %arg10[%dma_start3A_368, %dma_start3A_369] : memref<128x128xf32, #tpu.memory_space<vmem>> -> memref<64x128xf32, #tpu.memory_space<vmem>>
      %dma_start3A_371 = arith.constant 0 : i32
      %dma_start3A_372 = tpu.memref_slice %arg7[%dma_start3A_367, %dma_start3A_371] : memref<32x64xi32, #tpu.memory_space<vmem>> -> memref<1x64xi32, #tpu.memory_space<vmem>>
      %dma_start3A_373 = tpu.memref_squeeze %dma_start3A_372 : memref<1x64xi32, #tpu.memory_space<vmem>> -> memref<64xi32, #tpu.memory_space<vmem>>
      %dma_start3A_374 = arith.constant 0 : i32
      %dma_start3A_375 = arith.constant 0 : i32
      %dma_start3A_376 = tpu.memref_slice %arg2[%dma_start3A_374, %dma_start3A_375] : memref<10000x128xf32, #tpu.memory_space<hbm>> -> memref<10000x128xf32, #tpu.memory_space<hbm>>
      tpu.enqueue_indirect_dma source(%dma_start3A_376 : memref<10000x128xf32, #tpu.memory_space<hbm>>) target(%dma_start3A_370 : memref<64x128xf32, #tpu.memory_space<vmem>>) offsets(%dma_start3A_373 : memref<64xi32, #tpu.memory_space<vmem>>) semaphore(%arg14 : memref<!tpu.dma_semaphore, #tpu.memory_space<semaphore_mem>>)
      %dma_start3A_377 = arith.constant 19 : i32
      %dma_start3A_378 = arith.constant 64 : i32
      %dma_start3A_379 = arith.constant 0 : i32
      %dma_start3A_380 = tpu.memref_slice %arg10[%dma_start3A_378, %dma_start3A_379] : memref<128x128xf32, #tpu.memory_space<vmem>> -> memref<64x128xf32, #tpu.memory_space<vmem>>
      %dma_start3A_381 = arith.constant 0 : i32
      %dma_start3A_382 = tpu.memref_slice %arg7[%dma_start3A_377, %dma_start3A_381] : memref<32x64xi32, #tpu.memory_space<vmem>> -> memref<1x64xi32, #tpu.memory_space<vmem>>
      %dma_start3A_383 = tpu.memref_squeeze %dma_start3A_382 : memref<1x64xi32, #tpu.memory_space<vmem>> -> memref<64xi32, #tpu.memory_space<vmem>>
      %dma_start3A_384 = arith.constant 0 : i32
      %dma_start3A_385 = arith.constant 0 : i32
      %dma_start3A_386 = tpu.memref_slice %arg2[%dma_start3A_384, %dma_start3A_385] : memref<10000x128xf32, #tpu.memory_space<hbm>> -> memref<10000x128xf32, #tpu.memory_space<hbm>>
      tpu.enqueue_indirect_dma source(%dma_start3A_386 : memref<10000x128xf32, #tpu.memory_space<hbm>>) target(%dma_start3A_380 : memref<64x128xf32, #tpu.memory_space<vmem>>) offsets(%dma_start3A_383 : memref<64xi32, #tpu.memory_space<vmem>>) semaphore(%arg15 : memref<!tpu.dma_semaphore, #tpu.memory_space<semaphore_mem>>)
      %dma_wait3A_387 = arith.constant 16 : i32
      %dma_wait3A_388 = arith.constant 0 : i32
      %dma_wait3A_389 = arith.constant 0 : i32
      %dma_wait3A_390 = tpu.memref_slice %arg9[%dma_wait3A_388, %dma_wait3A_389] : memref<128x128xf32, #tpu.memory_space<vmem>> -> memref<64x128xf32, #tpu.memory_space<vmem>>
      %dma_wait3A_391 = arith.constant 0 : i32
      %dma_wait3A_392 = tpu.memref_slice %arg7[%dma_wait3A_387, %dma_wait3A_391] : memref<32x64xi32, #tpu.memory_space<vmem>> -> memref<1x64xi32, #tpu.memory_space<vmem>>
      %dma_wait3A_393 = tpu.memref_squeeze %dma_wait3A_392 : memref<1x64xi32, #tpu.memory_space<vmem>> -> memref<64xi32, #tpu.memory_space<vmem>>
      %dma_wait3A_394 = arith.constant 0 : i32
      %dma_wait3A_395 = arith.constant 0 : i32
      %dma_wait3A_396 = tpu.memref_slice %arg2[%dma_wait3A_394, %dma_wait3A_395] : memref<10000x128xf32, #tpu.memory_space<hbm>> -> memref<10000x128xf32, #tpu.memory_space<hbm>>
      tpu.wait_indirect_dma semaphore(%arg12 : memref<!tpu.dma_semaphore, #tpu.memory_space<semaphore_mem>>) src(%dma_wait3A_396 : memref<10000x128xf32, #tpu.memory_space<hbm>>) dst(%dma_wait3A_390 : memref<64x128xf32, #tpu.memory_space<vmem>>)
      %dma_wait3A_397 = arith.constant 17 : i32
      %dma_wait3A_398 = arith.constant 64 : i32
      %dma_wait3A_399 = arith.constant 0 : i32
      %dma_wait3A_400 = tpu.memref_slice %arg9[%dma_wait3A_398, %dma_wait3A_399] : memref<128x128xf32, #tpu.memory_space<vmem>> -> memref<64x128xf32, #tpu.memory_space<vmem>>
      %dma_wait3A_401 = arith.constant 0 : i32
      %dma_wait3A_402 = tpu.memref_slice %arg7[%dma_wait3A_397, %dma_wait3A_401] : memref<32x64xi32, #tpu.memory_space<vmem>> -> memref<1x64xi32, #tpu.memory_space<vmem>>
      %dma_wait3A_403 = tpu.memref_squeeze %dma_wait3A_402 : memref<1x64xi32, #tpu.memory_space<vmem>> -> memref<64xi32, #tpu.memory_space<vmem>>
      %dma_wait3A_404 = arith.constant 0 : i32
      %dma_wait3A_405 = arith.constant 0 : i32
      %dma_wait3A_406 = tpu.memref_slice %arg2[%dma_wait3A_404, %dma_wait3A_405] : memref<10000x128xf32, #tpu.memory_space<hbm>> -> memref<10000x128xf32, #tpu.memory_space<hbm>>
      tpu.wait_indirect_dma semaphore(%arg13 : memref<!tpu.dma_semaphore, #tpu.memory_space<semaphore_mem>>) src(%dma_wait3A_406 : memref<10000x128xf32, #tpu.memory_space<hbm>>) dst(%dma_wait3A_400 : memref<64x128xf32, #tpu.memory_space<vmem>>)
      %run_scoped3A_407 = arith.constant 8 : i32
      "tpu.region"() ({
        %run_scoped3A_675 = tpu.sem_alloc : memref<!tpu.dma_semaphore, #tpu.memory_space<semaphore_mem>>
        %dma_start3A_676 = arith.constant 0 : i32
        %dma_start3A_677 = tpu.memref_slice %arg8[%run_scoped3A_407, %dma_start3A_676] : memref<16x128xi32, #tpu.memory_space<vmem>> -> memref<1x128xi32, #tpu.memory_space<vmem>>
        %dma_start3A_678 = tpu.memref_squeeze %dma_start3A_677 : memref<1x128xi32, #tpu.memory_space<vmem>> -> memref<128xi32, #tpu.memory_space<vmem>>
        %dma_start3A_679 = arith.constant 0 : i32
        %dma_start3A_680 = arith.constant 0 : i32
        %dma_start3A_681 = tpu.memref_slice %arg11[%dma_start3A_679, %dma_start3A_680] : memref<10112x128xf32, #tpu.memory_space<vmem_shared>> -> memref<10112x128xf32, #tpu.memory_space<vmem_shared>>
        tpu.enqueue_indirect_dma source(%arg9 : memref<128x128xf32, #tpu.memory_space<vmem>>) target(%dma_start3A_681 : memref<10112x128xf32, #tpu.memory_space<vmem_shared>>) offsets(%dma_start3A_678 : memref<128xi32, #tpu.memory_space<vmem>>) semaphore(%run_scoped3A_675 : memref<!tpu.dma_semaphore, #tpu.memory_space<semaphore_mem>>) {add = true}
        %dma_wait3A_682 = arith.constant 0 : i32
        %dma_wait3A_683 = tpu.memref_slice %arg8[%run_scoped3A_407, %dma_wait3A_682] : memref<16x128xi32, #tpu.memory_space<vmem>> -> memref<1x128xi32, #tpu.memory_space<vmem>>
        %dma_wait3A_684 = tpu.memref_squeeze %dma_wait3A_683 : memref<1x128xi32, #tpu.memory_space<vmem>> -> memref<128xi32, #tpu.memory_space<vmem>>
        %dma_wait3A_685 = arith.constant 0 : i32
        %dma_wait3A_686 = arith.constant 0 : i32
        %dma_wait3A_687 = tpu.memref_slice %arg11[%dma_wait3A_685, %dma_wait3A_686] : memref<10112x128xf32, #tpu.memory_space<vmem_shared>> -> memref<10112x128xf32, #tpu.memory_space<vmem_shared>>
        tpu.wait_indirect_dma semaphore(%run_scoped3A_675 : memref<!tpu.dma_semaphore, #tpu.memory_space<semaphore_mem>>) src(%arg9 : memref<128x128xf32, #tpu.memory_space<vmem>>) dst(%dma_wait3A_687 : memref<10112x128xf32, #tpu.memory_space<vmem_shared>>)
        tpu.yield
      }) : () -> ()
      %dma_start3A_408 = arith.constant 20 : i32
      %dma_start3A_409 = arith.constant 0 : i32
      %dma_start3A_410 = arith.constant 0 : i32
      %dma_start3A_411 = tpu.memref_slice %arg9[%dma_start3A_409, %dma_start3A_410] : memref<128x128xf32, #tpu.memory_space<vmem>> -> memref<64x128xf32, #tpu.memory_space<vmem>>
      %dma_start3A_412 = arith.constant 0 : i32
      %dma_start3A_413 = tpu.memref_slice %arg7[%dma_start3A_408, %dma_start3A_412] : memref<32x64xi32, #tpu.memory_space<vmem>> -> memref<1x64xi32, #tpu.memory_space<vmem>>
      %dma_start3A_414 = tpu.memref_squeeze %dma_start3A_413 : memref<1x64xi32, #tpu.memory_space<vmem>> -> memref<64xi32, #tpu.memory_space<vmem>>
      %dma_start3A_415 = arith.constant 0 : i32
      %dma_start3A_416 = arith.constant 0 : i32
      %dma_start3A_417 = tpu.memref_slice %arg2[%dma_start3A_415, %dma_start3A_416] : memref<10000x128xf32, #tpu.memory_space<hbm>> -> memref<10000x128xf32, #tpu.memory_space<hbm>>
      tpu.enqueue_indirect_dma source(%dma_start3A_417 : memref<10000x128xf32, #tpu.memory_space<hbm>>) target(%dma_start3A_411 : memref<64x128xf32, #tpu.memory_space<vmem>>) offsets(%dma_start3A_414 : memref<64xi32, #tpu.memory_space<vmem>>) semaphore(%arg12 : memref<!tpu.dma_semaphore, #tpu.memory_space<semaphore_mem>>)
      %dma_start3A_418 = arith.constant 21 : i32
      %dma_start3A_419 = arith.constant 64 : i32
      %dma_start3A_420 = arith.constant 0 : i32
      %dma_start3A_421 = tpu.memref_slice %arg9[%dma_start3A_419, %dma_start3A_420] : memref<128x128xf32, #tpu.memory_space<vmem>> -> memref<64x128xf32, #tpu.memory_space<vmem>>
      %dma_start3A_422 = arith.constant 0 : i32
      %dma_start3A_423 = tpu.memref_slice %arg7[%dma_start3A_418, %dma_start3A_422] : memref<32x64xi32, #tpu.memory_space<vmem>> -> memref<1x64xi32, #tpu.memory_space<vmem>>
      %dma_start3A_424 = tpu.memref_squeeze %dma_start3A_423 : memref<1x64xi32, #tpu.memory_space<vmem>> -> memref<64xi32, #tpu.memory_space<vmem>>
      %dma_start3A_425 = arith.constant 0 : i32
      %dma_start3A_426 = arith.constant 0 : i32
      %dma_start3A_427 = tpu.memref_slice %arg2[%dma_start3A_425, %dma_start3A_426] : memref<10000x128xf32, #tpu.memory_space<hbm>> -> memref<10000x128xf32, #tpu.memory_space<hbm>>
      tpu.enqueue_indirect_dma source(%dma_start3A_427 : memref<10000x128xf32, #tpu.memory_space<hbm>>) target(%dma_start3A_421 : memref<64x128xf32, #tpu.memory_space<vmem>>) offsets(%dma_start3A_424 : memref<64xi32, #tpu.memory_space<vmem>>) semaphore(%arg13 : memref<!tpu.dma_semaphore, #tpu.memory_space<semaphore_mem>>)
      %dma_wait3A_428 = arith.constant 18 : i32
      %dma_wait3A_429 = arith.constant 0 : i32
      %dma_wait3A_430 = arith.constant 0 : i32
      %dma_wait3A_431 = tpu.memref_slice %arg10[%dma_wait3A_429, %dma_wait3A_430] : memref<128x128xf32, #tpu.memory_space<vmem>> -> memref<64x128xf32, #tpu.memory_space<vmem>>
      %dma_wait3A_432 = arith.constant 0 : i32
      %dma_wait3A_433 = tpu.memref_slice %arg7[%dma_wait3A_428, %dma_wait3A_432] : memref<32x64xi32, #tpu.memory_space<vmem>> -> memref<1x64xi32, #tpu.memory_space<vmem>>
      %dma_wait3A_434 = tpu.memref_squeeze %dma_wait3A_433 : memref<1x64xi32, #tpu.memory_space<vmem>> -> memref<64xi32, #tpu.memory_space<vmem>>
      %dma_wait3A_435 = arith.constant 0 : i32
      %dma_wait3A_436 = arith.constant 0 : i32
      %dma_wait3A_437 = tpu.memref_slice %arg2[%dma_wait3A_435, %dma_wait3A_436] : memref<10000x128xf32, #tpu.memory_space<hbm>> -> memref<10000x128xf32, #tpu.memory_space<hbm>>
      tpu.wait_indirect_dma semaphore(%arg14 : memref<!tpu.dma_semaphore, #tpu.memory_space<semaphore_mem>>) src(%dma_wait3A_437 : memref<10000x128xf32, #tpu.memory_space<hbm>>) dst(%dma_wait3A_431 : memref<64x128xf32, #tpu.memory_space<vmem>>)
      %dma_wait3A_438 = arith.constant 19 : i32
      %dma_wait3A_439 = arith.constant 64 : i32
      %dma_wait3A_440 = arith.constant 0 : i32
      %dma_wait3A_441 = tpu.memref_slice %arg10[%dma_wait3A_439, %dma_wait3A_440] : memref<128x128xf32, #tpu.memory_space<vmem>> -> memref<64x128xf32, #tpu.memory_space<vmem>>
      %dma_wait3A_442 = arith.constant 0 : i32
      %dma_wait3A_443 = tpu.memref_slice %arg7[%dma_wait3A_438, %dma_wait3A_442] : memref<32x64xi32, #tpu.memory_space<vmem>> -> memref<1x64xi32, #tpu.memory_space<vmem>>
      %dma_wait3A_444 = tpu.memref_squeeze %dma_wait3A_443 : memref<1x64xi32, #tpu.memory_space<vmem>> -> memref<64xi32, #tpu.memory_space<vmem>>
      %dma_wait3A_445 = arith.constant 0 : i32
      %dma_wait3A_446 = arith.constant 0 : i32
      %dma_wait3A_447 = tpu.memref_slice %arg2[%dma_wait3A_445, %dma_wait3A_446] : memref<10000x128xf32, #tpu.memory_space<hbm>> -> memref<10000x128xf32, #tpu.memory_space<hbm>>
      tpu.wait_indirect_dma semaphore(%arg15 : memref<!tpu.dma_semaphore, #tpu.memory_space<semaphore_mem>>) src(%dma_wait3A_447 : memref<10000x128xf32, #tpu.memory_space<hbm>>) dst(%dma_wait3A_441 : memref<64x128xf32, #tpu.memory_space<vmem>>)
      %run_scoped3A_448 = arith.constant 9 : i32
      "tpu.region"() ({
        %run_scoped3A_675 = tpu.sem_alloc : memref<!tpu.dma_semaphore, #tpu.memory_space<semaphore_mem>>
        %dma_start3A_676 = arith.constant 0 : i32
        %dma_start3A_677 = tpu.memref_slice %arg8[%run_scoped3A_448, %dma_start3A_676] : memref<16x128xi32, #tpu.memory_space<vmem>> -> memref<1x128xi32, #tpu.memory_space<vmem>>
        %dma_start3A_678 = tpu.memref_squeeze %dma_start3A_677 : memref<1x128xi32, #tpu.memory_space<vmem>> -> memref<128xi32, #tpu.memory_space<vmem>>
        %dma_start3A_679 = arith.constant 0 : i32
        %dma_start3A_680 = arith.constant 0 : i32
        %dma_start3A_681 = tpu.memref_slice %arg11[%dma_start3A_679, %dma_start3A_680] : memref<10112x128xf32, #tpu.memory_space<vmem_shared>> -> memref<10112x128xf32, #tpu.memory_space<vmem_shared>>
        tpu.enqueue_indirect_dma source(%arg10 : memref<128x128xf32, #tpu.memory_space<vmem>>) target(%dma_start3A_681 : memref<10112x128xf32, #tpu.memory_space<vmem_shared>>) offsets(%dma_start3A_678 : memref<128xi32, #tpu.memory_space<vmem>>) semaphore(%run_scoped3A_675 : memref<!tpu.dma_semaphore, #tpu.memory_space<semaphore_mem>>) {add = true}
        %dma_wait3A_682 = arith.constant 0 : i32
        %dma_wait3A_683 = tpu.memref_slice %arg8[%run_scoped3A_448, %dma_wait3A_682] : memref<16x128xi32, #tpu.memory_space<vmem>> -> memref<1x128xi32, #tpu.memory_space<vmem>>
        %dma_wait3A_684 = tpu.memref_squeeze %dma_wait3A_683 : memref<1x128xi32, #tpu.memory_space<vmem>> -> memref<128xi32, #tpu.memory_space<vmem>>
        %dma_wait3A_685 = arith.constant 0 : i32
        %dma_wait3A_686 = arith.constant 0 : i32
        %dma_wait3A_687 = tpu.memref_slice %arg11[%dma_wait3A_685, %dma_wait3A_686] : memref<10112x128xf32, #tpu.memory_space<vmem_shared>> -> memref<10112x128xf32, #tpu.memory_space<vmem_shared>>
        tpu.wait_indirect_dma semaphore(%run_scoped3A_675 : memref<!tpu.dma_semaphore, #tpu.memory_space<semaphore_mem>>) src(%arg10 : memref<128x128xf32, #tpu.memory_space<vmem>>) dst(%dma_wait3A_687 : memref<10112x128xf32, #tpu.memory_space<vmem_shared>>)
        tpu.yield
      }) : () -> ()
      %dma_start3A_449 = arith.constant 22 : i32
      %dma_start3A_450 = arith.constant 0 : i32
      %dma_start3A_451 = arith.constant 0 : i32
      %dma_start3A_452 = tpu.memref_slice %arg10[%dma_start3A_450, %dma_start3A_451] : memref<128x128xf32, #tpu.memory_space<vmem>> -> memref<64x128xf32, #tpu.memory_space<vmem>>
      %dma_start3A_453 = arith.constant 0 : i32
      %dma_start3A_454 = tpu.memref_slice %arg7[%dma_start3A_449, %dma_start3A_453] : memref<32x64xi32, #tpu.memory_space<vmem>> -> memref<1x64xi32, #tpu.memory_space<vmem>>
      %dma_start3A_455 = tpu.memref_squeeze %dma_start3A_454 : memref<1x64xi32, #tpu.memory_space<vmem>> -> memref<64xi32, #tpu.memory_space<vmem>>
      %dma_start3A_456 = arith.constant 0 : i32
      %dma_start3A_457 = arith.constant 0 : i32
      %dma_start3A_458 = tpu.memref_slice %arg2[%dma_start3A_456, %dma_start3A_457] : memref<10000x128xf32, #tpu.memory_space<hbm>> -> memref<10000x128xf32, #tpu.memory_space<hbm>>
      tpu.enqueue_indirect_dma source(%dma_start3A_458 : memref<10000x128xf32, #tpu.memory_space<hbm>>) target(%dma_start3A_452 : memref<64x128xf32, #tpu.memory_space<vmem>>) offsets(%dma_start3A_455 : memref<64xi32, #tpu.memory_space<vmem>>) semaphore(%arg14 : memref<!tpu.dma_semaphore, #tpu.memory_space<semaphore_mem>>)
      %dma_start3A_459 = arith.constant 23 : i32
      %dma_start3A_460 = arith.constant 64 : i32
      %dma_start3A_461 = arith.constant 0 : i32
      %dma_start3A_462 = tpu.memref_slice %arg10[%dma_start3A_460, %dma_start3A_461] : memref<128x128xf32, #tpu.memory_space<vmem>> -> memref<64x128xf32, #tpu.memory_space<vmem>>
      %dma_start3A_463 = arith.constant 0 : i32
      %dma_start3A_464 = tpu.memref_slice %arg7[%dma_start3A_459, %dma_start3A_463] : memref<32x64xi32, #tpu.memory_space<vmem>> -> memref<1x64xi32, #tpu.memory_space<vmem>>
      %dma_start3A_465 = tpu.memref_squeeze %dma_start3A_464 : memref<1x64xi32, #tpu.memory_space<vmem>> -> memref<64xi32, #tpu.memory_space<vmem>>
      %dma_start3A_466 = arith.constant 0 : i32
      %dma_start3A_467 = arith.constant 0 : i32
      %dma_start3A_468 = tpu.memref_slice %arg2[%dma_start3A_466, %dma_start3A_467] : memref<10000x128xf32, #tpu.memory_space<hbm>> -> memref<10000x128xf32, #tpu.memory_space<hbm>>
      tpu.enqueue_indirect_dma source(%dma_start3A_468 : memref<10000x128xf32, #tpu.memory_space<hbm>>) target(%dma_start3A_462 : memref<64x128xf32, #tpu.memory_space<vmem>>) offsets(%dma_start3A_465 : memref<64xi32, #tpu.memory_space<vmem>>) semaphore(%arg15 : memref<!tpu.dma_semaphore, #tpu.memory_space<semaphore_mem>>)
      %dma_wait3A_469 = arith.constant 20 : i32
      %dma_wait3A_470 = arith.constant 0 : i32
      %dma_wait3A_471 = arith.constant 0 : i32
      %dma_wait3A_472 = tpu.memref_slice %arg9[%dma_wait3A_470, %dma_wait3A_471] : memref<128x128xf32, #tpu.memory_space<vmem>> -> memref<64x128xf32, #tpu.memory_space<vmem>>
      %dma_wait3A_473 = arith.constant 0 : i32
      %dma_wait3A_474 = tpu.memref_slice %arg7[%dma_wait3A_469, %dma_wait3A_473] : memref<32x64xi32, #tpu.memory_space<vmem>> -> memref<1x64xi32, #tpu.memory_space<vmem>>
      %dma_wait3A_475 = tpu.memref_squeeze %dma_wait3A_474 : memref<1x64xi32, #tpu.memory_space<vmem>> -> memref<64xi32, #tpu.memory_space<vmem>>
      %dma_wait3A_476 = arith.constant 0 : i32
      %dma_wait3A_477 = arith.constant 0 : i32
      %dma_wait3A_478 = tpu.memref_slice %arg2[%dma_wait3A_476, %dma_wait3A_477] : memref<10000x128xf32, #tpu.memory_space<hbm>> -> memref<10000x128xf32, #tpu.memory_space<hbm>>
      tpu.wait_indirect_dma semaphore(%arg12 : memref<!tpu.dma_semaphore, #tpu.memory_space<semaphore_mem>>) src(%dma_wait3A_478 : memref<10000x128xf32, #tpu.memory_space<hbm>>) dst(%dma_wait3A_472 : memref<64x128xf32, #tpu.memory_space<vmem>>)
      %dma_wait3A_479 = arith.constant 21 : i32
      %dma_wait3A_480 = arith.constant 64 : i32
      %dma_wait3A_481 = arith.constant 0 : i32
      %dma_wait3A_482 = tpu.memref_slice %arg9[%dma_wait3A_480, %dma_wait3A_481] : memref<128x128xf32, #tpu.memory_space<vmem>> -> memref<64x128xf32, #tpu.memory_space<vmem>>
      %dma_wait3A_483 = arith.constant 0 : i32
      %dma_wait3A_484 = tpu.memref_slice %arg7[%dma_wait3A_479, %dma_wait3A_483] : memref<32x64xi32, #tpu.memory_space<vmem>> -> memref<1x64xi32, #tpu.memory_space<vmem>>
      %dma_wait3A_485 = tpu.memref_squeeze %dma_wait3A_484 : memref<1x64xi32, #tpu.memory_space<vmem>> -> memref<64xi32, #tpu.memory_space<vmem>>
      %dma_wait3A_486 = arith.constant 0 : i32
      %dma_wait3A_487 = arith.constant 0 : i32
      %dma_wait3A_488 = tpu.memref_slice %arg2[%dma_wait3A_486, %dma_wait3A_487] : memref<10000x128xf32, #tpu.memory_space<hbm>> -> memref<10000x128xf32, #tpu.memory_space<hbm>>
      tpu.wait_indirect_dma semaphore(%arg13 : memref<!tpu.dma_semaphore, #tpu.memory_space<semaphore_mem>>) src(%dma_wait3A_488 : memref<10000x128xf32, #tpu.memory_space<hbm>>) dst(%dma_wait3A_482 : memref<64x128xf32, #tpu.memory_space<vmem>>)
      %run_scoped3A_489 = arith.constant 10 : i32
      "tpu.region"() ({
        %run_scoped3A_675 = tpu.sem_alloc : memref<!tpu.dma_semaphore, #tpu.memory_space<semaphore_mem>>
        %dma_start3A_676 = arith.constant 0 : i32
        %dma_start3A_677 = tpu.memref_slice %arg8[%run_scoped3A_489, %dma_start3A_676] : memref<16x128xi32, #tpu.memory_space<vmem>> -> memref<1x128xi32, #tpu.memory_space<vmem>>
        %dma_start3A_678 = tpu.memref_squeeze %dma_start3A_677 : memref<1x128xi32, #tpu.memory_space<vmem>> -> memref<128xi32, #tpu.memory_space<vmem>>
        %dma_start3A_679 = arith.constant 0 : i32
        %dma_start3A_680 = arith.constant 0 : i32
        %dma_start3A_681 = tpu.memref_slice %arg11[%dma_start3A_679, %dma_start3A_680] : memref<10112x128xf32, #tpu.memory_space<vmem_shared>> -> memref<10112x128xf32, #tpu.memory_space<vmem_shared>>
        tpu.enqueue_indirect_dma source(%arg9 : memref<128x128xf32, #tpu.memory_space<vmem>>) target(%dma_start3A_681 : memref<10112x128xf32, #tpu.memory_space<vmem_shared>>) offsets(%dma_start3A_678 : memref<128xi32, #tpu.memory_space<vmem>>) semaphore(%run_scoped3A_675 : memref<!tpu.dma_semaphore, #tpu.memory_space<semaphore_mem>>) {add = true}
        %dma_wait3A_682 = arith.constant 0 : i32
        %dma_wait3A_683 = tpu.memref_slice %arg8[%run_scoped3A_489, %dma_wait3A_682] : memref<16x128xi32, #tpu.memory_space<vmem>> -> memref<1x128xi32, #tpu.memory_space<vmem>>
        %dma_wait3A_684 = tpu.memref_squeeze %dma_wait3A_683 : memref<1x128xi32, #tpu.memory_space<vmem>> -> memref<128xi32, #tpu.memory_space<vmem>>
        %dma_wait3A_685 = arith.constant 0 : i32
        %dma_wait3A_686 = arith.constant 0 : i32
        %dma_wait3A_687 = tpu.memref_slice %arg11[%dma_wait3A_685, %dma_wait3A_686] : memref<10112x128xf32, #tpu.memory_space<vmem_shared>> -> memref<10112x128xf32, #tpu.memory_space<vmem_shared>>
        tpu.wait_indirect_dma semaphore(%run_scoped3A_675 : memref<!tpu.dma_semaphore, #tpu.memory_space<semaphore_mem>>) src(%arg9 : memref<128x128xf32, #tpu.memory_space<vmem>>) dst(%dma_wait3A_687 : memref<10112x128xf32, #tpu.memory_space<vmem_shared>>)
        tpu.yield
      }) : () -> ()
      %dma_start3A_490 = arith.constant 24 : i32
      %dma_start3A_491 = arith.constant 0 : i32
      %dma_start3A_492 = arith.constant 0 : i32
      %dma_start3A_493 = tpu.memref_slice %arg9[%dma_start3A_491, %dma_start3A_492] : memref<128x128xf32, #tpu.memory_space<vmem>> -> memref<64x128xf32, #tpu.memory_space<vmem>>
      %dma_start3A_494 = arith.constant 0 : i32
      %dma_start3A_495 = tpu.memref_slice %arg7[%dma_start3A_490, %dma_start3A_494] : memref<32x64xi32, #tpu.memory_space<vmem>> -> memref<1x64xi32, #tpu.memory_space<vmem>>
      %dma_start3A_496 = tpu.memref_squeeze %dma_start3A_495 : memref<1x64xi32, #tpu.memory_space<vmem>> -> memref<64xi32, #tpu.memory_space<vmem>>
      %dma_start3A_497 = arith.constant 0 : i32
      %dma_start3A_498 = arith.constant 0 : i32
      %dma_start3A_499 = tpu.memref_slice %arg2[%dma_start3A_497, %dma_start3A_498] : memref<10000x128xf32, #tpu.memory_space<hbm>> -> memref<10000x128xf32, #tpu.memory_space<hbm>>
      tpu.enqueue_indirect_dma source(%dma_start3A_499 : memref<10000x128xf32, #tpu.memory_space<hbm>>) target(%dma_start3A_493 : memref<64x128xf32, #tpu.memory_space<vmem>>) offsets(%dma_start3A_496 : memref<64xi32, #tpu.memory_space<vmem>>) semaphore(%arg12 : memref<!tpu.dma_semaphore, #tpu.memory_space<semaphore_mem>>)
      %dma_start3A_500 = arith.constant 25 : i32
      %dma_start3A_501 = arith.constant 64 : i32
      %dma_start3A_502 = arith.constant 0 : i32
      %dma_start3A_503 = tpu.memref_slice %arg9[%dma_start3A_501, %dma_start3A_502] : memref<128x128xf32, #tpu.memory_space<vmem>> -> memref<64x128xf32, #tpu.memory_space<vmem>>
      %dma_start3A_504 = arith.constant 0 : i32
      %dma_start3A_505 = tpu.memref_slice %arg7[%dma_start3A_500, %dma_start3A_504] : memref<32x64xi32, #tpu.memory_space<vmem>> -> memref<1x64xi32, #tpu.memory_space<vmem>>
      %dma_start3A_506 = tpu.memref_squeeze %dma_start3A_505 : memref<1x64xi32, #tpu.memory_space<vmem>> -> memref<64xi32, #tpu.memory_space<vmem>>
      %dma_start3A_507 = arith.constant 0 : i32
      %dma_start3A_508 = arith.constant 0 : i32
      %dma_start3A_509 = tpu.memref_slice %arg2[%dma_start3A_507, %dma_start3A_508] : memref<10000x128xf32, #tpu.memory_space<hbm>> -> memref<10000x128xf32, #tpu.memory_space<hbm>>
      tpu.enqueue_indirect_dma source(%dma_start3A_509 : memref<10000x128xf32, #tpu.memory_space<hbm>>) target(%dma_start3A_503 : memref<64x128xf32, #tpu.memory_space<vmem>>) offsets(%dma_start3A_506 : memref<64xi32, #tpu.memory_space<vmem>>) semaphore(%arg13 : memref<!tpu.dma_semaphore, #tpu.memory_space<semaphore_mem>>)
      %dma_wait3A_510 = arith.constant 22 : i32
      %dma_wait3A_511 = arith.constant 0 : i32
      %dma_wait3A_512 = arith.constant 0 : i32
      %dma_wait3A_513 = tpu.memref_slice %arg10[%dma_wait3A_511, %dma_wait3A_512] : memref<128x128xf32, #tpu.memory_space<vmem>> -> memref<64x128xf32, #tpu.memory_space<vmem>>
      %dma_wait3A_514 = arith.constant 0 : i32
      %dma_wait3A_515 = tpu.memref_slice %arg7[%dma_wait3A_510, %dma_wait3A_514] : memref<32x64xi32, #tpu.memory_space<vmem>> -> memref<1x64xi32, #tpu.memory_space<vmem>>
      %dma_wait3A_516 = tpu.memref_squeeze %dma_wait3A_515 : memref<1x64xi32, #tpu.memory_space<vmem>> -> memref<64xi32, #tpu.memory_space<vmem>>
      %dma_wait3A_517 = arith.constant 0 : i32
      %dma_wait3A_518 = arith.constant 0 : i32
      %dma_wait3A_519 = tpu.memref_slice %arg2[%dma_wait3A_517, %dma_wait3A_518] : memref<10000x128xf32, #tpu.memory_space<hbm>> -> memref<10000x128xf32, #tpu.memory_space<hbm>>
      tpu.wait_indirect_dma semaphore(%arg14 : memref<!tpu.dma_semaphore, #tpu.memory_space<semaphore_mem>>) src(%dma_wait3A_519 : memref<10000x128xf32, #tpu.memory_space<hbm>>) dst(%dma_wait3A_513 : memref<64x128xf32, #tpu.memory_space<vmem>>)
      %dma_wait3A_520 = arith.constant 23 : i32
      %dma_wait3A_521 = arith.constant 64 : i32
      %dma_wait3A_522 = arith.constant 0 : i32
      %dma_wait3A_523 = tpu.memref_slice %arg10[%dma_wait3A_521, %dma_wait3A_522] : memref<128x128xf32, #tpu.memory_space<vmem>> -> memref<64x128xf32, #tpu.memory_space<vmem>>
      %dma_wait3A_524 = arith.constant 0 : i32
      %dma_wait3A_525 = tpu.memref_slice %arg7[%dma_wait3A_520, %dma_wait3A_524] : memref<32x64xi32, #tpu.memory_space<vmem>> -> memref<1x64xi32, #tpu.memory_space<vmem>>
      %dma_wait3A_526 = tpu.memref_squeeze %dma_wait3A_525 : memref<1x64xi32, #tpu.memory_space<vmem>> -> memref<64xi32, #tpu.memory_space<vmem>>
      %dma_wait3A_527 = arith.constant 0 : i32
      %dma_wait3A_528 = arith.constant 0 : i32
      %dma_wait3A_529 = tpu.memref_slice %arg2[%dma_wait3A_527, %dma_wait3A_528] : memref<10000x128xf32, #tpu.memory_space<hbm>> -> memref<10000x128xf32, #tpu.memory_space<hbm>>
      tpu.wait_indirect_dma semaphore(%arg15 : memref<!tpu.dma_semaphore, #tpu.memory_space<semaphore_mem>>) src(%dma_wait3A_529 : memref<10000x128xf32, #tpu.memory_space<hbm>>) dst(%dma_wait3A_523 : memref<64x128xf32, #tpu.memory_space<vmem>>)
      %run_scoped3A_530 = arith.constant 11 : i32
      "tpu.region"() ({
        %run_scoped3A_675 = tpu.sem_alloc : memref<!tpu.dma_semaphore, #tpu.memory_space<semaphore_mem>>
        %dma_start3A_676 = arith.constant 0 : i32
        %dma_start3A_677 = tpu.memref_slice %arg8[%run_scoped3A_530, %dma_start3A_676] : memref<16x128xi32, #tpu.memory_space<vmem>> -> memref<1x128xi32, #tpu.memory_space<vmem>>
        %dma_start3A_678 = tpu.memref_squeeze %dma_start3A_677 : memref<1x128xi32, #tpu.memory_space<vmem>> -> memref<128xi32, #tpu.memory_space<vmem>>
        %dma_start3A_679 = arith.constant 0 : i32
        %dma_start3A_680 = arith.constant 0 : i32
        %dma_start3A_681 = tpu.memref_slice %arg11[%dma_start3A_679, %dma_start3A_680] : memref<10112x128xf32, #tpu.memory_space<vmem_shared>> -> memref<10112x128xf32, #tpu.memory_space<vmem_shared>>
        tpu.enqueue_indirect_dma source(%arg10 : memref<128x128xf32, #tpu.memory_space<vmem>>) target(%dma_start3A_681 : memref<10112x128xf32, #tpu.memory_space<vmem_shared>>) offsets(%dma_start3A_678 : memref<128xi32, #tpu.memory_space<vmem>>) semaphore(%run_scoped3A_675 : memref<!tpu.dma_semaphore, #tpu.memory_space<semaphore_mem>>) {add = true}
        %dma_wait3A_682 = arith.constant 0 : i32
        %dma_wait3A_683 = tpu.memref_slice %arg8[%run_scoped3A_530, %dma_wait3A_682] : memref<16x128xi32, #tpu.memory_space<vmem>> -> memref<1x128xi32, #tpu.memory_space<vmem>>
        %dma_wait3A_684 = tpu.memref_squeeze %dma_wait3A_683 : memref<1x128xi32, #tpu.memory_space<vmem>> -> memref<128xi32, #tpu.memory_space<vmem>>
        %dma_wait3A_685 = arith.constant 0 : i32
        %dma_wait3A_686 = arith.constant 0 : i32
        %dma_wait3A_687 = tpu.memref_slice %arg11[%dma_wait3A_685, %dma_wait3A_686] : memref<10112x128xf32, #tpu.memory_space<vmem_shared>> -> memref<10112x128xf32, #tpu.memory_space<vmem_shared>>
        tpu.wait_indirect_dma semaphore(%run_scoped3A_675 : memref<!tpu.dma_semaphore, #tpu.memory_space<semaphore_mem>>) src(%arg10 : memref<128x128xf32, #tpu.memory_space<vmem>>) dst(%dma_wait3A_687 : memref<10112x128xf32, #tpu.memory_space<vmem_shared>>)
        tpu.yield
      }) : () -> ()
      %dma_start3A_531 = arith.constant 26 : i32
      %dma_start3A_532 = arith.constant 0 : i32
      %dma_start3A_533 = arith.constant 0 : i32
      %dma_start3A_534 = tpu.memref_slice %arg10[%dma_start3A_532, %dma_start3A_533] : memref<128x128xf32, #tpu.memory_space<vmem>> -> memref<64x128xf32, #tpu.memory_space<vmem>>
      %dma_start3A_535 = arith.constant 0 : i32
      %dma_start3A_536 = tpu.memref_slice %arg7[%dma_start3A_531, %dma_start3A_535] : memref<32x64xi32, #tpu.memory_space<vmem>> -> memref<1x64xi32, #tpu.memory_space<vmem>>
      %dma_start3A_537 = tpu.memref_squeeze %dma_start3A_536 : memref<1x64xi32, #tpu.memory_space<vmem>> -> memref<64xi32, #tpu.memory_space<vmem>>
      %dma_start3A_538 = arith.constant 0 : i32
      %dma_start3A_539 = arith.constant 0 : i32
      %dma_start3A_540 = tpu.memref_slice %arg2[%dma_start3A_538, %dma_start3A_539] : memref<10000x128xf32, #tpu.memory_space<hbm>> -> memref<10000x128xf32, #tpu.memory_space<hbm>>
      tpu.enqueue_indirect_dma source(%dma_start3A_540 : memref<10000x128xf32, #tpu.memory_space<hbm>>) target(%dma_start3A_534 : memref<64x128xf32, #tpu.memory_space<vmem>>) offsets(%dma_start3A_537 : memref<64xi32, #tpu.memory_space<vmem>>) semaphore(%arg14 : memref<!tpu.dma_semaphore, #tpu.memory_space<semaphore_mem>>)
      %dma_start3A_541 = arith.constant 27 : i32
      %dma_start3A_542 = arith.constant 64 : i32
      %dma_start3A_543 = arith.constant 0 : i32
      %dma_start3A_544 = tpu.memref_slice %arg10[%dma_start3A_542, %dma_start3A_543] : memref<128x128xf32, #tpu.memory_space<vmem>> -> memref<64x128xf32, #tpu.memory_space<vmem>>
      %dma_start3A_545 = arith.constant 0 : i32
      %dma_start3A_546 = tpu.memref_slice %arg7[%dma_start3A_541, %dma_start3A_545] : memref<32x64xi32, #tpu.memory_space<vmem>> -> memref<1x64xi32, #tpu.memory_space<vmem>>
      %dma_start3A_547 = tpu.memref_squeeze %dma_start3A_546 : memref<1x64xi32, #tpu.memory_space<vmem>> -> memref<64xi32, #tpu.memory_space<vmem>>
      %dma_start3A_548 = arith.constant 0 : i32
      %dma_start3A_549 = arith.constant 0 : i32
      %dma_start3A_550 = tpu.memref_slice %arg2[%dma_start3A_548, %dma_start3A_549] : memref<10000x128xf32, #tpu.memory_space<hbm>> -> memref<10000x128xf32, #tpu.memory_space<hbm>>
      tpu.enqueue_indirect_dma source(%dma_start3A_550 : memref<10000x128xf32, #tpu.memory_space<hbm>>) target(%dma_start3A_544 : memref<64x128xf32, #tpu.memory_space<vmem>>) offsets(%dma_start3A_547 : memref<64xi32, #tpu.memory_space<vmem>>) semaphore(%arg15 : memref<!tpu.dma_semaphore, #tpu.memory_space<semaphore_mem>>)
      %dma_wait3A_551 = arith.constant 24 : i32
      %dma_wait3A_552 = arith.constant 0 : i32
      %dma_wait3A_553 = arith.constant 0 : i32
      %dma_wait3A_554 = tpu.memref_slice %arg9[%dma_wait3A_552, %dma_wait3A_553] : memref<128x128xf32, #tpu.memory_space<vmem>> -> memref<64x128xf32, #tpu.memory_space<vmem>>
      %dma_wait3A_555 = arith.constant 0 : i32
      %dma_wait3A_556 = tpu.memref_slice %arg7[%dma_wait3A_551, %dma_wait3A_555] : memref<32x64xi32, #tpu.memory_space<vmem>> -> memref<1x64xi32, #tpu.memory_space<vmem>>
      %dma_wait3A_557 = tpu.memref_squeeze %dma_wait3A_556 : memref<1x64xi32, #tpu.memory_space<vmem>> -> memref<64xi32, #tpu.memory_space<vmem>>
      %dma_wait3A_558 = arith.constant 0 : i32
      %dma_wait3A_559 = arith.constant 0 : i32
      %dma_wait3A_560 = tpu.memref_slice %arg2[%dma_wait3A_558, %dma_wait3A_559] : memref<10000x128xf32, #tpu.memory_space<hbm>> -> memref<10000x128xf32, #tpu.memory_space<hbm>>
      tpu.wait_indirect_dma semaphore(%arg12 : memref<!tpu.dma_semaphore, #tpu.memory_space<semaphore_mem>>) src(%dma_wait3A_560 : memref<10000x128xf32, #tpu.memory_space<hbm>>) dst(%dma_wait3A_554 : memref<64x128xf32, #tpu.memory_space<vmem>>)
      %dma_wait3A_561 = arith.constant 25 : i32
      %dma_wait3A_562 = arith.constant 64 : i32
      %dma_wait3A_563 = arith.constant 0 : i32
      %dma_wait3A_564 = tpu.memref_slice %arg9[%dma_wait3A_562, %dma_wait3A_563] : memref<128x128xf32, #tpu.memory_space<vmem>> -> memref<64x128xf32, #tpu.memory_space<vmem>>
      %dma_wait3A_565 = arith.constant 0 : i32
      %dma_wait3A_566 = tpu.memref_slice %arg7[%dma_wait3A_561, %dma_wait3A_565] : memref<32x64xi32, #tpu.memory_space<vmem>> -> memref<1x64xi32, #tpu.memory_space<vmem>>
      %dma_wait3A_567 = tpu.memref_squeeze %dma_wait3A_566 : memref<1x64xi32, #tpu.memory_space<vmem>> -> memref<64xi32, #tpu.memory_space<vmem>>
      %dma_wait3A_568 = arith.constant 0 : i32
      %dma_wait3A_569 = arith.constant 0 : i32
      %dma_wait3A_570 = tpu.memref_slice %arg2[%dma_wait3A_568, %dma_wait3A_569] : memref<10000x128xf32, #tpu.memory_space<hbm>> -> memref<10000x128xf32, #tpu.memory_space<hbm>>
      tpu.wait_indirect_dma semaphore(%arg13 : memref<!tpu.dma_semaphore, #tpu.memory_space<semaphore_mem>>) src(%dma_wait3A_570 : memref<10000x128xf32, #tpu.memory_space<hbm>>) dst(%dma_wait3A_564 : memref<64x128xf32, #tpu.memory_space<vmem>>)
      %run_scoped3A_571 = arith.constant 12 : i32
      "tpu.region"() ({
        %run_scoped3A_675 = tpu.sem_alloc : memref<!tpu.dma_semaphore, #tpu.memory_space<semaphore_mem>>
        %dma_start3A_676 = arith.constant 0 : i32
        %dma_start3A_677 = tpu.memref_slice %arg8[%run_scoped3A_571, %dma_start3A_676] : memref<16x128xi32, #tpu.memory_space<vmem>> -> memref<1x128xi32, #tpu.memory_space<vmem>>
        %dma_start3A_678 = tpu.memref_squeeze %dma_start3A_677 : memref<1x128xi32, #tpu.memory_space<vmem>> -> memref<128xi32, #tpu.memory_space<vmem>>
        %dma_start3A_679 = arith.constant 0 : i32
        %dma_start3A_680 = arith.constant 0 : i32
        %dma_start3A_681 = tpu.memref_slice %arg11[%dma_start3A_679, %dma_start3A_680] : memref<10112x128xf32, #tpu.memory_space<vmem_shared>> -> memref<10112x128xf32, #tpu.memory_space<vmem_shared>>
        tpu.enqueue_indirect_dma source(%arg9 : memref<128x128xf32, #tpu.memory_space<vmem>>) target(%dma_start3A_681 : memref<10112x128xf32, #tpu.memory_space<vmem_shared>>) offsets(%dma_start3A_678 : memref<128xi32, #tpu.memory_space<vmem>>) semaphore(%run_scoped3A_675 : memref<!tpu.dma_semaphore, #tpu.memory_space<semaphore_mem>>) {add = true}
        %dma_wait3A_682 = arith.constant 0 : i32
        %dma_wait3A_683 = tpu.memref_slice %arg8[%run_scoped3A_571, %dma_wait3A_682] : memref<16x128xi32, #tpu.memory_space<vmem>> -> memref<1x128xi32, #tpu.memory_space<vmem>>
        %dma_wait3A_684 = tpu.memref_squeeze %dma_wait3A_683 : memref<1x128xi32, #tpu.memory_space<vmem>> -> memref<128xi32, #tpu.memory_space<vmem>>
        %dma_wait3A_685 = arith.constant 0 : i32
        %dma_wait3A_686 = arith.constant 0 : i32
        %dma_wait3A_687 = tpu.memref_slice %arg11[%dma_wait3A_685, %dma_wait3A_686] : memref<10112x128xf32, #tpu.memory_space<vmem_shared>> -> memref<10112x128xf32, #tpu.memory_space<vmem_shared>>
        tpu.wait_indirect_dma semaphore(%run_scoped3A_675 : memref<!tpu.dma_semaphore, #tpu.memory_space<semaphore_mem>>) src(%arg9 : memref<128x128xf32, #tpu.memory_space<vmem>>) dst(%dma_wait3A_687 : memref<10112x128xf32, #tpu.memory_space<vmem_shared>>)
        tpu.yield
      }) : () -> ()
      %dma_start3A_572 = arith.constant 28 : i32
      %dma_start3A_573 = arith.constant 0 : i32
      %dma_start3A_574 = arith.constant 0 : i32
      %dma_start3A_575 = tpu.memref_slice %arg9[%dma_start3A_573, %dma_start3A_574] : memref<128x128xf32, #tpu.memory_space<vmem>> -> memref<64x128xf32, #tpu.memory_space<vmem>>
      %dma_start3A_576 = arith.constant 0 : i32
      %dma_start3A_577 = tpu.memref_slice %arg7[%dma_start3A_572, %dma_start3A_576] : memref<32x64xi32, #tpu.memory_space<vmem>> -> memref<1x64xi32, #tpu.memory_space<vmem>>
      %dma_start3A_578 = tpu.memref_squeeze %dma_start3A_577 : memref<1x64xi32, #tpu.memory_space<vmem>> -> memref<64xi32, #tpu.memory_space<vmem>>
      %dma_start3A_579 = arith.constant 0 : i32
      %dma_start3A_580 = arith.constant 0 : i32
      %dma_start3A_581 = tpu.memref_slice %arg2[%dma_start3A_579, %dma_start3A_580] : memref<10000x128xf32, #tpu.memory_space<hbm>> -> memref<10000x128xf32, #tpu.memory_space<hbm>>
      tpu.enqueue_indirect_dma source(%dma_start3A_581 : memref<10000x128xf32, #tpu.memory_space<hbm>>) target(%dma_start3A_575 : memref<64x128xf32, #tpu.memory_space<vmem>>) offsets(%dma_start3A_578 : memref<64xi32, #tpu.memory_space<vmem>>) semaphore(%arg12 : memref<!tpu.dma_semaphore, #tpu.memory_space<semaphore_mem>>)
      %dma_start3A_582 = arith.constant 29 : i32
      %dma_start3A_583 = arith.constant 64 : i32
      %dma_start3A_584 = arith.constant 0 : i32
      %dma_start3A_585 = tpu.memref_slice %arg9[%dma_start3A_583, %dma_start3A_584] : memref<128x128xf32, #tpu.memory_space<vmem>> -> memref<64x128xf32, #tpu.memory_space<vmem>>
      %dma_start3A_586 = arith.constant 0 : i32
      %dma_start3A_587 = tpu.memref_slice %arg7[%dma_start3A_582, %dma_start3A_586] : memref<32x64xi32, #tpu.memory_space<vmem>> -> memref<1x64xi32, #tpu.memory_space<vmem>>
      %dma_start3A_588 = tpu.memref_squeeze %dma_start3A_587 : memref<1x64xi32, #tpu.memory_space<vmem>> -> memref<64xi32, #tpu.memory_space<vmem>>
      %dma_start3A_589 = arith.constant 0 : i32
      %dma_start3A_590 = arith.constant 0 : i32
      %dma_start3A_591 = tpu.memref_slice %arg2[%dma_start3A_589, %dma_start3A_590] : memref<10000x128xf32, #tpu.memory_space<hbm>> -> memref<10000x128xf32, #tpu.memory_space<hbm>>
      tpu.enqueue_indirect_dma source(%dma_start3A_591 : memref<10000x128xf32, #tpu.memory_space<hbm>>) target(%dma_start3A_585 : memref<64x128xf32, #tpu.memory_space<vmem>>) offsets(%dma_start3A_588 : memref<64xi32, #tpu.memory_space<vmem>>) semaphore(%arg13 : memref<!tpu.dma_semaphore, #tpu.memory_space<semaphore_mem>>)
      %dma_wait3A_592 = arith.constant 26 : i32
      %dma_wait3A_593 = arith.constant 0 : i32
      %dma_wait3A_594 = arith.constant 0 : i32
      %dma_wait3A_595 = tpu.memref_slice %arg10[%dma_wait3A_593, %dma_wait3A_594] : memref<128x128xf32, #tpu.memory_space<vmem>> -> memref<64x128xf32, #tpu.memory_space<vmem>>
      %dma_wait3A_596 = arith.constant 0 : i32
      %dma_wait3A_597 = tpu.memref_slice %arg7[%dma_wait3A_592, %dma_wait3A_596] : memref<32x64xi32, #tpu.memory_space<vmem>> -> memref<1x64xi32, #tpu.memory_space<vmem>>
      %dma_wait3A_598 = tpu.memref_squeeze %dma_wait3A_597 : memref<1x64xi32, #tpu.memory_space<vmem>> -> memref<64xi32, #tpu.memory_space<vmem>>
      %dma_wait3A_599 = arith.constant 0 : i32
      %dma_wait3A_600 = arith.constant 0 : i32
      %dma_wait3A_601 = tpu.memref_slice %arg2[%dma_wait3A_599, %dma_wait3A_600] : memref<10000x128xf32, #tpu.memory_space<hbm>> -> memref<10000x128xf32, #tpu.memory_space<hbm>>
      tpu.wait_indirect_dma semaphore(%arg14 : memref<!tpu.dma_semaphore, #tpu.memory_space<semaphore_mem>>) src(%dma_wait3A_601 : memref<10000x128xf32, #tpu.memory_space<hbm>>) dst(%dma_wait3A_595 : memref<64x128xf32, #tpu.memory_space<vmem>>)
      %dma_wait3A_602 = arith.constant 27 : i32
      %dma_wait3A_603 = arith.constant 64 : i32
      %dma_wait3A_604 = arith.constant 0 : i32
      %dma_wait3A_605 = tpu.memref_slice %arg10[%dma_wait3A_603, %dma_wait3A_604] : memref<128x128xf32, #tpu.memory_space<vmem>> -> memref<64x128xf32, #tpu.memory_space<vmem>>
      %dma_wait3A_606 = arith.constant 0 : i32
      %dma_wait3A_607 = tpu.memref_slice %arg7[%dma_wait3A_602, %dma_wait3A_606] : memref<32x64xi32, #tpu.memory_space<vmem>> -> memref<1x64xi32, #tpu.memory_space<vmem>>
      %dma_wait3A_608 = tpu.memref_squeeze %dma_wait3A_607 : memref<1x64xi32, #tpu.memory_space<vmem>> -> memref<64xi32, #tpu.memory_space<vmem>>
      %dma_wait3A_609 = arith.constant 0 : i32
      %dma_wait3A_610 = arith.constant 0 : i32
      %dma_wait3A_611 = tpu.memref_slice %arg2[%dma_wait3A_609, %dma_wait3A_610] : memref<10000x128xf32, #tpu.memory_space<hbm>> -> memref<10000x128xf32, #tpu.memory_space<hbm>>
      tpu.wait_indirect_dma semaphore(%arg15 : memref<!tpu.dma_semaphore, #tpu.memory_space<semaphore_mem>>) src(%dma_wait3A_611 : memref<10000x128xf32, #tpu.memory_space<hbm>>) dst(%dma_wait3A_605 : memref<64x128xf32, #tpu.memory_space<vmem>>)
      %run_scoped3A_612 = arith.constant 13 : i32
      "tpu.region"() ({
        %run_scoped3A_675 = tpu.sem_alloc : memref<!tpu.dma_semaphore, #tpu.memory_space<semaphore_mem>>
        %dma_start3A_676 = arith.constant 0 : i32
        %dma_start3A_677 = tpu.memref_slice %arg8[%run_scoped3A_612, %dma_start3A_676] : memref<16x128xi32, #tpu.memory_space<vmem>> -> memref<1x128xi32, #tpu.memory_space<vmem>>
        %dma_start3A_678 = tpu.memref_squeeze %dma_start3A_677 : memref<1x128xi32, #tpu.memory_space<vmem>> -> memref<128xi32, #tpu.memory_space<vmem>>
        %dma_start3A_679 = arith.constant 0 : i32
        %dma_start3A_680 = arith.constant 0 : i32
        %dma_start3A_681 = tpu.memref_slice %arg11[%dma_start3A_679, %dma_start3A_680] : memref<10112x128xf32, #tpu.memory_space<vmem_shared>> -> memref<10112x128xf32, #tpu.memory_space<vmem_shared>>
        tpu.enqueue_indirect_dma source(%arg10 : memref<128x128xf32, #tpu.memory_space<vmem>>) target(%dma_start3A_681 : memref<10112x128xf32, #tpu.memory_space<vmem_shared>>) offsets(%dma_start3A_678 : memref<128xi32, #tpu.memory_space<vmem>>) semaphore(%run_scoped3A_675 : memref<!tpu.dma_semaphore, #tpu.memory_space<semaphore_mem>>) {add = true}
        %dma_wait3A_682 = arith.constant 0 : i32
        %dma_wait3A_683 = tpu.memref_slice %arg8[%run_scoped3A_612, %dma_wait3A_682] : memref<16x128xi32, #tpu.memory_space<vmem>> -> memref<1x128xi32, #tpu.memory_space<vmem>>
        %dma_wait3A_684 = tpu.memref_squeeze %dma_wait3A_683 : memref<1x128xi32, #tpu.memory_space<vmem>> -> memref<128xi32, #tpu.memory_space<vmem>>
        %dma_wait3A_685 = arith.constant 0 : i32
        %dma_wait3A_686 = arith.constant 0 : i32
        %dma_wait3A_687 = tpu.memref_slice %arg11[%dma_wait3A_685, %dma_wait3A_686] : memref<10112x128xf32, #tpu.memory_space<vmem_shared>> -> memref<10112x128xf32, #tpu.memory_space<vmem_shared>>
        tpu.wait_indirect_dma semaphore(%run_scoped3A_675 : memref<!tpu.dma_semaphore, #tpu.memory_space<semaphore_mem>>) src(%arg10 : memref<128x128xf32, #tpu.memory_space<vmem>>) dst(%dma_wait3A_687 : memref<10112x128xf32, #tpu.memory_space<vmem_shared>>)
        tpu.yield
      }) : () -> ()
      %dma_start3A_613 = arith.constant 30 : i32
      %dma_start3A_614 = arith.constant 0 : i32
      %dma_start3A_615 = arith.constant 0 : i32
      %dma_start3A_616 = tpu.memref_slice %arg10[%dma_start3A_614, %dma_start3A_615] : memref<128x128xf32, #tpu.memory_space<vmem>> -> memref<64x128xf32, #tpu.memory_space<vmem>>
      %dma_start3A_617 = arith.constant 0 : i32
      %dma_start3A_618 = tpu.memref_slice %arg7[%dma_start3A_613, %dma_start3A_617] : memref<32x64xi32, #tpu.memory_space<vmem>> -> memref<1x64xi32, #tpu.memory_space<vmem>>
      %dma_start3A_619 = tpu.memref_squeeze %dma_start3A_618 : memref<1x64xi32, #tpu.memory_space<vmem>> -> memref<64xi32, #tpu.memory_space<vmem>>
      %dma_start3A_620 = arith.constant 0 : i32
      %dma_start3A_621 = arith.constant 0 : i32
      %dma_start3A_622 = tpu.memref_slice %arg2[%dma_start3A_620, %dma_start3A_621] : memref<10000x128xf32, #tpu.memory_space<hbm>> -> memref<10000x128xf32, #tpu.memory_space<hbm>>
      tpu.enqueue_indirect_dma source(%dma_start3A_622 : memref<10000x128xf32, #tpu.memory_space<hbm>>) target(%dma_start3A_616 : memref<64x128xf32, #tpu.memory_space<vmem>>) offsets(%dma_start3A_619 : memref<64xi32, #tpu.memory_space<vmem>>) semaphore(%arg14 : memref<!tpu.dma_semaphore, #tpu.memory_space<semaphore_mem>>)
      %dma_start3A_623 = arith.constant 31 : i32
      %dma_start3A_624 = arith.constant 64 : i32
      %dma_start3A_625 = arith.constant 0 : i32
      %dma_start3A_626 = tpu.memref_slice %arg10[%dma_start3A_624, %dma_start3A_625] : memref<128x128xf32, #tpu.memory_space<vmem>> -> memref<64x128xf32, #tpu.memory_space<vmem>>
      %dma_start3A_627 = arith.constant 0 : i32
      %dma_start3A_628 = tpu.memref_slice %arg7[%dma_start3A_623, %dma_start3A_627] : memref<32x64xi32, #tpu.memory_space<vmem>> -> memref<1x64xi32, #tpu.memory_space<vmem>>
      %dma_start3A_629 = tpu.memref_squeeze %dma_start3A_628 : memref<1x64xi32, #tpu.memory_space<vmem>> -> memref<64xi32, #tpu.memory_space<vmem>>
      %dma_start3A_630 = arith.constant 0 : i32
      %dma_start3A_631 = arith.constant 0 : i32
      %dma_start3A_632 = tpu.memref_slice %arg2[%dma_start3A_630, %dma_start3A_631] : memref<10000x128xf32, #tpu.memory_space<hbm>> -> memref<10000x128xf32, #tpu.memory_space<hbm>>
      tpu.enqueue_indirect_dma source(%dma_start3A_632 : memref<10000x128xf32, #tpu.memory_space<hbm>>) target(%dma_start3A_626 : memref<64x128xf32, #tpu.memory_space<vmem>>) offsets(%dma_start3A_629 : memref<64xi32, #tpu.memory_space<vmem>>) semaphore(%arg15 : memref<!tpu.dma_semaphore, #tpu.memory_space<semaphore_mem>>)
      %dma_wait3A_633 = arith.constant 28 : i32
      %dma_wait3A_634 = arith.constant 0 : i32
      %dma_wait3A_635 = arith.constant 0 : i32
      %dma_wait3A_636 = tpu.memref_slice %arg9[%dma_wait3A_634, %dma_wait3A_635] : memref<128x128xf32, #tpu.memory_space<vmem>> -> memref<64x128xf32, #tpu.memory_space<vmem>>
      %dma_wait3A_637 = arith.constant 0 : i32
      %dma_wait3A_638 = tpu.memref_slice %arg7[%dma_wait3A_633, %dma_wait3A_637] : memref<32x64xi32, #tpu.memory_space<vmem>> -> memref<1x64xi32, #tpu.memory_space<vmem>>
      %dma_wait3A_639 = tpu.memref_squeeze %dma_wait3A_638 : memref<1x64xi32, #tpu.memory_space<vmem>> -> memref<64xi32, #tpu.memory_space<vmem>>
      %dma_wait3A_640 = arith.constant 0 : i32
      %dma_wait3A_641 = arith.constant 0 : i32
      %dma_wait3A_642 = tpu.memref_slice %arg2[%dma_wait3A_640, %dma_wait3A_641] : memref<10000x128xf32, #tpu.memory_space<hbm>> -> memref<10000x128xf32, #tpu.memory_space<hbm>>
      tpu.wait_indirect_dma semaphore(%arg12 : memref<!tpu.dma_semaphore, #tpu.memory_space<semaphore_mem>>) src(%dma_wait3A_642 : memref<10000x128xf32, #tpu.memory_space<hbm>>) dst(%dma_wait3A_636 : memref<64x128xf32, #tpu.memory_space<vmem>>)
      %dma_wait3A_643 = arith.constant 29 : i32
      %dma_wait3A_644 = arith.constant 64 : i32
      %dma_wait3A_645 = arith.constant 0 : i32
      %dma_wait3A_646 = tpu.memref_slice %arg9[%dma_wait3A_644, %dma_wait3A_645] : memref<128x128xf32, #tpu.memory_space<vmem>> -> memref<64x128xf32, #tpu.memory_space<vmem>>
      %dma_wait3A_647 = arith.constant 0 : i32
      %dma_wait3A_648 = tpu.memref_slice %arg7[%dma_wait3A_643, %dma_wait3A_647] : memref<32x64xi32, #tpu.memory_space<vmem>> -> memref<1x64xi32, #tpu.memory_space<vmem>>
      %dma_wait3A_649 = tpu.memref_squeeze %dma_wait3A_648 : memref<1x64xi32, #tpu.memory_space<vmem>> -> memref<64xi32, #tpu.memory_space<vmem>>
      %dma_wait3A_650 = arith.constant 0 : i32
      %dma_wait3A_651 = arith.constant 0 : i32
      %dma_wait3A_652 = tpu.memref_slice %arg2[%dma_wait3A_650, %dma_wait3A_651] : memref<10000x128xf32, #tpu.memory_space<hbm>> -> memref<10000x128xf32, #tpu.memory_space<hbm>>
      tpu.wait_indirect_dma semaphore(%arg13 : memref<!tpu.dma_semaphore, #tpu.memory_space<semaphore_mem>>) src(%dma_wait3A_652 : memref<10000x128xf32, #tpu.memory_space<hbm>>) dst(%dma_wait3A_646 : memref<64x128xf32, #tpu.memory_space<vmem>>)
      %run_scoped3A_653 = arith.constant 14 : i32
      "tpu.region"() ({
        %run_scoped3A_675 = tpu.sem_alloc : memref<!tpu.dma_semaphore, #tpu.memory_space<semaphore_mem>>
        %dma_start3A_676 = arith.constant 0 : i32
        %dma_start3A_677 = tpu.memref_slice %arg8[%run_scoped3A_653, %dma_start3A_676] : memref<16x128xi32, #tpu.memory_space<vmem>> -> memref<1x128xi32, #tpu.memory_space<vmem>>
        %dma_start3A_678 = tpu.memref_squeeze %dma_start3A_677 : memref<1x128xi32, #tpu.memory_space<vmem>> -> memref<128xi32, #tpu.memory_space<vmem>>
        %dma_start3A_679 = arith.constant 0 : i32
        %dma_start3A_680 = arith.constant 0 : i32
        %dma_start3A_681 = tpu.memref_slice %arg11[%dma_start3A_679, %dma_start3A_680] : memref<10112x128xf32, #tpu.memory_space<vmem_shared>> -> memref<10112x128xf32, #tpu.memory_space<vmem_shared>>
        tpu.enqueue_indirect_dma source(%arg9 : memref<128x128xf32, #tpu.memory_space<vmem>>) target(%dma_start3A_681 : memref<10112x128xf32, #tpu.memory_space<vmem_shared>>) offsets(%dma_start3A_678 : memref<128xi32, #tpu.memory_space<vmem>>) semaphore(%run_scoped3A_675 : memref<!tpu.dma_semaphore, #tpu.memory_space<semaphore_mem>>) {add = true}
        %dma_wait3A_682 = arith.constant 0 : i32
        %dma_wait3A_683 = tpu.memref_slice %arg8[%run_scoped3A_653, %dma_wait3A_682] : memref<16x128xi32, #tpu.memory_space<vmem>> -> memref<1x128xi32, #tpu.memory_space<vmem>>
        %dma_wait3A_684 = tpu.memref_squeeze %dma_wait3A_683 : memref<1x128xi32, #tpu.memory_space<vmem>> -> memref<128xi32, #tpu.memory_space<vmem>>
        %dma_wait3A_685 = arith.constant 0 : i32
        %dma_wait3A_686 = arith.constant 0 : i32
        %dma_wait3A_687 = tpu.memref_slice %arg11[%dma_wait3A_685, %dma_wait3A_686] : memref<10112x128xf32, #tpu.memory_space<vmem_shared>> -> memref<10112x128xf32, #tpu.memory_space<vmem_shared>>
        tpu.wait_indirect_dma semaphore(%run_scoped3A_675 : memref<!tpu.dma_semaphore, #tpu.memory_space<semaphore_mem>>) src(%arg9 : memref<128x128xf32, #tpu.memory_space<vmem>>) dst(%dma_wait3A_687 : memref<10112x128xf32, #tpu.memory_space<vmem_shared>>)
        tpu.yield
      }) : () -> ()
      %dma_wait3A_654 = arith.constant 30 : i32
      %dma_wait3A_655 = arith.constant 0 : i32
      %dma_wait3A_656 = arith.constant 0 : i32
      %dma_wait3A_657 = tpu.memref_slice %arg10[%dma_wait3A_655, %dma_wait3A_656] : memref<128x128xf32, #tpu.memory_space<vmem>> -> memref<64x128xf32, #tpu.memory_space<vmem>>
      %dma_wait3A_658 = arith.constant 0 : i32
      %dma_wait3A_659 = tpu.memref_slice %arg7[%dma_wait3A_654, %dma_wait3A_658] : memref<32x64xi32, #tpu.memory_space<vmem>> -> memref<1x64xi32, #tpu.memory_space<vmem>>
      %dma_wait3A_660 = tpu.memref_squeeze %dma_wait3A_659 : memref<1x64xi32, #tpu.memory_space<vmem>> -> memref<64xi32, #tpu.memory_space<vmem>>
      %dma_wait3A_661 = arith.constant 0 : i32
      %dma_wait3A_662 = arith.constant 0 : i32
      %dma_wait3A_663 = tpu.memref_slice %arg2[%dma_wait3A_661, %dma_wait3A_662] : memref<10000x128xf32, #tpu.memory_space<hbm>> -> memref<10000x128xf32, #tpu.memory_space<hbm>>
      tpu.wait_indirect_dma semaphore(%arg14 : memref<!tpu.dma_semaphore, #tpu.memory_space<semaphore_mem>>) src(%dma_wait3A_663 : memref<10000x128xf32, #tpu.memory_space<hbm>>) dst(%dma_wait3A_657 : memref<64x128xf32, #tpu.memory_space<vmem>>)
      %dma_wait3A_664 = arith.constant 31 : i32
      %dma_wait3A_665 = arith.constant 64 : i32
      %dma_wait3A_666 = arith.constant 0 : i32
      %dma_wait3A_667 = tpu.memref_slice %arg10[%dma_wait3A_665, %dma_wait3A_666] : memref<128x128xf32, #tpu.memory_space<vmem>> -> memref<64x128xf32, #tpu.memory_space<vmem>>
      %dma_wait3A_668 = arith.constant 0 : i32
      %dma_wait3A_669 = tpu.memref_slice %arg7[%dma_wait3A_664, %dma_wait3A_668] : memref<32x64xi32, #tpu.memory_space<vmem>> -> memref<1x64xi32, #tpu.memory_space<vmem>>
      %dma_wait3A_670 = tpu.memref_squeeze %dma_wait3A_669 : memref<1x64xi32, #tpu.memory_space<vmem>> -> memref<64xi32, #tpu.memory_space<vmem>>
      %dma_wait3A_671 = arith.constant 0 : i32
      %dma_wait3A_672 = arith.constant 0 : i32
      %dma_wait3A_673 = tpu.memref_slice %arg2[%dma_wait3A_671, %dma_wait3A_672] : memref<10000x128xf32, #tpu.memory_space<hbm>> -> memref<10000x128xf32, #tpu.memory_space<hbm>>
      tpu.wait_indirect_dma semaphore(%arg15 : memref<!tpu.dma_semaphore, #tpu.memory_space<semaphore_mem>>) src(%dma_wait3A_673 : memref<10000x128xf32, #tpu.memory_space<hbm>>) dst(%dma_wait3A_667 : memref<64x128xf32, #tpu.memory_space<vmem>>)
      %run_scoped3A_674 = arith.constant 15 : i32
      "tpu.region"() ({
        %run_scoped3A_675 = tpu.sem_alloc : memref<!tpu.dma_semaphore, #tpu.memory_space<semaphore_mem>>
        %dma_start3A_676 = arith.constant 0 : i32
        %dma_start3A_677 = tpu.memref_slice %arg8[%run_scoped3A_674, %dma_start3A_676] : memref<16x128xi32, #tpu.memory_space<vmem>> -> memref<1x128xi32, #tpu.memory_space<vmem>>
        %dma_start3A_678 = tpu.memref_squeeze %dma_start3A_677 : memref<1x128xi32, #tpu.memory_space<vmem>> -> memref<128xi32, #tpu.memory_space<vmem>>
        %dma_start3A_679 = arith.constant 0 : i32
        %dma_start3A_680 = arith.constant 0 : i32
        %dma_start3A_681 = tpu.memref_slice %arg11[%dma_start3A_679, %dma_start3A_680] : memref<10112x128xf32, #tpu.memory_space<vmem_shared>> -> memref<10112x128xf32, #tpu.memory_space<vmem_shared>>
        tpu.enqueue_indirect_dma source(%arg10 : memref<128x128xf32, #tpu.memory_space<vmem>>) target(%dma_start3A_681 : memref<10112x128xf32, #tpu.memory_space<vmem_shared>>) offsets(%dma_start3A_678 : memref<128xi32, #tpu.memory_space<vmem>>) semaphore(%run_scoped3A_675 : memref<!tpu.dma_semaphore, #tpu.memory_space<semaphore_mem>>) {add = true}
        %dma_wait3A_682 = arith.constant 0 : i32
        %dma_wait3A_683 = tpu.memref_slice %arg8[%run_scoped3A_674, %dma_wait3A_682] : memref<16x128xi32, #tpu.memory_space<vmem>> -> memref<1x128xi32, #tpu.memory_space<vmem>>
        %dma_wait3A_684 = tpu.memref_squeeze %dma_wait3A_683 : memref<1x128xi32, #tpu.memory_space<vmem>> -> memref<128xi32, #tpu.memory_space<vmem>>
        %dma_wait3A_685 = arith.constant 0 : i32
        %dma_wait3A_686 = arith.constant 0 : i32
        %dma_wait3A_687 = tpu.memref_slice %arg11[%dma_wait3A_685, %dma_wait3A_686] : memref<10112x128xf32, #tpu.memory_space<vmem_shared>> -> memref<10112x128xf32, #tpu.memory_space<vmem_shared>>
        tpu.wait_indirect_dma semaphore(%run_scoped3A_675 : memref<!tpu.dma_semaphore, #tpu.memory_space<semaphore_mem>>) src(%arg10 : memref<128x128xf32, #tpu.memory_space<vmem>>) dst(%dma_wait3A_687 : memref<10112x128xf32, #tpu.memory_space<vmem_shared>>)
        tpu.yield
      }) : () -> ()
    }
    %scan3A_7 = arith.constant 5 : i32
    %barrier3A_8 = arith.constant 0 : index
    tpu.barrier barrier_id(%barrier3A_8)
    "tpu.region"() ({
      %run_scoped3A = tpu.sem_alloc : memref<!tpu.dma_semaphore, #tpu.memory_space<semaphore_mem>>
      %dma_start3A = arith.constant 0 : i32
      %dma_start3A_9 = tpu.memref_slice %arg6[%arg0, %mul3A_2, %dma_start3A] : memref<2x10112x128xf32, #tpu.memory_space<hbm>> -> memref<1x632x128xf32, #tpu.memory_space<hbm>>
      %dma_start3A_10 = tpu.memref_squeeze %dma_start3A_9 : memref<1x632x128xf32, #tpu.memory_space<hbm>> -> memref<632x128xf32, #tpu.memory_space<hbm>>
      %dma_start3A_11 = arith.constant 0 : i32
      %dma_start3A_12 = tpu.memref_slice %arg11[%mul3A_2, %dma_start3A_11] : memref<10112x128xf32, #tpu.memory_space<vmem_shared>> -> memref<632x128xf32, #tpu.memory_space<vmem_shared>>
      tpu.enqueue_dma source(%dma_start3A_12 : memref<632x128xf32, #tpu.memory_space<vmem_shared>>) target(%dma_start3A_10 : memref<632x128xf32, #tpu.memory_space<hbm>>) target_semaphore(%run_scoped3A : memref<!tpu.dma_semaphore, #tpu.memory_space<semaphore_mem>>)
      %dma_wait3A = arith.constant 0 : i32
      %dma_wait3A_13 = tpu.memref_slice %arg6[%arg0, %mul3A_2, %dma_wait3A] : memref<2x10112x128xf32, #tpu.memory_space<hbm>> -> memref<1x632x128xf32, #tpu.memory_space<hbm>>
      %dma_wait3A_14 = tpu.memref_squeeze %dma_wait3A_13 : memref<1x632x128xf32, #tpu.memory_space<hbm>> -> memref<632x128xf32, #tpu.memory_space<hbm>>
      %dma_wait3A_15 = arith.constant 0 : i32
      %dma_wait3A_16 = tpu.memref_slice %arg11[%mul3A_2, %dma_wait3A_15] : memref<10112x128xf32, #tpu.memory_space<vmem_shared>> -> memref<632x128xf32, #tpu.memory_space<vmem_shared>>
      tpu.wait_dma2 semaphore(%run_scoped3A : memref<!tpu.dma_semaphore, #tpu.memory_space<semaphore_mem>>) src(%dma_wait3A_16 : memref<632x128xf32, #tpu.memory_space<vmem_shared>>) dst(%dma_wait3A_14 : memref<632x128xf32, #tpu.memory_space<hbm>>)
      tpu.yield
    }) : () -> ()
    return
  }
}

#map = affine_map<(d0, d1) -> (0, 0)>
#map1 = affine_map<(d0, d1) -> (0, 0, 0)>
module attributes {stable_mosaic.version = 14 : i64} {
  func.func @agg(%arg0: i32, %arg1: i32, %arg2: memref<128x128xf32, #tpu.memory_space<hbm>>, %arg3: memref<5120x64xi32, #tpu.memory_space<hbm>>, %arg4: memref<2560x128xi32, #tpu.memory_space<hbm>>, %arg5: memref<632x128xf32, #tpu.memory_space<hbm>>, %arg6: memref<2x10112x128xf32, #tpu.memory_space<hbm>>, %arg7: memref<32x64xi32, #tpu.memory_space<vmem>>, %arg8: memref<16x128xi32, #tpu.memory_space<vmem>>, %arg9: memref<128x128xf32, #tpu.memory_space<vmem>>, %arg10: memref<128x128xf32, #tpu.memory_space<vmem>>, %arg11: memref<10112x128xf32, #tpu.memory_space<vmem_shared>>, %arg12: memref<!tpu.dma_semaphore, #tpu.memory_space<semaphore_mem>>, %arg13: memref<!tpu.dma_semaphore, #tpu.memory_space<semaphore_mem>>, %arg14: memref<!tpu.dma_semaphore, #tpu.memory_space<semaphore_mem>>, %arg15: memref<!tpu.dma_semaphore, #tpu.memory_space<semaphore_mem>>) attributes {dimension_semantics = [#tpu.dimension_semantics<core_parallel>, #tpu.dimension_semantics<subcore_parallel>], iteration_bounds = array<i64: 2, 16>, scalar_prefetch = 0 : i64, scratch_operands = 9 : i64, tpu.core_type = #tpu.core_type<sc_vector_subcore>, window_params = [{transform_indices = #map}, {transform_indices = #map}, {transform_indices = #map}, {transform_indices = #map}, {transform_indices = #map1}]} {
    %mul3A = arith.constant 2 : i32
    %mul3A_0 = arith.muli %arg1, %mul3A : i32
    %add3A = arith.addi %mul3A_0, %arg0 : i32
    %mul3A_1 = arith.constant 632 : i32
    %mul3A_2 = arith.muli %arg1, %mul3A_1 : i32
    "tpu.region"() ({
      %run_scoped3A = tpu.sem_alloc : memref<!tpu.dma_semaphore, #tpu.memory_space<semaphore_mem>>
      %dma_start3A = arith.constant 0 : i32
      %dma_start3A_9 = tpu.memref_slice %arg11[%mul3A_2, %dma_start3A] : memref<10112x128xf32, #tpu.memory_space<vmem_shared>> -> memref<632x128xf32, #tpu.memory_space<vmem_shared>>
      tpu.enqueue_dma source(%arg5 : memref<632x128xf32, #tpu.memory_space<hbm>>) target(%dma_start3A_9 : memref<632x128xf32, #tpu.memory_space<vmem_shared>>) target_semaphore(%run_scoped3A : memref<!tpu.dma_semaphore, #tpu.memory_space<semaphore_mem>>)
      %dma_wait3A = arith.constant 0 : i32
      %dma_wait3A_10 = tpu.memref_slice %arg11[%mul3A_2, %dma_wait3A] : memref<10112x128xf32, #tpu.memory_space<vmem_shared>> -> memref<632x128xf32, #tpu.memory_space<vmem_shared>>
      tpu.wait_dma2 semaphore(%run_scoped3A : memref<!tpu.dma_semaphore, #tpu.memory_space<semaphore_mem>>) src(%arg5 : memref<632x128xf32, #tpu.memory_space<hbm>>) dst(%dma_wait3A_10 : memref<632x128xf32, #tpu.memory_space<vmem_shared>>)
      tpu.yield
    }) : () -> ()
    "tpu.region"() ({
      %run_scoped3A = tpu.sem_alloc : memref<!tpu.dma_semaphore, #tpu.memory_space<semaphore_mem>>
      tpu.enqueue_dma source(%arg2 : memref<128x128xf32, #tpu.memory_space<hbm>>) target(%arg9 : memref<128x128xf32, #tpu.memory_space<vmem>>) target_semaphore(%run_scoped3A : memref<!tpu.dma_semaphore, #tpu.memory_space<semaphore_mem>>)
      tpu.wait_dma2 semaphore(%run_scoped3A : memref<!tpu.dma_semaphore, #tpu.memory_space<semaphore_mem>>) src(%arg2 : memref<128x128xf32, #tpu.memory_space<hbm>>) dst(%arg9 : memref<128x128xf32, #tpu.memory_space<vmem>>)
      tpu.yield
    }) : () -> ()
    %barrier3A = arith.constant 0 : index
    tpu.barrier barrier_id(%barrier3A)
    %scan3A = arith.constant 0 : i32
    %scan3A_3 = arith.constant 0 : i32
    %scan3A_4 = arith.constant 5 : i32
    %scan3A_5 = arith.addi %scan3A_3, %scan3A_4 : i32
    %scan3A_6 = arith.constant 1 : i32
    scf.for %scan3A_9 = %scan3A_3 to %scan3A_5 step %scan3A_6  : i32 {
      %mul3A_10 = arith.constant 80 : i32
      %mul3A_11 = arith.muli %add3A, %mul3A_10 : i32
      %mul3A_12 = arith.constant 16 : i32
      %mul3A_13 = arith.muli %scan3A_9, %mul3A_12 : i32
      %add3A_14 = arith.addi %mul3A_11, %mul3A_13 : i32
      %mul3A_15 = arith.constant 2 : i32
      %mul3A_16 = arith.muli %mul3A_15, %add3A_14 : i32
      "tpu.region"() ({
        %run_scoped3A = tpu.sem_alloc : memref<!tpu.dma_semaphore, #tpu.memory_space<semaphore_mem>>
        %dma_start3A = arith.constant 0 : i32
        %dma_start3A_28 = tpu.memref_slice %arg3[%mul3A_16, %dma_start3A] : memref<5120x64xi32, #tpu.memory_space<hbm>> -> memref<32x64xi32, #tpu.memory_space<hbm>>
        %dma_start3A_29 = arith.constant 0 : i32
        %dma_start3A_30 = tpu.memref_slice %arg3[%mul3A_16, %dma_start3A_29] : memref<5120x64xi32, #tpu.memory_space<hbm>> -> memref<32x64xi32, #tpu.memory_space<hbm>>
        tpu.enqueue_dma source(%dma_start3A_30 : memref<32x64xi32, #tpu.memory_space<hbm>>) target(%arg7 : memref<32x64xi32, #tpu.memory_space<vmem>>) target_semaphore(%run_scoped3A : memref<!tpu.dma_semaphore, #tpu.memory_space<semaphore_mem>>)
        %dma_wait3A = arith.constant 0 : i32
        %dma_wait3A_31 = tpu.memref_slice %arg3[%mul3A_16, %dma_wait3A] : memref<5120x64xi32, #tpu.memory_space<hbm>> -> memref<32x64xi32, #tpu.memory_space<hbm>>
        %dma_wait3A_32 = arith.constant 0 : i32
        %dma_wait3A_33 = tpu.memref_slice %arg3[%mul3A_16, %dma_wait3A_32] : memref<5120x64xi32, #tpu.memory_space<hbm>> -> memref<32x64xi32, #tpu.memory_space<hbm>>
        tpu.wait_dma2 semaphore(%run_scoped3A : memref<!tpu.dma_semaphore, #tpu.memory_space<semaphore_mem>>) src(%dma_wait3A_33 : memref<32x64xi32, #tpu.memory_space<hbm>>) dst(%arg7 : memref<32x64xi32, #tpu.memory_space<vmem>>)
        tpu.yield
      }) : () -> ()
      %mul3A_17 = arith.constant 80 : i32
      %mul3A_18 = arith.muli %add3A, %mul3A_17 : i32
      %mul3A_19 = arith.constant 16 : i32
      %mul3A_20 = arith.muli %scan3A_9, %mul3A_19 : i32
      %add3A_21 = arith.addi %mul3A_18, %mul3A_20 : i32
      "tpu.region"() ({
        %run_scoped3A = tpu.sem_alloc : memref<!tpu.dma_semaphore, #tpu.memory_space<semaphore_mem>>
        %dma_start3A = arith.constant 0 : i32
        %dma_start3A_28 = tpu.memref_slice %arg4[%add3A_21, %dma_start3A] : memref<2560x128xi32, #tpu.memory_space<hbm>> -> memref<16x128xi32, #tpu.memory_space<hbm>>
        %dma_start3A_29 = arith.constant 0 : i32
        %dma_start3A_30 = tpu.memref_slice %arg4[%add3A_21, %dma_start3A_29] : memref<2560x128xi32, #tpu.memory_space<hbm>> -> memref<16x128xi32, #tpu.memory_space<hbm>>
        tpu.enqueue_dma source(%dma_start3A_30 : memref<16x128xi32, #tpu.memory_space<hbm>>) target(%arg8 : memref<16x128xi32, #tpu.memory_space<vmem>>) target_semaphore(%run_scoped3A : memref<!tpu.dma_semaphore, #tpu.memory_space<semaphore_mem>>)
        %dma_wait3A = arith.constant 0 : i32
        %dma_wait3A_31 = tpu.memref_slice %arg4[%add3A_21, %dma_wait3A] : memref<2560x128xi32, #tpu.memory_space<hbm>> -> memref<16x128xi32, #tpu.memory_space<hbm>>
        %dma_wait3A_32 = arith.constant 0 : i32
        %dma_wait3A_33 = tpu.memref_slice %arg4[%add3A_21, %dma_wait3A_32] : memref<2560x128xi32, #tpu.memory_space<hbm>> -> memref<16x128xi32, #tpu.memory_space<hbm>>
        tpu.wait_dma2 semaphore(%run_scoped3A : memref<!tpu.dma_semaphore, #tpu.memory_space<semaphore_mem>>) src(%dma_wait3A_33 : memref<16x128xi32, #tpu.memory_space<hbm>>) dst(%arg8 : memref<16x128xi32, #tpu.memory_space<vmem>>)
        tpu.yield
      }) : () -> ()
      %scan3A_22 = arith.constant 0 : i32
      %scan3A_23 = arith.constant 0 : i32
      %scan3A_24 = arith.constant 16 : i32
      %scan3A_25 = arith.addi %scan3A_23, %scan3A_24 : i32
      %scan3A_26 = arith.constant 1 : i32
      scf.for %scan3A_28 = %scan3A_23 to %scan3A_25 step %scan3A_26  : i32 {
        "tpu.region"() ({
          %run_scoped3A = tpu.sem_alloc : memref<!tpu.dma_semaphore, #tpu.memory_space<semaphore_mem>>
          %dma_start3A = arith.constant 0 : i32
          %dma_start3A_29 = tpu.memref_slice %arg8[%scan3A_28, %dma_start3A] : memref<16x128xi32, #tpu.memory_space<vmem>> -> memref<1x128xi32, #tpu.memory_space<vmem>>
          %dma_start3A_30 = tpu.memref_squeeze %dma_start3A_29 : memref<1x128xi32, #tpu.memory_space<vmem>> -> memref<128xi32, #tpu.memory_space<vmem>>
          %dma_start3A_31 = arith.constant 0 : i32
          %dma_start3A_32 = arith.constant 0 : i32
          %dma_start3A_33 = tpu.memref_slice %arg11[%dma_start3A_31, %dma_start3A_32] : memref<10112x128xf32, #tpu.memory_space<vmem_shared>> -> memref<10112x128xf32, #tpu.memory_space<vmem_shared>>
          tpu.enqueue_indirect_dma source(%arg9 : memref<128x128xf32, #tpu.memory_space<vmem>>) target(%dma_start3A_33 : memref<10112x128xf32, #tpu.memory_space<vmem_shared>>) offsets(%dma_start3A_30 : memref<128xi32, #tpu.memory_space<vmem>>) semaphore(%run_scoped3A : memref<!tpu.dma_semaphore, #tpu.memory_space<semaphore_mem>>) {add = true}
          %dma_wait3A = arith.constant 0 : i32
          %dma_wait3A_34 = tpu.memref_slice %arg8[%scan3A_28, %dma_wait3A] : memref<16x128xi32, #tpu.memory_space<vmem>> -> memref<1x128xi32, #tpu.memory_space<vmem>>
          %dma_wait3A_35 = tpu.memref_squeeze %dma_wait3A_34 : memref<1x128xi32, #tpu.memory_space<vmem>> -> memref<128xi32, #tpu.memory_space<vmem>>
          %dma_wait3A_36 = arith.constant 0 : i32
          %dma_wait3A_37 = arith.constant 0 : i32
          %dma_wait3A_38 = tpu.memref_slice %arg11[%dma_wait3A_36, %dma_wait3A_37] : memref<10112x128xf32, #tpu.memory_space<vmem_shared>> -> memref<10112x128xf32, #tpu.memory_space<vmem_shared>>
          tpu.wait_indirect_dma semaphore(%run_scoped3A : memref<!tpu.dma_semaphore, #tpu.memory_space<semaphore_mem>>) src(%arg9 : memref<128x128xf32, #tpu.memory_space<vmem>>) dst(%dma_wait3A_38 : memref<10112x128xf32, #tpu.memory_space<vmem_shared>>)
          tpu.yield
        }) : () -> ()
      }
      %scan3A_27 = arith.constant 16 : i32
    }
    %scan3A_7 = arith.constant 5 : i32
    %barrier3A_8 = arith.constant 0 : index
    tpu.barrier barrier_id(%barrier3A_8)
    "tpu.region"() ({
      %run_scoped3A = tpu.sem_alloc : memref<!tpu.dma_semaphore, #tpu.memory_space<semaphore_mem>>
      %dma_start3A = arith.constant 0 : i32
      %dma_start3A_9 = tpu.memref_slice %arg6[%arg0, %mul3A_2, %dma_start3A] : memref<2x10112x128xf32, #tpu.memory_space<hbm>> -> memref<1x632x128xf32, #tpu.memory_space<hbm>>
      %dma_start3A_10 = tpu.memref_squeeze %dma_start3A_9 : memref<1x632x128xf32, #tpu.memory_space<hbm>> -> memref<632x128xf32, #tpu.memory_space<hbm>>
      %dma_start3A_11 = arith.constant 0 : i32
      %dma_start3A_12 = tpu.memref_slice %arg11[%mul3A_2, %dma_start3A_11] : memref<10112x128xf32, #tpu.memory_space<vmem_shared>> -> memref<632x128xf32, #tpu.memory_space<vmem_shared>>
      tpu.enqueue_dma source(%dma_start3A_12 : memref<632x128xf32, #tpu.memory_space<vmem_shared>>) target(%dma_start3A_10 : memref<632x128xf32, #tpu.memory_space<hbm>>) target_semaphore(%run_scoped3A : memref<!tpu.dma_semaphore, #tpu.memory_space<semaphore_mem>>)
      %dma_wait3A = arith.constant 0 : i32
      %dma_wait3A_13 = tpu.memref_slice %arg6[%arg0, %mul3A_2, %dma_wait3A] : memref<2x10112x128xf32, #tpu.memory_space<hbm>> -> memref<1x632x128xf32, #tpu.memory_space<hbm>>
      %dma_wait3A_14 = tpu.memref_squeeze %dma_wait3A_13 : memref<1x632x128xf32, #tpu.memory_space<hbm>> -> memref<632x128xf32, #tpu.memory_space<hbm>>
      %dma_wait3A_15 = arith.constant 0 : i32
      %dma_wait3A_16 = tpu.memref_slice %arg11[%mul3A_2, %dma_wait3A_15] : memref<10112x128xf32, #tpu.memory_space<vmem_shared>> -> memref<632x128xf32, #tpu.memory_space<vmem_shared>>
      tpu.wait_dma2 semaphore(%run_scoped3A : memref<!tpu.dma_semaphore, #tpu.memory_space<semaphore_mem>>) src(%dma_wait3A_16 : memref<632x128xf32, #tpu.memory_space<vmem_shared>>) dst(%dma_wait3A_14 : memref<632x128xf32, #tpu.memory_space<hbm>>)
      tpu.yield
    }) : () -> ()
    return
  }
}

module attributes {stable_mosaic.version = 14 : i64} {
  func.func @_dense_body(%arg0: i32, %arg1: memref<2x1000x128xf32, #tpu.memory_space<vmem>>, %arg2: memref<2x1000x128xf32, #tpu.memory_space<vmem>>, %arg3: memref<1000x128xf32, #tpu.memory_space<vmem>>, %arg4: memref<128x128xf32, #tpu.memory_space<vmem>>, %arg5: memref<128x128xf32, #tpu.memory_space<vmem>>, %arg6: memref<1x128xf32, #tpu.memory_space<vmem>>, %arg7: memref<1000x128xf32, #tpu.memory_space<vmem>>) attributes {dimension_semantics = [#tpu.dimension_semantics<arbitrary>], iteration_bounds = array<i64: 10>, scalar_prefetch = 0 : i64, scratch_operands = 0 : i64, tpu.core_type = #tpu.core_type<tc>, window_params = [{transform_indices = @transform_0, window_bounds = array<i64: 2, 1000, 128>}, {transform_indices = @transform_1, window_bounds = array<i64: 2, 1000, 128>}, {transform_indices = @transform_2, window_bounds = array<i64: 1000, 128>}, {pipeline_mode = #tpu.pipeline_mode<synchronous>, transform_indices = @transform_3, window_bounds = array<i64: 128, 128>}, {pipeline_mode = #tpu.pipeline_mode<synchronous>, transform_indices = @transform_4, window_bounds = array<i64: 128, 128>}, {pipeline_mode = #tpu.pipeline_mode<synchronous>, transform_indices = @transform_5, window_bounds = array<i64: 1, 128>}, {transform_indices = @transform_6, window_bounds = array<i64: 1000, 128>}]} {
    %get3A = arith.constant 0 : index
    %get3A_0 = arith.constant 0 : index
    %get3A_1 = arith.constant 0 : index
    %get3A_2 = vector.load %arg1[%get3A, %get3A_0, %get3A_1] : memref<2x1000x128xf32, #tpu.memory_space<vmem>>, vector<1x1000x128xf32>
    %get3A_3 = vector.shape_cast %get3A_2 : vector<1x1000x128xf32> to vector<1000x128xf32>
    %get3A_4 = arith.constant 1 : index
    %get3A_5 = arith.constant 0 : index
    %get3A_6 = arith.constant 0 : index
    %get3A_7 = vector.load %arg1[%get3A_4, %get3A_5, %get3A_6] : memref<2x1000x128xf32, #tpu.memory_space<vmem>>, vector<1x1000x128xf32>
    %get3A_8 = vector.shape_cast %get3A_7 : vector<1x1000x128xf32> to vector<1000x128xf32>
    %add3A = arith.addf %get3A_3, %get3A_8 : vector<1000x128xf32>
    %get3A_9 = arith.constant 0 : index
    %get3A_10 = arith.constant 0 : index
    %get3A_11 = arith.constant 0 : index
    %get3A_12 = vector.load %arg2[%get3A_9, %get3A_10, %get3A_11] : memref<2x1000x128xf32, #tpu.memory_space<vmem>>, vector<1x1000x1xf32>
    %get3A_13 = vector.shape_cast %get3A_12 : vector<1x1000x1xf32> to vector<1000x1xf32>
    %get3A_14 = arith.constant 1 : index
    %get3A_15 = arith.constant 0 : index
    %get3A_16 = arith.constant 0 : index
    %get3A_17 = vector.load %arg2[%get3A_14, %get3A_15, %get3A_16] : memref<2x1000x128xf32, #tpu.memory_space<vmem>>, vector<1x1000x1xf32>
    %get3A_18 = vector.shape_cast %get3A_17 : vector<1x1000x1xf32> to vector<1000x1xf32>
    %add3A_19 = arith.addf %get3A_13, %get3A_18 : vector<1000x1xf32>
    %max3A = arith.constant 1.000000e+00 : f32
    %max3A_20 = vector.broadcast %max3A : f32 to vector<1000x1xf32>
    %max3A_21 = arith.maximumf %add3A_19, %max3A_20 : vector<1000x1xf32>
    %div3A = arith.constant 1.000000e+00 : f32
    %div3A_22 = vector.broadcast %div3A : f32 to vector<1000x1xf32>
    %div3A_23 = arith.divf %div3A_22, %max3A_21 : vector<1000x1xf32>
    %mul3A = vector.broadcast %div3A_23 : vector<1000x1xf32> to vector<1000x128xf32>
    %mul3A_24 = arith.mulf %add3A, %mul3A : vector<1000x128xf32>
    %get3A_25 = arith.constant 0 : index
    %get3A_26 = arith.constant 0 : index
    %get3A_27 = vector.load %arg4[%get3A_25, %get3A_26] : memref<128x128xf32, #tpu.memory_space<vmem>>, vector<128x128xf32>
    %dot_general3A = arith.constant dense<0.000000e+00> : vector<1000x128xf32>
    %dot_general3A_28 = tpu.matmul %mul3A_24, %get3A_27, %dot_general3A {dimension_numbers = #tpu.dot_dimension_numbers<[1], [0], [0], [1], [0, 0, 1, 1], [], []>, transpose_lhs_hint = false} : vector<1000x128xf32>, vector<128x128xf32>, vector<1000x128xf32> -> vector<1000x128xf32>
    %get3A_29 = arith.constant 0 : index
    %get3A_30 = arith.constant 0 : index
    %get3A_31 = vector.load %arg3[%get3A_29, %get3A_30] : memref<1000x128xf32, #tpu.memory_space<vmem>>, vector<1000x128xf32>
    %get3A_32 = arith.constant 0 : index
    %get3A_33 = arith.constant 0 : index
    %get3A_34 = vector.load %arg5[%get3A_32, %get3A_33] : memref<128x128xf32, #tpu.memory_space<vmem>>, vector<128x128xf32>
    %dot_general3A_35 = arith.constant dense<0.000000e+00> : vector<1000x128xf32>
    %dot_general3A_36 = tpu.matmul %get3A_31, %get3A_34, %dot_general3A_35 {dimension_numbers = #tpu.dot_dimension_numbers<[1], [0], [0], [1], [0, 0, 1, 1], [], []>, transpose_lhs_hint = false} : vector<1000x128xf32>, vector<128x128xf32>, vector<1000x128xf32> -> vector<1000x128xf32>
    %add3A_37 = arith.addf %dot_general3A_28, %dot_general3A_36 : vector<1000x128xf32>
    %get3A_38 = arith.constant 0 : index
    %get3A_39 = arith.constant 0 : index
    %get3A_40 = vector.load %arg6[%get3A_38, %get3A_39] : memref<1x128xf32, #tpu.memory_space<vmem>>, vector<1x128xf32>
    %add3A_41 = vector.broadcast %get3A_40 : vector<1x128xf32> to vector<1000x128xf32>
    %add3A_42 = arith.addf %add3A_37, %add3A_41 : vector<1000x128xf32>
    %max3A_43 = arith.constant 0.000000e+00 : f32
    %max3A_44 = vector.broadcast %max3A_43 : f32 to vector<1000x128xf32>
    %max3A_45 = arith.maximumf %add3A_42, %max3A_44 : vector<1000x128xf32>
    %swap3A = arith.constant 0 : index
    %swap3A_46 = arith.constant 0 : index
    %swap3A_47 = vector.load %arg7[%swap3A, %swap3A_46] : memref<1000x128xf32, #tpu.memory_space<vmem>>, vector<1000x128xf32>
    tpu.vector_store %arg7[%swap3A, %swap3A_46], %max3A_45 {strides = array<i32>} : memref<1000x128xf32, #tpu.memory_space<vmem>>, vector<1000x128xf32>,
    return
  }
  func.func @transform_0(%arg0: i32) -> (i32, i32, i32) {
    %c0_i32 = arith.constant 0 : i32
    %c0_i32_0 = arith.constant 0 : i32
    %c0_i32_1 = arith.constant 0 : i32
    return %c0_i32, %arg0, %c0_i32_0 : i32, i32, i32
  }
  func.func @transform_1(%arg0: i32) -> (i32, i32, i32) {
    %c0_i32 = arith.constant 0 : i32
    %c0_i32_0 = arith.constant 0 : i32
    %c0_i32_1 = arith.constant 0 : i32
    return %c0_i32, %arg0, %c0_i32_0 : i32, i32, i32
  }
  func.func @transform_2(%arg0: i32) -> (i32, i32) {
    %c0_i32 = arith.constant 0 : i32
    %c0_i32_0 = arith.constant 0 : i32
    return %arg0, %c0_i32 : i32, i32
  }
  func.func @transform_3(%arg0: i32) -> (i32, i32) {
    %c0_i32 = arith.constant 0 : i32
    %c0_i32_0 = arith.constant 0 : i32
    %c0_i32_1 = arith.constant 0 : i32
    return %c0_i32, %c0_i32_0 : i32, i32
  }
  func.func @transform_4(%arg0: i32) -> (i32, i32) {
    %c0_i32 = arith.constant 0 : i32
    %c0_i32_0 = arith.constant 0 : i32
    %c0_i32_1 = arith.constant 0 : i32
    return %c0_i32, %c0_i32_0 : i32, i32
  }
  func.func @transform_5(%arg0: i32) -> (i32, i32) {
    %c0_i32 = arith.constant 0 : i32
    %c0_i32_0 = arith.constant 0 : i32
    %c0_i32_1 = arith.constant 0 : i32
    return %c0_i32, %c0_i32_0 : i32, i32
  }
  func.func @transform_6(%arg0: i32) -> (i32, i32) {
    %c0_i32 = arith.constant 0 : i32
    %c0_i32_0 = arith.constant 0 : i32
    return %arg0, %c0_i32 : i32, i32
  }
}

module attributes {stable_mosaic.version = 14 : i64} {
  func.func @_dense_body(%arg0: i32, %arg1: memref<2x1000x128xf32, #tpu.memory_space<vmem>>, %arg2: memref<2x1000x128xf32, #tpu.memory_space<vmem>>, %arg3: memref<1000x128xf32, #tpu.memory_space<vmem>>, %arg4: memref<128x128xf32, #tpu.memory_space<vmem>>, %arg5: memref<128x128xf32, #tpu.memory_space<vmem>>, %arg6: memref<1x128xf32, #tpu.memory_space<vmem>>, %arg7: memref<1000x128xf32, #tpu.memory_space<vmem>>) attributes {dimension_semantics = [#tpu.dimension_semantics<arbitrary>], iteration_bounds = array<i64: 10>, scalar_prefetch = 0 : i64, scratch_operands = 0 : i64, tpu.core_type = #tpu.core_type<tc>, window_params = [{transform_indices = @transform_0, window_bounds = array<i64: 2, 1000, 128>}, {transform_indices = @transform_1, window_bounds = array<i64: 2, 1000, 128>}, {transform_indices = @transform_2, window_bounds = array<i64: 1000, 128>}, {pipeline_mode = #tpu.pipeline_mode<synchronous>, transform_indices = @transform_3, window_bounds = array<i64: 128, 128>}, {pipeline_mode = #tpu.pipeline_mode<synchronous>, transform_indices = @transform_4, window_bounds = array<i64: 128, 128>}, {pipeline_mode = #tpu.pipeline_mode<synchronous>, transform_indices = @transform_5, window_bounds = array<i64: 1, 128>}, {transform_indices = @transform_6, window_bounds = array<i64: 1000, 128>}]} {
    %get3A = arith.constant 0 : index
    %get3A_0 = arith.constant 0 : index
    %get3A_1 = arith.constant 0 : index
    %get3A_2 = vector.load %arg1[%get3A, %get3A_0, %get3A_1] : memref<2x1000x128xf32, #tpu.memory_space<vmem>>, vector<1x1000x128xf32>
    %get3A_3 = vector.shape_cast %get3A_2 : vector<1x1000x128xf32> to vector<1000x128xf32>
    %get3A_4 = arith.constant 1 : index
    %get3A_5 = arith.constant 0 : index
    %get3A_6 = arith.constant 0 : index
    %get3A_7 = vector.load %arg1[%get3A_4, %get3A_5, %get3A_6] : memref<2x1000x128xf32, #tpu.memory_space<vmem>>, vector<1x1000x128xf32>
    %get3A_8 = vector.shape_cast %get3A_7 : vector<1x1000x128xf32> to vector<1000x128xf32>
    %add3A = arith.addf %get3A_3, %get3A_8 : vector<1000x128xf32>
    %get3A_9 = arith.constant 0 : index
    %get3A_10 = arith.constant 0 : index
    %get3A_11 = arith.constant 0 : index
    %get3A_12 = vector.load %arg2[%get3A_9, %get3A_10, %get3A_11] : memref<2x1000x128xf32, #tpu.memory_space<vmem>>, vector<1x1000x1xf32>
    %get3A_13 = vector.shape_cast %get3A_12 : vector<1x1000x1xf32> to vector<1000x1xf32>
    %get3A_14 = arith.constant 1 : index
    %get3A_15 = arith.constant 0 : index
    %get3A_16 = arith.constant 0 : index
    %get3A_17 = vector.load %arg2[%get3A_14, %get3A_15, %get3A_16] : memref<2x1000x128xf32, #tpu.memory_space<vmem>>, vector<1x1000x1xf32>
    %get3A_18 = vector.shape_cast %get3A_17 : vector<1x1000x1xf32> to vector<1000x1xf32>
    %add3A_19 = arith.addf %get3A_13, %get3A_18 : vector<1000x1xf32>
    %max3A = arith.constant 1.000000e+00 : f32
    %max3A_20 = vector.broadcast %max3A : f32 to vector<1000x1xf32>
    %max3A_21 = arith.maximumf %add3A_19, %max3A_20 : vector<1000x1xf32>
    %div3A = arith.constant 1.000000e+00 : f32
    %div3A_22 = vector.broadcast %div3A : f32 to vector<1000x1xf32>
    %div3A_23 = arith.divf %div3A_22, %max3A_21 : vector<1000x1xf32>
    %mul3A = vector.broadcast %div3A_23 : vector<1000x1xf32> to vector<1000x128xf32>
    %mul3A_24 = arith.mulf %add3A, %mul3A : vector<1000x128xf32>
    %get3A_25 = arith.constant 0 : index
    %get3A_26 = arith.constant 0 : index
    %get3A_27 = vector.load %arg4[%get3A_25, %get3A_26] : memref<128x128xf32, #tpu.memory_space<vmem>>, vector<128x128xf32>
    %dot_general3A = arith.constant dense<0.000000e+00> : vector<1000x128xf32>
    %dot_general3A_28 = tpu.matmul %mul3A_24, %get3A_27, %dot_general3A {dimension_numbers = #tpu.dot_dimension_numbers<[1], [0], [0], [1], [0, 0, 1, 1], [], []>, transpose_lhs_hint = false} : vector<1000x128xf32>, vector<128x128xf32>, vector<1000x128xf32> -> vector<1000x128xf32>
    %get3A_29 = arith.constant 0 : index
    %get3A_30 = arith.constant 0 : index
    %get3A_31 = vector.load %arg3[%get3A_29, %get3A_30] : memref<1000x128xf32, #tpu.memory_space<vmem>>, vector<1000x128xf32>
    %get3A_32 = arith.constant 0 : index
    %get3A_33 = arith.constant 0 : index
    %get3A_34 = vector.load %arg5[%get3A_32, %get3A_33] : memref<128x128xf32, #tpu.memory_space<vmem>>, vector<128x128xf32>
    %dot_general3A_35 = arith.constant dense<0.000000e+00> : vector<1000x128xf32>
    %dot_general3A_36 = tpu.matmul %get3A_31, %get3A_34, %dot_general3A_35 {dimension_numbers = #tpu.dot_dimension_numbers<[1], [0], [0], [1], [0, 0, 1, 1], [], []>, transpose_lhs_hint = false} : vector<1000x128xf32>, vector<128x128xf32>, vector<1000x128xf32> -> vector<1000x128xf32>
    %add3A_37 = arith.addf %dot_general3A_28, %dot_general3A_36 : vector<1000x128xf32>
    %get3A_38 = arith.constant 0 : index
    %get3A_39 = arith.constant 0 : index
    %get3A_40 = vector.load %arg6[%get3A_38, %get3A_39] : memref<1x128xf32, #tpu.memory_space<vmem>>, vector<1x128xf32>
    %add3A_41 = vector.broadcast %get3A_40 : vector<1x128xf32> to vector<1000x128xf32>
    %add3A_42 = arith.addf %add3A_37, %add3A_41 : vector<1000x128xf32>
    %swap3A = arith.constant 0 : index
    %swap3A_43 = arith.constant 0 : index
    %swap3A_44 = vector.load %arg7[%swap3A, %swap3A_43] : memref<1000x128xf32, #tpu.memory_space<vmem>>, vector<1000x128xf32>
    tpu.vector_store %arg7[%swap3A, %swap3A_43], %add3A_42 {strides = array<i32>} : memref<1000x128xf32, #tpu.memory_space<vmem>>, vector<1000x128xf32>,
    return
  }
  func.func @transform_0(%arg0: i32) -> (i32, i32, i32) {
    %c0_i32 = arith.constant 0 : i32
    %c0_i32_0 = arith.constant 0 : i32
    %c0_i32_1 = arith.constant 0 : i32
    return %c0_i32, %arg0, %c0_i32_0 : i32, i32, i32
  }
  func.func @transform_1(%arg0: i32) -> (i32, i32, i32) {
    %c0_i32 = arith.constant 0 : i32
    %c0_i32_0 = arith.constant 0 : i32
    %c0_i32_1 = arith.constant 0 : i32
    return %c0_i32, %arg0, %c0_i32_0 : i32, i32, i32
  }
  func.func @transform_2(%arg0: i32) -> (i32, i32) {
    %c0_i32 = arith.constant 0 : i32
    %c0_i32_0 = arith.constant 0 : i32
    return %arg0, %c0_i32 : i32, i32
  }
  func.func @transform_3(%arg0: i32) -> (i32, i32) {
    %c0_i32 = arith.constant 0 : i32
    %c0_i32_0 = arith.constant 0 : i32
    %c0_i32_1 = arith.constant 0 : i32
    return %c0_i32, %c0_i32_0 : i32, i32
  }
  func.func @transform_4(%arg0: i32) -> (i32, i32) {
    %c0_i32 = arith.constant 0 : i32
    %c0_i32_0 = arith.constant 0 : i32
    %c0_i32_1 = arith.constant 0 : i32
    return %c0_i32, %c0_i32_0 : i32, i32
  }
  func.func @transform_5(%arg0: i32) -> (i32, i32) {
    %c0_i32 = arith.constant 0 : i32
    %c0_i32_0 = arith.constant 0 : i32
    %c0_i32_1 = arith.constant 0 : i32
    return %c0_i32, %c0_i32_0 : i32, i32
  }
  func.func @transform_6(%arg0: i32) -> (i32, i32) {
    %c0_i32 = arith.constant 0 : i32
    %c0_i32_0 = arith.constant 0 : i32
    return %arg0, %c0_i32 : i32, i32
  }
}

</mosaic_0001>

<sc_bundles>
// kernel: kernel.10.cloned.1.call-start
scs
__scs_entry_jumppad:
0x0: {  	(pc) =	sbr.rel $0x88, $3  }
0x1: {  	(tag) =	ssettag $0x0;
	lr =	simm.s32 $0x1  }
0x2: {  	[smem:$0x3F99] =	sst lr;
	_ =	strace $0xD0000000  }
0x3: {  	_ = 	snop  }
0x4: {  	_ = 	snop  }
0x5: {  	_ = 	snop  }
0x6: {  	_ = 	snop  }
0x7: {  	_ = 	snop  }
__scs_overlays_trampoline_lowered:
0x8: {  	[smem:$0x3FA8] =	sst s0  }
0x9: {  	[smem:$0x3FA9] =	sst s1  }
0xa: {  	[smem:$0x3FAA] =	sst s2  }
0xb: {  	[smem:$0x3FAB] =	sst s3  }
0xc: {  	[smem:$0x3FAC] =	sst s4  }
0xd: {  	[smem:$0x3FAD] =	sst s5  }
0xe: {  	[smem:$0x3FAE] =	sst s6  }
0xf: {  	[smem:$0x3FAF] =	sst s7  }
0x10: {  	[smem:$0x3FB0] =	sst s8  }
0x11: {  	[smem:$0x3FB1] =	sst s9;
	s0 =	simm.s32 @!p0 $0x0  }
0x12: {  	s1 =	sld [smem:$0x3F97];
	s0 =	simm.s32 @p0 $0x1  }
0x13: {  	[smem:$0x3FB2] =	sst s0;
	s0 =	simm.s32 @!p1 $0x0  }
0x14: {  	s2 =	sld [smem:$0x3F96];
	s0 =	simm.s32 @p1 $0x1  }
0x15: {  	[smem:$0x3FB3] =	sst s0;
	s0 =	simm.s32 @!p2 $0x0  }
0x16: {  	s3 =	sld [smem:$0x3FDB];
	s0 =	simm.s32 @p2 $0x1  }
0x17: {  	s4 =	simm.s32 $0x1BF5;
	[smem:$0x3FB5] =	sst s0  }
0x18: {  	s0 =	sld [smem:$0x3F98];
	_ =	swait.ge [sflag:s4], $0x0  }
0x19: {  	s7 =	sld [smem:$0x3F99]  }
0x1a: {  	s8 =	sadd.s32 $0xFFFFE003, lr  }
0x1b: {  	s9 =	sadd.s32 $0xFFFFFEF7, lr;
	s5 =	simm.s32 $0xFFFFFFFF;
	p2 =	slt.u32 s8, $0xFFFFF086  }
0x1c: {  	p1 =	slt.u32 s9, $0xF7A;
	s5 =	simm.s32 @!p2 $0x0  }
0x1d: {  	s5 =	simm.s32 @p1 $0x1;
	p0 =	seq.s32 s7, s2  }
0x1e: {  	s7 =	smul.u32 @!p0 $0xF7A, s2;
	p2 =	seq.s32 @!p0 s5, $0x0  }
0x1f: {  	s9 =	smul.u32 $0xF7A, s1;
	s8 =	simm.s32 @!p0 $0x1BF5;
	p2 =	por !p2, p0  }
0x20: {  	[sflag:s8] =	ssyncset.s32 @!p0 $0xFFFFF086;
	s6 =	sadd.s32 @!p0 s3, s7;
	s7 =	simm.s32 @!p0 $0x108  }
0x21: {  	s3 =	sadd.s32 s3, s9;
	s6 =	sadd.s32 @!p0 $0x88, s6;
	s7 =	simm.s32 @p2 $0x1082  }
0x22: {  	[simem:s7], [sflag:s8] =	dma.local @!p0 [hbm:s6], $0xF7A  }
0x23: {  	s9 =	sor.u32 $0xD0000000, s2;
	s6 =	simm.s32 $0x108;
	_ =	swait.ge @!p0 [sflag:s8], $0x0  }
0x24: {  	s3 =	sadd.s32 $0x88, s3;
	s6 =	simm.s32 @!p1 $0x1082;
	[sflag:s4] =	ssyncset.s32 $0xFFFFF086  }
0x25: {  	[simem:s6], [sflag:s4] =	dma.local [hbm:s3], $0xF7A  }
0x26: {  	[smem:$0x3F99] =	sst s1;
	(tag) =	ssettag s2;
	_ =	strace s9  }
0x27: {  	s1 =	sld [smem:$0x3FA9]  }
0x28: {  	s2 =	sld [smem:$0x3FAA]  }
0x29: {  	s4 =	sld [smem:$0x3FAC]  }
0x2a: {  	p0 =	seq.s32 s5, $0x0;
	s5 =	sld [smem:$0x3FAD]  }
0x2b: {  	s6 =	sld [smem:$0x3FAE]  }
0x2c: {  	s7 =	sld [smem:$0x3FAF]  }
0x2d: {  	s3 =	simm.s32 $0x108;
	s8 =	sld [smem:$0x3FB0]  }
0x2e: {  	s3 =	simm.s32 @!p0 $0x1082;
	s9 =	sld [smem:$0x3FB1]  }
0x2f: {  	lr =	sadd.s32 s0, s3;
	s0 =	sld [smem:$0x3FA8]  }
0x30: {  	s3 =	sld [smem:$0x3FAB]  }
0x31: {  	[smem:$0x3FB4] =	sst s10  }
0x32: {  	s10 =	sld [smem:$0x3FB2];
	_ =	sdelay $0x3  }
0x33: {  	p0 =	seq.s32 s10, $0x1;
	s10 =	sld [smem:$0x3FB4];
	_ =	sdelay $0x3  }
0x34: {  	[smem:$0x3FB4] =	sst s10  }
0x35: {  	s10 =	sld [smem:$0x3FB3];
	_ =	sdelay $0x3  }
0x36: {  	p1 =	seq.s32 s10, $0x1;
	s10 =	sld [smem:$0x3FB4];
	_ =	sdelay $0x3  }
0x37: {  	[smem:$0x3FB4] =	sst s10  }
0x38: {  	s10 =	sld [smem:$0x3FB5]  }
0x39: {  	_ = 	snop;
	(pc) =	sbr.ind lr, $3  }
0x3a: {  	_ = 	snop  }
0x3b: {  	_ = 	snop  }
0x3c: {  	p2 =	seq.s32 s10, $0x1;
	s10 =	sld [smem:$0x3FB4]  }
0x3d: {  	_ =	shalt  }
0x3e: {  	_ =	shalt  }
0x3f: {  	_ =	shalt  }
0x40: {  	_ =	shalt  }
0x41: {  	_ =	shalt  }
0x42: {  	_ =	shalt  }
0x43: {  	_ =	shalt  }
0x44: {  	_ =	shalt  }
0x45: {  	_ =	shalt  }
0x46: {  	_ =	shalt  }
0x47: {  	_ =	shalt  }
0x48: {  	_ =	shalt  }
0x49: {  	_ =	shalt  }
0x4a: {  	_ =	shalt  }
0x4b: {  	_ =	shalt  }
0x4c: {  	_ =	shalt  }
0x4d: {  	_ =	shalt  }
0x4e: {  	_ =	shalt  }
0x4f: {  	_ =	shalt  }
0x50: {  	_ =	shalt  }
0x51: {  	_ =	shalt  }
0x52: {  	_ =	shalt  }
0x53: {  	_ =	shalt  }
0x54: {  	_ =	shalt  }
0x55: {  	_ =	shalt  }
0x56: {  	_ =	shalt  }
0x57: {  	_ =	shalt  }
0x58: {  	_ =	shalt  }
0x59: {  	_ =	shalt  }
0x5a: {  	_ =	shalt  }
0x5b: {  	_ =	shalt  }
0x5c: {  	_ =	shalt  }
0x5d: {  	_ =	shalt  }
0x5e: {  	_ =	shalt  }
0x5f: {  	_ =	shalt  }
0x60: {  	_ =	shalt  }
0x61: {  	_ =	shalt  }
0x62: {  	_ =	shalt  }
0x63: {  	_ =	shalt  }
0x64: {  	_ =	shalt  }
0x65: {  	_ =	shalt  }
0x66: {  	_ =	shalt  }
0x67: {  	_ =	shalt  }
0x68: {  	_ =	shalt  }
0x69: {  	_ =	shalt  }
0x6a: {  	_ =	shalt  }
0x6b: {  	_ =	shalt  }
0x6c: {  	_ =	shalt  }
0x6d: {  	_ =	shalt  }
0x6e: {  	_ =	shalt  }
0x6f: {  	_ =	shalt  }
0x70: {  	_ =	shalt  }
0x71: {  	_ =	shalt  }
0x72: {  	_ =	shalt  }
0x73: {  	_ =	shalt  }
0x74: {  	_ =	shalt  }
0x75: {  	_ =	shalt  }
0x76: {  	_ =	shalt  }
0x77: {  	_ =	shalt  }
0x78: {  	_ =	shalt  }
0x79: {  	_ =	shalt  }
0x7a: {  	_ =	shalt  }
0x7b: {  	_ =	shalt  }
0x7c: {  	_ =	shalt  }
0x7d: {  	_ =	shalt  }
0x7e: {  	_ =	shalt  }
0x7f: {  	_ =	shalt  }
0x80: {  	_ =	shalt  }
0x81: {  	_ =	shalt  }
0x82: {  	_ =	shalt  }
0x83: {  	_ =	shalt  }
0x84: {  	_ =	shalt  }
0x85: {  	_ =	shalt  }
0x86: {  	_ =	shalt  }
0x87: {  	_ =	shalt  }
.Lfunc_end0:
.L_simem_size_0:
called_computation.1_lowered:
.L_overlay_start_0:
0x88: {  	s2 =	sld [smem:$0x3FD9]  }
0x89: {  	s3 =	sld [smem:$0x3FFE];
	_ =	sdelay $0x1  }
0x8a: {  	s1 =	srdreg.scid  }
0x8b: {  	s0 =	sand.u32 $0x1, s1  }
0x8c: {  	s17 =	sshll.u32 s0, $0xA;
	s2 =	sadd.s32 s3, s2  }
0x8d: {  	s2 =	sadd.s32 s2, s17  }
0x8e: {  	[smem:$0x3FC0] =	sst s2  }
0x8f: {  	_ = 	snop  }
0x90: {  	s18 =	sld [smem:$0x3FC9];
	(tm) =	ssettm $0x1  }
0x91: {  	s19 =	sld [smem:$0x3FFB];
	_ =	sdelay $0x3  }
0x92: {  	_ =	strace s19  }
0x93: {  	s2 =	sld [smem:$0x3FFC];
	_ =	sdelay $0x3  }
0x94: {  	_ =	strace s2  }
0x95: {  	s2 =	sld [smem:$0x3FFD];
	_ =	sdelay $0x3  }
0x96: {  	_ =	strace s2  }
0x97: {  	_ =	strace $0x8FFFFFFF  }
0x98: {  	s20 =	sld [smem:$0x3FDB];
	_ =	sdelay $0x1  }
0x99: {  	s4 =	simm.s32 $_scs_section_size  }
0x9a: {  	s5 =	simm.s32 $_size__tile_overlayer_lowered;
	s6 =	simm.s32 $_tile_overlayer_lowered  }
0x9b: {  	s7 =	simm.s32 $0x1BFF;
	s21 =	sshll.u32 s6, $0x1;
	s4 =	sadd.s32 s4, s20  }
0x9c: {  	s22 =	simm.s32 $0x0;
	s5 =	sshll.u32 s5, $0x1;
	s6 =	sadd.s32 s21, s4  }
0x9d: {  	[timem:s22], [sflag:s7] =	dma.local [hbm:s6], s5  }
0x9e: {  	_ =	swait.ge [sflag:s7], s5  }
0x9f: {  	s5 =	ssub.s32 $0x0, s5;
	[sflag:s7] =	ssyncset.done $0x0  }
0xa0: {  	[sflag:s7] =	ssyncadd.s32 s5;
	_ =	sdelay $0x1  }
0xa1: {  	s23 =	simm.s32 $0x1B8B  }
0xa2: {  	_ =	swait.ge [sflag:s23], $0x1  }
0xa3: {  	[sflag:s23] =	ssyncset.done $0x0  }
0xa4: {  	[sflag:s23] =	ssyncadd.s32 $0xFFFFFFFF  }
0xa5: {  	s5 =	sld [smem:$0x0]  }
0xa6: {  	s6 =	sand.u32 $0xFFFFFFFE, s1  }
0xa7: {  	p0 =	sne.s32 s1, s6  }
0xa8: {  	s6 =	sshll.u32 @p0 s6, $0xE  }
0xa9: {  	s6 =	sadd.s32 @p0 $0x11B8D, s6;
	s7 =	sshll.u32 @p0 s5, $0x11  }
0xaa: {  	s6 =	sor.u32 @p0 s7, s6  }
0xab: {  	[sflag:s6] =	ssyncadd.remote.s32 @p0 $0x1;
	_ =	sdelay $0x1  }
0xac: {  	s6 =	simm.s32 @p0 $0x1B8D  }
0xad: {  	_ =	swait.eq @p0 [sflag:s6], $0x1  }
0xae: {  	[sflag:s6] =	ssyncadd.s32 @p0 $0xFFFFFFFF  }
0xaf: {  	s7 =	sshll.u32 @!p0 s1, $0xE  }
0xb0: {  	s7 =	sor.u32 @!p0 $0x4000, s7;
	s6 =	simm.s32 @!p0 $0x1B8D  }
0xb1: {  	s5 =	sshll.u32 @!p0 s5, $0x11;
	s7 =	sadd.s32 @!p0 $0x11B8D, s7;
	_ =	swait.eq @!p0 [sflag:s6], $0x1  }
0xb2: {  	s5 =	sor.u32 @!p0 s5, s7;
	[sflag:s6] =	ssyncadd.s32 @!p0 $0xFFFFFFFF  }
0xb3: {  	s25 =	simm.s32 $0x1B8E;
	s24 =	sld [smem:$0x3FFE];
	[sflag:s5] =	ssyncadd.remote.s32 @!p0 $0x1  }
0xb4: {  	s26 =	simm.s32 $execute0_lowered;
	[smem:$0x3FD2] =	sst s25  }
0xb5: {  	s6 =	sshll.u32 s26, $0x1;
	_ =	strace $0x80000049;
	[dreg:$0x1] =	wrdreg $0xFFFFFFFF  }
0xb6: {  	s28 =	simm.s32 $_size_execute0_lowered;
	s4 =	sadd.s32 s4, s6;
	[dreg:$0x0] =	wrdreg $0x0  }
0xb7: {  	s6 =	sshll.u32 s28, $0x1;
	[dreg:$0x2] =	wrdreg s4  }
0xb8: {  	[dreg:$0x3] =	wrdreg s6  }
0xb9: {  	[dreg:$0x4] =	wrdreg $0xC0  }
0xba: {  	_ =	task [dreg:s22], $0x5FFFF  }
0xbb: {  	[dreg:$0x1] =	wrdreg $0xFFFFFFFF  }
0xbc: {  	[dreg:$0x0] =	wrdreg $0x60  }
0xbd: {  	[dreg:$0x2] =	wrdreg s18  }
0xbe: {  	[dreg:$0x3] =	wrdreg s24  }
0xbf: {  	[dreg:$0x4] =	wrdreg $0x98000  }
0xc0: {  	[dreg:$0x5] =	wrdreg $0xA  }
0xc1: {  	_ =	task.clear_ibuf [dreg:s22], $0x6FFFF;
	_ =	strace $0x90000049  }
0xc2: {  	s29 =	simm.s32 $0xA;
	_ =	strace $0x8000004B  }
0xc3: {  	_ =	swait.ge [sflag:s29], $0x1  }
0xc4: {  	[sflag:s29] =	ssyncadd.s32 $0xFFFFFFFF  }
0xc5: {  	_ =	strace $0x9000004B  }
0xc6: {  	_ =	sfence  }
0xc7: {  	s30 =	sld [smem:$0x0];
	_ =	sdelay $0x2  }
0xc8: {  	s31 =	sshll.u32 s1, $0xD;
	s1 =	sshrl.u32 s1, $0x2  }
0xc9: {  	s4 =	sand.u32 $0x4000, s31;
	s1 =	sadd.s32 s1, s30  }
0xca: {  	s0 =	sor.u32 s4, s0;
	s1 =	sshll.u32 s1, $0x11  }
0xcb: {  	s0 =	sor.u32 s1, s0  }
0xcc: {  	s0 =	sadd.s32 $0x8F2B, s0  }
0xcd: {  	[sflag:s0] =	ssyncadd.remote.s32 $0x1  }
0xce: {  	_ =	sfence.sel $0xFFFF  }
0xcf: {  	[dreg:$0x0] =	wrdreg $0xFFFFFFFF;
	(pc) =	sbr.abs _section_cstart, $3  }
0xd0: {  	[dreg:$0x1] =	wrdreg $0xFFFFFFFF  }
0xd1: {  	_ =	task.clear_ibuf [dreg:s22], $0x2FFFF;
	_ =	strace $0x9FFFFFFF  }
0xd2: {  	(tm) =	ssettm $0x7FFFFFFF  }
0xd3: {  	_ =	shalt  }
tec
execute0_lowered:
.L_overlay_start_1:
0x0: {  	(tag) =	ssettag $0x1  }
0x1: {  	s1 =	rddreg [dreg:$0x0]  }
0x2: {  	s2 =	rddreg [dreg:$0x1]  }
0x3: {  	s3 =	rddreg [dreg:$0x2];
	s4 =	simm.s32 $0x0  }
0x4: {  	s20 =	simm.s32 $0x100;
	[smem:$0x7FF] =	sst s4  }
0x5: {  	s22 =	simm.s32 $0x180;
	_ =	strace $0x8000004A;
	[dreg:$0x5] =	wrdreg s20  }
0x6: {  	s23 =	simm.s32 $0x200;
	[dreg:$0x6] =	wrdreg s22  }
0x7: {  	s24 =	simm.s32 $0x280;
	[dreg:$0x7] =	wrdreg s23  }
0x8: {  	s25 =	simm.s32 $0x1080;
	[dreg:$0x8] =	wrdreg s24  }
0x9: {  	s10 =	stileid.u32;
	s9 =	sadd.s32 $0x20000, s2;
	[dreg:$0x9] =	wrdreg s25  }
0xa: {  	s0 =	srdreg.scid;
	s26 =	simm.s32 $0x300;
	[smem:$0x7F1] =	sst s9  }
0xb: {  	s11 =	simm.s32 $0x1100;
	s12 =	simm.s32 $0x400;
	[dreg:$0xa] =	wrdreg s26  }
0xc: {  	s13 =	simm.s32 $0x480;
	s15 =	simm.s32 $0x1180;
	[dreg:$0xc] =	wrdreg s11  }
0xd: {  	s17 =	simm.s32 $0x500;
	s19 =	simm.s32 $0x580;
	[dreg:$0xd] =	wrdreg s12  }
0xe: {  	s28 =	simm.s32 $0xE00;
	s29 =	simm.s32 $0xE80;
	[dreg:$0xe] =	wrdreg s13  }
0xf: {  	s30 =	simm.s32 $0x1680;
	s31 =	simm.s32 $0xF00;
	[dreg:$0xf] =	wrdreg s15  }
0x10: {  	s5 =	smul.u32 $0xA00, s10;
	s0 =	sand.u32 $0x1, s0;
	[dreg:$0x10] =	wrdreg s17  }
0x11: {  	s21 =	smul.u32 $0x1400, s10;
	s9 =	simm.s32 $0x380;
	[dreg:$0x11] =	wrdreg s19  }
0x12: {  	s8 =	smul.u32 $0x13C00, s10;
	s20 =	simm.s32 $0x1200;
	[dreg:$0xb] =	wrdreg s9  }
0x13: {  	s18 =	smul.u32 $0x4F000, s10;
	s22 =	simm.s32 $0x600;
	[dreg:$0x12] =	wrdreg s20  }
0x14: {  	s6 =	smul.u32 $0x500, s0;
	s23 =	simm.s32 $0x680;
	[dreg:$0x13] =	wrdreg s22  }
0x15: {  	s7 =	smul.u32 $0x13C000, s0;
	s25 =	simm.s32 $0x1280;
	[dreg:$0x14] =	wrdreg s23  }
0x16: {  	s14 =	ssub.s32 $0x2, s0;
	s26 =	simm.s32 $0x700;
	[dreg:$0x15] =	wrdreg s25  }
0x17: {  	s24 =	sshll.u32 s10, $0x6;
	s10 =	simm.s32 $0x780;
	[dreg:$0x16] =	wrdreg s26  }
0x18: {  	s0 =	smul.u32 $0xA00, s0;
	s11 =	simm.s32 $0x1300;
	[dreg:$0x17] =	wrdreg s10  }
0x19: {  	s13 =	simm.s32 $0x800;
	s15 =	simm.s32 $0x1380;
	[dreg:$0x18] =	wrdreg s11  }
0x1a: {  	s17 =	simm.s32 $0x980;
	s19 =	simm.s32 $0xA00;
	[dreg:$0x19] =	wrdreg s13  }
0x1b: {  	s5 =	sadd.s32 s5, s2;
	s16 =	sshrl.u32 s14, $0x1;
	[dreg:$0x1b] =	wrdreg s15  }
0x1c: {  	s9 =	sor.u32 $0x1C05, s24;
	s11 =	simm.s32 $0x5;
	[dreg:$0x1d] =	wrdreg s17  }
0x1d: {  	s13 =	simm.s32 $0x40;
	[dreg:$0x1f] =	wrdreg s19;
	s20 =	simm.s32 $0xA80  }
0x1e: {  	s15 =	simm.s32 $0x80;
	s22 =	simm.s32 $0xB00;
	s17 =	simm.s32 $0x5800  }
0x1f: {  	s23 =	simm.s32 $0xB80;
	s24 =	simm.s32 $0x1500;
	[smem:$0x7F5] =	sst s20  }
0x20: {  	s19 =	simm.s32 $0x1;
	s25 =	simm.s32 $0xC00;
	[smem:$0x7F7] =	sst s22  }
0x21: {  	s26 =	simm.s32 $0xC80;
	s5 =	sadd.s32 s6, s5;
	[smem:$0x7F8] =	sst s23  }
0x22: {  	s6 =	sadd.s32 s21, s2;
	s7 =	sadd.s32 s8, s7;
	[smem:$0x7F9] =	sst s24  }
0x23: {  	s21 =	sshrl.u32 s18, $0x2;
	s18 =	simm.s32 $0x1400;
	[smem:$0x7FA] =	sst s25  }
0x24: {  	s20 =	simm.s32 $0x2;
	s22 =	simm.s32 $0x4;
	[smem:$0x7FB] =	sst s26  }
0x25: {  	s23 =	simm.s32 $0x1580;
	s24 =	simm.s32 $0xD00;
	s25 =	simm.s32 $0xD80  }
0x26: {  	s26 =	simm.s32 $0x1600;
	[smem:$0x7FC] =	sst s9;
	s5 =	sadd.s32 $0x2000, s5  }
0x27: {  	s7 =	sshrl.u32 s7, $0x3;
	s8 =	sadd.s32 s21, s3;
	s0 =	sadd.s32 s0, s6  }
0x28: {  	[dreg:$0x1e] =	wrdreg s18;
	s21 =	simm.s32 $0x1480;
	s18 =	simm.s32 $0x7800  }
0x29: {  	[dreg:$0x4] =	wrdreg s5;
	s2 =	sadd.s32 s7, s2;
	s7 =	ssub.s32 s14, s16  }
0x2a: {  	s14 =	simm.s32 $0x880;
	s0 =	sadd.s32 $0xC000, s0;
	[smem:$0x7F6] =	sst s21  }
0x2b: {  	s8 =	sshrl.u32 s8, $0x3;
	s16 =	simm.s32 $0x900;
	[smem:$0x7F4] =	sst s0  }
0x2c: {  	s21 =	simm.s32 $0x3;
	s5 =	simm.s32 $0x1780;
	[dreg:$0x1a] =	wrdreg s14  }
0x2d: {  	s2 =	sadd.s32 $0x71800, s2;
	s12 =	smax.u32 s7, $0x1;
	[dreg:$0x1c] =	wrdreg s16  }
0x2e: {  	s14 =	simm.s32 $0x1800;
	s16 =	simm.s32 $0x3800;
	[smem:$0x7FD] =	sst s8  }
0x2f: {  	s0 =	simm.s32 $0x1700;
	s7 =	simm.s32 $0x0;
	[smem:$0x7F2] =	sst s2  }
0x30: {  	[smem:$0x7F3] =	sst s12;
	s12 =	simm.s32 $0x1000;
	s2 =	simm.s32 $0xF80  }
.LBB2_1:
0x31: {  	s6 =	sld [smem:$0x7F1];
	_ =	sdelay $0x2  }
0x32: {  	[spmem:s8], [sflag:s9] =	dma.local [hbm:s6], $0x2780  }
0x33: {  	_ =	swait.ge [sflag:s11], $0x2780  }
0x34: {  	[sflag:s11] =	ssyncset.done $0x0  }
0x35: {  	[sflag:s11] =	ssyncadd.s32 $0xFFFFD880  }
0x36: {  	[bflag:$0x0] =	sbarrier.arrive $0xFFFF  }
0x37: {  	s6 =	sld [smem:$0x7F4];
	_ =	sdelay $0x2  }
0x38: {  	[tilespmem:s4], [sflag:$0x5] =	stream.linear.gather [hbm4b:s6+s4], $0x1000, $0x38;
	[tilespmem:$0x1D400] =	vst v63  }
0x39: {  	_ =	swait.ge [sflag:s11], $0x1000  }
0x3a: {  	s10 =	rddreg [dreg:$0x4];
	[sflag:s11] =	ssyncset.done $0x0  }
0x3b: {  	[sflag:s11] =	ssyncadd.s32 $0xFFFFF000;
	s8 =	sadd.s32 $0x0, s10  }
0x3c: {  	[tilespmem:s12], [sflag:$0x5] =	stream.linear.gather [hbm4b:s8+s4], $0x800, $0x38;
	[tilespmem:$0x1D400] =	vst v63  }
0x3d: {  	_ =	swait.ge [sflag:s11], $0x800  }
0x3e: {  	[sflag:s11] =	ssyncset.done $0x0  }
0x3f: {  	[sflag:s11] =	ssyncadd.s32 $0xFFFFF800  }
0x40: {  	[tilespmem:s14], [sflag:$0x1] =	stream.indirect.gather [hbm4b:s1+s13], $0x80, s4, s13, $0xb8;
	[tilespmem:$0x1D400] =	vst v63  }
0x41: {  	_ = 	snop  }
0x42: {  	[tilespmem:s16], [sflag:$0x2] =	stream.indirect.gather [hbm4b:s1+s13], $0x80, s15, s13, $0xb8;
	[tilespmem:$0x1D400] =	vst v63  }
0x43: {  	s9 =	rddreg [dreg:$0x5]  }
0x44: {  	[tilespmem:s17], [sflag:$0x3] =	stream.indirect.gather [hbm4b:s1+s13], $0x80, s9, s13, $0xb8;
	[tilespmem:$0x1D400] =	vst v63  }
0x45: {  	s10 =	rddreg [dreg:$0x6]  }
0x46: {  	[tilespmem:s18], [sflag:$0x4] =	stream.indirect.gather [hbm4b:s1+s13], $0x80, s10, s13, $0xb8;
	[tilespmem:$0x1D400] =	vst v63  }
0x47: {  	_ =	swait.ge [sflag:s19], $0x2000  }
0x48: {  	[sflag:s19] =	ssyncset.done $0x0  }
0x49: {  	[sflag:s19] =	ssyncadd.s32 $0xFFFFE000  }
0x4a: {  	_ =	swait.ge [sflag:s20], $0x2000  }
0x4b: {  	[sflag:s20] =	ssyncset.done $0x0  }
0x4c: {  	[sflag:s20] =	ssyncadd.s32 $0xFFFFE000  }
0x4d: {  	[spmem:s3] =	stream.indirect.scatter.add.f32 [tilespmem:s14], [sflag:$0x5], $0x80, s12, s15, $0xb8;
	[tilespmem:$0x1D400] =	vst v63  }
0x4e: {  	_ =	swait.ge [sflag:s11], $0x4000  }
0x4f: {  	[sflag:s11] =	ssyncset.done $0x0  }
0x50: {  	s9 =	rddreg [dreg:$0x7];
	[sflag:s11] =	ssyncadd.s32 $0xFFFFC000  }
0x51: {  	[tilespmem:s14], [sflag:$0x1] =	stream.indirect.gather [hbm4b:s1+s13], $0x80, s9, s13, $0xb8;
	[tilespmem:$0x1D400] =	vst v63  }
0x52: {  	s10 =	rddreg [dreg:$0x8]  }
0x53: {  	[tilespmem:s16], [sflag:$0x2] =	stream.indirect.gather [hbm4b:s1+s13], $0x80, s10, s13, $0xb8;
	[tilespmem:$0x1D400] =	vst v63  }
0x54: {  	_ =	swait.ge [sflag:s21], $0x2000  }
0x55: {  	[sflag:s21] =	ssyncset.done $0x0  }
0x56: {  	[sflag:s21] =	ssyncadd.s32 $0xFFFFE000  }
0x57: {  	_ =	swait.ge [sflag:s22], $0x2000  }
0x58: {  	[sflag:s22] =	ssyncset.done $0x0  }
0x59: {  	s10 =	rddreg [dreg:$0x9];
	[sflag:s22] =	ssyncadd.s32 $0xFFFFE000  }
0x5a: {  	[spmem:s3] =	stream.indirect.scatter.add.f32 [tilespmem:s17], [sflag:$0x5], $0x80, s10, s15, $0xb8;
	[tilespmem:$0x1D400] =	vst v63  }
0x5b: {  	_ =	swait.ge [sflag:s11], $0x4000  }
0x5c: {  	[sflag:s11] =	ssyncset.done $0x0  }
0x5d: {  	s9 =	rddreg [dreg:$0xa];
	[sflag:s11] =	ssyncadd.s32 $0xFFFFC000  }
0x5e: {  	[tilespmem:s17], [sflag:$0x3] =	stream.indirect.gather [hbm4b:s1+s13], $0x80, s9, s13, $0xb8;
	[tilespmem:$0x1D400] =	vst v63  }
0x5f: {  	s10 =	rddreg [dreg:$0xb]  }
0x60: {  	[tilespmem:s18], [sflag:$0x4] =	stream.indirect.gather [hbm4b:s1+s13], $0x80, s10, s13, $0xb8;
	[tilespmem:$0x1D400] =	vst v63  }
0x61: {  	_ =	swait.ge [sflag:s19], $0x2000  }
0x62: {  	[sflag:s19] =	ssyncset.done $0x0  }
0x63: {  	[sflag:s19] =	ssyncadd.s32 $0xFFFFE000  }
0x64: {  	_ =	swait.ge [sflag:s20], $0x2000  }
0x65: {  	[sflag:s20] =	ssyncset.done $0x0  }
0x66: {  	s10 =	rddreg [dreg:$0xc];
	[sflag:s20] =	ssyncadd.s32 $0xFFFFE000  }
0x67: {  	[spmem:s3] =	stream.indirect.scatter.add.f32 [tilespmem:s14], [sflag:$0x5], $0x80, s10, s15, $0xb8;
	[tilespmem:$0x1D400] =	vst v63  }
0x68: {  	_ =	swait.ge [sflag:s11], $0x4000  }
0x69: {  	[sflag:s11] =	ssyncset.done $0x0  }
0x6a: {  	s9 =	rddreg [dreg:$0xd];
	[sflag:s11] =	ssyncadd.s32 $0xFFFFC000  }
0x6b: {  	[tilespmem:s14], [sflag:$0x1] =	stream.indirect.gather [hbm4b:s1+s13], $0x80, s9, s13, $0xb8;
	[tilespmem:$0x1D400] =	vst v63  }
0x6c: {  	s10 =	rddreg [dreg:$0xe]  }
0x6d: {  	[tilespmem:s16], [sflag:$0x2] =	stream.indirect.gather [hbm4b:s1+s13], $0x80, s10, s13, $0xb8;
	[tilespmem:$0x1D400] =	vst v63  }
0x6e: {  	_ =	swait.ge [sflag:s21], $0x2000  }
0x6f: {  	[sflag:s21] =	ssyncset.done $0x0  }
0x70: {  	[sflag:s21] =	ssyncadd.s32 $0xFFFFE000  }
0x71: {  	_ =	swait.ge [sflag:s22], $0x2000  }
0x72: {  	[sflag:s22] =	ssyncset.done $0x0  }
0x73: {  	s10 =	rddreg [dreg:$0xf];
	[sflag:s22] =	ssyncadd.s32 $0xFFFFE000  }
0x74: {  	[spmem:s3] =	stream.indirect.scatter.add.f32 [tilespmem:s17], [sflag:$0x5], $0x80, s10, s15, $0xb8;
	[tilespmem:$0x1D400] =	vst v63  }
0x75: {  	_ =	swait.ge [sflag:s11], $0x4000  }
0x76: {  	[sflag:s11] =	ssyncset.done $0x0  }
0x77: {  	s9 =	rddreg [dreg:$0x10];
	[sflag:s11] =	ssyncadd.s32 $0xFFFFC000  }
0x78: {  	[tilespmem:s17], [sflag:$0x3] =	stream.indirect.gather [hbm4b:s1+s13], $0x80, s9, s13, $0xb8;
	[tilespmem:$0x1D400] =	vst v63  }
0x79: {  	s10 =	rddreg [dreg:$0x11]  }
0x7a: {  	[tilespmem:s18], [sflag:$0x4] =	stream.indirect.gather [hbm4b:s1+s13], $0x80, s10, s13, $0xb8;
	[tilespmem:$0x1D400] =	vst v63  }
0x7b: {  	_ =	swait.ge [sflag:s19], $0x2000  }
0x7c: {  	[sflag:s19] =	ssyncset.done $0x0  }
0x7d: {  	[sflag:s19] =	ssyncadd.s32 $0xFFFFE000  }
0x7e: {  	_ =	swait.ge [sflag:s20], $0x2000  }
0x7f: {  	[sflag:s20] =	ssyncset.done $0x0  }
0x80: {  	s10 =	rddreg [dreg:$0x12];
	[sflag:s20] =	ssyncadd.s32 $0xFFFFE000  }
0x81: {  	[spmem:s3] =	stream.indirect.scatter.add.f32 [tilespmem:s14], [sflag:$0x5], $0x80, s10, s15, $0xb8;
	[tilespmem:$0x1D400] =	vst v63  }
0x82: {  	_ =	swait.ge [sflag:s11], $0x4000  }
0x83: {  	[sflag:s11] =	ssyncset.done $0x0  }
0x84: {  	s9 =	rddreg [dreg:$0x13];
	[sflag:s11] =	ssyncadd.s32 $0xFFFFC000  }
0x85: {  	[tilespmem:s14], [sflag:$0x1] =	stream.indirect.gather [hbm4b:s1+s13], $0x80, s9, s13, $0xb8;
	[tilespmem:$0x1D400] =	vst v63  }
0x86: {  	s10 =	rddreg [dreg:$0x14]  }
0x87: {  	[tilespmem:s16], [sflag:$0x2] =	stream.indirect.gather [hbm4b:s1+s13], $0x80, s10, s13, $0xb8;
	[tilespmem:$0x1D400] =	vst v63  }
0x88: {  	_ =	swait.ge [sflag:s21], $0x2000  }
0x89: {  	[sflag:s21] =	ssyncset.done $0x0  }
0x8a: {  	[sflag:s21] =	ssyncadd.s32 $0xFFFFE000  }
0x8b: {  	_ =	swait.ge [sflag:s22], $0x2000  }
0x8c: {  	[sflag:s22] =	ssyncset.done $0x0  }
0x8d: {  	s10 =	rddreg [dreg:$0x15];
	[sflag:s22] =	ssyncadd.s32 $0xFFFFE000  }
0x8e: {  	[spmem:s3] =	stream.indirect.scatter.add.f32 [tilespmem:s17], [sflag:$0x5], $0x80, s10, s15, $0xb8;
	[tilespmem:$0x1D400] =	vst v63  }
0x8f: {  	_ =	swait.ge [sflag:s11], $0x4000  }
0x90: {  	[sflag:s11] =	ssyncset.done $0x0  }
0x91: {  	s9 =	rddreg [dreg:$0x16];
	[sflag:s11] =	ssyncadd.s32 $0xFFFFC000  }
0x92: {  	[tilespmem:s17], [sflag:$0x3] =	stream.indirect.gather [hbm4b:s1+s13], $0x80, s9, s13, $0xb8;
	[tilespmem:$0x1D400] =	vst v63  }
0x93: {  	s10 =	rddreg [dreg:$0x17]  }
0x94: {  	[tilespmem:s18], [sflag:$0x4] =	stream.indirect.gather [hbm4b:s1+s13], $0x80, s10, s13, $0xb8;
	[tilespmem:$0x1D400] =	vst v63  }
0x95: {  	_ =	swait.ge [sflag:s19], $0x2000  }
0x96: {  	[sflag:s19] =	ssyncset.done $0x0  }
0x97: {  	[sflag:s19] =	ssyncadd.s32 $0xFFFFE000  }
0x98: {  	_ =	swait.ge [sflag:s20], $0x2000  }
0x99: {  	[sflag:s20] =	ssyncset.done $0x0  }
0x9a: {  	s10 =	rddreg [dreg:$0x18];
	[sflag:s20] =	ssyncadd.s32 $0xFFFFE000  }
0x9b: {  	[spmem:s3] =	stream.indirect.scatter.add.f32 [tilespmem:s14], [sflag:$0x5], $0x80, s10, s15, $0xb8;
	[tilespmem:$0x1D400] =	vst v63  }
0x9c: {  	_ =	swait.ge [sflag:s11], $0x4000  }
0x9d: {  	[sflag:s11] =	ssyncset.done $0x0  }
0x9e: {  	s9 =	rddreg [dreg:$0x19];
	[sflag:s11] =	ssyncadd.s32 $0xFFFFC000  }
0x9f: {  	[tilespmem:s14], [sflag:$0x1] =	stream.indirect.gather [hbm4b:s1+s13], $0x80, s9, s13, $0xb8;
	[tilespmem:$0x1D400] =	vst v63  }
0xa0: {  	s10 =	rddreg [dreg:$0x1a]  }
0xa1: {  	[tilespmem:s16], [sflag:$0x2] =	stream.indirect.gather [hbm4b:s1+s13], $0x80, s10, s13, $0xb8;
	[tilespmem:$0x1D400] =	vst v63  }
0xa2: {  	_ =	swait.ge [sflag:s21], $0x2000  }
0xa3: {  	[sflag:s21] =	ssyncset.done $0x0  }
0xa4: {  	[sflag:s21] =	ssyncadd.s32 $0xFFFFE000  }
0xa5: {  	_ =	swait.ge [sflag:s22], $0x2000  }
0xa6: {  	[sflag:s22] =	ssyncset.done $0x0  }
0xa7: {  	s10 =	rddreg [dreg:$0x1b];
	[sflag:s22] =	ssyncadd.s32 $0xFFFFE000  }
0xa8: {  	[spmem:s3] =	stream.indirect.scatter.add.f32 [tilespmem:s17], [sflag:$0x5], $0x80, s10, s15, $0xb8;
	[tilespmem:$0x1D400] =	vst v63  }
0xa9: {  	_ =	swait.ge [sflag:s11], $0x4000  }
0xaa: {  	[sflag:s11] =	ssyncset.done $0x0  }
0xab: {  	s9 =	rddreg [dreg:$0x1c];
	[sflag:s11] =	ssyncadd.s32 $0xFFFFC000  }
0xac: {  	[tilespmem:s17], [sflag:$0x3] =	stream.indirect.gather [hbm4b:s1+s13], $0x80, s9, s13, $0xb8;
	[tilespmem:$0x1D400] =	vst v63  }
0xad: {  	s10 =	rddreg [dreg:$0x1d]  }
0xae: {  	[tilespmem:s18], [sflag:$0x4] =	stream.indirect.gather [hbm4b:s1+s13], $0x80, s10, s13, $0xb8;
	[tilespmem:$0x1D400] =	vst v63  }
0xaf: {  	_ =	swait.ge [sflag:s19], $0x2000  }
0xb0: {  	[sflag:s19] =	ssyncset.done $0x0  }
0xb1: {  	[sflag:s19] =	ssyncadd.s32 $0xFFFFE000  }
0xb2: {  	_ =	swait.ge [sflag:s20], $0x2000  }
0xb3: {  	[sflag:s20] =	ssyncset.done $0x0  }
0xb4: {  	s10 =	rddreg [dreg:$0x1e];
	[sflag:s20] =	ssyncadd.s32 $0xFFFFE000  }
0xb5: {  	[spmem:s3] =	stream.indirect.scatter.add.f32 [tilespmem:s14], [sflag:$0x5], $0x80, s10, s15, $0xb8;
	[tilespmem:$0x1D400] =	vst v63  }
0xb6: {  	_ =	swait.ge [sflag:s11], $0x4000  }
0xb7: {  	s9 =	rddreg [dreg:$0x1f];
	[sflag:s11] =	ssyncset.done $0x0  }
0xb8: {  	s10 =	sld [smem:$0x7F5];
	[sflag:s11] =	ssyncadd.s32 $0xFFFFC000  }
0xb9: {  	[tilespmem:s14], [sflag:$0x1] =	stream.indirect.gather [hbm4b:s1+s13], $0x80, s9, s13, $0xb8;
	[tilespmem:$0x1D400] =	vst v63  }
0xba: {  	_ = 	snop  }
0xbb: {  	[tilespmem:s16], [sflag:$0x2] =	stream.indirect.gather [hbm4b:s1+s13], $0x80, s10, s13, $0xb8;
	[tilespmem:$0x1D400] =	vst v63  }
0xbc: {  	_ =	swait.ge [sflag:s21], $0x2000  }
0xbd: {  	[sflag:s21] =	ssyncset.done $0x0  }
0xbe: {  	[sflag:s21] =	ssyncadd.s32 $0xFFFFE000  }
0xbf: {  	_ =	swait.ge [sflag:s22], $0x2000  }
0xc0: {  	s10 =	sld [smem:$0x7F6]  }
0xc1: {  	[sflag:s22] =	ssyncset.done $0x0  }
0xc2: {  	[sflag:s22] =	ssyncadd.s32 $0xFFFFE000  }
0xc3: {  	[spmem:s3] =	stream.indirect.scatter.add.f32 [tilespmem:s17], [sflag:$0x5], $0x80, s10, s15, $0xb8;
	[tilespmem:$0x1D400] =	vst v63  }
0xc4: {  	_ =	swait.ge [sflag:s11], $0x4000  }
0xc5: {  	s9 =	sld [smem:$0x7F7]  }
0xc6: {  	[sflag:s11] =	ssyncset.done $0x0  }
0xc7: {  	s10 =	sld [smem:$0x7F8];
	[sflag:s11] =	ssyncadd.s32 $0xFFFFC000  }
0xc8: {  	[tilespmem:s17], [sflag:$0x3] =	stream.indirect.gather [hbm4b:s1+s13], $0x80, s9, s13, $0xb8;
	[tilespmem:$0x1D400] =	vst v63  }
0xc9: {  	_ = 	snop  }
0xca: {  	[tilespmem:s18], [sflag:$0x4] =	stream.indirect.gather [hbm4b:s1+s13], $0x80, s10, s13, $0xb8;
	[tilespmem:$0x1D400] =	vst v63  }
0xcb: {  	_ =	swait.ge [sflag:s19], $0x2000  }
0xcc: {  	[sflag:s19] =	ssyncset.done $0x0  }
0xcd: {  	[sflag:s19] =	ssyncadd.s32 $0xFFFFE000  }
0xce: {  	_ =	swait.ge [sflag:s20], $0x2000  }
0xcf: {  	s10 =	sld [smem:$0x7F9]  }
0xd0: {  	[sflag:s20] =	ssyncset.done $0x0  }
0xd1: {  	[sflag:s20] =	ssyncadd.s32 $0xFFFFE000  }
0xd2: {  	[spmem:s3] =	stream.indirect.scatter.add.f32 [tilespmem:s14], [sflag:$0x5], $0x80, s10, s15, $0xb8;
	[tilespmem:$0x1D400] =	vst v63  }
0xd3: {  	_ =	swait.ge [sflag:s11], $0x4000  }
0xd4: {  	s9 =	sld [smem:$0x7FA]  }
0xd5: {  	[sflag:s11] =	ssyncset.done $0x0  }
0xd6: {  	s10 =	sld [smem:$0x7FB];
	[sflag:s11] =	ssyncadd.s32 $0xFFFFC000  }
0xd7: {  	[tilespmem:s14], [sflag:$0x1] =	stream.indirect.gather [hbm4b:s1+s13], $0x80, s9, s13, $0xb8;
	[tilespmem:$0x1D400] =	vst v63  }
0xd8: {  	_ = 	snop  }
0xd9: {  	[tilespmem:s16], [sflag:$0x2] =	stream.indirect.gather [hbm4b:s1+s13], $0x80, s10, s13, $0xb8;
	[tilespmem:$0x1D400] =	vst v63  }
0xda: {  	_ =	swait.ge [sflag:s21], $0x2000  }
0xdb: {  	[sflag:s21] =	ssyncset.done $0x0  }
0xdc: {  	[sflag:s21] =	ssyncadd.s32 $0xFFFFE000  }
0xdd: {  	_ =	swait.ge [sflag:s22], $0x2000  }
0xde: {  	[sflag:s22] =	ssyncset.done $0x0  }
0xdf: {  	[sflag:s22] =	ssyncadd.s32 $0xFFFFE000  }
0xe0: {  	[spmem:s3] =	stream.indirect.scatter.add.f32 [tilespmem:s17], [sflag:$0x5], $0x80, s23, s15, $0xb8;
	[tilespmem:$0x1D400] =	vst v63  }
0xe1: {  	_ =	swait.ge [sflag:s11], $0x4000  }
0xe2: {  	[sflag:s11] =	ssyncset.done $0x0  }
0xe3: {  	[sflag:s11] =	ssyncadd.s32 $0xFFFFC000  }
0xe4: {  	[tilespmem:s17], [sflag:$0x3] =	stream.indirect.gather [hbm4b:s1+s13], $0x80, s24, s13, $0xb8;
	[tilespmem:$0x1D400] =	vst v63  }
0xe5: {  	_ = 	snop  }
0xe6: {  	[tilespmem:s18], [sflag:$0x4] =	stream.indirect.gather [hbm4b:s1+s13], $0x80, s25, s13, $0xb8;
	[tilespmem:$0x1D400] =	vst v63  }
0xe7: {  	_ =	swait.ge [sflag:s19], $0x2000  }
0xe8: {  	[sflag:s19] =	ssyncset.done $0x0  }
0xe9: {  	[sflag:s19] =	ssyncadd.s32 $0xFFFFE000  }
0xea: {  	_ =	swait.ge [sflag:s20], $0x2000  }
0xeb: {  	[sflag:s20] =	ssyncset.done $0x0  }
0xec: {  	[sflag:s20] =	ssyncadd.s32 $0xFFFFE000  }
0xed: {  	[spmem:s3] =	stream.indirect.scatter.add.f32 [tilespmem:s14], [sflag:$0x5], $0x80, s26, s15, $0xb8;
	[tilespmem:$0x1D400] =	vst v63  }
0xee: {  	_ =	swait.ge [sflag:s11], $0x4000  }
0xef: {  	[sflag:s11] =	ssyncset.done $0x0  }
0xf0: {  	[sflag:s11] =	ssyncadd.s32 $0xFFFFC000  }
0xf1: {  	[tilespmem:s14], [sflag:$0x1] =	stream.indirect.gather [hbm4b:s1+s13], $0x80, s28, s13, $0xb8;
	[tilespmem:$0x1D400] =	vst v63  }
0xf2: {  	_ = 	snop  }
0xf3: {  	[tilespmem:s16], [sflag:$0x2] =	stream.indirect.gather [hbm4b:s1+s13], $0x80, s29, s13, $0xb8;
	[tilespmem:$0x1D400] =	vst v63  }
0xf4: {  	_ =	swait.ge [sflag:s21], $0x2000  }
0xf5: {  	[sflag:s21] =	ssyncset.done $0x0  }
0xf6: {  	[sflag:s21] =	ssyncadd.s32 $0xFFFFE000  }
0xf7: {  	_ =	swait.ge [sflag:s22], $0x2000  }
0xf8: {  	[sflag:s22] =	ssyncset.done $0x0  }
0xf9: {  	[sflag:s22] =	ssyncadd.s32 $0xFFFFE000  }
0xfa: {  	[spmem:s3] =	stream.indirect.scatter.add.f32 [tilespmem:s17], [sflag:$0x5], $0x80, s30, s15, $0xb8;
	[tilespmem:$0x1D400] =	vst v63  }
0xfb: {  	_ =	swait.ge [sflag:s11], $0x4000  }
0xfc: {  	[sflag:s11] =	ssyncset.done $0x0  }
0xfd: {  	[sflag:s11] =	ssyncadd.s32 $0xFFFFC000  }
0xfe: {  	[tilespmem:s17], [sflag:$0x3] =	stream.indirect.gather [hbm4b:s1+s13], $0x80, s31, s13, $0xb8;
	[tilespmem:$0x1D400] =	vst v63  }
0xff: {  	_ = 	snop  }
0x100: {  	[tilespmem:s18], [sflag:$0x4] =	stream.indirect.gather [hbm4b:s1+s13], $0x80, s2, s13, $0xb8;
	[tilespmem:$0x1D400] =	vst v63  }
0x101: {  	_ =	swait.ge [sflag:s19], $0x2000  }
0x102: {  	[sflag:s19] =	ssyncset.done $0x0  }
0x103: {  	[sflag:s19] =	ssyncadd.s32 $0xFFFFE000  }
0x104: {  	_ =	swait.ge [sflag:s20], $0x2000  }
0x105: {  	[sflag:s20] =	ssyncset.done $0x0  }
0x106: {  	[sflag:s20] =	ssyncadd.s32 $0xFFFFE000  }
0x107: {  	[spmem:s3] =	stream.indirect.scatter.add.f32 [tilespmem:s14], [sflag:$0x5], $0x80, s0, s15, $0xb8;
	[tilespmem:$0x1D400] =	vst v63  }
0x108: {  	_ =	swait.ge [sflag:s11], $0x4000  }
0x109: {  	[sflag:s11] =	ssyncset.done $0x0  }
0x10a: {  	[sflag:s11] =	ssyncadd.s32 $0xFFFFC000  }
0x10b: {  	_ =	swait.ge [sflag:s21], $0x2000  }
0x10c: {  	[sflag:s21] =	ssyncset.done $0x0  }
0x10d: {  	[sflag:s21] =	ssyncadd.s32 $0xFFFFE000  }
0x10e: {  	_ =	swait.ge [sflag:s22], $0x2000  }
0x10f: {  	[sflag:s22] =	ssyncset.done $0x0  }
0x110: {  	[sflag:s22] =	ssyncadd.s32 $0xFFFFE000  }
0x111: {  	[spmem:s3] =	stream.indirect.scatter.add.f32 [tilespmem:s17], [sflag:$0x5], $0x80, s5, s15, $0xb8;
	[tilespmem:$0x1D400] =	vst v63  }
0x112: {  	_ =	swait.ge [sflag:s11], $0x4000  }
0x113: {  	s8 =	simm.s32 $0x100;
	s9 =	smov.u32 s6;
	[sflag:s11] =	ssyncset.done $0x0  }
.LBB2_2:
0x114: {  	[sflag:s11] =	ssyncadd.s32 $0xFFFFC000;
	s9 =	sadd.s32 $0x200, s9  }
0x115: {  	[tilespmem:s4], [sflag:$0x5] =	stream.linear.gather [hbm4b:s9+s4], $0x1000, $0x38;
	[tilespmem:$0x1D400] =	vst v63  }
0x116: {  	_ =	swait.ge [sflag:s11], $0x1000  }
0x117: {  	s10 =	smov.u32 s8;
	s6 =	rddreg [dreg:$0x4];
	[sflag:s11] =	ssyncset.done $0x0  }
0x118: {  	[sflag:s11] =	ssyncadd.s32 $0xFFFFF000;
	s6 =	sadd.s32 s10, s6  }
0x119: {  	[tilespmem:s12], [sflag:$0x5] =	stream.linear.gather [hbm4b:s6+s4], $0x800, $0x38;
	[tilespmem:$0x1D400] =	vst v63  }
0x11a: {  	_ =	swait.ge [sflag:s11], $0x800  }
0x11b: {  	[sflag:s11] =	ssyncset.done $0x0  }
0x11c: {  	[sflag:s11] =	ssyncadd.s32 $0xFFFFF800  }
0x11d: {  	[tilespmem:s14], [sflag:$0x1] =	stream.indirect.gather [hbm4b:s1+s13], $0x80, s4, s13, $0xb8;
	[tilespmem:$0x1D400] =	vst v63  }
0x11e: {  	_ = 	snop  }
0x11f: {  	[tilespmem:s16], [sflag:$0x2] =	stream.indirect.gather [hbm4b:s1+s13], $0x80, s15, s13, $0xb8;
	[tilespmem:$0x1D400] =	vst v63  }
0x120: {  	s6 =	rddreg [dreg:$0x5]  }
0x121: {  	[tilespmem:s17], [sflag:$0x3] =	stream.indirect.gather [hbm4b:s1+s13], $0x80, s6, s13, $0xb8;
	[tilespmem:$0x1D400] =	vst v63  }
0x122: {  	s10 =	rddreg [dreg:$0x6]  }
0x123: {  	[tilespmem:s18], [sflag:$0x4] =	stream.indirect.gather [hbm4b:s1+s13], $0x80, s10, s13, $0xb8;
	[tilespmem:$0x1D400] =	vst v63  }
0x124: {  	_ =	swait.ge [sflag:s19], $0x2000  }
0x125: {  	[sflag:s19] =	ssyncset.done $0x0  }
0x126: {  	[sflag:s19] =	ssyncadd.s32 $0xFFFFE000  }
0x127: {  	_ =	swait.ge [sflag:s20], $0x2000  }
0x128: {  	[sflag:s20] =	ssyncset.done $0x0  }
0x129: {  	[sflag:s20] =	ssyncadd.s32 $0xFFFFE000  }
0x12a: {  	[spmem:s3] =	stream.indirect.scatter.add.f32 [tilespmem:s14], [sflag:$0x5], $0x80, s12, s15, $0xb8;
	[tilespmem:$0x1D400] =	vst v63  }
0x12b: {  	_ =	swait.ge [sflag:s11], $0x4000  }
0x12c: {  	[sflag:s11] =	ssyncset.done $0x0  }
0x12d: {  	s6 =	rddreg [dreg:$0x7];
	[sflag:s11] =	ssyncadd.s32 $0xFFFFC000  }
0x12e: {  	[tilespmem:s14], [sflag:$0x1] =	stream.indirect.gather [hbm4b:s1+s13], $0x80, s6, s13, $0xb8;
	[tilespmem:$0x1D400] =	vst v63  }
0x12f: {  	s10 =	rddreg [dreg:$0x8]  }
0x130: {  	[tilespmem:s16], [sflag:$0x2] =	stream.indirect.gather [hbm4b:s1+s13], $0x80, s10, s13, $0xb8;
	[tilespmem:$0x1D400] =	vst v63  }
0x131: {  	_ =	swait.ge [sflag:s21], $0x2000  }
0x132: {  	[sflag:s21] =	ssyncset.done $0x0  }
0x133: {  	[sflag:s21] =	ssyncadd.s32 $0xFFFFE000  }
0x134: {  	_ =	swait.ge [sflag:s22], $0x2000  }
0x135: {  	[sflag:s22] =	ssyncset.done $0x0  }
0x136: {  	s10 =	rddreg [dreg:$0x9];
	[sflag:s22] =	ssyncadd.s32 $0xFFFFE000  }
0x137: {  	[spmem:s3] =	stream.indirect.scatter.add.f32 [tilespmem:s17], [sflag:$0x5], $0x80, s10, s15, $0xb8;
	[tilespmem:$0x1D400] =	vst v63  }
0x138: {  	_ =	swait.ge [sflag:s11], $0x4000  }
0x139: {  	[sflag:s11] =	ssyncset.done $0x0  }
0x13a: {  	s6 =	rddreg [dreg:$0xa];
	[sflag:s11] =	ssyncadd.s32 $0xFFFFC000  }
0x13b: {  	[tilespmem:s17], [sflag:$0x3] =	stream.indirect.gather [hbm4b:s1+s13], $0x80, s6, s13, $0xb8;
	[tilespmem:$0x1D400] =	vst v63  }
0x13c: {  	s10 =	rddreg [dreg:$0xb]  }
0x13d: {  	[tilespmem:s18], [sflag:$0x4] =	stream.indirect.gather [hbm4b:s1+s13], $0x80, s10, s13, $0xb8;
	[tilespmem:$0x1D400] =	vst v63  }
0x13e: {  	_ =	swait.ge [sflag:s19], $0x2000  }
0x13f: {  	[sflag:s19] =	ssyncset.done $0x0  }
0x140: {  	[sflag:s19] =	ssyncadd.s32 $0xFFFFE000  }
0x141: {  	_ =	swait.ge [sflag:s20], $0x2000  }
0x142: {  	[sflag:s20] =	ssyncset.done $0x0  }
0x143: {  	s10 =	rddreg [dreg:$0xc];
	[sflag:s20] =	ssyncadd.s32 $0xFFFFE000  }
0x144: {  	[spmem:s3] =	stream.indirect.scatter.add.f32 [tilespmem:s14], [sflag:$0x5], $0x80, s10, s15, $0xb8;
	[tilespmem:$0x1D400] =	vst v63  }
0x145: {  	_ =	swait.ge [sflag:s11], $0x4000  }
0x146: {  	[sflag:s11] =	ssyncset.done $0x0  }
0x147: {  	s6 =	rddreg [dreg:$0xd];
	[sflag:s11] =	ssyncadd.s32 $0xFFFFC000  }
0x148: {  	[tilespmem:s14], [sflag:$0x1] =	stream.indirect.gather [hbm4b:s1+s13], $0x80, s6, s13, $0xb8;
	[tilespmem:$0x1D400] =	vst v63  }
0x149: {  	s10 =	rddreg [dreg:$0xe]  }
0x14a: {  	[tilespmem:s16], [sflag:$0x2] =	stream.indirect.gather [hbm4b:s1+s13], $0x80, s10, s13, $0xb8;
	[tilespmem:$0x1D400] =	vst v63  }
0x14b: {  	_ =	swait.ge [sflag:s21], $0x2000  }
0x14c: {  	[sflag:s21] =	ssyncset.done $0x0  }
0x14d: {  	[sflag:s21] =	ssyncadd.s32 $0xFFFFE000  }
0x14e: {  	_ =	swait.ge [sflag:s22], $0x2000  }
0x14f: {  	[sflag:s22] =	ssyncset.done $0x0  }
0x150: {  	s10 =	rddreg [dreg:$0xf];
	[sflag:s22] =	ssyncadd.s32 $0xFFFFE000  }
0x151: {  	[spmem:s3] =	stream.indirect.scatter.add.f32 [tilespmem:s17], [sflag:$0x5], $0x80, s10, s15, $0xb8;
	[tilespmem:$0x1D400] =	vst v63  }
0x152: {  	_ =	swait.ge [sflag:s11], $0x4000  }
0x153: {  	[sflag:s11] =	ssyncset.done $0x0  }
0x154: {  	s6 =	rddreg [dreg:$0x10];
	[sflag:s11] =	ssyncadd.s32 $0xFFFFC000  }
0x155: {  	[tilespmem:s17], [sflag:$0x3] =	stream.indirect.gather [hbm4b:s1+s13], $0x80, s6, s13, $0xb8;
	[tilespmem:$0x1D400] =	vst v63  }
0x156: {  	s10 =	rddreg [dreg:$0x11]  }
0x157: {  	[tilespmem:s18], [sflag:$0x4] =	stream.indirect.gather [hbm4b:s1+s13], $0x80, s10, s13, $0xb8;
	[tilespmem:$0x1D400] =	vst v63  }
0x158: {  	_ =	swait.ge [sflag:s19], $0x2000  }
0x159: {  	[sflag:s19] =	ssyncset.done $0x0  }
0x15a: {  	[sflag:s19] =	ssyncadd.s32 $0xFFFFE000  }
0x15b: {  	_ =	swait.ge [sflag:s20], $0x2000  }
0x15c: {  	[sflag:s20] =	ssyncset.done $0x0  }
0x15d: {  	s10 =	rddreg [dreg:$0x12];
	[sflag:s20] =	ssyncadd.s32 $0xFFFFE000  }
0x15e: {  	[spmem:s3] =	stream.indirect.scatter.add.f32 [tilespmem:s14], [sflag:$0x5], $0x80, s10, s15, $0xb8;
	[tilespmem:$0x1D400] =	vst v63  }
0x15f: {  	_ =	swait.ge [sflag:s11], $0x4000  }
0x160: {  	[sflag:s11] =	ssyncset.done $0x0  }
0x161: {  	s6 =	rddreg [dreg:$0x13];
	[sflag:s11] =	ssyncadd.s32 $0xFFFFC000  }
0x162: {  	[tilespmem:s14], [sflag:$0x1] =	stream.indirect.gather [hbm4b:s1+s13], $0x80, s6, s13, $0xb8;
	[tilespmem:$0x1D400] =	vst v63  }
0x163: {  	s10 =	rddreg [dreg:$0x14]  }
0x164: {  	[tilespmem:s16], [sflag:$0x2] =	stream.indirect.gather [hbm4b:s1+s13], $0x80, s10, s13, $0xb8;
	[tilespmem:$0x1D400] =	vst v63  }
0x165: {  	_ =	swait.ge [sflag:s21], $0x2000  }
0x166: {  	[sflag:s21] =	ssyncset.done $0x0  }
0x167: {  	[sflag:s21] =	ssyncadd.s32 $0xFFFFE000  }
0x168: {  	_ =	swait.ge [sflag:s22], $0x2000  }
0x169: {  	[sflag:s22] =	ssyncset.done $0x0  }
0x16a: {  	s10 =	rddreg [dreg:$0x15];
	[sflag:s22] =	ssyncadd.s32 $0xFFFFE000  }
0x16b: {  	[spmem:s3] =	stream.indirect.scatter.add.f32 [tilespmem:s17], [sflag:$0x5], $0x80, s10, s15, $0xb8;
	[tilespmem:$0x1D400] =	vst v63  }
0x16c: {  	_ =	swait.ge [sflag:s11], $0x4000  }
0x16d: {  	[sflag:s11] =	ssyncset.done $0x0  }
0x16e: {  	s6 =	rddreg [dreg:$0x16];
	[sflag:s11] =	ssyncadd.s32 $0xFFFFC000  }
0x16f: {  	[tilespmem:s17], [sflag:$0x3] =	stream.indirect.gather [hbm4b:s1+s13], $0x80, s6, s13, $0xb8;
	[tilespmem:$0x1D400] =	vst v63  }
0x170: {  	s10 =	rddreg [dreg:$0x17]  }
0x171: {  	[tilespmem:s18], [sflag:$0x4] =	stream.indirect.gather [hbm4b:s1+s13], $0x80, s10, s13, $0xb8;
	[tilespmem:$0x1D400] =	vst v63  }
0x172: {  	_ =	swait.ge [sflag:s19], $0x2000  }
0x173: {  	[sflag:s19] =	ssyncset.done $0x0  }
0x174: {  	[sflag:s19] =	ssyncadd.s32 $0xFFFFE000  }
0x175: {  	_ =	swait.ge [sflag:s20], $0x2000  }
0x176: {  	[sflag:s20] =	ssyncset.done $0x0  }
0x177: {  	s10 =	rddreg [dreg:$0x18];
	[sflag:s20] =	ssyncadd.s32 $0xFFFFE000  }
0x178: {  	[spmem:s3] =	stream.indirect.scatter.add.f32 [tilespmem:s14], [sflag:$0x5], $0x80, s10, s15, $0xb8;
	[tilespmem:$0x1D400] =	vst v63  }
0x179: {  	_ =	swait.ge [sflag:s11], $0x4000  }
0x17a: {  	[sflag:s11] =	ssyncset.done $0x0  }
0x17b: {  	s6 =	rddreg [dreg:$0x19];
	[sflag:s11] =	ssyncadd.s32 $0xFFFFC000  }
0x17c: {  	[tilespmem:s14], [sflag:$0x1] =	stream.indirect.gather [hbm4b:s1+s13], $0x80, s6, s13, $0xb8;
	[tilespmem:$0x1D400] =	vst v63  }
0x17d: {  	s10 =	rddreg [dreg:$0x1a]  }
0x17e: {  	[tilespmem:s16], [sflag:$0x2] =	stream.indirect.gather [hbm4b:s1+s13], $0x80, s10, s13, $0xb8;
	[tilespmem:$0x1D400] =	vst v63  }
0x17f: {  	_ =	swait.ge [sflag:s21], $0x2000  }
0x180: {  	[sflag:s21] =	ssyncset.done $0x0  }
0x181: {  	[sflag:s21] =	ssyncadd.s32 $0xFFFFE000  }
0x182: {  	_ =	swait.ge [sflag:s22], $0x2000  }
0x183: {  	[sflag:s22] =	ssyncset.done $0x0  }
0x184: {  	s10 =	rddreg [dreg:$0x1b];
	[sflag:s22] =	ssyncadd.s32 $0xFFFFE000  }
0x185: {  	[spmem:s3] =	stream.indirect.scatter.add.f32 [tilespmem:s17], [sflag:$0x5], $0x80, s10, s15, $0xb8;
	[tilespmem:$0x1D400] =	vst v63  }
0x186: {  	_ =	swait.ge [sflag:s11], $0x4000  }
0x187: {  	[sflag:s11] =	ssyncset.done $0x0  }
0x188: {  	s6 =	rddreg [dreg:$0x1c];
	[sflag:s11] =	ssyncadd.s32 $0xFFFFC000  }
0x189: {  	[tilespmem:s17], [sflag:$0x3] =	stream.indirect.gather [hbm4b:s1+s13], $0x80, s6, s13, $0xb8;
	[tilespmem:$0x1D400] =	vst v63  }
0x18a: {  	s10 =	rddreg [dreg:$0x1d]  }
0x18b: {  	[tilespmem:s18], [sflag:$0x4] =	stream.indirect.gather [hbm4b:s1+s13], $0x80, s10, s13, $0xb8;
	[tilespmem:$0x1D400] =	vst v63  }
0x18c: {  	_ =	swait.ge [sflag:s19], $0x2000  }
0x18d: {  	[sflag:s19] =	ssyncset.done $0x0  }
0x18e: {  	[sflag:s19] =	ssyncadd.s32 $0xFFFFE000  }
0x18f: {  	_ =	swait.ge [sflag:s20], $0x2000  }
0x190: {  	[sflag:s20] =	ssyncset.done $0x0  }
0x191: {  	s10 =	rddreg [dreg:$0x1e];
	[sflag:s20] =	ssyncadd.s32 $0xFFFFE000  }
0x192: {  	[spmem:s3] =	stream.indirect.scatter.add.f32 [tilespmem:s14], [sflag:$0x5], $0x80, s10, s15, $0xb8;
	[tilespmem:$0x1D400] =	vst v63  }
0x193: {  	_ =	swait.ge [sflag:s11], $0x4000  }
0x194: {  	s6 =	rddreg [dreg:$0x1f];
	[sflag:s11] =	ssyncset.done $0x0  }
0x195: {  	s10 =	sld [smem:$0x7F5];
	[sflag:s11] =	ssyncadd.s32 $0xFFFFC000  }
0x196: {  	[tilespmem:s14], [sflag:$0x1] =	stream.indirect.gather [hbm4b:s1+s13], $0x80, s6, s13, $0xb8;
	[tilespmem:$0x1D400] =	vst v63  }
0x197: {  	_ = 	snop  }
0x198: {  	[tilespmem:s16], [sflag:$0x2] =	stream.indirect.gather [hbm4b:s1+s13], $0x80, s10, s13, $0xb8;
	[tilespmem:$0x1D400] =	vst v63  }
0x199: {  	_ =	swait.ge [sflag:s21], $0x2000  }
0x19a: {  	[sflag:s21] =	ssyncset.done $0x0  }
0x19b: {  	[sflag:s21] =	ssyncadd.s32 $0xFFFFE000  }
0x19c: {  	_ =	swait.ge [sflag:s22], $0x2000  }
0x19d: {  	s10 =	sld [smem:$0x7F6]  }
0x19e: {  	[sflag:s22] =	ssyncset.done $0x0  }
0x19f: {  	[sflag:s22] =	ssyncadd.s32 $0xFFFFE000  }
0x1a0: {  	[spmem:s3] =	stream.indirect.scatter.add.f32 [tilespmem:s17], [sflag:$0x5], $0x80, s10, s15, $0xb8;
	[tilespmem:$0x1D400] =	vst v63  }
0x1a1: {  	_ =	swait.ge [sflag:s11], $0x4000  }
0x1a2: {  	s6 =	sld [smem:$0x7F7]  }
0x1a3: {  	[sflag:s11] =	ssyncset.done $0x0  }
0x1a4: {  	s10 =	sld [smem:$0x7F8];
	[sflag:s11] =	ssyncadd.s32 $0xFFFFC000  }
0x1a5: {  	[tilespmem:s17], [sflag:$0x3] =	stream.indirect.gather [hbm4b:s1+s13], $0x80, s6, s13, $0xb8;
	[tilespmem:$0x1D400] =	vst v63  }
0x1a6: {  	_ = 	snop  }
0x1a7: {  	[tilespmem:s18], [sflag:$0x4] =	stream.indirect.gather [hbm4b:s1+s13], $0x80, s10, s13, $0xb8;
	[tilespmem:$0x1D400] =	vst v63  }
0x1a8: {  	_ =	swait.ge [sflag:s19], $0x2000  }
0x1a9: {  	[sflag:s19] =	ssyncset.done $0x0  }
0x1aa: {  	[sflag:s19] =	ssyncadd.s32 $0xFFFFE000  }
0x1ab: {  	_ =	swait.ge [sflag:s20], $0x2000  }
0x1ac: {  	s10 =	sld [smem:$0x7F9]  }
0x1ad: {  	[sflag:s20] =	ssyncset.done $0x0  }
0x1ae: {  	[sflag:s20] =	ssyncadd.s32 $0xFFFFE000  }
0x1af: {  	[spmem:s3] =	stream.indirect.scatter.add.f32 [tilespmem:s14], [sflag:$0x5], $0x80, s10, s15, $0xb8;
	[tilespmem:$0x1D400] =	vst v63  }
0x1b0: {  	_ =	swait.ge [sflag:s11], $0x4000  }
0x1b1: {  	s6 =	sld [smem:$0x7FA]  }
0x1b2: {  	[sflag:s11] =	ssyncset.done $0x0  }
0x1b3: {  	s10 =	sld [smem:$0x7FB];
	[sflag:s11] =	ssyncadd.s32 $0xFFFFC000  }
0x1b4: {  	[tilespmem:s14], [sflag:$0x1] =	stream.indirect.gather [hbm4b:s1+s13], $0x80, s6, s13, $0xb8;
	[tilespmem:$0x1D400] =	vst v63  }
0x1b5: {  	_ = 	snop  }
0x1b6: {  	[tilespmem:s16], [sflag:$0x2] =	stream.indirect.gather [hbm4b:s1+s13], $0x80, s10, s13, $0xb8;
	[tilespmem:$0x1D400] =	vst v63  }
0x1b7: {  	_ =	swait.ge [sflag:s21], $0x2000  }
0x1b8: {  	[sflag:s21] =	ssyncset.done $0x0  }
0x1b9: {  	[sflag:s21] =	ssyncadd.s32 $0xFFFFE000  }
0x1ba: {  	_ =	swait.ge [sflag:s22], $0x2000  }
0x1bb: {  	[sflag:s22] =	ssyncset.done $0x0  }
0x1bc: {  	[sflag:s22] =	ssyncadd.s32 $0xFFFFE000  }
0x1bd: {  	[spmem:s3] =	stream.indirect.scatter.add.f32 [tilespmem:s17], [sflag:$0x5], $0x80, s23, s15, $0xb8;
	[tilespmem:$0x1D400] =	vst v63  }
0x1be: {  	_ =	swait.ge [sflag:s11], $0x4000  }
0x1bf: {  	[sflag:s11] =	ssyncset.done $0x0  }
0x1c0: {  	[sflag:s11] =	ssyncadd.s32 $0xFFFFC000  }
0x1c1: {  	[tilespmem:s17], [sflag:$0x3] =	stream.indirect.gather [hbm4b:s1+s13], $0x80, s24, s13, $0xb8;
	[tilespmem:$0x1D400] =	vst v63  }
0x1c2: {  	_ = 	snop  }
0x1c3: {  	[tilespmem:s18], [sflag:$0x4] =	stream.indirect.gather [hbm4b:s1+s13], $0x80, s25, s13, $0xb8;
	[tilespmem:$0x1D400] =	vst v63  }
0x1c4: {  	_ =	swait.ge [sflag:s19], $0x2000  }
0x1c5: {  	[sflag:s19] =	ssyncset.done $0x0  }
0x1c6: {  	[sflag:s19] =	ssyncadd.s32 $0xFFFFE000  }
0x1c7: {  	_ =	swait.ge [sflag:s20], $0x2000  }
0x1c8: {  	[sflag:s20] =	ssyncset.done $0x0  }
0x1c9: {  	[sflag:s20] =	ssyncadd.s32 $0xFFFFE000  }
0x1ca: {  	[spmem:s3] =	stream.indirect.scatter.add.f32 [tilespmem:s14], [sflag:$0x5], $0x80, s26, s15, $0xb8;
	[tilespmem:$0x1D400] =	vst v63  }
0x1cb: {  	_ =	swait.ge [sflag:s11], $0x4000  }
0x1cc: {  	[sflag:s11] =	ssyncset.done $0x0  }
0x1cd: {  	[sflag:s11] =	ssyncadd.s32 $0xFFFFC000  }
0x1ce: {  	[tilespmem:s14], [sflag:$0x1] =	stream.indirect.gather [hbm4b:s1+s13], $0x80, s28, s13, $0xb8;
	[tilespmem:$0x1D400] =	vst v63  }
0x1cf: {  	_ = 	snop  }
0x1d0: {  	[tilespmem:s16], [sflag:$0x2] =	stream.indirect.gather [hbm4b:s1+s13], $0x80, s29, s13, $0xb8;
	[tilespmem:$0x1D400] =	vst v63  }
0x1d1: {  	_ =	swait.ge [sflag:s21], $0x2000  }
0x1d2: {  	[sflag:s21] =	ssyncset.done $0x0  }
0x1d3: {  	[sflag:s21] =	ssyncadd.s32 $0xFFFFE000  }
0x1d4: {  	_ =	swait.ge [sflag:s22], $0x2000  }
0x1d5: {  	[sflag:s22] =	ssyncset.done $0x0  }
0x1d6: {  	[sflag:s22] =	ssyncadd.s32 $0xFFFFE000  }
0x1d7: {  	[spmem:s3] =	stream.indirect.scatter.add.f32 [tilespmem:s17], [sflag:$0x5], $0x80, s30, s15, $0xb8;
	[tilespmem:$0x1D400] =	vst v63  }
0x1d8: {  	_ =	swait.ge [sflag:s11], $0x4000  }
0x1d9: {  	[sflag:s11] =	ssyncset.done $0x0  }
0x1da: {  	[sflag:s11] =	ssyncadd.s32 $0xFFFFC000  }
0x1db: {  	[tilespmem:s17], [sflag:$0x3] =	stream.indirect.gather [hbm4b:s1+s13], $0x80, s31, s13, $0xb8;
	[tilespmem:$0x1D400] =	vst v63  }
0x1dc: {  	_ = 	snop  }
0x1dd: {  	[tilespmem:s18], [sflag:$0x4] =	stream.indirect.gather [hbm4b:s1+s13], $0x80, s2, s13, $0xb8;
	[tilespmem:$0x1D400] =	vst v63  }
0x1de: {  	_ =	swait.ge [sflag:s19], $0x2000  }
0x1df: {  	[sflag:s19] =	ssyncset.done $0x0  }
0x1e0: {  	[sflag:s19] =	ssyncadd.s32 $0xFFFFE000  }
0x1e1: {  	_ =	swait.ge [sflag:s20], $0x2000  }
0x1e2: {  	[sflag:s20] =	ssyncset.done $0x0  }
0x1e3: {  	[sflag:s20] =	ssyncadd.s32 $0xFFFFE000  }
0x1e4: {  	[spmem:s3] =	stream.indirect.scatter.add.f32 [tilespmem:s14], [sflag:$0x5], $0x80, s0, s15, $0xb8;
	[tilespmem:$0x1D400] =	vst v63  }
0x1e5: {  	_ =	swait.ge [sflag:s11], $0x4000  }
0x1e6: {  	[sflag:s11] =	ssyncset.done $0x0  }
0x1e7: {  	[sflag:s11] =	ssyncadd.s32 $0xFFFFC000  }
0x1e8: {  	_ =	swait.ge [sflag:s21], $0x2000  }
0x1e9: {  	[sflag:s21] =	ssyncset.done $0x0  }
0x1ea: {  	[sflag:s21] =	ssyncadd.s32 $0xFFFFE000  }
0x1eb: {  	p0 =	sne.s32 s8, $0x400;
	_ =	swait.ge [sflag:s22], $0x2000  }
.Ltmp0:
0x1ec: {  	[sflag:s22] =	ssyncset.done $0x0;
	(pc) =	sbr.rel @p0 .LBB2_2-.Ltmp0, $4  }
0x1ed: {  	[sflag:s22] =	ssyncadd.s32 $0xFFFFE000  }
0x1ee: {  	[spmem:s3] =	stream.indirect.scatter.add.f32 [tilespmem:s17], [sflag:$0x5], $0x80, s5, s15, $0xb8;
	[tilespmem:$0x1D400] =	vst v63  }
0x1ef: {  	_ =	swait.ge [sflag:s11], $0x4000  }
0x1f0: {  	s8 =	sadd.s32 $0x100, s8;
	[sflag:s11] =	ssyncset.done $0x0  }
0x1f1: {  	[sflag:s11] =	ssyncadd.s32 $0xFFFFC000  }
0x1f2: {  	[bflag:$0x0] =	sbarrier.arrive $0xFFFF  }
0x1f3: {  	s9 =	sld [smem:$0x7FC]  }
0x1f4: {  	s6 =	sld [smem:$0x7F2]  }
0x1f5: {  	s8 =	sld [smem:$0x7FD];
	_ =	sdelay $0x2  }
0x1f6: {  	[hbm:s6], [sflag:s9] =	dma.local [spmem:s8], $0x2780  }
0x1f7: {  	_ =	swait.ge [sflag:s11], $0x2780  }
0x1f8: {  	s10 =	sld [smem:$0x7F3];
	_ =	sdelay $0x1  }
0x1f9: {  	s7 =	sadd.s32 $0x1, s7  }
0x1fa: {  	p0 =	sne.s32 s7, s10  }
.Ltmp1:
0x1fb: {  	_ = 	snop;
	(pc) =	sbr.rel @p0 .LBB2_1-.Ltmp1, $3  }
0x1fc: {  	_ =	sdelay $0x1  }
0x1fd: {  	[sflag:s11] =	ssyncset.done $0x0  }
0x1fe: {  	[sflag:s11] =	ssyncadd.s32 $0xFFFFD880  }
0x1ff: {  	_ =	sfence.sel $0x180000  }
0x200: {  	[bflag:$0x0] =	sbarrier.arrive $0xFFFF  }
0x201: {  	_ =	strace $0x9000004A  }
0x202: {  	s0 =	stileid.u32;
	[bflag:$0x2] =	sbarrier.arrive $0xFFFF  }
0x203: {  	p0 =	sne.s32 s0, $0x0;
	s0 =	rddreg [dreg:$0x3]  }
0x204: {  	s0 =	sadd.s32 @!p0 $0x100000, s0  }
0x205: {  	[sflag:s0] =	ssyncadd.tile.s32 @!p0 $0x1;
	_ =	shalt  }
.Lfunc_end2:
_tile_overlayer_lowered:
.L_overlay_start_2:
0x206: {  	(tag) =	ssettag $0x2  }
0x207: {  	s0 =	rddreg [dreg:$0x0];
	s2 =	stileid.u32  }
0x208: {  	s1 =	rddreg [dreg:$0x1];
	p0 =	sne.s32 s2, $0x0  }
0x209: {  	s3 =	rddreg [dreg:$0x2];
	[bflag:$0x3] =	sbarrier.arrive $0xFFFF;
	s2 =	simm.s32 @!p0 $0x1C05  }
0x20a: {  	[timem:s3], [sflag:s2] =	dma.local @!p0 [hbm:s0], s1  }
0x20b: {  	s0 =	simm.s32 @!p0 $0x5  }
0x20c: {  	_ =	swait.ge @!p0 [sflag:s0], s1  }
0x20d: {  	s1 =	ssub.s32 @!p0 $0x0, s1;
	[sflag:s0] =	ssyncset.done @!p0 $0x0  }
0x20e: {  	[sflag:s0] =	ssyncadd.s32 @!p0 s1  }
0x20f: {  	[bflag:$0x3] =	sbarrier.arrive $0xFFFF  }
0x210: {  	_ =	shalt  }

// kernel: kernel.13.cloned.1.call-start
scs
__scs_entry_jumppad:
0x0: {  	(pc) =	sbr.rel $0x88, $3  }
0x1: {  	(tag) =	ssettag $0x0;
	lr =	simm.s32 $0x1  }
0x2: {  	[smem:$0x3F99] =	sst lr;
	_ =	strace $0xD0000000  }
0x3: {  	_ = 	snop  }
0x4: {  	_ = 	snop  }
0x5: {  	_ = 	snop  }
0x6: {  	_ = 	snop  }
0x7: {  	_ = 	snop  }
__scs_overlays_trampoline_lowered:
0x8: {  	[smem:$0x3FA8] =	sst s0  }
0x9: {  	[smem:$0x3FA9] =	sst s1  }
0xa: {  	[smem:$0x3FAA] =	sst s2  }
0xb: {  	[smem:$0x3FAB] =	sst s3  }
0xc: {  	[smem:$0x3FAC] =	sst s4  }
0xd: {  	[smem:$0x3FAD] =	sst s5  }
0xe: {  	[smem:$0x3FAE] =	sst s6  }
0xf: {  	[smem:$0x3FAF] =	sst s7  }
0x10: {  	[smem:$0x3FB0] =	sst s8  }
0x11: {  	[smem:$0x3FB1] =	sst s9;
	s0 =	simm.s32 @!p0 $0x0  }
0x12: {  	s1 =	sld [smem:$0x3F97];
	s0 =	simm.s32 @p0 $0x1  }
0x13: {  	[smem:$0x3FB2] =	sst s0;
	s0 =	simm.s32 @!p1 $0x0  }
0x14: {  	s2 =	sld [smem:$0x3F96];
	s0 =	simm.s32 @p1 $0x1  }
0x15: {  	[smem:$0x3FB3] =	sst s0;
	s0 =	simm.s32 @!p2 $0x0  }
0x16: {  	s3 =	sld [smem:$0x3FDB];
	s0 =	simm.s32 @p2 $0x1  }
0x17: {  	s4 =	simm.s32 $0x1BF5;
	[smem:$0x3FB5] =	sst s0  }
0x18: {  	s0 =	sld [smem:$0x3F98];
	_ =	swait.ge [sflag:s4], $0x0  }
0x19: {  	s7 =	sld [smem:$0x3F99]  }
0x1a: {  	s8 =	sadd.s32 $0xFFFFE003, lr  }
0x1b: {  	s9 =	sadd.s32 $0xFFFFFEF7, lr;
	s5 =	simm.s32 $0xFFFFFFFF;
	p2 =	slt.u32 s8, $0xFFFFF086  }
0x1c: {  	p1 =	slt.u32 s9, $0xF7A;
	s5 =	simm.s32 @!p2 $0x0  }
0x1d: {  	s5 =	simm.s32 @p1 $0x1;
	p0 =	seq.s32 s7, s2  }
0x1e: {  	s7 =	smul.u32 @!p0 $0xF7A, s2;
	p2 =	seq.s32 @!p0 s5, $0x0  }
0x1f: {  	s9 =	smul.u32 $0xF7A, s1;
	s8 =	simm.s32 @!p0 $0x1BF5;
	p2 =	por !p2, p0  }
0x20: {  	[sflag:s8] =	ssyncset.s32 @!p0 $0xFFFFF086;
	s6 =	sadd.s32 @!p0 s3, s7;
	s7 =	simm.s32 @!p0 $0x108  }
0x21: {  	s3 =	sadd.s32 s3, s9;
	s6 =	sadd.s32 @!p0 $0x88, s6;
	s7 =	simm.s32 @p2 $0x1082  }
0x22: {  	[simem:s7], [sflag:s8] =	dma.local @!p0 [hbm:s6], $0xF7A  }
0x23: {  	s9 =	sor.u32 $0xD0000000, s2;
	s6 =	simm.s32 $0x108;
	_ =	swait.ge @!p0 [sflag:s8], $0x0  }
0x24: {  	s3 =	sadd.s32 $0x88, s3;
	s6 =	simm.s32 @!p1 $0x1082;
	[sflag:s4] =	ssyncset.s32 $0xFFFFF086  }
0x25: {  	[simem:s6], [sflag:s4] =	dma.local [hbm:s3], $0xF7A  }
0x26: {  	[smem:$0x3F99] =	sst s1;
	(tag) =	ssettag s2;
	_ =	strace s9  }
0x27: {  	s1 =	sld [smem:$0x3FA9]  }
0x28: {  	s2 =	sld [smem:$0x3FAA]  }
0x29: {  	s4 =	sld [smem:$0x3FAC]  }
0x2a: {  	p0 =	seq.s32 s5, $0x0;
	s5 =	sld [smem:$0x3FAD]  }
0x2b: {  	s6 =	sld [smem:$0x3FAE]  }
0x2c: {  	s7 =	sld [smem:$0x3FAF]  }
0x2d: {  	s3 =	simm.s32 $0x108;
	s8 =	sld [smem:$0x3FB0]  }
0x2e: {  	s3 =	simm.s32 @!p0 $0x1082;
	s9 =	sld [smem:$0x3FB1]  }
0x2f: {  	lr =	sadd.s32 s0, s3;
	s0 =	sld [smem:$0x3FA8]  }
0x30: {  	s3 =	sld [smem:$0x3FAB]  }
0x31: {  	[smem:$0x3FB4] =	sst s10  }
0x32: {  	s10 =	sld [smem:$0x3FB2];
	_ =	sdelay $0x3  }
0x33: {  	p0 =	seq.s32 s10, $0x1;
	s10 =	sld [smem:$0x3FB4];
	_ =	sdelay $0x3  }
0x34: {  	[smem:$0x3FB4] =	sst s10  }
0x35: {  	s10 =	sld [smem:$0x3FB3];
	_ =	sdelay $0x3  }
0x36: {  	p1 =	seq.s32 s10, $0x1;
	s10 =	sld [smem:$0x3FB4];
	_ =	sdelay $0x3  }
0x37: {  	[smem:$0x3FB4] =	sst s10  }
0x38: {  	s10 =	sld [smem:$0x3FB5]  }
0x39: {  	_ = 	snop;
	(pc) =	sbr.ind lr, $3  }
0x3a: {  	_ = 	snop  }
0x3b: {  	_ = 	snop  }
0x3c: {  	p2 =	seq.s32 s10, $0x1;
	s10 =	sld [smem:$0x3FB4]  }
0x3d: {  	_ =	shalt  }
0x3e: {  	_ =	shalt  }
0x3f: {  	_ =	shalt  }
0x40: {  	_ =	shalt  }
0x41: {  	_ =	shalt  }
0x42: {  	_ =	shalt  }
0x43: {  	_ =	shalt  }
0x44: {  	_ =	shalt  }
0x45: {  	_ =	shalt  }
0x46: {  	_ =	shalt  }
0x47: {  	_ =	shalt  }
0x48: {  	_ =	shalt  }
0x49: {  	_ =	shalt  }
0x4a: {  	_ =	shalt  }
0x4b: {  	_ =	shalt  }
0x4c: {  	_ =	shalt  }
0x4d: {  	_ =	shalt  }
0x4e: {  	_ =	shalt  }
0x4f: {  	_ =	shalt  }
0x50: {  	_ =	shalt  }
0x51: {  	_ =	shalt  }
0x52: {  	_ =	shalt  }
0x53: {  	_ =	shalt  }
0x54: {  	_ =	shalt  }
0x55: {  	_ =	shalt  }
0x56: {  	_ =	shalt  }
0x57: {  	_ =	shalt  }
0x58: {  	_ =	shalt  }
0x59: {  	_ =	shalt  }
0x5a: {  	_ =	shalt  }
0x5b: {  	_ =	shalt  }
0x5c: {  	_ =	shalt  }
0x5d: {  	_ =	shalt  }
0x5e: {  	_ =	shalt  }
0x5f: {  	_ =	shalt  }
0x60: {  	_ =	shalt  }
0x61: {  	_ =	shalt  }
0x62: {  	_ =	shalt  }
0x63: {  	_ =	shalt  }
0x64: {  	_ =	shalt  }
0x65: {  	_ =	shalt  }
0x66: {  	_ =	shalt  }
0x67: {  	_ =	shalt  }
0x68: {  	_ =	shalt  }
0x69: {  	_ =	shalt  }
0x6a: {  	_ =	shalt  }
0x6b: {  	_ =	shalt  }
0x6c: {  	_ =	shalt  }
0x6d: {  	_ =	shalt  }
0x6e: {  	_ =	shalt  }
0x6f: {  	_ =	shalt  }
0x70: {  	_ =	shalt  }
0x71: {  	_ =	shalt  }
0x72: {  	_ =	shalt  }
0x73: {  	_ =	shalt  }
0x74: {  	_ =	shalt  }
0x75: {  	_ =	shalt  }
0x76: {  	_ =	shalt  }
0x77: {  	_ =	shalt  }
0x78: {  	_ =	shalt  }
0x79: {  	_ =	shalt  }
0x7a: {  	_ =	shalt  }
0x7b: {  	_ =	shalt  }
0x7c: {  	_ =	shalt  }
0x7d: {  	_ =	shalt  }
0x7e: {  	_ =	shalt  }
0x7f: {  	_ =	shalt  }
0x80: {  	_ =	shalt  }
0x81: {  	_ =	shalt  }
0x82: {  	_ =	shalt  }
0x83: {  	_ =	shalt  }
0x84: {  	_ =	shalt  }
0x85: {  	_ =	shalt  }
0x86: {  	_ =	shalt  }
0x87: {  	_ =	shalt  }
.Lfunc_end0:
.L_simem_size_0:
called_computation.2_lowered:
.L_overlay_start_0:
0x88: {  	s2 =	sld [smem:$0x3FD9]  }
0x89: {  	s3 =	sld [smem:$0x3FFE];
	_ =	sdelay $0x1  }
0x8a: {  	s1 =	srdreg.scid  }
0x8b: {  	s0 =	sand.u32 $0x1, s1  }
0x8c: {  	s17 =	sshll.u32 s0, $0xA;
	s2 =	sadd.s32 s3, s2  }
0x8d: {  	s2 =	sadd.s32 s2, s17  }
0x8e: {  	[smem:$0x3FC0] =	sst s2  }
0x8f: {  	_ = 	snop  }
0x90: {  	s2 =	sld [smem:$0x3FD0];
	(tm) =	ssettm $0x1  }
0x91: {  	s18 =	sld [smem:$0x3FFB];
	_ =	sdelay $0x3  }
0x92: {  	_ =	strace s18  }
0x93: {  	s3 =	sld [smem:$0x3FFC];
	_ =	sdelay $0x3  }
0x94: {  	_ =	strace s3  }
0x95: {  	s3 =	sld [smem:$0x3FFD];
	_ =	sdelay $0x3  }
0x96: {  	_ =	strace s3  }
0x97: {  	_ =	strace $0x8FFFFFFF  }
0x98: {  	s19 =	sld [smem:$0x3FDB];
	_ =	sdelay $0x1  }
0x99: {  	s4 =	simm.s32 $_scs_section_size  }
0x9a: {  	s5 =	simm.s32 $_size__tile_overlayer_lowered;
	s6 =	simm.s32 $_tile_overlayer_lowered  }
0x9b: {  	s22 =	simm.s32 $0x1BFF;
	s21 =	sshll.u32 s6, $0x1;
	s3 =	sadd.s32 s4, s19  }
0x9c: {  	s7 =	simm.s32 $0x0;
	s20 =	sshll.u32 s5, $0x1;
	s5 =	sadd.s32 s21, s3  }
0x9d: {  	[timem:s7], [sflag:s22] =	dma.local [hbm:s5], s20  }
0x9e: {  	_ =	swait.ge [sflag:s22], s20  }
0x9f: {  	s4 =	ssub.s32 $0x0, s20;
	[sflag:s22] =	ssyncset.done $0x0  }
0xa0: {  	[sflag:s22] =	ssyncadd.s32 s4;
	_ =	sdelay $0x1  }
0xa1: {  	s23 =	simm.s32 $0x1B8B  }
0xa2: {  	_ =	swait.ge [sflag:s23], $0x1  }
0xa3: {  	[sflag:s23] =	ssyncset.done $0x0  }
0xa4: {  	s25 =	simm.s32 $0x1B8E;
	s24 =	sld [smem:$0x3FFE];
	[sflag:s23] =	ssyncadd.s32 $0xFFFFFFFF  }
0xa5: {  	s26 =	simm.s32 $execute0_lowered;
	[smem:$0x3FD2] =	sst s25  }
0xa6: {  	s5 =	sshll.u32 s26, $0x1;
	_ =	strace $0x8000004C;
	[dreg:$0x1] =	wrdreg $0xFFFFFFFF  }
0xa7: {  	s28 =	simm.s32 $_size_execute0_lowered;
	s3 =	sadd.s32 s3, s5;
	[dreg:$0x0] =	wrdreg $0x0  }
0xa8: {  	s5 =	sshll.u32 s28, $0x1;
	[dreg:$0x2] =	wrdreg s3  }
0xa9: {  	[dreg:$0x3] =	wrdreg s5  }
0xaa: {  	[dreg:$0x4] =	wrdreg $0xC0  }
0xab: {  	_ =	task [dreg:s7], $0x5FFFF  }
0xac: {  	[dreg:$0x1] =	wrdreg $0xFFFFFFFF  }
0xad: {  	[dreg:$0x0] =	wrdreg $0x60  }
0xae: {  	[dreg:$0x2] =	wrdreg s2  }
0xaf: {  	[dreg:$0x3] =	wrdreg s24  }
0xb0: {  	[dreg:$0x4] =	wrdreg $0x98000  }
0xb1: {  	[dreg:$0x5] =	wrdreg $0x9  }
0xb2: {  	_ =	task.clear_ibuf [dreg:s7], $0x6FFFF;
	_ =	strace $0x9000004C  }
0xb3: {  	s29 =	simm.s32 $0x9;
	_ =	strace $0x8000004E  }
0xb4: {  	_ =	swait.ge [sflag:s29], $0x1  }
0xb5: {  	[sflag:s29] =	ssyncadd.s32 $0xFFFFFFFF  }
0xb6: {  	_ =	strace $0x9000004E  }
0xb7: {  	_ =	sfence  }
0xb8: {  	s30 =	sld [smem:$0x0];
	_ =	sdelay $0x2  }
0xb9: {  	s31 =	sshll.u32 s1, $0xD;
	s1 =	sshrl.u32 s1, $0x2  }
0xba: {  	s3 =	sand.u32 $0x4000, s31;
	s1 =	sadd.s32 s1, s30  }
0xbb: {  	s0 =	sor.u32 s3, s0;
	s1 =	sshll.u32 s1, $0x11  }
0xbc: {  	s0 =	sor.u32 s1, s0  }
0xbd: {  	s0 =	sadd.s32 $0x8F2B, s0  }
0xbe: {  	[sflag:s0] =	ssyncadd.remote.s32 $0x1  }
0xbf: {  	_ =	sfence.sel $0xFFFF  }
0xc0: {  	[dreg:$0x0] =	wrdreg $0xFFFFFFFF;
	(pc) =	sbr.abs _section_cstart, $3  }
0xc1: {  	[dreg:$0x1] =	wrdreg $0xFFFFFFFF  }
0xc2: {  	_ =	task.clear_ibuf [dreg:s7], $0x2FFFF;
	_ =	strace $0x9FFFFFFF  }
0xc3: {  	(tm) =	ssettm $0x7FFFFFFF  }
tec
execute0_lowered:
.L_overlay_start_1:
0x0: {  	(tag) =	ssettag $0x1  }
0x1: {  	s1 =	rddreg [dreg:$0x0]  }
0x2: {  	s2 =	rddreg [dreg:$0x1]  }
0x3: {  	s3 =	rddreg [dreg:$0x2];
	s4 =	simm.s32 $0x0  }
0x4: {  	s20 =	simm.s32 $0x100;
	[smem:$0x7FF] =	sst s4  }
0x5: {  	s22 =	simm.s32 $0x180;
	_ =	strace $0x8000004D;
	[dreg:$0x5] =	wrdreg s20  }
0x6: {  	s23 =	simm.s32 $0x200;
	[dreg:$0x6] =	wrdreg s22  }
0x7: {  	s24 =	simm.s32 $0x280;
	[dreg:$0x7] =	wrdreg s23  }
0x8: {  	s25 =	simm.s32 $0x1080;
	[dreg:$0x8] =	wrdreg s24  }
0x9: {  	s10 =	stileid.u32;
	s9 =	sadd.s32 $0x20000, s2;
	[dreg:$0x9] =	wrdreg s25  }
0xa: {  	s0 =	srdreg.scid;
	s26 =	simm.s32 $0x300;
	[smem:$0x7F1] =	sst s9  }
0xb: {  	s11 =	simm.s32 $0x1100;
	s12 =	simm.s32 $0x400;
	[dreg:$0xa] =	wrdreg s26  }
0xc: {  	s13 =	simm.s32 $0x480;
	s15 =	simm.s32 $0x1180;
	[dreg:$0xc] =	wrdreg s11  }
0xd: {  	s17 =	simm.s32 $0x500;
	s19 =	simm.s32 $0x580;
	[dreg:$0xd] =	wrdreg s12  }
0xe: {  	s28 =	simm.s32 $0xE00;
	s29 =	simm.s32 $0xE80;
	[dreg:$0xe] =	wrdreg s13  }
0xf: {  	s30 =	simm.s32 $0x1680;
	s31 =	simm.s32 $0xF00;
	[dreg:$0xf] =	wrdreg s15  }
0x10: {  	s5 =	smul.u32 $0xA00, s10;
	s0 =	sand.u32 $0x1, s0;
	[dreg:$0x10] =	wrdreg s17  }
0x11: {  	s21 =	smul.u32 $0x1400, s10;
	s9 =	simm.s32 $0x380;
	[dreg:$0x11] =	wrdreg s19  }
0x12: {  	s8 =	smul.u32 $0x13C00, s10;
	s20 =	simm.s32 $0x1200;
	[dreg:$0xb] =	wrdreg s9  }
0x13: {  	s18 =	smul.u32 $0x4F000, s10;
	s22 =	simm.s32 $0x600;
	[dreg:$0x12] =	wrdreg s20  }
0x14: {  	s6 =	smul.u32 $0x500, s0;
	s23 =	simm.s32 $0x680;
	[dreg:$0x13] =	wrdreg s22  }
0x15: {  	s7 =	smul.u32 $0x13C000, s0;
	s25 =	simm.s32 $0x1280;
	[dreg:$0x14] =	wrdreg s23  }
0x16: {  	s14 =	ssub.s32 $0x2, s0;
	s26 =	simm.s32 $0x700;
	[dreg:$0x15] =	wrdreg s25  }
0x17: {  	s24 =	sshll.u32 s10, $0x6;
	s10 =	simm.s32 $0x780;
	[dreg:$0x16] =	wrdreg s26  }
0x18: {  	s0 =	smul.u32 $0xA00, s0;
	s11 =	simm.s32 $0x1300;
	[dreg:$0x17] =	wrdreg s10  }
0x19: {  	s13 =	simm.s32 $0x800;
	s15 =	simm.s32 $0x1380;
	[dreg:$0x18] =	wrdreg s11  }
0x1a: {  	s17 =	simm.s32 $0x980;
	s19 =	simm.s32 $0xA00;
	[dreg:$0x19] =	wrdreg s13  }
0x1b: {  	s5 =	sadd.s32 s5, s2;
	s16 =	sshrl.u32 s14, $0x1;
	[dreg:$0x1b] =	wrdreg s15  }
0x1c: {  	s9 =	sor.u32 $0x1C05, s24;
	s11 =	simm.s32 $0x5;
	[dreg:$0x1d] =	wrdreg s17  }
0x1d: {  	s13 =	simm.s32 $0x40;
	[dreg:$0x1f] =	wrdreg s19;
	s20 =	simm.s32 $0xA80  }
0x1e: {  	s15 =	simm.s32 $0x80;
	s22 =	simm.s32 $0xB00;
	s17 =	simm.s32 $0x5800  }
0x1f: {  	s23 =	simm.s32 $0xB80;
	s24 =	simm.s32 $0x1500;
	[smem:$0x7F5] =	sst s20  }
0x20: {  	s19 =	simm.s32 $0x1;
	s25 =	simm.s32 $0xC00;
	[smem:$0x7F7] =	sst s22  }
0x21: {  	s26 =	simm.s32 $0xC80;
	s5 =	sadd.s32 s6, s5;
	[smem:$0x7F8] =	sst s23  }
0x22: {  	s6 =	sadd.s32 s21, s2;
	s7 =	sadd.s32 s8, s7;
	[smem:$0x7F9] =	sst s24  }
0x23: {  	s21 =	sshrl.u32 s18, $0x2;
	s18 =	simm.s32 $0x1400;
	[smem:$0x7FA] =	sst s25  }
0x24: {  	s20 =	simm.s32 $0x2;
	s22 =	simm.s32 $0x4;
	[smem:$0x7FB] =	sst s26  }
0x25: {  	s23 =	simm.s32 $0x1580;
	s24 =	simm.s32 $0xD00;
	s25 =	simm.s32 $0xD80  }
0x26: {  	s26 =	simm.s32 $0x1600;
	[smem:$0x7FC] =	sst s9;
	s5 =	sadd.s32 $0x2000, s5  }
0x27: {  	s7 =	sshrl.u32 s7, $0x3;
	s8 =	sadd.s32 s21, s3;
	s0 =	sadd.s32 s0, s6  }
0x28: {  	[dreg:$0x1e] =	wrdreg s18;
	s21 =	simm.s32 $0x1480;
	s18 =	simm.s32 $0x7800  }
0x29: {  	[dreg:$0x4] =	wrdreg s5;
	s2 =	sadd.s32 s7, s2;
	s7 =	ssub.s32 s14, s16  }
0x2a: {  	s14 =	simm.s32 $0x880;
	s0 =	sadd.s32 $0xC000, s0;
	[smem:$0x7F6] =	sst s21  }
0x2b: {  	s8 =	sshrl.u32 s8, $0x3;
	s16 =	simm.s32 $0x900;
	[smem:$0x7F4] =	sst s0  }
0x2c: {  	s21 =	simm.s32 $0x3;
	s5 =	simm.s32 $0x1780;
	[dreg:$0x1a] =	wrdreg s14  }
0x2d: {  	s2 =	sadd.s32 $0x71800, s2;
	s12 =	smax.u32 s7, $0x1;
	[dreg:$0x1c] =	wrdreg s16  }
0x2e: {  	s14 =	simm.s32 $0x1800;
	s16 =	simm.s32 $0x3800;
	[smem:$0x7FD] =	sst s8  }
0x2f: {  	s0 =	simm.s32 $0x1700;
	s7 =	simm.s32 $0x0;
	[smem:$0x7F2] =	sst s2  }
0x30: {  	[smem:$0x7F3] =	sst s12;
	s12 =	simm.s32 $0x1000;
	s2 =	simm.s32 $0xF80  }
.LBB2_1:
0x31: {  	s6 =	sld [smem:$0x7F1];
	_ =	sdelay $0x2  }
0x32: {  	[spmem:s8], [sflag:s9] =	dma.local [hbm:s6], $0x2780  }
0x33: {  	_ =	swait.ge [sflag:s11], $0x2780  }
0x34: {  	[sflag:s11] =	ssyncset.done $0x0  }
0x35: {  	[sflag:s11] =	ssyncadd.s32 $0xFFFFD880  }
0x36: {  	[bflag:$0x0] =	sbarrier.arrive $0xFFFF  }
0x37: {  	s6 =	sld [smem:$0x7F4];
	_ =	sdelay $0x2  }
0x38: {  	[tilespmem:s4], [sflag:$0x5] =	stream.linear.gather [hbm4b:s6+s4], $0x1000, $0x38;
	[tilespmem:$0x1D400] =	vst v63  }
0x39: {  	_ =	swait.ge [sflag:s11], $0x1000  }
0x3a: {  	s10 =	rddreg [dreg:$0x4];
	[sflag:s11] =	ssyncset.done $0x0  }
0x3b: {  	[sflag:s11] =	ssyncadd.s32 $0xFFFFF000;
	s8 =	sadd.s32 $0x0, s10  }
0x3c: {  	[tilespmem:s12], [sflag:$0x5] =	stream.linear.gather [hbm4b:s8+s4], $0x800, $0x38;
	[tilespmem:$0x1D400] =	vst v63  }
0x3d: {  	_ =	swait.ge [sflag:s11], $0x800  }
0x3e: {  	[sflag:s11] =	ssyncset.done $0x0  }
0x3f: {  	[sflag:s11] =	ssyncadd.s32 $0xFFFFF800  }
0x40: {  	[tilespmem:s14], [sflag:$0x1] =	stream.indirect.gather [hbm4b:s1+s13], $0x80, s4, s13, $0xb8;
	[tilespmem:$0x1D400] =	vst v63  }
0x41: {  	_ = 	snop  }
0x42: {  	[tilespmem:s16], [sflag:$0x2] =	stream.indirect.gather [hbm4b:s1+s13], $0x80, s15, s13, $0xb8;
	[tilespmem:$0x1D400] =	vst v63  }
0x43: {  	s9 =	rddreg [dreg:$0x5]  }
0x44: {  	[tilespmem:s17], [sflag:$0x3] =	stream.indirect.gather [hbm4b:s1+s13], $0x80, s9, s13, $0xb8;
	[tilespmem:$0x1D400] =	vst v63  }
0x45: {  	s10 =	rddreg [dreg:$0x6]  }
0x46: {  	[tilespmem:s18], [sflag:$0x4] =	stream.indirect.gather [hbm4b:s1+s13], $0x80, s10, s13, $0xb8;
	[tilespmem:$0x1D400] =	vst v63  }
0x47: {  	_ =	swait.ge [sflag:s19], $0x2000  }
0x48: {  	[sflag:s19] =	ssyncset.done $0x0  }
0x49: {  	[sflag:s19] =	ssyncadd.s32 $0xFFFFE000  }
0x4a: {  	_ =	swait.ge [sflag:s20], $0x2000  }
0x4b: {  	[sflag:s20] =	ssyncset.done $0x0  }
0x4c: {  	[sflag:s20] =	ssyncadd.s32 $0xFFFFE000  }
0x4d: {  	[spmem:s3] =	stream.indirect.scatter.add.f32 [tilespmem:s14], [sflag:$0x5], $0x80, s12, s15, $0xb8;
	[tilespmem:$0x1D400] =	vst v63  }
0x4e: {  	_ =	swait.ge [sflag:s11], $0x4000  }
0x4f: {  	[sflag:s11] =	ssyncset.done $0x0  }
0x50: {  	s9 =	rddreg [dreg:$0x7];
	[sflag:s11] =	ssyncadd.s32 $0xFFFFC000  }
0x51: {  	[tilespmem:s14], [sflag:$0x1] =	stream.indirect.gather [hbm4b:s1+s13], $0x80, s9, s13, $0xb8;
	[tilespmem:$0x1D400] =	vst v63  }
0x52: {  	s10 =	rddreg [dreg:$0x8]  }
0x53: {  	[tilespmem:s16], [sflag:$0x2] =	stream.indirect.gather [hbm4b:s1+s13], $0x80, s10, s13, $0xb8;
	[tilespmem:$0x1D400] =	vst v63  }
0x54: {  	_ =	swait.ge [sflag:s21], $0x2000  }
0x55: {  	[sflag:s21] =	ssyncset.done $0x0  }
0x56: {  	[sflag:s21] =	ssyncadd.s32 $0xFFFFE000  }
0x57: {  	_ =	swait.ge [sflag:s22], $0x2000  }
0x58: {  	[sflag:s22] =	ssyncset.done $0x0  }
0x59: {  	s10 =	rddreg [dreg:$0x9];
	[sflag:s22] =	ssyncadd.s32 $0xFFFFE000  }
0x5a: {  	[spmem:s3] =	stream.indirect.scatter.add.f32 [tilespmem:s17], [sflag:$0x5], $0x80, s10, s15, $0xb8;
	[tilespmem:$0x1D400] =	vst v63  }
0x5b: {  	_ =	swait.ge [sflag:s11], $0x4000  }
0x5c: {  	[sflag:s11] =	ssyncset.done $0x0  }
0x5d: {  	s9 =	rddreg [dreg:$0xa];
	[sflag:s11] =	ssyncadd.s32 $0xFFFFC000  }
0x5e: {  	[tilespmem:s17], [sflag:$0x3] =	stream.indirect.gather [hbm4b:s1+s13], $0x80, s9, s13, $0xb8;
	[tilespmem:$0x1D400] =	vst v63  }
0x5f: {  	s10 =	rddreg [dreg:$0xb]  }
0x60: {  	[tilespmem:s18], [sflag:$0x4] =	stream.indirect.gather [hbm4b:s1+s13], $0x80, s10, s13, $0xb8;
	[tilespmem:$0x1D400] =	vst v63  }
0x61: {  	_ =	swait.ge [sflag:s19], $0x2000  }
0x62: {  	[sflag:s19] =	ssyncset.done $0x0  }
0x63: {  	[sflag:s19] =	ssyncadd.s32 $0xFFFFE000  }
0x64: {  	_ =	swait.ge [sflag:s20], $0x2000  }
0x65: {  	[sflag:s20] =	ssyncset.done $0x0  }
0x66: {  	s10 =	rddreg [dreg:$0xc];
	[sflag:s20] =	ssyncadd.s32 $0xFFFFE000  }
0x67: {  	[spmem:s3] =	stream.indirect.scatter.add.f32 [tilespmem:s14], [sflag:$0x5], $0x80, s10, s15, $0xb8;
	[tilespmem:$0x1D400] =	vst v63  }
0x68: {  	_ =	swait.ge [sflag:s11], $0x4000  }
0x69: {  	[sflag:s11] =	ssyncset.done $0x0  }
0x6a: {  	s9 =	rddreg [dreg:$0xd];
	[sflag:s11] =	ssyncadd.s32 $0xFFFFC000  }
0x6b: {  	[tilespmem:s14], [sflag:$0x1] =	stream.indirect.gather [hbm4b:s1+s13], $0x80, s9, s13, $0xb8;
	[tilespmem:$0x1D400] =	vst v63  }
0x6c: {  	s10 =	rddreg [dreg:$0xe]  }
0x6d: {  	[tilespmem:s16], [sflag:$0x2] =	stream.indirect.gather [hbm4b:s1+s13], $0x80, s10, s13, $0xb8;
	[tilespmem:$0x1D400] =	vst v63  }
0x6e: {  	_ =	swait.ge [sflag:s21], $0x2000  }
0x6f: {  	[sflag:s21] =	ssyncset.done $0x0  }
0x70: {  	[sflag:s21] =	ssyncadd.s32 $0xFFFFE000  }
0x71: {  	_ =	swait.ge [sflag:s22], $0x2000  }
0x72: {  	[sflag:s22] =	ssyncset.done $0x0  }
0x73: {  	s10 =	rddreg [dreg:$0xf];
	[sflag:s22] =	ssyncadd.s32 $0xFFFFE000  }
0x74: {  	[spmem:s3] =	stream.indirect.scatter.add.f32 [tilespmem:s17], [sflag:$0x5], $0x80, s10, s15, $0xb8;
	[tilespmem:$0x1D400] =	vst v63  }
0x75: {  	_ =	swait.ge [sflag:s11], $0x4000  }
0x76: {  	[sflag:s11] =	ssyncset.done $0x0  }
0x77: {  	s9 =	rddreg [dreg:$0x10];
	[sflag:s11] =	ssyncadd.s32 $0xFFFFC000  }
0x78: {  	[tilespmem:s17], [sflag:$0x3] =	stream.indirect.gather [hbm4b:s1+s13], $0x80, s9, s13, $0xb8;
	[tilespmem:$0x1D400] =	vst v63  }
0x79: {  	s10 =	rddreg [dreg:$0x11]  }
0x7a: {  	[tilespmem:s18], [sflag:$0x4] =	stream.indirect.gather [hbm4b:s1+s13], $0x80, s10, s13, $0xb8;
	[tilespmem:$0x1D400] =	vst v63  }
0x7b: {  	_ =	swait.ge [sflag:s19], $0x2000  }
0x7c: {  	[sflag:s19] =	ssyncset.done $0x0  }
0x7d: {  	[sflag:s19] =	ssyncadd.s32 $0xFFFFE000  }
0x7e: {  	_ =	swait.ge [sflag:s20], $0x2000  }
0x7f: {  	[sflag:s20] =	ssyncset.done $0x0  }
0x80: {  	s10 =	rddreg [dreg:$0x12];
	[sflag:s20] =	ssyncadd.s32 $0xFFFFE000  }
0x81: {  	[spmem:s3] =	stream.indirect.scatter.add.f32 [tilespmem:s14], [sflag:$0x5], $0x80, s10, s15, $0xb8;
	[tilespmem:$0x1D400] =	vst v63  }
0x82: {  	_ =	swait.ge [sflag:s11], $0x4000  }
0x83: {  	[sflag:s11] =	ssyncset.done $0x0  }
0x84: {  	s9 =	rddreg [dreg:$0x13];
	[sflag:s11] =	ssyncadd.s32 $0xFFFFC000  }
0x85: {  	[tilespmem:s14], [sflag:$0x1] =	stream.indirect.gather [hbm4b:s1+s13], $0x80, s9, s13, $0xb8;
	[tilespmem:$0x1D400] =	vst v63  }
0x86: {  	s10 =	rddreg [dreg:$0x14]  }
0x87: {  	[tilespmem:s16], [sflag:$0x2] =	stream.indirect.gather [hbm4b:s1+s13], $0x80, s10, s13, $0xb8;
	[tilespmem:$0x1D400] =	vst v63  }
0x88: {  	_ =	swait.ge [sflag:s21], $0x2000  }
0x89: {  	[sflag:s21] =	ssyncset.done $0x0  }
0x8a: {  	[sflag:s21] =	ssyncadd.s32 $0xFFFFE000  }
0x8b: {  	_ =	swait.ge [sflag:s22], $0x2000  }
0x8c: {  	[sflag:s22] =	ssyncset.done $0x0  }
0x8d: {  	s10 =	rddreg [dreg:$0x15];
	[sflag:s22] =	ssyncadd.s32 $0xFFFFE000  }
0x8e: {  	[spmem:s3] =	stream.indirect.scatter.add.f32 [tilespmem:s17], [sflag:$0x5], $0x80, s10, s15, $0xb8;
	[tilespmem:$0x1D400] =	vst v63  }
0x8f: {  	_ =	swait.ge [sflag:s11], $0x4000  }
0x90: {  	[sflag:s11] =	ssyncset.done $0x0  }
0x91: {  	s9 =	rddreg [dreg:$0x16];
	[sflag:s11] =	ssyncadd.s32 $0xFFFFC000  }
0x92: {  	[tilespmem:s17], [sflag:$0x3] =	stream.indirect.gather [hbm4b:s1+s13], $0x80, s9, s13, $0xb8;
	[tilespmem:$0x1D400] =	vst v63  }
0x93: {  	s10 =	rddreg [dreg:$0x17]  }
0x94: {  	[tilespmem:s18], [sflag:$0x4] =	stream.indirect.gather [hbm4b:s1+s13], $0x80, s10, s13, $0xb8;
	[tilespmem:$0x1D400] =	vst v63  }
0x95: {  	_ =	swait.ge [sflag:s19], $0x2000  }
0x96: {  	[sflag:s19] =	ssyncset.done $0x0  }
0x97: {  	[sflag:s19] =	ssyncadd.s32 $0xFFFFE000  }
0x98: {  	_ =	swait.ge [sflag:s20], $0x2000  }
0x99: {  	[sflag:s20] =	ssyncset.done $0x0  }
0x9a: {  	s10 =	rddreg [dreg:$0x18];
	[sflag:s20] =	ssyncadd.s32 $0xFFFFE000  }
0x9b: {  	[spmem:s3] =	stream.indirect.scatter.add.f32 [tilespmem:s14], [sflag:$0x5], $0x80, s10, s15, $0xb8;
	[tilespmem:$0x1D400] =	vst v63  }
0x9c: {  	_ =	swait.ge [sflag:s11], $0x4000  }
0x9d: {  	[sflag:s11] =	ssyncset.done $0x0  }
0x9e: {  	s9 =	rddreg [dreg:$0x19];
	[sflag:s11] =	ssyncadd.s32 $0xFFFFC000  }
0x9f: {  	[tilespmem:s14], [sflag:$0x1] =	stream.indirect.gather [hbm4b:s1+s13], $0x80, s9, s13, $0xb8;
	[tilespmem:$0x1D400] =	vst v63  }
0xa0: {  	s10 =	rddreg [dreg:$0x1a]  }
0xa1: {  	[tilespmem:s16], [sflag:$0x2] =	stream.indirect.gather [hbm4b:s1+s13], $0x80, s10, s13, $0xb8;
	[tilespmem:$0x1D400] =	vst v63  }
0xa2: {  	_ =	swait.ge [sflag:s21], $0x2000  }
0xa3: {  	[sflag:s21] =	ssyncset.done $0x0  }
0xa4: {  	[sflag:s21] =	ssyncadd.s32 $0xFFFFE000  }
0xa5: {  	_ =	swait.ge [sflag:s22], $0x2000  }
0xa6: {  	[sflag:s22] =	ssyncset.done $0x0  }
0xa7: {  	s10 =	rddreg [dreg:$0x1b];
	[sflag:s22] =	ssyncadd.s32 $0xFFFFE000  }
0xa8: {  	[spmem:s3] =	stream.indirect.scatter.add.f32 [tilespmem:s17], [sflag:$0x5], $0x80, s10, s15, $0xb8;
	[tilespmem:$0x1D400] =	vst v63  }
0xa9: {  	_ =	swait.ge [sflag:s11], $0x4000  }
0xaa: {  	[sflag:s11] =	ssyncset.done $0x0  }
0xab: {  	s9 =	rddreg [dreg:$0x1c];
	[sflag:s11] =	ssyncadd.s32 $0xFFFFC000  }
0xac: {  	[tilespmem:s17], [sflag:$0x3] =	stream.indirect.gather [hbm4b:s1+s13], $0x80, s9, s13, $0xb8;
	[tilespmem:$0x1D400] =	vst v63  }
0xad: {  	s10 =	rddreg [dreg:$0x1d]  }
0xae: {  	[tilespmem:s18], [sflag:$0x4] =	stream.indirect.gather [hbm4b:s1+s13], $0x80, s10, s13, $0xb8;
	[tilespmem:$0x1D400] =	vst v63  }
0xaf: {  	_ =	swait.ge [sflag:s19], $0x2000  }
0xb0: {  	[sflag:s19] =	ssyncset.done $0x0  }
0xb1: {  	[sflag:s19] =	ssyncadd.s32 $0xFFFFE000  }
0xb2: {  	_ =	swait.ge [sflag:s20], $0x2000  }
0xb3: {  	[sflag:s20] =	ssyncset.done $0x0  }
0xb4: {  	s10 =	rddreg [dreg:$0x1e];
	[sflag:s20] =	ssyncadd.s32 $0xFFFFE000  }
0xb5: {  	[spmem:s3] =	stream.indirect.scatter.add.f32 [tilespmem:s14], [sflag:$0x5], $0x80, s10, s15, $0xb8;
	[tilespmem:$0x1D400] =	vst v63  }
0xb6: {  	_ =	swait.ge [sflag:s11], $0x4000  }
0xb7: {  	s9 =	rddreg [dreg:$0x1f];
	[sflag:s11] =	ssyncset.done $0x0  }
0xb8: {  	s10 =	sld [smem:$0x7F5];
	[sflag:s11] =	ssyncadd.s32 $0xFFFFC000  }
0xb9: {  	[tilespmem:s14], [sflag:$0x1] =	stream.indirect.gather [hbm4b:s1+s13], $0x80, s9, s13, $0xb8;
	[tilespmem:$0x1D400] =	vst v63  }
0xba: {  	_ = 	snop  }
0xbb: {  	[tilespmem:s16], [sflag:$0x2] =	stream.indirect.gather [hbm4b:s1+s13], $0x80, s10, s13, $0xb8;
	[tilespmem:$0x1D400] =	vst v63  }
0xbc: {  	_ =	swait.ge [sflag:s21], $0x2000  }
0xbd: {  	[sflag:s21] =	ssyncset.done $0x0  }
0xbe: {  	[sflag:s21] =	ssyncadd.s32 $0xFFFFE000  }
0xbf: {  	_ =	swait.ge [sflag:s22], $0x2000  }
0xc0: {  	s10 =	sld [smem:$0x7F6]  }
0xc1: {  	[sflag:s22] =	ssyncset.done $0x0  }
0xc2: {  	[sflag:s22] =	ssyncadd.s32 $0xFFFFE000  }
0xc3: {  	[spmem:s3] =	stream.indirect.scatter.add.f32 [tilespmem:s17], [sflag:$0x5], $0x80, s10, s15, $0xb8;
	[tilespmem:$0x1D400] =	vst v63  }
0xc4: {  	_ =	swait.ge [sflag:s11], $0x4000  }
0xc5: {  	s9 =	sld [smem:$0x7F7]  }
0xc6: {  	[sflag:s11] =	ssyncset.done $0x0  }
0xc7: {  	s10 =	sld [smem:$0x7F8];
	[sflag:s11] =	ssyncadd.s32 $0xFFFFC000  }
0xc8: {  	[tilespmem:s17], [sflag:$0x3] =	stream.indirect.gather [hbm4b:s1+s13], $0x80, s9, s13, $0xb8;
	[tilespmem:$0x1D400] =	vst v63  }
0xc9: {  	_ = 	snop  }
0xca: {  	[tilespmem:s18], [sflag:$0x4] =	stream.indirect.gather [hbm4b:s1+s13], $0x80, s10, s13, $0xb8;
	[tilespmem:$0x1D400] =	vst v63  }
0xcb: {  	_ =	swait.ge [sflag:s19], $0x2000  }
0xcc: {  	[sflag:s19] =	ssyncset.done $0x0  }
0xcd: {  	[sflag:s19] =	ssyncadd.s32 $0xFFFFE000  }
0xce: {  	_ =	swait.ge [sflag:s20], $0x2000  }
0xcf: {  	s10 =	sld [smem:$0x7F9]  }
0xd0: {  	[sflag:s20] =	ssyncset.done $0x0  }
0xd1: {  	[sflag:s20] =	ssyncadd.s32 $0xFFFFE000  }
0xd2: {  	[spmem:s3] =	stream.indirect.scatter.add.f32 [tilespmem:s14], [sflag:$0x5], $0x80, s10, s15, $0xb8;
	[tilespmem:$0x1D400] =	vst v63  }
0xd3: {  	_ =	swait.ge [sflag:s11], $0x4000  }
0xd4: {  	s9 =	sld [smem:$0x7FA]  }
0xd5: {  	[sflag:s11] =	ssyncset.done $0x0  }
0xd6: {  	s10 =	sld [smem:$0x7FB];
	[sflag:s11] =	ssyncadd.s32 $0xFFFFC000  }
0xd7: {  	[tilespmem:s14], [sflag:$0x1] =	stream.indirect.gather [hbm4b:s1+s13], $0x80, s9, s13, $0xb8;
	[tilespmem:$0x1D400] =	vst v63  }
0xd8: {  	_ = 	snop  }
0xd9: {  	[tilespmem:s16], [sflag:$0x2] =	stream.indirect.gather [hbm4b:s1+s13], $0x80, s10, s13, $0xb8;
	[tilespmem:$0x1D400] =	vst v63  }
0xda: {  	_ =	swait.ge [sflag:s21], $0x2000  }
0xdb: {  	[sflag:s21] =	ssyncset.done $0x0  }
0xdc: {  	[sflag:s21] =	ssyncadd.s32 $0xFFFFE000  }
0xdd: {  	_ =	swait.ge [sflag:s22], $0x2000  }
0xde: {  	[sflag:s22] =	ssyncset.done $0x0  }
0xdf: {  	[sflag:s22] =	ssyncadd.s32 $0xFFFFE000  }
0xe0: {  	[spmem:s3] =	stream.indirect.scatter.add.f32 [tilespmem:s17], [sflag:$0x5], $0x80, s23, s15, $0xb8;
	[tilespmem:$0x1D400] =	vst v63  }
0xe1: {  	_ =	swait.ge [sflag:s11], $0x4000  }
0xe2: {  	[sflag:s11] =	ssyncset.done $0x0  }
0xe3: {  	[sflag:s11] =	ssyncadd.s32 $0xFFFFC000  }
0xe4: {  	[tilespmem:s17], [sflag:$0x3] =	stream.indirect.gather [hbm4b:s1+s13], $0x80, s24, s13, $0xb8;
	[tilespmem:$0x1D400] =	vst v63  }
0xe5: {  	_ = 	snop  }
0xe6: {  	[tilespmem:s18], [sflag:$0x4] =	stream.indirect.gather [hbm4b:s1+s13], $0x80, s25, s13, $0xb8;
	[tilespmem:$0x1D400] =	vst v63  }
0xe7: {  	_ =	swait.ge [sflag:s19], $0x2000  }
0xe8: {  	[sflag:s19] =	ssyncset.done $0x0  }
0xe9: {  	[sflag:s19] =	ssyncadd.s32 $0xFFFFE000  }
0xea: {  	_ =	swait.ge [sflag:s20], $0x2000  }
0xeb: {  	[sflag:s20] =	ssyncset.done $0x0  }
0xec: {  	[sflag:s20] =	ssyncadd.s32 $0xFFFFE000  }
0xed: {  	[spmem:s3] =	stream.indirect.scatter.add.f32 [tilespmem:s14], [sflag:$0x5], $0x80, s26, s15, $0xb8;
	[tilespmem:$0x1D400] =	vst v63  }
0xee: {  	_ =	swait.ge [sflag:s11], $0x4000  }
0xef: {  	[sflag:s11] =	ssyncset.done $0x0  }
0xf0: {  	[sflag:s11] =	ssyncadd.s32 $0xFFFFC000  }
0xf1: {  	[tilespmem:s14], [sflag:$0x1] =	stream.indirect.gather [hbm4b:s1+s13], $0x80, s28, s13, $0xb8;
	[tilespmem:$0x1D400] =	vst v63  }
0xf2: {  	_ = 	snop  }
0xf3: {  	[tilespmem:s16], [sflag:$0x2] =	stream.indirect.gather [hbm4b:s1+s13], $0x80, s29, s13, $0xb8;
	[tilespmem:$0x1D400] =	vst v63  }
0xf4: {  	_ =	swait.ge [sflag:s21], $0x2000  }
0xf5: {  	[sflag:s21] =	ssyncset.done $0x0  }
0xf6: {  	[sflag:s21] =	ssyncadd.s32 $0xFFFFE000  }
0xf7: {  	_ =	swait.ge [sflag:s22], $0x2000  }
0xf8: {  	[sflag:s22] =	ssyncset.done $0x0  }
0xf9: {  	[sflag:s22] =	ssyncadd.s32 $0xFFFFE000  }
0xfa: {  	[spmem:s3] =	stream.indirect.scatter.add.f32 [tilespmem:s17], [sflag:$0x5], $0x80, s30, s15, $0xb8;
	[tilespmem:$0x1D400] =	vst v63  }
0xfb: {  	_ =	swait.ge [sflag:s11], $0x4000  }
0xfc: {  	[sflag:s11] =	ssyncset.done $0x0  }
0xfd: {  	[sflag:s11] =	ssyncadd.s32 $0xFFFFC000  }
0xfe: {  	[tilespmem:s17], [sflag:$0x3] =	stream.indirect.gather [hbm4b:s1+s13], $0x80, s31, s13, $0xb8;
	[tilespmem:$0x1D400] =	vst v63  }
0xff: {  	_ = 	snop  }
0x100: {  	[tilespmem:s18], [sflag:$0x4] =	stream.indirect.gather [hbm4b:s1+s13], $0x80, s2, s13, $0xb8;
	[tilespmem:$0x1D400] =	vst v63  }
0x101: {  	_ =	swait.ge [sflag:s19], $0x2000  }
0x102: {  	[sflag:s19] =	ssyncset.done $0x0  }
0x103: {  	[sflag:s19] =	ssyncadd.s32 $0xFFFFE000  }
0x104: {  	_ =	swait.ge [sflag:s20], $0x2000  }
0x105: {  	[sflag:s20] =	ssyncset.done $0x0  }
0x106: {  	[sflag:s20] =	ssyncadd.s32 $0xFFFFE000  }
0x107: {  	[spmem:s3] =	stream.indirect.scatter.add.f32 [tilespmem:s14], [sflag:$0x5], $0x80, s0, s15, $0xb8;
	[tilespmem:$0x1D400] =	vst v63  }
0x108: {  	_ =	swait.ge [sflag:s11], $0x4000  }
0x109: {  	[sflag:s11] =	ssyncset.done $0x0  }
0x10a: {  	[sflag:s11] =	ssyncadd.s32 $0xFFFFC000  }
0x10b: {  	_ =	swait.ge [sflag:s21], $0x2000  }
0x10c: {  	[sflag:s21] =	ssyncset.done $0x0  }
0x10d: {  	[sflag:s21] =	ssyncadd.s32 $0xFFFFE000  }
0x10e: {  	_ =	swait.ge [sflag:s22], $0x2000  }
0x10f: {  	[sflag:s22] =	ssyncset.done $0x0  }
0x110: {  	[sflag:s22] =	ssyncadd.s32 $0xFFFFE000  }
0x111: {  	[spmem:s3] =	stream.indirect.scatter.add.f32 [tilespmem:s17], [sflag:$0x5], $0x80, s5, s15, $0xb8;
	[tilespmem:$0x1D400] =	vst v63  }
0x112: {  	_ =	swait.ge [sflag:s11], $0x4000  }
0x113: {  	s8 =	simm.s32 $0x100;
	s9 =	smov.u32 s6;
	[sflag:s11] =	ssyncset.done $0x0  }
.LBB2_2:
0x114: {  	[sflag:s11] =	ssyncadd.s32 $0xFFFFC000;
	s9 =	sadd.s32 $0x200, s9  }
0x115: {  	[tilespmem:s4], [sflag:$0x5] =	stream.linear.gather [hbm4b:s9+s4], $0x1000, $0x38;
	[tilespmem:$0x1D400] =	vst v63  }
0x116: {  	_ =	swait.ge [sflag:s11], $0x1000  }
0x117: {  	s10 =	smov.u32 s8;
	s6 =	rddreg [dreg:$0x4];
	[sflag:s11] =	ssyncset.done $0x0  }
0x118: {  	[sflag:s11] =	ssyncadd.s32 $0xFFFFF000;
	s6 =	sadd.s32 s10, s6  }
0x119: {  	[tilespmem:s12], [sflag:$0x5] =	stream.linear.gather [hbm4b:s6+s4], $0x800, $0x38;
	[tilespmem:$0x1D400] =	vst v63  }
0x11a: {  	_ =	swait.ge [sflag:s11], $0x800  }
0x11b: {  	[sflag:s11] =	ssyncset.done $0x0  }
0x11c: {  	[sflag:s11] =	ssyncadd.s32 $0xFFFFF800  }
0x11d: {  	[tilespmem:s14], [sflag:$0x1] =	stream.indirect.gather [hbm4b:s1+s13], $0x80, s4, s13, $0xb8;
	[tilespmem:$0x1D400] =	vst v63  }
0x11e: {  	_ = 	snop  }
0x11f: {  	[tilespmem:s16], [sflag:$0x2] =	stream.indirect.gather [hbm4b:s1+s13], $0x80, s15, s13, $0xb8;
	[tilespmem:$0x1D400] =	vst v63  }
0x120: {  	s6 =	rddreg [dreg:$0x5]  }
0x121: {  	[tilespmem:s17], [sflag:$0x3] =	stream.indirect.gather [hbm4b:s1+s13], $0x80, s6, s13, $0xb8;
	[tilespmem:$0x1D400] =	vst v63  }
0x122: {  	s10 =	rddreg [dreg:$0x6]  }
0x123: {  	[tilespmem:s18], [sflag:$0x4] =	stream.indirect.gather [hbm4b:s1+s13], $0x80, s10, s13, $0xb8;
	[tilespmem:$0x1D400] =	vst v63  }
0x124: {  	_ =	swait.ge [sflag:s19], $0x2000  }
0x125: {  	[sflag:s19] =	ssyncset.done $0x0  }
0x126: {  	[sflag:s19] =	ssyncadd.s32 $0xFFFFE000  }
0x127: {  	_ =	swait.ge [sflag:s20], $0x2000  }
0x128: {  	[sflag:s20] =	ssyncset.done $0x0  }
0x129: {  	[sflag:s20] =	ssyncadd.s32 $0xFFFFE000  }
0x12a: {  	[spmem:s3] =	stream.indirect.scatter.add.f32 [tilespmem:s14], [sflag:$0x5], $0x80, s12, s15, $0xb8;
	[tilespmem:$0x1D400] =	vst v63  }
0x12b: {  	_ =	swait.ge [sflag:s11], $0x4000  }
0x12c: {  	[sflag:s11] =	ssyncset.done $0x0  }
0x12d: {  	s6 =	rddreg [dreg:$0x7];
	[sflag:s11] =	ssyncadd.s32 $0xFFFFC000  }
0x12e: {  	[tilespmem:s14], [sflag:$0x1] =	stream.indirect.gather [hbm4b:s1+s13], $0x80, s6, s13, $0xb8;
	[tilespmem:$0x1D400] =	vst v63  }
0x12f: {  	s10 =	rddreg [dreg:$0x8]  }
0x130: {  	[tilespmem:s16], [sflag:$0x2] =	stream.indirect.gather [hbm4b:s1+s13], $0x80, s10, s13, $0xb8;
	[tilespmem:$0x1D400] =	vst v63  }
0x131: {  	_ =	swait.ge [sflag:s21], $0x2000  }
0x132: {  	[sflag:s21] =	ssyncset.done $0x0  }
0x133: {  	[sflag:s21] =	ssyncadd.s32 $0xFFFFE000  }
0x134: {  	_ =	swait.ge [sflag:s22], $0x2000  }
0x135: {  	[sflag:s22] =	ssyncset.done $0x0  }
0x136: {  	s10 =	rddreg [dreg:$0x9];
	[sflag:s22] =	ssyncadd.s32 $0xFFFFE000  }
0x137: {  	[spmem:s3] =	stream.indirect.scatter.add.f32 [tilespmem:s17], [sflag:$0x5], $0x80, s10, s15, $0xb8;
	[tilespmem:$0x1D400] =	vst v63  }
0x138: {  	_ =	swait.ge [sflag:s11], $0x4000  }
0x139: {  	[sflag:s11] =	ssyncset.done $0x0  }
0x13a: {  	s6 =	rddreg [dreg:$0xa];
	[sflag:s11] =	ssyncadd.s32 $0xFFFFC000  }
0x13b: {  	[tilespmem:s17], [sflag:$0x3] =	stream.indirect.gather [hbm4b:s1+s13], $0x80, s6, s13, $0xb8;
	[tilespmem:$0x1D400] =	vst v63  }
0x13c: {  	s10 =	rddreg [dreg:$0xb]  }
0x13d: {  	[tilespmem:s18], [sflag:$0x4] =	stream.indirect.gather [hbm4b:s1+s13], $0x80, s10, s13, $0xb8;
	[tilespmem:$0x1D400] =	vst v63  }
0x13e: {  	_ =	swait.ge [sflag:s19], $0x2000  }
0x13f: {  	[sflag:s19] =	ssyncset.done $0x0  }
0x140: {  	[sflag:s19] =	ssyncadd.s32 $0xFFFFE000  }
0x141: {  	_ =	swait.ge [sflag:s20], $0x2000  }
0x142: {  	[sflag:s20] =	ssyncset.done $0x0  }
0x143: {  	s10 =	rddreg [dreg:$0xc];
	[sflag:s20] =	ssyncadd.s32 $0xFFFFE000  }
0x144: {  	[spmem:s3] =	stream.indirect.scatter.add.f32 [tilespmem:s14], [sflag:$0x5], $0x80, s10, s15, $0xb8;
	[tilespmem:$0x1D400] =	vst v63  }
0x145: {  	_ =	swait.ge [sflag:s11], $0x4000  }
0x146: {  	[sflag:s11] =	ssyncset.done $0x0  }
0x147: {  	s6 =	rddreg [dreg:$0xd];
	[sflag:s11] =	ssyncadd.s32 $0xFFFFC000  }
0x148: {  	[tilespmem:s14], [sflag:$0x1] =	stream.indirect.gather [hbm4b:s1+s13], $0x80, s6, s13, $0xb8;
	[tilespmem:$0x1D400] =	vst v63  }
0x149: {  	s10 =	rddreg [dreg:$0xe]  }
0x14a: {  	[tilespmem:s16], [sflag:$0x2] =	stream.indirect.gather [hbm4b:s1+s13], $0x80, s10, s13, $0xb8;
	[tilespmem:$0x1D400] =	vst v63  }
0x14b: {  	_ =	swait.ge [sflag:s21], $0x2000  }
0x14c: {  	[sflag:s21] =	ssyncset.done $0x0  }
0x14d: {  	[sflag:s21] =	ssyncadd.s32 $0xFFFFE000  }
0x14e: {  	_ =	swait.ge [sflag:s22], $0x2000  }
0x14f: {  	[sflag:s22] =	ssyncset.done $0x0  }
0x150: {  	s10 =	rddreg [dreg:$0xf];
	[sflag:s22] =	ssyncadd.s32 $0xFFFFE000  }
0x151: {  	[spmem:s3] =	stream.indirect.scatter.add.f32 [tilespmem:s17], [sflag:$0x5], $0x80, s10, s15, $0xb8;
	[tilespmem:$0x1D400] =	vst v63  }
0x152: {  	_ =	swait.ge [sflag:s11], $0x4000  }
0x153: {  	[sflag:s11] =	ssyncset.done $0x0  }
0x154: {  	s6 =	rddreg [dreg:$0x10];
	[sflag:s11] =	ssyncadd.s32 $0xFFFFC000  }
0x155: {  	[tilespmem:s17], [sflag:$0x3] =	stream.indirect.gather [hbm4b:s1+s13], $0x80, s6, s13, $0xb8;
	[tilespmem:$0x1D400] =	vst v63  }
0x156: {  	s10 =	rddreg [dreg:$0x11]  }
0x157: {  	[tilespmem:s18], [sflag:$0x4] =	stream.indirect.gather [hbm4b:s1+s13], $0x80, s10, s13, $0xb8;
	[tilespmem:$0x1D400] =	vst v63  }
0x158: {  	_ =	swait.ge [sflag:s19], $0x2000  }
0x159: {  	[sflag:s19] =	ssyncset.done $0x0  }
0x15a: {  	[sflag:s19] =	ssyncadd.s32 $0xFFFFE000  }
0x15b: {  	_ =	swait.ge [sflag:s20], $0x2000  }
0x15c: {  	[sflag:s20] =	ssyncset.done $0x0  }
0x15d: {  	s10 =	rddreg [dreg:$0x12];
	[sflag:s20] =	ssyncadd.s32 $0xFFFFE000  }
0x15e: {  	[spmem:s3] =	stream.indirect.scatter.add.f32 [tilespmem:s14], [sflag:$0x5], $0x80, s10, s15, $0xb8;
	[tilespmem:$0x1D400] =	vst v63  }
0x15f: {  	_ =	swait.ge [sflag:s11], $0x4000  }
0x160: {  	[sflag:s11] =	ssyncset.done $0x0  }
0x161: {  	s6 =	rddreg [dreg:$0x13];
	[sflag:s11] =	ssyncadd.s32 $0xFFFFC000  }
0x162: {  	[tilespmem:s14], [sflag:$0x1] =	stream.indirect.gather [hbm4b:s1+s13], $0x80, s6, s13, $0xb8;
	[tilespmem:$0x1D400] =	vst v63  }
0x163: {  	s10 =	rddreg [dreg:$0x14]  }
0x164: {  	[tilespmem:s16], [sflag:$0x2] =	stream.indirect.gather [hbm4b:s1+s13], $0x80, s10, s13, $0xb8;
	[tilespmem:$0x1D400] =	vst v63  }
0x165: {  	_ =	swait.ge [sflag:s21], $0x2000  }
0x166: {  	[sflag:s21] =	ssyncset.done $0x0  }
0x167: {  	[sflag:s21] =	ssyncadd.s32 $0xFFFFE000  }
0x168: {  	_ =	swait.ge [sflag:s22], $0x2000  }
0x169: {  	[sflag:s22] =	ssyncset.done $0x0  }
0x16a: {  	s10 =	rddreg [dreg:$0x15];
	[sflag:s22] =	ssyncadd.s32 $0xFFFFE000  }
0x16b: {  	[spmem:s3] =	stream.indirect.scatter.add.f32 [tilespmem:s17], [sflag:$0x5], $0x80, s10, s15, $0xb8;
	[tilespmem:$0x1D400] =	vst v63  }
0x16c: {  	_ =	swait.ge [sflag:s11], $0x4000  }
0x16d: {  	[sflag:s11] =	ssyncset.done $0x0  }
0x16e: {  	s6 =	rddreg [dreg:$0x16];
	[sflag:s11] =	ssyncadd.s32 $0xFFFFC000  }
0x16f: {  	[tilespmem:s17], [sflag:$0x3] =	stream.indirect.gather [hbm4b:s1+s13], $0x80, s6, s13, $0xb8;
	[tilespmem:$0x1D400] =	vst v63  }
0x170: {  	s10 =	rddreg [dreg:$0x17]  }
0x171: {  	[tilespmem:s18], [sflag:$0x4] =	stream.indirect.gather [hbm4b:s1+s13], $0x80, s10, s13, $0xb8;
	[tilespmem:$0x1D400] =	vst v63  }
0x172: {  	_ =	swait.ge [sflag:s19], $0x2000  }
0x173: {  	[sflag:s19] =	ssyncset.done $0x0  }
0x174: {  	[sflag:s19] =	ssyncadd.s32 $0xFFFFE000  }
0x175: {  	_ =	swait.ge [sflag:s20], $0x2000  }
0x176: {  	[sflag:s20] =	ssyncset.done $0x0  }
0x177: {  	s10 =	rddreg [dreg:$0x18];
	[sflag:s20] =	ssyncadd.s32 $0xFFFFE000  }
0x178: {  	[spmem:s3] =	stream.indirect.scatter.add.f32 [tilespmem:s14], [sflag:$0x5], $0x80, s10, s15, $0xb8;
	[tilespmem:$0x1D400] =	vst v63  }
0x179: {  	_ =	swait.ge [sflag:s11], $0x4000  }
0x17a: {  	[sflag:s11] =	ssyncset.done $0x0  }
0x17b: {  	s6 =	rddreg [dreg:$0x19];
	[sflag:s11] =	ssyncadd.s32 $0xFFFFC000  }
0x17c: {  	[tilespmem:s14], [sflag:$0x1] =	stream.indirect.gather [hbm4b:s1+s13], $0x80, s6, s13, $0xb8;
	[tilespmem:$0x1D400] =	vst v63  }
0x17d: {  	s10 =	rddreg [dreg:$0x1a]  }
0x17e: {  	[tilespmem:s16], [sflag:$0x2] =	stream.indirect.gather [hbm4b:s1+s13], $0x80, s10, s13, $0xb8;
	[tilespmem:$0x1D400] =	vst v63  }
0x17f: {  	_ =	swait.ge [sflag:s21], $0x2000  }
0x180: {  	[sflag:s21] =	ssyncset.done $0x0  }
0x181: {  	[sflag:s21] =	ssyncadd.s32 $0xFFFFE000  }
0x182: {  	_ =	swait.ge [sflag:s22], $0x2000  }
0x183: {  	[sflag:s22] =	ssyncset.done $0x0  }
0x184: {  	s10 =	rddreg [dreg:$0x1b];
	[sflag:s22] =	ssyncadd.s32 $0xFFFFE000  }
0x185: {  	[spmem:s3] =	stream.indirect.scatter.add.f32 [tilespmem:s17], [sflag:$0x5], $0x80, s10, s15, $0xb8;
	[tilespmem:$0x1D400] =	vst v63  }
0x186: {  	_ =	swait.ge [sflag:s11], $0x4000  }
0x187: {  	[sflag:s11] =	ssyncset.done $0x0  }
0x188: {  	s6 =	rddreg [dreg:$0x1c];
	[sflag:s11] =	ssyncadd.s32 $0xFFFFC000  }
0x189: {  	[tilespmem:s17], [sflag:$0x3] =	stream.indirect.gather [hbm4b:s1+s13], $0x80, s6, s13, $0xb8;
	[tilespmem:$0x1D400] =	vst v63  }
0x18a: {  	s10 =	rddreg [dreg:$0x1d]  }
0x18b: {  	[tilespmem:s18], [sflag:$0x4] =	stream.indirect.gather [hbm4b:s1+s13], $0x80, s10, s13, $0xb8;
	[tilespmem:$0x1D400] =	vst v63  }
0x18c: {  	_ =	swait.ge [sflag:s19], $0x2000  }
0x18d: {  	[sflag:s19] =	ssyncset.done $0x0  }
0x18e: {  	[sflag:s19] =	ssyncadd.s32 $0xFFFFE000  }
0x18f: {  	_ =	swait.ge [sflag:s20], $0x2000  }
0x190: {  	[sflag:s20] =	ssyncset.done $0x0  }
0x191: {  	s10 =	rddreg [dreg:$0x1e];
	[sflag:s20] =	ssyncadd.s32 $0xFFFFE000  }
0x192: {  	[spmem:s3] =	stream.indirect.scatter.add.f32 [tilespmem:s14], [sflag:$0x5], $0x80, s10, s15, $0xb8;
	[tilespmem:$0x1D400] =	vst v63  }
0x193: {  	_ =	swait.ge [sflag:s11], $0x4000  }
0x194: {  	s6 =	rddreg [dreg:$0x1f];
	[sflag:s11] =	ssyncset.done $0x0  }
0x195: {  	s10 =	sld [smem:$0x7F5];
	[sflag:s11] =	ssyncadd.s32 $0xFFFFC000  }
0x196: {  	[tilespmem:s14], [sflag:$0x1] =	stream.indirect.gather [hbm4b:s1+s13], $0x80, s6, s13, $0xb8;
	[tilespmem:$0x1D400] =	vst v63  }
0x197: {  	_ = 	snop  }
0x198: {  	[tilespmem:s16], [sflag:$0x2] =	stream.indirect.gather [hbm4b:s1+s13], $0x80, s10, s13, $0xb8;
	[tilespmem:$0x1D400] =	vst v63  }
0x199: {  	_ =	swait.ge [sflag:s21], $0x2000  }
0x19a: {  	[sflag:s21] =	ssyncset.done $0x0  }
0x19b: {  	[sflag:s21] =	ssyncadd.s32 $0xFFFFE000  }
0x19c: {  	_ =	swait.ge [sflag:s22], $0x2000  }
0x19d: {  	s10 =	sld [smem:$0x7F6]  }
0x19e: {  	[sflag:s22] =	ssyncset.done $0x0  }
0x19f: {  	[sflag:s22] =	ssyncadd.s32 $0xFFFFE000  }
0x1a0: {  	[spmem:s3] =	stream.indirect.scatter.add.f32 [tilespmem:s17], [sflag:$0x5], $0x80, s10, s15, $0xb8;
	[tilespmem:$0x1D400] =	vst v63  }
0x1a1: {  	_ =	swait.ge [sflag:s11], $0x4000  }
0x1a2: {  	s6 =	sld [smem:$0x7F7]  }
0x1a3: {  	[sflag:s11] =	ssyncset.done $0x0  }
0x1a4: {  	s10 =	sld [smem:$0x7F8];
	[sflag:s11] =	ssyncadd.s32 $0xFFFFC000  }
0x1a5: {  	[tilespmem:s17], [sflag:$0x3] =	stream.indirect.gather [hbm4b:s1+s13], $0x80, s6, s13, $0xb8;
	[tilespmem:$0x1D400] =	vst v63  }
0x1a6: {  	_ = 	snop  }
0x1a7: {  	[tilespmem:s18], [sflag:$0x4] =	stream.indirect.gather [hbm4b:s1+s13], $0x80, s10, s13, $0xb8;
	[tilespmem:$0x1D400] =	vst v63  }
0x1a8: {  	_ =	swait.ge [sflag:s19], $0x2000  }
0x1a9: {  	[sflag:s19] =	ssyncset.done $0x0  }
0x1aa: {  	[sflag:s19] =	ssyncadd.s32 $0xFFFFE000  }
0x1ab: {  	_ =	swait.ge [sflag:s20], $0x2000  }
0x1ac: {  	s10 =	sld [smem:$0x7F9]  }
0x1ad: {  	[sflag:s20] =	ssyncset.done $0x0  }
0x1ae: {  	[sflag:s20] =	ssyncadd.s32 $0xFFFFE000  }
0x1af: {  	[spmem:s3] =	stream.indirect.scatter.add.f32 [tilespmem:s14], [sflag:$0x5], $0x80, s10, s15, $0xb8;
	[tilespmem:$0x1D400] =	vst v63  }
0x1b0: {  	_ =	swait.ge [sflag:s11], $0x4000  }
0x1b1: {  	s6 =	sld [smem:$0x7FA]  }
0x1b2: {  	[sflag:s11] =	ssyncset.done $0x0  }
0x1b3: {  	s10 =	sld [smem:$0x7FB];
	[sflag:s11] =	ssyncadd.s32 $0xFFFFC000  }
0x1b4: {  	[tilespmem:s14], [sflag:$0x1] =	stream.indirect.gather [hbm4b:s1+s13], $0x80, s6, s13, $0xb8;
	[tilespmem:$0x1D400] =	vst v63  }
0x1b5: {  	_ = 	snop  }
0x1b6: {  	[tilespmem:s16], [sflag:$0x2] =	stream.indirect.gather [hbm4b:s1+s13], $0x80, s10, s13, $0xb8;
	[tilespmem:$0x1D400] =	vst v63  }
0x1b7: {  	_ =	swait.ge [sflag:s21], $0x2000  }
0x1b8: {  	[sflag:s21] =	ssyncset.done $0x0  }
0x1b9: {  	[sflag:s21] =	ssyncadd.s32 $0xFFFFE000  }
0x1ba: {  	_ =	swait.ge [sflag:s22], $0x2000  }
0x1bb: {  	[sflag:s22] =	ssyncset.done $0x0  }
0x1bc: {  	[sflag:s22] =	ssyncadd.s32 $0xFFFFE000  }
0x1bd: {  	[spmem:s3] =	stream.indirect.scatter.add.f32 [tilespmem:s17], [sflag:$0x5], $0x80, s23, s15, $0xb8;
	[tilespmem:$0x1D400] =	vst v63  }
0x1be: {  	_ =	swait.ge [sflag:s11], $0x4000  }
0x1bf: {  	[sflag:s11] =	ssyncset.done $0x0  }
0x1c0: {  	[sflag:s11] =	ssyncadd.s32 $0xFFFFC000  }
0x1c1: {  	[tilespmem:s17], [sflag:$0x3] =	stream.indirect.gather [hbm4b:s1+s13], $0x80, s24, s13, $0xb8;
	[tilespmem:$0x1D400] =	vst v63  }
0x1c2: {  	_ = 	snop  }
0x1c3: {  	[tilespmem:s18], [sflag:$0x4] =	stream.indirect.gather [hbm4b:s1+s13], $0x80, s25, s13, $0xb8;
	[tilespmem:$0x1D400] =	vst v63  }
0x1c4: {  	_ =	swait.ge [sflag:s19], $0x2000  }
0x1c5: {  	[sflag:s19] =	ssyncset.done $0x0  }
0x1c6: {  	[sflag:s19] =	ssyncadd.s32 $0xFFFFE000  }
0x1c7: {  	_ =	swait.ge [sflag:s20], $0x2000  }
0x1c8: {  	[sflag:s20] =	ssyncset.done $0x0  }
0x1c9: {  	[sflag:s20] =	ssyncadd.s32 $0xFFFFE000  }
0x1ca: {  	[spmem:s3] =	stream.indirect.scatter.add.f32 [tilespmem:s14], [sflag:$0x5], $0x80, s26, s15, $0xb8;
	[tilespmem:$0x1D400] =	vst v63  }
0x1cb: {  	_ =	swait.ge [sflag:s11], $0x4000  }
0x1cc: {  	[sflag:s11] =	ssyncset.done $0x0  }
0x1cd: {  	[sflag:s11] =	ssyncadd.s32 $0xFFFFC000  }
0x1ce: {  	[tilespmem:s14], [sflag:$0x1] =	stream.indirect.gather [hbm4b:s1+s13], $0x80, s28, s13, $0xb8;
	[tilespmem:$0x1D400] =	vst v63  }
0x1cf: {  	_ = 	snop  }
0x1d0: {  	[tilespmem:s16], [sflag:$0x2] =	stream.indirect.gather [hbm4b:s1+s13], $0x80, s29, s13, $0xb8;
	[tilespmem:$0x1D400] =	vst v63  }
0x1d1: {  	_ =	swait.ge [sflag:s21], $0x2000  }
0x1d2: {  	[sflag:s21] =	ssyncset.done $0x0  }
0x1d3: {  	[sflag:s21] =	ssyncadd.s32 $0xFFFFE000  }
0x1d4: {  	_ =	swait.ge [sflag:s22], $0x2000  }
0x1d5: {  	[sflag:s22] =	ssyncset.done $0x0  }
0x1d6: {  	[sflag:s22] =	ssyncadd.s32 $0xFFFFE000  }
0x1d7: {  	[spmem:s3] =	stream.indirect.scatter.add.f32 [tilespmem:s17], [sflag:$0x5], $0x80, s30, s15, $0xb8;
	[tilespmem:$0x1D400] =	vst v63  }
0x1d8: {  	_ =	swait.ge [sflag:s11], $0x4000  }
0x1d9: {  	[sflag:s11] =	ssyncset.done $0x0  }
0x1da: {  	[sflag:s11] =	ssyncadd.s32 $0xFFFFC000  }
0x1db: {  	[tilespmem:s17], [sflag:$0x3] =	stream.indirect.gather [hbm4b:s1+s13], $0x80, s31, s13, $0xb8;
	[tilespmem:$0x1D400] =	vst v63  }
0x1dc: {  	_ = 	snop  }
0x1dd: {  	[tilespmem:s18], [sflag:$0x4] =	stream.indirect.gather [hbm4b:s1+s13], $0x80, s2, s13, $0xb8;
	[tilespmem:$0x1D400] =	vst v63  }
0x1de: {  	_ =	swait.ge [sflag:s19], $0x2000  }
0x1df: {  	[sflag:s19] =	ssyncset.done $0x0  }
0x1e0: {  	[sflag:s19] =	ssyncadd.s32 $0xFFFFE000  }
0x1e1: {  	_ =	swait.ge [sflag:s20], $0x2000  }
0x1e2: {  	[sflag:s20] =	ssyncset.done $0x0  }
0x1e3: {  	[sflag:s20] =	ssyncadd.s32 $0xFFFFE000  }
0x1e4: {  	[spmem:s3] =	stream.indirect.scatter.add.f32 [tilespmem:s14], [sflag:$0x5], $0x80, s0, s15, $0xb8;
	[tilespmem:$0x1D400] =	vst v63  }
0x1e5: {  	_ =	swait.ge [sflag:s11], $0x4000  }
0x1e6: {  	[sflag:s11] =	ssyncset.done $0x0  }
0x1e7: {  	[sflag:s11] =	ssyncadd.s32 $0xFFFFC000  }
0x1e8: {  	_ =	swait.ge [sflag:s21], $0x2000  }
0x1e9: {  	[sflag:s21] =	ssyncset.done $0x0  }
0x1ea: {  	[sflag:s21] =	ssyncadd.s32 $0xFFFFE000  }
0x1eb: {  	p0 =	sne.s32 s8, $0x400;
	_ =	swait.ge [sflag:s22], $0x2000  }
.Ltmp0:
0x1ec: {  	[sflag:s22] =	ssyncset.done $0x0;
	(pc) =	sbr.rel @p0 .LBB2_2-.Ltmp0, $4  }
0x1ed: {  	[sflag:s22] =	ssyncadd.s32 $0xFFFFE000  }
0x1ee: {  	[spmem:s3] =	stream.indirect.scatter.add.f32 [tilespmem:s17], [sflag:$0x5], $0x80, s5, s15, $0xb8;
	[tilespmem:$0x1D400] =	vst v63  }
0x1ef: {  	_ =	swait.ge [sflag:s11], $0x4000  }
0x1f0: {  	s8 =	sadd.s32 $0x100, s8;
	[sflag:s11] =	ssyncset.done $0x0  }
0x1f1: {  	[sflag:s11] =	ssyncadd.s32 $0xFFFFC000  }
0x1f2: {  	[bflag:$0x0] =	sbarrier.arrive $0xFFFF  }
0x1f3: {  	s9 =	sld [smem:$0x7FC]  }
0x1f4: {  	s6 =	sld [smem:$0x7F2]  }
0x1f5: {  	s8 =	sld [smem:$0x7FD];
	_ =	sdelay $0x2  }
0x1f6: {  	[hbm:s6], [sflag:s9] =	dma.local [spmem:s8], $0x2780  }
0x1f7: {  	_ =	swait.ge [sflag:s11], $0x2780  }
0x1f8: {  	s10 =	sld [smem:$0x7F3];
	_ =	sdelay $0x1  }
0x1f9: {  	s7 =	sadd.s32 $0x1, s7  }
0x1fa: {  	p0 =	sne.s32 s7, s10  }
.Ltmp1:
0x1fb: {  	_ = 	snop;
	(pc) =	sbr.rel @p0 .LBB2_1-.Ltmp1, $3  }
0x1fc: {  	_ =	sdelay $0x1  }
0x1fd: {  	[sflag:s11] =	ssyncset.done $0x0  }
0x1fe: {  	[sflag:s11] =	ssyncadd.s32 $0xFFFFD880  }
0x1ff: {  	_ =	sfence.sel $0x180000  }
0x200: {  	[bflag:$0x0] =	sbarrier.arrive $0xFFFF  }
0x201: {  	_ =	strace $0x9000004D  }
0x202: {  	s0 =	stileid.u32;
	[bflag:$0x2] =	sbarrier.arrive $0xFFFF  }
0x203: {  	p0 =	sne.s32 s0, $0x0;
	s0 =	rddreg [dreg:$0x3]  }
0x204: {  	s0 =	sadd.s32 @!p0 $0x100000, s0  }
0x205: {  	[sflag:s0] =	ssyncadd.tile.s32 @!p0 $0x1;
	_ =	shalt  }
.Lfunc_end2:
_tile_overlayer_lowered:
.L_overlay_start_2:
0x206: {  	(tag) =	ssettag $0x2  }
0x207: {  	s0 =	rddreg [dreg:$0x0];
	s2 =	stileid.u32  }
0x208: {  	s1 =	rddreg [dreg:$0x1];
	p0 =	sne.s32 s2, $0x0  }
0x209: {  	s3 =	rddreg [dreg:$0x2];
	[bflag:$0x3] =	sbarrier.arrive $0xFFFF;
	s2 =	simm.s32 @!p0 $0x1C05  }
0x20a: {  	[timem:s3], [sflag:s2] =	dma.local @!p0 [hbm:s0], s1  }
0x20b: {  	s0 =	simm.s32 @!p0 $0x5  }
0x20c: {  	_ =	swait.ge @!p0 [sflag:s0], s1  }
0x20d: {  	s1 =	ssub.s32 @!p0 $0x0, s1;
	[sflag:s0] =	ssyncset.done @!p0 $0x0  }
0x20e: {  	[sflag:s0] =	ssyncadd.s32 @!p0 s1  }
0x20f: {  	[bflag:$0x3] =	sbarrier.arrive $0xFFFF  }
0x210: {  	_ =	shalt  }

// kernel: kernel.7.cloned.1.call-start
scs
__scs_entry_jumppad:
0x0: {  	(pc) =	sbr.rel $0x88, $3  }
0x1: {  	(tag) =	ssettag $0x0;
	lr =	simm.s32 $0x1  }
0x2: {  	[smem:$0x3F99] =	sst lr;
	_ =	strace $0xD0000000  }
0x3: {  	_ = 	snop  }
0x4: {  	_ = 	snop  }
0x5: {  	_ = 	snop  }
0x6: {  	_ = 	snop  }
0x7: {  	_ = 	snop  }
__scs_overlays_trampoline_lowered:
0x8: {  	[smem:$0x3FA8] =	sst s0  }
0x9: {  	[smem:$0x3FA9] =	sst s1  }
0xa: {  	[smem:$0x3FAA] =	sst s2  }
0xb: {  	[smem:$0x3FAB] =	sst s3  }
0xc: {  	[smem:$0x3FAC] =	sst s4  }
0xd: {  	[smem:$0x3FAD] =	sst s5  }
0xe: {  	[smem:$0x3FAE] =	sst s6  }
0xf: {  	[smem:$0x3FAF] =	sst s7  }
0x10: {  	[smem:$0x3FB0] =	sst s8  }
0x11: {  	[smem:$0x3FB1] =	sst s9;
	s0 =	simm.s32 @!p0 $0x0  }
0x12: {  	s1 =	sld [smem:$0x3F97];
	s0 =	simm.s32 @p0 $0x1  }
0x13: {  	[smem:$0x3FB2] =	sst s0;
	s0 =	simm.s32 @!p1 $0x0  }
0x14: {  	s2 =	sld [smem:$0x3F96];
	s0 =	simm.s32 @p1 $0x1  }
0x15: {  	[smem:$0x3FB3] =	sst s0;
	s0 =	simm.s32 @!p2 $0x0  }
0x16: {  	s3 =	sld [smem:$0x3FDB];
	s0 =	simm.s32 @p2 $0x1  }
0x17: {  	s4 =	simm.s32 $0x1BF5;
	[smem:$0x3FB5] =	sst s0  }
0x18: {  	s0 =	sld [smem:$0x3F98];
	_ =	swait.ge [sflag:s4], $0x0  }
0x19: {  	s7 =	sld [smem:$0x3F99]  }
0x1a: {  	s8 =	sadd.s32 $0xFFFFE003, lr  }
0x1b: {  	s9 =	sadd.s32 $0xFFFFFEF7, lr;
	s5 =	simm.s32 $0xFFFFFFFF;
	p2 =	slt.u32 s8, $0xFFFFF086  }
0x1c: {  	p1 =	slt.u32 s9, $0xF7A;
	s5 =	simm.s32 @!p2 $0x0  }
0x1d: {  	s5 =	simm.s32 @p1 $0x1;
	p0 =	seq.s32 s7, s2  }
0x1e: {  	s7 =	smul.u32 @!p0 $0xF7A, s2;
	p2 =	seq.s32 @!p0 s5, $0x0  }
0x1f: {  	s9 =	smul.u32 $0xF7A, s1;
	s8 =	simm.s32 @!p0 $0x1BF5;
	p2 =	por !p2, p0  }
0x20: {  	[sflag:s8] =	ssyncset.s32 @!p0 $0xFFFFF086;
	s6 =	sadd.s32 @!p0 s3, s7;
	s7 =	simm.s32 @!p0 $0x108  }
0x21: {  	s3 =	sadd.s32 s3, s9;
	s6 =	sadd.s32 @!p0 $0x88, s6;
	s7 =	simm.s32 @p2 $0x1082  }
0x22: {  	[simem:s7], [sflag:s8] =	dma.local @!p0 [hbm:s6], $0xF7A  }
0x23: {  	s9 =	sor.u32 $0xD0000000, s2;
	s6 =	simm.s32 $0x108;
	_ =	swait.ge @!p0 [sflag:s8], $0x0  }
0x24: {  	s3 =	sadd.s32 $0x88, s3;
	s6 =	simm.s32 @!p1 $0x1082;
	[sflag:s4] =	ssyncset.s32 $0xFFFFF086  }
0x25: {  	[simem:s6], [sflag:s4] =	dma.local [hbm:s3], $0xF7A  }
0x26: {  	[smem:$0x3F99] =	sst s1;
	(tag) =	ssettag s2;
	_ =	strace s9  }
0x27: {  	s1 =	sld [smem:$0x3FA9]  }
0x28: {  	s2 =	sld [smem:$0x3FAA]  }
0x29: {  	s4 =	sld [smem:$0x3FAC]  }
0x2a: {  	p0 =	seq.s32 s5, $0x0;
	s5 =	sld [smem:$0x3FAD]  }
0x2b: {  	s6 =	sld [smem:$0x3FAE]  }
0x2c: {  	s7 =	sld [smem:$0x3FAF]  }
0x2d: {  	s3 =	simm.s32 $0x108;
	s8 =	sld [smem:$0x3FB0]  }
0x2e: {  	s3 =	simm.s32 @!p0 $0x1082;
	s9 =	sld [smem:$0x3FB1]  }
0x2f: {  	lr =	sadd.s32 s0, s3;
	s0 =	sld [smem:$0x3FA8]  }
0x30: {  	s3 =	sld [smem:$0x3FAB]  }
0x31: {  	[smem:$0x3FB4] =	sst s10  }
0x32: {  	s10 =	sld [smem:$0x3FB2];
	_ =	sdelay $0x3  }
0x33: {  	p0 =	seq.s32 s10, $0x1;
	s10 =	sld [smem:$0x3FB4];
	_ =	sdelay $0x3  }
0x34: {  	[smem:$0x3FB4] =	sst s10  }
0x35: {  	s10 =	sld [smem:$0x3FB3];
	_ =	sdelay $0x3  }
0x36: {  	p1 =	seq.s32 s10, $0x1;
	s10 =	sld [smem:$0x3FB4];
	_ =	sdelay $0x3  }
0x37: {  	[smem:$0x3FB4] =	sst s10  }
0x38: {  	s10 =	sld [smem:$0x3FB5]  }
0x39: {  	_ = 	snop;
	(pc) =	sbr.ind lr, $3  }
0x3a: {  	_ = 	snop  }
0x3b: {  	_ = 	snop  }
0x3c: {  	p2 =	seq.s32 s10, $0x1;
	s10 =	sld [smem:$0x3FB4]  }
0x3d: {  	_ =	shalt  }
0x3e: {  	_ =	shalt  }
0x3f: {  	_ =	shalt  }
0x40: {  	_ =	shalt  }
0x41: {  	_ =	shalt  }
0x42: {  	_ =	shalt  }
0x43: {  	_ =	shalt  }
0x44: {  	_ =	shalt  }
0x45: {  	_ =	shalt  }
0x46: {  	_ =	shalt  }
0x47: {  	_ =	shalt  }
0x48: {  	_ =	shalt  }
0x49: {  	_ =	shalt  }
0x4a: {  	_ =	shalt  }
0x4b: {  	_ =	shalt  }
0x4c: {  	_ =	shalt  }
0x4d: {  	_ =	shalt  }
0x4e: {  	_ =	shalt  }
0x4f: {  	_ =	shalt  }
0x50: {  	_ =	shalt  }
0x51: {  	_ =	shalt  }
0x52: {  	_ =	shalt  }
0x53: {  	_ =	shalt  }
0x54: {  	_ =	shalt  }
0x55: {  	_ =	shalt  }
0x56: {  	_ =	shalt  }
0x57: {  	_ =	shalt  }
0x58: {  	_ =	shalt  }
0x59: {  	_ =	shalt  }
0x5a: {  	_ =	shalt  }
0x5b: {  	_ =	shalt  }
0x5c: {  	_ =	shalt  }
0x5d: {  	_ =	shalt  }
0x5e: {  	_ =	shalt  }
0x5f: {  	_ =	shalt  }
0x60: {  	_ =	shalt  }
0x61: {  	_ =	shalt  }
0x62: {  	_ =	shalt  }
0x63: {  	_ =	shalt  }
0x64: {  	_ =	shalt  }
0x65: {  	_ =	shalt  }
0x66: {  	_ =	shalt  }
0x67: {  	_ =	shalt  }
0x68: {  	_ =	shalt  }
0x69: {  	_ =	shalt  }
0x6a: {  	_ =	shalt  }
0x6b: {  	_ =	shalt  }
0x6c: {  	_ =	shalt  }
0x6d: {  	_ =	shalt  }
0x6e: {  	_ =	shalt  }
0x6f: {  	_ =	shalt  }
0x70: {  	_ =	shalt  }
0x71: {  	_ =	shalt  }
0x72: {  	_ =	shalt  }
0x73: {  	_ =	shalt  }
0x74: {  	_ =	shalt  }
0x75: {  	_ =	shalt  }
0x76: {  	_ =	shalt  }
0x77: {  	_ =	shalt  }
0x78: {  	_ =	shalt  }
0x79: {  	_ =	shalt  }
0x7a: {  	_ =	shalt  }
0x7b: {  	_ =	shalt  }
0x7c: {  	_ =	shalt  }
0x7d: {  	_ =	shalt  }
0x7e: {  	_ =	shalt  }
0x7f: {  	_ =	shalt  }
0x80: {  	_ =	shalt  }
0x81: {  	_ =	shalt  }
0x82: {  	_ =	shalt  }
0x83: {  	_ =	shalt  }
0x84: {  	_ =	shalt  }
0x85: {  	_ =	shalt  }
0x86: {  	_ =	shalt  }
0x87: {  	_ =	shalt  }
.Lfunc_end0:
.L_simem_size_0:
called_computation_lowered:
.L_overlay_start_0:
0x88: {  	s2 =	sld [smem:$0x3FD9]  }
0x89: {  	s3 =	sld [smem:$0x3FFE];
	_ =	sdelay $0x1  }
0x8a: {  	s1 =	srdreg.scid  }
0x8b: {  	s0 =	sand.u32 $0x1, s1  }
0x8c: {  	s17 =	sshll.u32 s0, $0xA;
	s2 =	sadd.s32 s3, s2  }
0x8d: {  	s2 =	sadd.s32 s2, s17  }
0x8e: {  	[smem:$0x3FC0] =	sst s2  }
0x8f: {  	_ = 	snop  }
0x90: {  	s2 =	sld [smem:$0x3FD0];
	(tm) =	ssettm $0x1  }
0x91: {  	s18 =	sld [smem:$0x3FFB];
	_ =	sdelay $0x3  }
0x92: {  	_ =	strace s18  }
0x93: {  	s3 =	sld [smem:$0x3FFC];
	_ =	sdelay $0x3  }
0x94: {  	_ =	strace s3  }
0x95: {  	s3 =	sld [smem:$0x3FFD];
	_ =	sdelay $0x3  }
0x96: {  	_ =	strace s3  }
0x97: {  	_ =	strace $0x8FFFFFFF  }
0x98: {  	s19 =	sld [smem:$0x3FDB];
	_ =	sdelay $0x1  }
0x99: {  	s4 =	simm.s32 $_scs_section_size  }
0x9a: {  	s5 =	simm.s32 $_size__tile_overlayer_lowered;
	s6 =	simm.s32 $_tile_overlayer_lowered  }
0x9b: {  	s22 =	simm.s32 $0x1BFF;
	s21 =	sshll.u32 s6, $0x1;
	s3 =	sadd.s32 s4, s19  }
0x9c: {  	s7 =	simm.s32 $0x0;
	s20 =	sshll.u32 s5, $0x1;
	s5 =	sadd.s32 s21, s3  }
0x9d: {  	[timem:s7], [sflag:s22] =	dma.local [hbm:s5], s20  }
0x9e: {  	_ =	swait.ge [sflag:s22], s20  }
0x9f: {  	s4 =	ssub.s32 $0x0, s20;
	[sflag:s22] =	ssyncset.done $0x0  }
0xa0: {  	[sflag:s22] =	ssyncadd.s32 s4;
	_ =	sdelay $0x1  }
0xa1: {  	s23 =	simm.s32 $0x1B8B  }
0xa2: {  	_ =	swait.ge [sflag:s23], $0x1  }
0xa3: {  	[sflag:s23] =	ssyncset.done $0x0  }
0xa4: {  	s25 =	simm.s32 $0x1B8E;
	s24 =	sld [smem:$0x3FFE];
	[sflag:s23] =	ssyncadd.s32 $0xFFFFFFFF  }
0xa5: {  	s26 =	simm.s32 $execute0_lowered;
	[smem:$0x3FD2] =	sst s25  }
0xa6: {  	s5 =	sshll.u32 s26, $0x1;
	_ =	strace $0x80000046;
	[dreg:$0x1] =	wrdreg $0xFFFFFFFF  }
0xa7: {  	s28 =	simm.s32 $_size_execute0_lowered;
	s3 =	sadd.s32 s3, s5;
	[dreg:$0x0] =	wrdreg $0x0  }
0xa8: {  	s5 =	sshll.u32 s28, $0x1;
	[dreg:$0x2] =	wrdreg s3  }
0xa9: {  	[dreg:$0x3] =	wrdreg s5  }
0xaa: {  	[dreg:$0x4] =	wrdreg $0xC0  }
0xab: {  	_ =	task [dreg:s7], $0x5FFFF  }
0xac: {  	[dreg:$0x1] =	wrdreg $0xFFFFFFFF  }
0xad: {  	[dreg:$0x0] =	wrdreg $0x60  }
0xae: {  	[dreg:$0x2] =	wrdreg s2  }
0xaf: {  	[dreg:$0x3] =	wrdreg s24  }
0xb0: {  	[dreg:$0x4] =	wrdreg $0x58000  }
0xb1: {  	[dreg:$0x5] =	wrdreg $0x9  }
0xb2: {  	_ =	task.clear_ibuf [dreg:s7], $0x6FFFF;
	_ =	strace $0x90000046  }
0xb3: {  	s29 =	simm.s32 $0x9;
	_ =	strace $0x80000048  }
0xb4: {  	_ =	swait.ge [sflag:s29], $0x1  }
0xb5: {  	[sflag:s29] =	ssyncadd.s32 $0xFFFFFFFF  }
0xb6: {  	_ =	strace $0x90000048  }
0xb7: {  	_ =	sfence  }
0xb8: {  	s30 =	sld [smem:$0x0];
	_ =	sdelay $0x2  }
0xb9: {  	s31 =	sshll.u32 s1, $0xD;
	s1 =	sshrl.u32 s1, $0x2  }
0xba: {  	s3 =	sand.u32 $0x4000, s31;
	s1 =	sadd.s32 s1, s30  }
0xbb: {  	s0 =	sor.u32 s3, s0;
	s1 =	sshll.u32 s1, $0x11  }
0xbc: {  	s0 =	sor.u32 s1, s0  }
0xbd: {  	s0 =	sadd.s32 $0x8F2B, s0  }
0xbe: {  	[sflag:s0] =	ssyncadd.remote.s32 $0x1  }
0xbf: {  	_ =	sfence.sel $0xFFFF  }
0xc0: {  	[dreg:$0x0] =	wrdreg $0xFFFFFFFF;
	(pc) =	sbr.abs _section_cstart, $3  }
0xc1: {  	[dreg:$0x1] =	wrdreg $0xFFFFFFFF  }
0xc2: {  	_ =	task.clear_ibuf [dreg:s7], $0x2FFFF;
	_ =	strace $0x9FFFFFFF  }
0xc3: {  	(tm) =	ssettm $0x7FFFFFFF  }
tec
execute0_lowered:
.L_overlay_start_1:
0x0: {  	(tag) =	ssettag $0x1  }
0x1: {  	s0 =	rddreg [dreg:$0x1];
	s11 =	stileid.u32  }
0x2: {  	s2 =	srdreg.scid;
	s3 =	rddreg [dreg:$0x2];
	s4 =	simm.s32 $0x0  }
0x3: {  	s14 =	simm.s32 $0x1000;
	s15 =	simm.s32 $0x80;
	s16 =	simm.s32 $0x1080  }
0x4: {  	s17 =	simm.s32 $0x1100;
	s18 =	simm.s32 $0x1180;
	s19 =	simm.s32 $0x1200  }
0x5: {  	s20 =	simm.s32 $0x1280;
	s21 =	simm.s32 $0x1300;
	s1 =	smul.u32 $0x1400, s11  }
0x6: {  	s22 =	simm.s32 $0x1380;
	s28 =	simm.s32 $0x1600;
	s5 =	smul.u32 $0xA00, s11  }
0x7: {  	s29 =	simm.s32 $0x1680;
	s30 =	simm.s32 $0x1700;
	s7 =	smul.u32 $0x13C00, s11  }
0x8: {  	s31 =	simm.s32 $0x1780;
	s2 =	sand.u32 $0x1, s2;
	s9 =	smul.u32 $0x4F000, s11  }
0x9: {  	[smem:$0x7FF] =	sst s4;
	s23 =	sadd.s32 $0x20000, s0;
	s6 =	smul.u32 $0x13C000, s2  }
0xa: {  	s11 =	sshll.u32 s11, $0x6;
	_ =	strace $0x80000047;
	s10 =	smul.u32 $0x500, s2  }
0xb: {  	[dreg:$0x4] =	wrdreg s23;
	s24 =	ssub.s32 $0x2, s2;
	s2 =	smul.u32 $0xA00, s2  }
0xc: {  	s23 =	simm.s32 $0x1400;
	s1 =	sadd.s32 s1, s0;
	s8 =	sadd.s32 s5, s0  }
0xd: {  	s25 =	sshrl.u32 s24, $0x1;
	s9 =	sshrl.u32 s9, $0x2;
	s6 =	sadd.s32 s7, s6  }
0xe: {  	s12 =	ssub.s32 s24, s25;
	s13 =	sadd.s32 s9, s3;
	s26 =	sadd.s32 s10, s8  }
0xf: {  	s1 =	sadd.s32 s2, s1;
	s24 =	simm.s32 $0x1480;
	s25 =	simm.s32 $0x1500  }
0x10: {  	s2 =	simm.s32 $0x0;
	s6 =	sshrl.u32 s6, $0x3;
	s8 =	smax.u32 s12, $0x1  }
0x11: {  	s9 =	sadd.s32 $0x2000, s26;
	s1 =	sadd.s32 $0xC000, s1;
	s12 =	simm.s32 $0x1  }
0x12: {  	s26 =	simm.s32 $0x1580;
	s0 =	sadd.s32 s6, s0;
	s6 =	sor.u32 $0x1C01, s11  }
0x13: {  	s11 =	sshrl.u32 s13, $0x3;
	s13 =	simm.s32 $0x1800;
	s7 =	sadd.s32 $0x22800, s0  }
.LBB2_1:
0x14: {  	s0 =	rddreg [dreg:$0x4]  }
0x15: {  	[spmem:s11], [sflag:s6] =	dma.local [hbm:s0], $0x2780  }
0x16: {  	_ =	swait.ge [sflag:s12], $0x2780  }
0x17: {  	[sflag:s12] =	ssyncset.done $0x0  }
0x18: {  	[sflag:s12] =	ssyncadd.s32 $0xFFFFD880  }
0x19: {  	s5 =	rddreg [dreg:$0x0]  }
0x1a: {  	[tilespmem:s13], [sflag:$0x1] =	stream.linear.gather [hbm4b:s5+s4], $0x4000, $0x38;
	[tilespmem:$0x19400] =	vst v63  }
0x1b: {  	_ =	swait.ge [sflag:s12], $0x4000  }
0x1c: {  	[sflag:s12] =	ssyncset.done $0x0  }
0x1d: {  	[sflag:s12] =	ssyncadd.s32 $0xFFFFC000  }
0x1e: {  	[bflag:$0x0] =	sbarrier.arrive $0xFFFF  }
0x1f: {  	[tilespmem:s4], [sflag:$0x1] =	stream.linear.gather [hbm4b:s1+s4], $0x1000, $0x38;
	[tilespmem:$0x19400] =	vst v63  }
0x20: {  	_ =	swait.ge [sflag:s12], $0x1000  }
0x21: {  	[sflag:s12] =	ssyncset.done $0x0  }
0x22: {  	s10 =	sadd.s32 $0x0, s9;
	[sflag:s12] =	ssyncadd.s32 $0xFFFFF000  }
0x23: {  	[tilespmem:s14], [sflag:$0x1] =	stream.linear.gather [hbm4b:s10+s4], $0x800, $0x38;
	[tilespmem:$0x19400] =	vst v63  }
0x24: {  	_ =	swait.ge [sflag:s12], $0x800  }
0x25: {  	[sflag:s12] =	ssyncset.done $0x0  }
0x26: {  	[sflag:s12] =	ssyncadd.s32 $0xFFFFF800  }
0x27: {  	[spmem:s3] =	stream.indirect.scatter.add.f32 [tilespmem:s13], [sflag:$0x1], $0x80, s14, s15, $0xb8;
	[tilespmem:$0x19400] =	vst v63  }
0x28: {  	_ =	swait.ge [sflag:s12], $0x4000  }
0x29: {  	[sflag:s12] =	ssyncset.done $0x0  }
0x2a: {  	[sflag:s12] =	ssyncadd.s32 $0xFFFFC000  }
0x2b: {  	[spmem:s3] =	stream.indirect.scatter.add.f32 [tilespmem:s13], [sflag:$0x1], $0x80, s16, s15, $0xb8;
	[tilespmem:$0x19400] =	vst v63  }
0x2c: {  	_ =	swait.ge [sflag:s12], $0x4000  }
0x2d: {  	[sflag:s12] =	ssyncset.done $0x0  }
0x2e: {  	[sflag:s12] =	ssyncadd.s32 $0xFFFFC000  }
0x2f: {  	[spmem:s3] =	stream.indirect.scatter.add.f32 [tilespmem:s13], [sflag:$0x1], $0x80, s17, s15, $0xb8;
	[tilespmem:$0x19400] =	vst v63  }
0x30: {  	_ =	swait.ge [sflag:s12], $0x4000  }
0x31: {  	[sflag:s12] =	ssyncset.done $0x0  }
0x32: {  	[sflag:s12] =	ssyncadd.s32 $0xFFFFC000  }
0x33: {  	[spmem:s3] =	stream.indirect.scatter.add.f32 [tilespmem:s13], [sflag:$0x1], $0x80, s18, s15, $0xb8;
	[tilespmem:$0x19400] =	vst v63  }
0x34: {  	_ =	swait.ge [sflag:s12], $0x4000  }
0x35: {  	[sflag:s12] =	ssyncset.done $0x0  }
0x36: {  	[sflag:s12] =	ssyncadd.s32 $0xFFFFC000  }
0x37: {  	[spmem:s3] =	stream.indirect.scatter.add.f32 [tilespmem:s13], [sflag:$0x1], $0x80, s19, s15, $0xb8;
	[tilespmem:$0x19400] =	vst v63  }
0x38: {  	_ =	swait.ge [sflag:s12], $0x4000  }
0x39: {  	[sflag:s12] =	ssyncset.done $0x0  }
0x3a: {  	[sflag:s12] =	ssyncadd.s32 $0xFFFFC000  }
0x3b: {  	[spmem:s3] =	stream.indirect.scatter.add.f32 [tilespmem:s13], [sflag:$0x1], $0x80, s20, s15, $0xb8;
	[tilespmem:$0x19400] =	vst v63  }
0x3c: {  	_ =	swait.ge [sflag:s12], $0x4000  }
0x3d: {  	[sflag:s12] =	ssyncset.done $0x0  }
0x3e: {  	[sflag:s12] =	ssyncadd.s32 $0xFFFFC000  }
0x3f: {  	[spmem:s3] =	stream.indirect.scatter.add.f32 [tilespmem:s13], [sflag:$0x1], $0x80, s21, s15, $0xb8;
	[tilespmem:$0x19400] =	vst v63  }
0x40: {  	_ =	swait.ge [sflag:s12], $0x4000  }
0x41: {  	[sflag:s12] =	ssyncset.done $0x0  }
0x42: {  	[sflag:s12] =	ssyncadd.s32 $0xFFFFC000  }
0x43: {  	[spmem:s3] =	stream.indirect.scatter.add.f32 [tilespmem:s13], [sflag:$0x1], $0x80, s22, s15, $0xb8;
	[tilespmem:$0x19400] =	vst v63  }
0x44: {  	_ =	swait.ge [sflag:s12], $0x4000  }
0x45: {  	[sflag:s12] =	ssyncset.done $0x0  }
0x46: {  	[sflag:s12] =	ssyncadd.s32 $0xFFFFC000  }
0x47: {  	[spmem:s3] =	stream.indirect.scatter.add.f32 [tilespmem:s13], [sflag:$0x1], $0x80, s23, s15, $0xb8;
	[tilespmem:$0x19400] =	vst v63  }
0x48: {  	_ =	swait.ge [sflag:s12], $0x4000  }
0x49: {  	[sflag:s12] =	ssyncset.done $0x0  }
0x4a: {  	[sflag:s12] =	ssyncadd.s32 $0xFFFFC000  }
0x4b: {  	[spmem:s3] =	stream.indirect.scatter.add.f32 [tilespmem:s13], [sflag:$0x1], $0x80, s24, s15, $0xb8;
	[tilespmem:$0x19400] =	vst v63  }
0x4c: {  	_ =	swait.ge [sflag:s12], $0x4000  }
0x4d: {  	[sflag:s12] =	ssyncset.done $0x0  }
0x4e: {  	[sflag:s12] =	ssyncadd.s32 $0xFFFFC000  }
0x4f: {  	[spmem:s3] =	stream.indirect.scatter.add.f32 [tilespmem:s13], [sflag:$0x1], $0x80, s25, s15, $0xb8;
	[tilespmem:$0x19400] =	vst v63  }
0x50: {  	_ =	swait.ge [sflag:s12], $0x4000  }
0x51: {  	[sflag:s12] =	ssyncset.done $0x0  }
0x52: {  	[sflag:s12] =	ssyncadd.s32 $0xFFFFC000  }
0x53: {  	[spmem:s3] =	stream.indirect.scatter.add.f32 [tilespmem:s13], [sflag:$0x1], $0x80, s26, s15, $0xb8;
	[tilespmem:$0x19400] =	vst v63  }
0x54: {  	_ =	swait.ge [sflag:s12], $0x4000  }
0x55: {  	[sflag:s12] =	ssyncset.done $0x0  }
0x56: {  	[sflag:s12] =	ssyncadd.s32 $0xFFFFC000  }
0x57: {  	[spmem:s3] =	stream.indirect.scatter.add.f32 [tilespmem:s13], [sflag:$0x1], $0x80, s28, s15, $0xb8;
	[tilespmem:$0x19400] =	vst v63  }
0x58: {  	_ =	swait.ge [sflag:s12], $0x4000  }
0x59: {  	[sflag:s12] =	ssyncset.done $0x0  }
0x5a: {  	[sflag:s12] =	ssyncadd.s32 $0xFFFFC000  }
0x5b: {  	[spmem:s3] =	stream.indirect.scatter.add.f32 [tilespmem:s13], [sflag:$0x1], $0x80, s29, s15, $0xb8;
	[tilespmem:$0x19400] =	vst v63  }
0x5c: {  	_ =	swait.ge [sflag:s12], $0x4000  }
0x5d: {  	[sflag:s12] =	ssyncset.done $0x0  }
0x5e: {  	[sflag:s12] =	ssyncadd.s32 $0xFFFFC000  }
0x5f: {  	[spmem:s3] =	stream.indirect.scatter.add.f32 [tilespmem:s13], [sflag:$0x1], $0x80, s30, s15, $0xb8;
	[tilespmem:$0x19400] =	vst v63  }
0x60: {  	_ =	swait.ge [sflag:s12], $0x4000  }
0x61: {  	[sflag:s12] =	ssyncset.done $0x0  }
0x62: {  	[sflag:s12] =	ssyncadd.s32 $0xFFFFC000  }
0x63: {  	[spmem:s3] =	stream.indirect.scatter.add.f32 [tilespmem:s13], [sflag:$0x1], $0x80, s31, s15, $0xb8;
	[tilespmem:$0x19400] =	vst v63  }
0x64: {  	_ =	swait.ge [sflag:s12], $0x4000  }
0x65: {  	s0 =	simm.s32 $0x100;
	s10 =	smov.u32 s1;
	[sflag:s12] =	ssyncset.done $0x0  }
.LBB2_2:
0x66: {  	p0 =	sne.s32 s0, $0x400;
	[sflag:s12] =	ssyncadd.s32 $0xFFFFC000;
	s10 =	sadd.s32 $0x200, s10  }
0x67: {  	[tilespmem:s4], [sflag:$0x1] =	stream.linear.gather [hbm4b:s10+s4], $0x1000, $0x38;
	[tilespmem:$0x19400] =	vst v63  }
0x68: {  	s5 =	smov.u32 s0;
	s0 =	sadd.s32 $0x100, s0;
	_ =	swait.ge [sflag:s12], $0x1000  }
0x69: {  	[sflag:s12] =	ssyncset.done $0x0  }
0x6a: {  	s5 =	sadd.s32 s5, s9;
	[sflag:s12] =	ssyncadd.s32 $0xFFFFF000  }
0x6b: {  	[tilespmem:s14], [sflag:$0x1] =	stream.linear.gather [hbm4b:s5+s4], $0x800, $0x38;
	[tilespmem:$0x19400] =	vst v63  }
0x6c: {  	_ =	swait.ge [sflag:s12], $0x800  }
0x6d: {  	[sflag:s12] =	ssyncset.done $0x0  }
0x6e: {  	[sflag:s12] =	ssyncadd.s32 $0xFFFFF800  }
0x6f: {  	[spmem:s3] =	stream.indirect.scatter.add.f32 [tilespmem:s13], [sflag:$0x1], $0x80, s14, s15, $0xb8;
	[tilespmem:$0x19400] =	vst v63  }
0x70: {  	_ =	swait.ge [sflag:s12], $0x4000  }
0x71: {  	[sflag:s12] =	ssyncset.done $0x0  }
0x72: {  	[sflag:s12] =	ssyncadd.s32 $0xFFFFC000  }
0x73: {  	[spmem:s3] =	stream.indirect.scatter.add.f32 [tilespmem:s13], [sflag:$0x1], $0x80, s16, s15, $0xb8;
	[tilespmem:$0x19400] =	vst v63  }
0x74: {  	_ =	swait.ge [sflag:s12], $0x4000  }
0x75: {  	[sflag:s12] =	ssyncset.done $0x0  }
0x76: {  	[sflag:s12] =	ssyncadd.s32 $0xFFFFC000  }
0x77: {  	[spmem:s3] =	stream.indirect.scatter.add.f32 [tilespmem:s13], [sflag:$0x1], $0x80, s17, s15, $0xb8;
	[tilespmem:$0x19400] =	vst v63  }
0x78: {  	_ =	swait.ge [sflag:s12], $0x4000  }
0x79: {  	[sflag:s12] =	ssyncset.done $0x0  }
0x7a: {  	[sflag:s12] =	ssyncadd.s32 $0xFFFFC000  }
0x7b: {  	[spmem:s3] =	stream.indirect.scatter.add.f32 [tilespmem:s13], [sflag:$0x1], $0x80, s18, s15, $0xb8;
	[tilespmem:$0x19400] =	vst v63  }
0x7c: {  	_ =	swait.ge [sflag:s12], $0x4000  }
0x7d: {  	[sflag:s12] =	ssyncset.done $0x0  }
0x7e: {  	[sflag:s12] =	ssyncadd.s32 $0xFFFFC000  }
0x7f: {  	[spmem:s3] =	stream.indirect.scatter.add.f32 [tilespmem:s13], [sflag:$0x1], $0x80, s19, s15, $0xb8;
	[tilespmem:$0x19400] =	vst v63  }
0x80: {  	_ =	swait.ge [sflag:s12], $0x4000  }
0x81: {  	[sflag:s12] =	ssyncset.done $0x0  }
0x82: {  	[sflag:s12] =	ssyncadd.s32 $0xFFFFC000  }
0x83: {  	[spmem:s3] =	stream.indirect.scatter.add.f32 [tilespmem:s13], [sflag:$0x1], $0x80, s20, s15, $0xb8;
	[tilespmem:$0x19400] =	vst v63  }
0x84: {  	_ =	swait.ge [sflag:s12], $0x4000  }
0x85: {  	[sflag:s12] =	ssyncset.done $0x0  }
0x86: {  	[sflag:s12] =	ssyncadd.s32 $0xFFFFC000  }
0x87: {  	[spmem:s3] =	stream.indirect.scatter.add.f32 [tilespmem:s13], [sflag:$0x1], $0x80, s21, s15, $0xb8;
	[tilespmem:$0x19400] =	vst v63  }
0x88: {  	_ =	swait.ge [sflag:s12], $0x4000  }
0x89: {  	[sflag:s12] =	ssyncset.done $0x0  }
0x8a: {  	[sflag:s12] =	ssyncadd.s32 $0xFFFFC000  }
0x8b: {  	[spmem:s3] =	stream.indirect.scatter.add.f32 [tilespmem:s13], [sflag:$0x1], $0x80, s22, s15, $0xb8;
	[tilespmem:$0x19400] =	vst v63  }
0x8c: {  	_ =	swait.ge [sflag:s12], $0x4000  }
0x8d: {  	[sflag:s12] =	ssyncset.done $0x0  }
0x8e: {  	[sflag:s12] =	ssyncadd.s32 $0xFFFFC000  }
0x8f: {  	[spmem:s3] =	stream.indirect.scatter.add.f32 [tilespmem:s13], [sflag:$0x1], $0x80, s23, s15, $0xb8;
	[tilespmem:$0x19400] =	vst v63  }
0x90: {  	_ =	swait.ge [sflag:s12], $0x4000  }
0x91: {  	[sflag:s12] =	ssyncset.done $0x0  }
0x92: {  	[sflag:s12] =	ssyncadd.s32 $0xFFFFC000  }
0x93: {  	[spmem:s3] =	stream.indirect.scatter.add.f32 [tilespmem:s13], [sflag:$0x1], $0x80, s24, s15, $0xb8;
	[tilespmem:$0x19400] =	vst v63  }
0x94: {  	_ =	swait.ge [sflag:s12], $0x4000  }
0x95: {  	[sflag:s12] =	ssyncset.done $0x0  }
0x96: {  	[sflag:s12] =	ssyncadd.s32 $0xFFFFC000  }
0x97: {  	[spmem:s3] =	stream.indirect.scatter.add.f32 [tilespmem:s13], [sflag:$0x1], $0x80, s25, s15, $0xb8;
	[tilespmem:$0x19400] =	vst v63  }
0x98: {  	_ =	swait.ge [sflag:s12], $0x4000  }
0x99: {  	[sflag:s12] =	ssyncset.done $0x0  }
0x9a: {  	[sflag:s12] =	ssyncadd.s32 $0xFFFFC000  }
0x9b: {  	[spmem:s3] =	stream.indirect.scatter.add.f32 [tilespmem:s13], [sflag:$0x1], $0x80, s26, s15, $0xb8;
	[tilespmem:$0x19400] =	vst v63  }
0x9c: {  	_ =	swait.ge [sflag:s12], $0x4000  }
0x9d: {  	[sflag:s12] =	ssyncset.done $0x0  }
0x9e: {  	[sflag:s12] =	ssyncadd.s32 $0xFFFFC000  }
0x9f: {  	[spmem:s3] =	stream.indirect.scatter.add.f32 [tilespmem:s13], [sflag:$0x1], $0x80, s28, s15, $0xb8;
	[tilespmem:$0x19400] =	vst v63  }
0xa0: {  	_ =	swait.ge [sflag:s12], $0x4000  }
0xa1: {  	[sflag:s12] =	ssyncset.done $0x0  }
0xa2: {  	[sflag:s12] =	ssyncadd.s32 $0xFFFFC000  }
0xa3: {  	[spmem:s3] =	stream.indirect.scatter.add.f32 [tilespmem:s13], [sflag:$0x1], $0x80, s29, s15, $0xb8;
	[tilespmem:$0x19400] =	vst v63  }
0xa4: {  	_ =	swait.ge [sflag:s12], $0x4000  }
0xa5: {  	[sflag:s12] =	ssyncset.done $0x0  }
0xa6: {  	[sflag:s12] =	ssyncadd.s32 $0xFFFFC000  }
0xa7: {  	[spmem:s3] =	stream.indirect.scatter.add.f32 [tilespmem:s13], [sflag:$0x1], $0x80, s30, s15, $0xb8;
	[tilespmem:$0x19400] =	vst v63  }
0xa8: {  	_ =	swait.ge [sflag:s12], $0x4000  }
.Ltmp0:
0xa9: {  	[sflag:s12] =	ssyncset.done $0x0;
	(pc) =	sbr.rel @p0 .LBB2_2-.Ltmp0, $4  }
0xaa: {  	[sflag:s12] =	ssyncadd.s32 $0xFFFFC000  }
0xab: {  	[spmem:s3] =	stream.indirect.scatter.add.f32 [tilespmem:s13], [sflag:$0x1], $0x80, s31, s15, $0xb8;
	[tilespmem:$0x19400] =	vst v63  }
0xac: {  	_ =	swait.ge [sflag:s12], $0x4000  }
0xad: {  	[sflag:s12] =	ssyncset.done $0x0  }
0xae: {  	s2 =	sadd.s32 $0x1, s2  }
0xaf: {  	[sflag:s12] =	ssyncadd.s32 $0xFFFFC000;
	p0 =	sne.s32 s2, s8  }
.Ltmp1:
0xb0: {  	[bflag:$0x0] =	sbarrier.arrive $0xFFFF;
	(pc) =	sbr.rel @p0 .LBB2_1-.Ltmp1, $4  }
0xb1: {  	[hbm:s7], [sflag:s6] =	dma.local [spmem:s11], $0x2780  }
0xb2: {  	_ =	swait.ge [sflag:s12], $0x2780  }
0xb3: {  	[sflag:s12] =	ssyncset.done $0x0  }
0xb4: {  	[sflag:s12] =	ssyncadd.s32 $0xFFFFD880  }
0xb5: {  	_ =	sfence.sel $0x180000  }
0xb6: {  	[bflag:$0x0] =	sbarrier.arrive $0xFFFF  }
0xb7: {  	_ =	strace $0x90000047  }
0xb8: {  	s0 =	stileid.u32;
	[bflag:$0x2] =	sbarrier.arrive $0xFFFF  }
0xb9: {  	p0 =	sne.s32 s0, $0x0;
	s0 =	rddreg [dreg:$0x3]  }
0xba: {  	s0 =	sadd.s32 @!p0 $0x100000, s0  }
0xbb: {  	[sflag:s0] =	ssyncadd.tile.s32 @!p0 $0x1;
	_ =	shalt  }
.Lfunc_end2:
_tile_overlayer_lowered:
.L_overlay_start_2:
0xbc: {  	(tag) =	ssettag $0x2  }
0xbd: {  	s0 =	rddreg [dreg:$0x0];
	s2 =	stileid.u32  }
0xbe: {  	s1 =	rddreg [dreg:$0x1];
	p0 =	sne.s32 s2, $0x0  }
0xbf: {  	s3 =	rddreg [dreg:$0x2];
	[bflag:$0x3] =	sbarrier.arrive $0xFFFF;
	s2 =	simm.s32 @!p0 $0x1C01  }
0xc0: {  	[timem:s3], [sflag:s2] =	dma.local @!p0 [hbm:s0], s1  }
0xc1: {  	s0 =	simm.s32 @!p0 $0x1  }
0xc2: {  	_ =	swait.ge @!p0 [sflag:s0], s1  }
0xc3: {  	s1 =	ssub.s32 @!p0 $0x0, s1;
	[sflag:s0] =	ssyncset.done @!p0 $0x0  }
0xc4: {  	[sflag:s0] =	ssyncadd.s32 @!p0 s1  }
0xc5: {  	[bflag:$0x3] =	sbarrier.arrive $0xFFFF  }
0xc6: {  	_ =	shalt  }

</sc_bundles>
